<compile_context>
chip_gen: v7x
topology: tpu7x:2x2x1
jax: 0.10.2.dev20260603
libtpu: 0.0.44.dev20260713+nightly
codegen_flags: <defaults>
</compile_context>

<pallas_src>
import functools

import numpy as np

import jax
import jax.numpy as jnp
from jax import lax
from jax.experimental import pallas as pl
from jax.experimental.pallas import tpu as pltpu
from jax.experimental.pallas import tpu_sc as plsc

N = 10000
E = 160000
RAD = 32
F = 32
CUTOFF = 5.0
GAMMA = (RAD / CUTOFF) ** 2 * 0.1
S3 = 3.0 ** 0.5
PW = 160
E4 = E // 4


_BN = 1000


def _node_body(z_ref, tab_ref, wemb_ref, emb_ref, embt_ref):
    z = z_ref[...]
    cols = lax.broadcasted_iota(jnp.int32, (1, 128), 1)
    oh = (z == cols).astype(jnp.float32)
    emb = jnp.dot(oh, tab_ref[...], preferred_element_type=jnp.float32)
    embt = jnp.dot(emb, wemb_ref[...], preferred_element_type=jnp.float32)
    emb_ref[...] = emb
    embt_ref[...] = embt


def _node_tables(z2d, tab_pad, w_emb):
    return pl.pallas_call(
        _node_body,
        grid=(N // _BN,),
        in_specs=[
            pl.BlockSpec((_BN, 1), lambda i: (i, 0)),
            pl.BlockSpec((128, RAD), lambda i: (0, 0)),
            pl.BlockSpec((RAD, RAD), lambda i: (0, 0)),
        ],
        out_specs=[
            pl.BlockSpec((_BN, F), lambda i: (i, 0)),
            pl.BlockSpec((_BN, F), lambda i: (i, 0)),
        ],
        out_shape=[
            jax.ShapeDtypeStruct((N, F), jnp.float32),
            jax.ShapeDtypeStruct((N, F), jnp.float32),
        ],
    )(z2d, tab_pad, w_emb)



_GC = 80
_PER_TILE_G = E // 16
_GCH = _PER_TILE_G // _GC


def _gather_body(embn_hbm, embt_hbm, idxj2_hbm, idxi2_hbm, ej_hbm, eti_hbm,
                 idxall, r0, r1, g0, g1, w0, w1):
    cid = lax.axis_index("c")
    sid = lax.axis_index("s")
    base = sid * _PER_TILE_G
    rowb = (r0, r1)
    semg = (g0, g1)
    semw = (w0, w1)

    def run(idx2_hbm, tab_hbm, out_hbm):
        pltpu.sync_copy(idx2_hbm.at[pl.ds(sid * _GCH, _GCH)], idxall)
        for b in range(2):
            pltpu.async_copy(tab_hbm.at[idxall.at[b]], rowb[b], semg[b])

        @pl.loop(2, _GCH - 1, step=2)
        def _(c0):
            for b in range(2):
                pltpu.make_async_copy(tab_hbm.at[idxall.at[b]], rowb[b],
                                      semg[b]).wait()
                off_o = base + (c0 - 2 + b) * _GC
                pltpu.async_copy(rowb[b], out_hbm.at[pl.ds(off_o, _GC)],
                                 semw[b])
            for b in range(2):
                pltpu.make_async_copy(rowb[b], out_hbm.at[pl.ds(0, _GC)],
                                      semw[b]).wait()
                pltpu.async_copy(tab_hbm.at[idxall.at[c0 + b]], rowb[b],
                                 semg[b])

        for b in range(2):
            pltpu.make_async_copy(tab_hbm.at[idxall.at[b]], rowb[b],
                                  semg[b]).wait()
            off_o = base + (_GCH - 3 + b) * _GC
            pltpu.async_copy(rowb[b], out_hbm.at[pl.ds(off_o, _GC)], semw[b])
        for b in range(2):
            pltpu.make_async_copy(rowb[b], out_hbm.at[pl.ds(0, _GC)],
                                  semw[b]).wait()
        pltpu.async_copy(tab_hbm.at[idxall.at[_GCH - 1]], r0, g0).wait()
        pltpu.sync_copy(r0, out_hbm.at[pl.ds(base + (_GCH - 1) * _GC, _GC)])

    @pl.when(cid == 0)
    def _():
        run(idxj2_hbm, embn_hbm, ej_hbm)

    @pl.when(cid == 1)
    def _():
        run(idxi2_hbm, embt_hbm, eti_hbm)


def _edge_gather(emb_nodes, embt_nodes, idx_j2, idx_i2):
    mesh = plsc.VectorSubcoreMesh(core_axis_name="c", subcore_axis_name="s")
    fn = functools.partial(
        pl.kernel,
        out_type=[
            jax.ShapeDtypeStruct((E, F), jnp.float32),
            jax.ShapeDtypeStruct((E, F), jnp.float32),
        ],
        mesh=mesh,
        scratch_types=(
            [pltpu.VMEM((_GCH, _GC), jnp.int32)] +
            [pltpu.VMEM((_GC, F), jnp.float32)] * 2 +
            [pltpu.SemaphoreType.DMA] * 4
        ),
        compiler_params=pltpu.CompilerParams(use_tc_tiling_on_sc=False),
    )(_gather_body)
    return fn(emb_nodes, embt_nodes, idx_j2, idx_i2)



_BE = 3200
_R = _BE // 4
_QC = 3 * 128
_PC = 9 * 128


def _chan_mats():
    deg = [0, 1, 1, 1, 2, 2, 2, 2, 2]
    bq = np.zeros((_QC, _PC), np.float32)
    bc = np.zeros((36, _PC), np.float32)
    for m in range(9):
        for ei in range(4):
            for f in range(F):
                col = 128 * m + 32 * ei + f
                bq[128 * deg[m] + 32 * ei + f, col] = 1.0
                bc[4 * m + ei, col] = 1.0
    return bq, bc


_BQ_NP, _BC_NP = _chan_mats()


def _edge_body(xs_ref, ys_ref, zs_ref, ej_ref, eti_ref, wrad_ref, wq_ref,
               kr_ref, bq_ref, bc_ref, *p_refs):
    x = xs_ref[...]
    y = ys_ref[...]
    z = zs_ref[...]
    r2 = x * x + y * y + z * z
    r = jnp.sqrt(r2 + 1e-12)
    inv = 1.0 / (r + 1e-12)
    ux = x * inv
    uy = y * inv
    uz = z * inv
    env = 0.5 * (jnp.cos(jnp.pi * jnp.clip(r / CUTOFF, 0.0, 1.0)) + 1.0)

    kr = kr_ref[...]
    rv = jnp.dot(r, kr, preferred_element_type=jnp.float32)
    envv = jnp.dot(env, kr, preferred_element_type=jnp.float32)

    lanes = lax.broadcasted_iota(jnp.int32, (1, 128), 1)
    centers = (lanes % RAD).astype(jnp.float32) * (CUTOFF / (RAD - 1))
    dr = rv - centers
    rbf = jnp.exp(-GAMMA * dr * dr)

    t = rbf * ej_ref[...]
    coeff = jnp.dot(t, wrad_ref[...],
                    preferred_element_type=jnp.float32) * envv
    cq = jnp.dot(coeff, wq_ref[...],
                 preferred_element_type=jnp.float32)
    c0 = cq[:, :128]
    g = c0 * jax.nn.sigmoid(c0)
    et = eti_ref[...]
    get = g * et
    q = cq * jnp.concatenate([et, get, get], axis=1)

    ones4 = jnp.ones_like(x)
    ym36 = jnp.concatenate([
        ones4, uy, uz, ux,
        (S3 * ux) * uy, (S3 * uy) * uz, 1.5 * uz * uz - 0.5,
        (S3 * ux) * uz, (0.5 * S3) * (ux * ux - uy * uy)], axis=1)

    p = (jnp.dot(q, bq_ref[...], preferred_element_type=jnp.float32) *
         jnp.dot(ym36, bc_ref[...], preferred_element_type=jnp.float32))
    for g in range(9):
        p_refs[g][...] = p[:, 128 * g:128 * (g + 1)]


def _edge_dense(xs, ys, zs, ej4, eti4, wrad4, wq, kr, bq, bc):
    return pl.pallas_call(
        _edge_body,
        grid=(E4 // _R,),
        in_specs=[
            pl.BlockSpec((_R, 4), lambda i: (i, 0)),
            pl.BlockSpec((_R, 4), lambda i: (i, 0)),
            pl.BlockSpec((_R, 4), lambda i: (i, 0)),
            pl.BlockSpec((_R, 128), lambda i: (i, 0)),
            pl.BlockSpec((_R, 128), lambda i: (i, 0)),
            pl.BlockSpec((128, 128), lambda i: (0, 0)),
            pl.BlockSpec((128, _QC), lambda i: (0, 0)),
            pl.BlockSpec((4, 128), lambda i: (0, 0)),
            pl.BlockSpec((_QC, _PC), lambda i: (0, 0)),
            pl.BlockSpec((36, _PC), lambda i: (0, 0)),
        ],
        out_specs=[pl.BlockSpec((_R, 128), lambda i: (i, 0))
                   for _ in range(9)],
        out_shape=[jax.ShapeDtypeStruct((E4, 128), jnp.float32)
                   for _ in range(9)],
    )(xs, ys, zs, ej4, eti4, wrad4, wq, kr, bq, bc)



_SC_CHUNK = 80
_PER_TILE_S = E // 16
_SCH = _PER_TILE_S // _SC_CHUNK
_ROWS_PER_TILE = N // 16
_NCH = 5


def _scatter_body(idx_hbm, p0, p1, p2, p3, p4, p5, p6, p7, p8, zinit_hbm,
                  o0, o1, o2, o3, o4, o5, o6, o7, o8,
                  i0, i1,
                  v00, v01, v02, v03, v04, v10, v11, v12, v13, v14,
                  r0, r1, s0, s1,
                  a0, a1, a2, a3, a4):
    cid = lax.axis_index("c")
    sid = lax.axis_index("s")
    row0 = sid * _ROWS_PER_TILE
    idxb = (i0, i1)
    valb = ((v00, v01, v02, v03, v04), (v10, v11, v12, v13, v14))
    semr = (r0, r1)
    sems = (s0, s1)
    accs = (a0, a1, a2, a3, a4)

    def seed(nch):
        for g in range(nch):
            pltpu.sync_copy(zinit_hbm.at[pl.ds(row0, _ROWS_PER_TILE)],
                            accs[g].at[pl.ds(row0, _ROWS_PER_TILE)])

    base = sid * _PER_TILE_S

    def run(chans):
        nch = len(chans)

        def reads(b, off):
            pltpu.sync_copy(idx_hbm.at[pl.ds(off, _SC_CHUNK)], idxb[b])
            for g in range(nch):
                pltpu.async_copy(chans[g].at[pl.ds(off, _SC_CHUNK)],
                                 valb[b][g], semr[b])

        def drain_reads(b):
            for g in range(nch):
                pltpu.make_async_copy(chans[g].at[pl.ds(0, _SC_CHUNK)],
                                      valb[b][g], semr[b]).wait()

        def scatters(b):
            for g in range(nch):
                pltpu.async_copy(valb[b][g], accs[g].at[idxb[b]], sems[b],
                                 add=True)

        def drain_scatters(b):
            for g in range(nch):
                pltpu.make_async_copy(valb[b][g], accs[g].at[idxb[b]],
                                      sems[b]).wait()

        for b in range(2):
            reads(b, base + b * _SC_CHUNK)

        @pl.loop(2, _SCH - 1, step=2)
        def _(c0):
            for b in range(2):
                drain_reads(b)
                scatters(b)
            for b in range(2):
                drain_scatters(b)
                reads(b, base + (c0 + b) * _SC_CHUNK)

        for b in range(2):
            drain_reads(b)
            scatters(b)
        for b in range(2):
            drain_scatters(b)
        off = base + (_SCH - 1) * _SC_CHUNK
        reads(0, off)
        drain_reads(0)
        scatters(0)
        drain_scatters(0)

    def write(outs):
        for g in range(len(outs)):
            pltpu.sync_copy(accs[g].at[pl.ds(row0, _ROWS_PER_TILE)],
                            outs[g].at[pl.ds(row0, _ROWS_PER_TILE)])

    @pl.when(cid == 0)
    def _():
        seed(5)

    @pl.when(cid == 1)
    def _():
        seed(4)

    plsc.subcore_barrier()

    @pl.when(cid == 0)
    def _():
        run((p0, p1, p2, p3, p4))

    @pl.when(cid == 1)
    def _():
        run((p5, p6, p7, p8))

    plsc.subcore_barrier()

    @pl.when(cid == 0)
    def _():
        write((o0, o1, o2, o3, o4))

    @pl.when(cid == 1)
    def _():
        write((o5, o6, o7, o8))


def _segment_scatter(idx_i, ps, zinit):
    mesh = plsc.VectorSubcoreMesh(core_axis_name="c", subcore_axis_name="s")
    fn = functools.partial(
        pl.kernel,
        out_type=[jax.ShapeDtypeStruct((N, F), jnp.float32)
                  for _ in range(9)],
        mesh=mesh,
        scratch_types=(
            [pltpu.VMEM((_SC_CHUNK,), jnp.int32)] * 2 +
            [pltpu.VMEM((_SC_CHUNK, F), jnp.float32)] * (2 * _NCH) +
            [pltpu.SemaphoreType.DMA] * 4 +
            [pltpu.VMEM_SHARED((N, F), jnp.float32)] * _NCH
        ),
        compiler_params=pltpu.CompilerParams(use_tc_tiling_on_sc=False),
    )(_scatter_body)
    return fn(idx_i, *ps, zinit)



@jax.jit
def kernel(atomic_numbers, neighbour_displacements, neighbour_indices,
           embedding_table, W_emb, W_rad, W_l0, W_l1, W_l2):
    z2d = atomic_numbers.astype(jnp.int32).reshape(N, 1)
    tab_pad = jnp.zeros((128, RAD), jnp.float32).at[:embedding_table.shape[0]].set(
        embedding_table)
    idx_i = neighbour_indices[0].astype(jnp.int32)
    idx_j = neighbour_indices[1].astype(jnp.int32)

    emb_nodes, embt_nodes = _node_tables(z2d, tab_pad, W_emb)
    e_j, et_i = _edge_gather(emb_nodes, embt_nodes,
                             idx_j.reshape(E // _GC, _GC),
                             idx_i.reshape(E // _GC, _GC))

    xs = neighbour_displacements[:, 0].reshape(E4, 4)
    ys = neighbour_displacements[:, 1].reshape(E4, 4)
    zs = neighbour_displacements[:, 2].reshape(E4, 4)
    ej4 = e_j.reshape(E4, 128)
    eti4 = et_i.reshape(E4, 128)
    eye4 = jnp.eye(4, dtype=jnp.float32)
    wrad4 = jnp.kron(eye4, W_rad)
    wq = jnp.concatenate(
        [jnp.kron(eye4, W_l0), jnp.kron(eye4, W_l1), jnp.kron(eye4, W_l2)],
        axis=1)
    kr = jnp.kron(eye4, jnp.ones((1, RAD), jnp.float32))
    bq = jnp.asarray(_BQ_NP)
    bc = jnp.asarray(_BC_NP)

    pouts = _edge_dense(xs, ys, zs, ej4, eti4, wrad4, wq, kr, bq, bc)
    ps = [pg.reshape(E, F) for pg in pouts]

    zinit = jnp.zeros((N, F), jnp.float32)
    outs = _segment_scatter(idx_i, ps, zinit)

    o0 = outs[0] + embt_nodes
    full = jnp.concatenate([o0] + list(outs[1:]), axis=1).reshape(N, 9, F)
    return full[:, None, :, :]

# --- scband reference (transcript-rebuilt; emitter-appended) ---
"""Pipeline reference for scband-atom-centered-tensor-moment-descriptor-16673063043102 (READ-ONLY COPY).

The authoritative reference and input builder live on the scoring server;
editing this copy changes nothing except your own understanding.
"""

import jax, jax.numpy as jnp
import numpy as np

N_ATOMS = 10000
N_EDGES = 160000
MAX_Z = 119
NUM_RADIAL = 32
NUM_FEAT = 32
MAX_MOMENT = 2
CUTOFF = 5.0


def _real_sph_harm(u):
    # real spherical harmonics up to degree 2, e3x-style (l,m) flattened layout: 1 + 3 + 5 = 9 channels
    x, y, z = u[..., 0], u[..., 1], u[..., 2]
    Y0 = jnp.ones_like(x)[..., None]
    Y1 = jnp.stack([y, z, x], axis=-1)
    s3 = jnp.sqrt(3.0)
    Y2 = jnp.stack([
        s3 * x * y,
        s3 * y * z,
        0.5 * (3.0 * z * z - 1.0),
        s3 * x * z,
        0.5 * s3 * (x * x - y * y),
    ], axis=-1)
    return jnp.concatenate([Y0, Y1, Y2], axis=-1)  # [..., 9]


def setup_inputs(seed: int = 0):
    key = jax.random.key(seed)
    ks = jax.random.split(key, 9)
    atomic_numbers = jax.random.randint(ks[0], (N_ATOMS,), 0, MAX_Z)
    neighbour_displacements = jax.random.normal(ks[1], (N_EDGES, 3), dtype=jnp.float32)
    neighbour_indices = jax.random.randint(ks[2], (2, N_EDGES), 0, N_ATOMS)
    embedding_table = jax.random.normal(ks[3], (MAX_Z, NUM_RADIAL), dtype=jnp.float32) * 0.1
    W_emb = jax.random.normal(ks[4], (NUM_RADIAL, NUM_RADIAL), dtype=jnp.float32) / np.sqrt(NUM_RADIAL)
    W_rad = jax.random.normal(ks[5], (NUM_RADIAL, NUM_FEAT), dtype=jnp.float32) / np.sqrt(NUM_RADIAL)
    W_l0 = jax.random.normal(ks[6], (NUM_FEAT, NUM_FEAT), dtype=jnp.float32) / np.sqrt(NUM_FEAT)
    W_l1 = jax.random.normal(ks[7], (NUM_FEAT, NUM_FEAT), dtype=jnp.float32) / np.sqrt(NUM_FEAT)
    W_l2 = jax.random.normal(ks[8], (NUM_FEAT, NUM_FEAT), dtype=jnp.float32) / np.sqrt(NUM_FEAT)
    return {
        'atomic_numbers': atomic_numbers,
        'neighbour_displacements': neighbour_displacements,
        'neighbour_indices': neighbour_indices,
        'embedding_table': embedding_table,
        'W_emb': W_emb,
        'W_rad': W_rad,
        'W_l0': W_l0,
        'W_l1': W_l1,
        'W_l2': W_l2,
    }


def _forward(atomic_numbers, neighbour_displacements, neighbour_indices,
             embedding_table, W_emb, W_rad, W_l0, W_l1, W_l2):
    idx_i = neighbour_indices[0]
    idx_j = neighbour_indices[1]
    Z_i = jnp.take(atomic_numbers, idx_i, axis=0)
    Z_j = jnp.take(atomic_numbers, idx_j, axis=0)

    # species-aware radial basis on neighbour displacements
    r2 = jnp.sum(neighbour_displacements ** 2, axis=-1)
    r = jnp.sqrt(r2 + 1e-12)
    u = neighbour_displacements / (r[:, None] + 1e-12)
    centers = jnp.linspace(0.0, CUTOFF, NUM_RADIAL).astype(jnp.float32)
    gamma = (NUM_RADIAL / CUTOFF) ** 2 * 0.1
    rbf = jnp.exp(-gamma * (r[:, None] - centers[None, :]) ** 2)
    env = 0.5 * (jnp.cos(jnp.pi * jnp.clip(r / CUTOFF, 0.0, 1.0)) + 1.0)
    emb_j = jnp.take(embedding_table, Z_j, axis=0)            # gather [E, NUM_RADIAL]
    coeff = ((rbf * emb_j) @ W_rad) * env[:, None]            # [E, F]
    Y = _real_sph_harm(u)                                     # [E, 9]
    y = Y[:, :, None] * coeff[:, None, :]                     # [E, 9, F]

    # (max_moment - 1) TensorDense-style equivariant updates: per-degree dense + scalar gating
    for _ in range(MAX_MOMENT - 1):
        y0 = y[:, 0:1, :] @ W_l0
        y1 = y[:, 1:4, :] @ W_l1
        y2 = y[:, 4:9, :] @ W_l2
        gate = jax.nn.silu(y0)
        y = jnp.concatenate([y0, y1 * gate, y2 * gate], axis=1)

    # 'emb x basis' tensor coupling: degree-0 transformed embedding of Z_i scales all degrees
    emb_t_i = jnp.take(embedding_table, Z_i, axis=0) @ W_emb  # [E, F]
    y = y * emb_t_i[:, None, :]

    # indexed_sum over destination atoms (scatter-add / segment_sum)
    out = jax.ops.segment_sum(y, idx_i, num_segments=N_ATOMS)  # [N, 9, F]

    # residual: add transformed embedding into the degree-0 (scalar) channel
    emb_t_nodes = jnp.take(embedding_table, atomic_numbers, axis=0) @ W_emb
    out = out.at[:, 0, :].add(emb_t_nodes)
    return out[:, None, :, :]  # [N, 1, 9, F] e3x feature layout


def reference(atomic_numbers, neighbour_displacements, neighbour_indices,
              embedding_table, W_emb, W_rad, W_l0, W_l1, W_l2):
    return _forward(atomic_numbers, neighbour_displacements, neighbour_indices,
                    embedding_table, W_emb, W_rad, W_l0, W_l1, W_l2)

if __name__ == "__main__":
    import jax
    _d = setup_inputs()
    print(jax.jit(kernel)(*tuple(_d.values())))

</pallas_src>

<mosaic_0001>
#map = affine_map<(d0, d1) -> (0, 0)>
module attributes {stable_mosaic.version = 14 : i64} {
  func.func @_gather_body(%arg0: i32, %arg1: i32, %arg2: memref<10000x32xf32, #tpu.memory_space<hbm>>, %arg3: memref<10000x32xf32, #tpu.memory_space<hbm>>, %arg4: memref<2000x80xi32, #tpu.memory_space<hbm>>, %arg5: memref<2000x80xi32, #tpu.memory_space<hbm>>, %arg6: memref<160000x32xf32, #tpu.memory_space<hbm>>, %arg7: memref<160000x32xf32, #tpu.memory_space<hbm>>, %arg8: memref<125x80xi32, #tpu.memory_space<vmem>>, %arg9: memref<80x32xf32, #tpu.memory_space<vmem>>, %arg10: memref<80x32xf32, #tpu.memory_space<vmem>>, %arg11: memref<!tpu.dma_semaphore, #tpu.memory_space<semaphore_mem>>, %arg12: memref<!tpu.dma_semaphore, #tpu.memory_space<semaphore_mem>>, %arg13: memref<!tpu.dma_semaphore, #tpu.memory_space<semaphore_mem>>, %arg14: memref<!tpu.dma_semaphore, #tpu.memory_space<semaphore_mem>>) attributes {dimension_semantics = [#tpu.dimension_semantics<core_parallel>, #tpu.dimension_semantics<subcore_parallel>], iteration_bounds = array<i64: 2, 16>, scalar_prefetch = 0 : i64, scratch_operands = 7 : i64, tpu.core_type = #tpu.core_type<sc_vector_subcore>, window_params = [{transform_indices = #map}, {transform_indices = #map}, {transform_indices = #map}, {transform_indices = #map}, {transform_indices = #map}, {transform_indices = #map}]} {
    %mul3A = arith.constant 10000 : i32
    %mul3A_0 = arith.muli %arg1, %mul3A : i32
    %eq3A = arith.constant 0 : i32
    %eq3A_1 = arith.cmpi eq, %arg0, %eq3A : i32
    %convert_element_type3A = arith.extui %eq3A_1 : i1 to i32
    %cond3A = arith.constant 0 : i32
    %cond3A_2 = arith.cmpi ne, %convert_element_type3A, %cond3A : i32
    scf.if %cond3A_2 {
      %mul3A_8 = arith.constant 125 : i32
      %mul3A_9 = arith.muli %arg1, %mul3A_8 : i32
      "tpu.region"() ({
        %run_scoped3A = tpu.sem_alloc : memref<!tpu.dma_semaphore, #tpu.memory_space<semaphore_mem>>
        %dma_start3A_79 = arith.constant 0 : i32
        %dma_start3A_80 = tpu.memref_slice %arg4[%mul3A_9, %dma_start3A_79] : memref<2000x80xi32, #tpu.memory_space<hbm>> -> memref<125x80xi32, #tpu.memory_space<hbm>>
        %dma_start3A_81 = arith.constant 0 : i32
        %dma_start3A_82 = tpu.memref_slice %arg4[%mul3A_9, %dma_start3A_81] : memref<2000x80xi32, #tpu.memory_space<hbm>> -> memref<125x80xi32, #tpu.memory_space<hbm>>
        tpu.enqueue_dma source(%dma_start3A_82 : memref<125x80xi32, #tpu.memory_space<hbm>>) target(%arg8 : memref<125x80xi32, #tpu.memory_space<vmem>>) target_semaphore(%run_scoped3A : memref<!tpu.dma_semaphore, #tpu.memory_space<semaphore_mem>>)
        %dma_wait3A_83 = arith.constant 0 : i32
        %dma_wait3A_84 = tpu.memref_slice %arg4[%mul3A_9, %dma_wait3A_83] : memref<2000x80xi32, #tpu.memory_space<hbm>> -> memref<125x80xi32, #tpu.memory_space<hbm>>
        %dma_wait3A_85 = arith.constant 0 : i32
        %dma_wait3A_86 = tpu.memref_slice %arg4[%mul3A_9, %dma_wait3A_85] : memref<2000x80xi32, #tpu.memory_space<hbm>> -> memref<125x80xi32, #tpu.memory_space<hbm>>
        tpu.wait_dma2 semaphore(%run_scoped3A : memref<!tpu.dma_semaphore, #tpu.memory_space<semaphore_mem>>) src(%dma_wait3A_86 : memref<125x80xi32, #tpu.memory_space<hbm>>) dst(%arg8 : memref<125x80xi32, #tpu.memory_space<vmem>>)
        tpu.yield
      }) : () -> ()
      %dma_start3A = arith.constant 0 : i32
      %dma_start3A_10 = arith.constant 0 : i32
      %dma_start3A_11 = tpu.memref_slice %arg8[%dma_start3A, %dma_start3A_10] : memref<125x80xi32, #tpu.memory_space<vmem>> -> memref<1x80xi32, #tpu.memory_space<vmem>>
      %dma_start3A_12 = tpu.memref_squeeze %dma_start3A_11 : memref<1x80xi32, #tpu.memory_space<vmem>> -> memref<80xi32, #tpu.memory_space<vmem>>
      %dma_start3A_13 = arith.constant 0 : i32
      %dma_start3A_14 = arith.constant 0 : i32
      %dma_start3A_15 = tpu.memref_slice %arg2[%dma_start3A_13, %dma_start3A_14] : memref<10000x32xf32, #tpu.memory_space<hbm>> -> memref<10000x32xf32, #tpu.memory_space<hbm>>
      tpu.enqueue_indirect_dma source(%dma_start3A_15 : memref<10000x32xf32, #tpu.memory_space<hbm>>) target(%arg9 : memref<80x32xf32, #tpu.memory_space<vmem>>) offsets(%dma_start3A_12 : memref<80xi32, #tpu.memory_space<vmem>>) semaphore(%arg11 : memref<!tpu.dma_semaphore, #tpu.memory_space<semaphore_mem>>)
      %dma_start3A_16 = arith.constant 1 : i32
      %dma_start3A_17 = arith.constant 0 : i32
      %dma_start3A_18 = tpu.memref_slice %arg8[%dma_start3A_16, %dma_start3A_17] : memref<125x80xi32, #tpu.memory_space<vmem>> -> memref<1x80xi32, #tpu.memory_space<vmem>>
      %dma_start3A_19 = tpu.memref_squeeze %dma_start3A_18 : memref<1x80xi32, #tpu.memory_space<vmem>> -> memref<80xi32, #tpu.memory_space<vmem>>
      %dma_start3A_20 = arith.constant 0 : i32
      %dma_start3A_21 = arith.constant 0 : i32
      %dma_start3A_22 = tpu.memref_slice %arg2[%dma_start3A_20, %dma_start3A_21] : memref<10000x32xf32, #tpu.memory_space<hbm>> -> memref<10000x32xf32, #tpu.memory_space<hbm>>
      tpu.enqueue_indirect_dma source(%dma_start3A_22 : memref<10000x32xf32, #tpu.memory_space<hbm>>) target(%arg10 : memref<80x32xf32, #tpu.memory_space<vmem>>) offsets(%dma_start3A_19 : memref<80xi32, #tpu.memory_space<vmem>>) semaphore(%arg12 : memref<!tpu.dma_semaphore, #tpu.memory_space<semaphore_mem>>)
      %scan3A = arith.constant 0 : i32
      %scan3A_23 = arith.constant 61 : i32
      %scan3A_24 = arith.addi %scan3A, %scan3A_23 : i32
      %scan3A_25 = arith.constant 1 : i32
      scf.for %scan3A_79 = %scan3A to %scan3A_24 step %scan3A_25  : i32 {
        %mul3A_80 = arith.constant 2 : i32
        %mul3A_81 = arith.muli %scan3A_79, %mul3A_80 : i32
        %add3A_82 = arith.constant 2 : i32
        %add3A_83 = arith.addi %add3A_82, %mul3A_81 : i32
        %dma_wait3A_84 = arith.constant 0 : i32
        %dma_wait3A_85 = arith.constant 0 : i32
        %dma_wait3A_86 = tpu.memref_slice %arg8[%dma_wait3A_84, %dma_wait3A_85] : memref<125x80xi32, #tpu.memory_space<vmem>> -> memref<1x80xi32, #tpu.memory_space<vmem>>
        %dma_wait3A_87 = tpu.memref_squeeze %dma_wait3A_86 : memref<1x80xi32, #tpu.memory_space<vmem>> -> memref<80xi32, #tpu.memory_space<vmem>>
        %dma_wait3A_88 = arith.constant 0 : i32
        %dma_wait3A_89 = arith.constant 0 : i32
        %dma_wait3A_90 = tpu.memref_slice %arg2[%dma_wait3A_88, %dma_wait3A_89] : memref<10000x32xf32, #tpu.memory_space<hbm>> -> memref<10000x32xf32, #tpu.memory_space<hbm>>
        tpu.wait_indirect_dma semaphore(%arg11 : memref<!tpu.dma_semaphore, #tpu.memory_space<semaphore_mem>>) src(%dma_wait3A_90 : memref<10000x32xf32, #tpu.memory_space<hbm>>) dst(%arg9 : memref<80x32xf32, #tpu.memory_space<vmem>>)
        %sub3A = arith.constant 2 : i32
        %sub3A_91 = arith.subi %add3A_83, %sub3A : i32
        %add3A_92 = arith.constant 0 : i32
        %add3A_93 = arith.addi %sub3A_91, %add3A_92 : i32
        %mul3A_94 = arith.constant 80 : i32
        %mul3A_95 = arith.muli %add3A_93, %mul3A_94 : i32
        %add3A_96 = arith.addi %mul3A_0, %mul3A_95 : i32
        %dma_start3A_97 = arith.constant 0 : i32
        %dma_start3A_98 = tpu.memref_slice %arg6[%add3A_96, %dma_start3A_97] : memref<160000x32xf32, #tpu.memory_space<hbm>> -> memref<80x32xf32, #tpu.memory_space<hbm>>
        %dma_start3A_99 = arith.constant 0 : i32
        %dma_start3A_100 = tpu.memref_slice %arg6[%add3A_96, %dma_start3A_99] : memref<160000x32xf32, #tpu.memory_space<hbm>> -> memref<80x32xf32, #tpu.memory_space<hbm>>
        tpu.enqueue_dma source(%arg9 : memref<80x32xf32, #tpu.memory_space<vmem>>) target(%dma_start3A_100 : memref<80x32xf32, #tpu.memory_space<hbm>>) target_semaphore(%arg13 : memref<!tpu.dma_semaphore, #tpu.memory_space<semaphore_mem>>)
        %dma_wait3A_101 = arith.constant 1 : i32
        %dma_wait3A_102 = arith.constant 0 : i32
        %dma_wait3A_103 = tpu.memref_slice %arg8[%dma_wait3A_101, %dma_wait3A_102] : memref<125x80xi32, #tpu.memory_space<vmem>> -> memref<1x80xi32, #tpu.memory_space<vmem>>
        %dma_wait3A_104 = tpu.memref_squeeze %dma_wait3A_103 : memref<1x80xi32, #tpu.memory_space<vmem>> -> memref<80xi32, #tpu.memory_space<vmem>>
        %dma_wait3A_105 = arith.constant 0 : i32
        %dma_wait3A_106 = arith.constant 0 : i32
        %dma_wait3A_107 = tpu.memref_slice %arg2[%dma_wait3A_105, %dma_wait3A_106] : memref<10000x32xf32, #tpu.memory_space<hbm>> -> memref<10000x32xf32, #tpu.memory_space<hbm>>
        tpu.wait_indirect_dma semaphore(%arg12 : memref<!tpu.dma_semaphore, #tpu.memory_space<semaphore_mem>>) src(%dma_wait3A_107 : memref<10000x32xf32, #tpu.memory_space<hbm>>) dst(%arg10 : memref<80x32xf32, #tpu.memory_space<vmem>>)
        %sub3A_108 = arith.constant 2 : i32
        %sub3A_109 = arith.subi %add3A_83, %sub3A_108 : i32
        %add3A_110 = arith.constant 1 : i32
        %add3A_111 = arith.addi %sub3A_109, %add3A_110 : i32
        %mul3A_112 = arith.constant 80 : i32
        %mul3A_113 = arith.muli %add3A_111, %mul3A_112 : i32
        %add3A_114 = arith.addi %mul3A_0, %mul3A_113 : i32
        %dma_start3A_115 = arith.constant 0 : i32
        %dma_start3A_116 = tpu.memref_slice %arg6[%add3A_114, %dma_start3A_115] : memref<160000x32xf32, #tpu.memory_space<hbm>> -> memref<80x32xf32, #tpu.memory_space<hbm>>
        %dma_start3A_117 = arith.constant 0 : i32
        %dma_start3A_118 = tpu.memref_slice %arg6[%add3A_114, %dma_start3A_117] : memref<160000x32xf32, #tpu.memory_space<hbm>> -> memref<80x32xf32, #tpu.memory_space<hbm>>
        tpu.enqueue_dma source(%arg10 : memref<80x32xf32, #tpu.memory_space<vmem>>) target(%dma_start3A_118 : memref<80x32xf32, #tpu.memory_space<hbm>>) target_semaphore(%arg14 : memref<!tpu.dma_semaphore, #tpu.memory_space<semaphore_mem>>)
        %dma_wait3A_119 = arith.constant 0 : i32
        %dma_wait3A_120 = arith.constant 0 : i32
        %dma_wait3A_121 = tpu.memref_slice %arg6[%dma_wait3A_119, %dma_wait3A_120] : memref<160000x32xf32, #tpu.memory_space<hbm>> -> memref<80x32xf32, #tpu.memory_space<hbm>>
        %dma_wait3A_122 = arith.constant 0 : i32
        %dma_wait3A_123 = arith.constant 0 : i32
        %dma_wait3A_124 = tpu.memref_slice %arg6[%dma_wait3A_122, %dma_wait3A_123] : memref<160000x32xf32, #tpu.memory_space<hbm>> -> memref<80x32xf32, #tpu.memory_space<hbm>>
        tpu.wait_dma2 semaphore(%arg13 : memref<!tpu.dma_semaphore, #tpu.memory_space<semaphore_mem>>) src(%arg9 : memref<80x32xf32, #tpu.memory_space<vmem>>) dst(%dma_wait3A_124 : memref<80x32xf32, #tpu.memory_space<hbm>>)
        %add3A_125 = arith.constant 0 : i32
        %add3A_126 = arith.addi %add3A_83, %add3A_125 : i32
        %dma_start3A_127 = arith.constant 0 : i32
        %dma_start3A_128 = tpu.memref_slice %arg8[%add3A_126, %dma_start3A_127] : memref<125x80xi32, #tpu.memory_space<vmem>> -> memref<1x80xi32, #tpu.memory_space<vmem>>
        %dma_start3A_129 = tpu.memref_squeeze %dma_start3A_128 : memref<1x80xi32, #tpu.memory_space<vmem>> -> memref<80xi32, #tpu.memory_space<vmem>>
        %dma_start3A_130 = arith.constant 0 : i32
        %dma_start3A_131 = arith.constant 0 : i32
        %dma_start3A_132 = tpu.memref_slice %arg2[%dma_start3A_130, %dma_start3A_131] : memref<10000x32xf32, #tpu.memory_space<hbm>> -> memref<10000x32xf32, #tpu.memory_space<hbm>>
        tpu.enqueue_indirect_dma source(%dma_start3A_132 : memref<10000x32xf32, #tpu.memory_space<hbm>>) target(%arg9 : memref<80x32xf32, #tpu.memory_space<vmem>>) offsets(%dma_start3A_129 : memref<80xi32, #tpu.memory_space<vmem>>) semaphore(%arg11 : memref<!tpu.dma_semaphore, #tpu.memory_space<semaphore_mem>>)
        %dma_wait3A_133 = arith.constant 0 : i32
        %dma_wait3A_134 = arith.constant 0 : i32
        %dma_wait3A_135 = tpu.memref_slice %arg6[%dma_wait3A_133, %dma_wait3A_134] : memref<160000x32xf32, #tpu.memory_space<hbm>> -> memref<80x32xf32, #tpu.memory_space<hbm>>
        %dma_wait3A_136 = arith.constant 0 : i32
        %dma_wait3A_137 = arith.constant 0 : i32
        %dma_wait3A_138 = tpu.memref_slice %arg6[%dma_wait3A_136, %dma_wait3A_137] : memref<160000x32xf32, #tpu.memory_space<hbm>> -> memref<80x32xf32, #tpu.memory_space<hbm>>
        tpu.wait_dma2 semaphore(%arg14 : memref<!tpu.dma_semaphore, #tpu.memory_space<semaphore_mem>>) src(%arg10 : memref<80x32xf32, #tpu.memory_space<vmem>>) dst(%dma_wait3A_138 : memref<80x32xf32, #tpu.memory_space<hbm>>)
        %add3A_139 = arith.constant 1 : i32
        %add3A_140 = arith.addi %add3A_83, %add3A_139 : i32
        %dma_start3A_141 = arith.constant 0 : i32
        %dma_start3A_142 = tpu.memref_slice %arg8[%add3A_140, %dma_start3A_141] : memref<125x80xi32, #tpu.memory_space<vmem>> -> memref<1x80xi32, #tpu.memory_space<vmem>>
        %dma_start3A_143 = tpu.memref_squeeze %dma_start3A_142 : memref<1x80xi32, #tpu.memory_space<vmem>> -> memref<80xi32, #tpu.memory_space<vmem>>
        %dma_start3A_144 = arith.constant 0 : i32
        %dma_start3A_145 = arith.constant 0 : i32
        %dma_start3A_146 = tpu.memref_slice %arg2[%dma_start3A_144, %dma_start3A_145] : memref<10000x32xf32, #tpu.memory_space<hbm>> -> memref<10000x32xf32, #tpu.memory_space<hbm>>
        tpu.enqueue_indirect_dma source(%dma_start3A_146 : memref<10000x32xf32, #tpu.memory_space<hbm>>) target(%arg10 : memref<80x32xf32, #tpu.memory_space<vmem>>) offsets(%dma_start3A_143 : memref<80xi32, #tpu.memory_space<vmem>>) semaphore(%arg12 : memref<!tpu.dma_semaphore, #tpu.memory_space<semaphore_mem>>)
      }
      %scan3A_26 = arith.constant 61 : i32
      %dma_wait3A = arith.constant 0 : i32
      %dma_wait3A_27 = arith.constant 0 : i32
      %dma_wait3A_28 = tpu.memref_slice %arg8[%dma_wait3A, %dma_wait3A_27] : memref<125x80xi32, #tpu.memory_space<vmem>> -> memref<1x80xi32, #tpu.memory_space<vmem>>
      %dma_wait3A_29 = tpu.memref_squeeze %dma_wait3A_28 : memref<1x80xi32, #tpu.memory_space<vmem>> -> memref<80xi32, #tpu.memory_space<vmem>>
      %dma_wait3A_30 = arith.constant 0 : i32
      %dma_wait3A_31 = arith.constant 0 : i32
      %dma_wait3A_32 = tpu.memref_slice %arg2[%dma_wait3A_30, %dma_wait3A_31] : memref<10000x32xf32, #tpu.memory_space<hbm>> -> memref<10000x32xf32, #tpu.memory_space<hbm>>
      tpu.wait_indirect_dma semaphore(%arg11 : memref<!tpu.dma_semaphore, #tpu.memory_space<semaphore_mem>>) src(%dma_wait3A_32 : memref<10000x32xf32, #tpu.memory_space<hbm>>) dst(%arg9 : memref<80x32xf32, #tpu.memory_space<vmem>>)
      %add3A = arith.constant 9760 : i32
      %add3A_33 = arith.addi %mul3A_0, %add3A : i32
      %dma_start3A_34 = arith.constant 0 : i32
      %dma_start3A_35 = tpu.memref_slice %arg6[%add3A_33, %dma_start3A_34] : memref<160000x32xf32, #tpu.memory_space<hbm>> -> memref<80x32xf32, #tpu.memory_space<hbm>>
      %dma_start3A_36 = arith.constant 0 : i32
      %dma_start3A_37 = tpu.memref_slice %arg6[%add3A_33, %dma_start3A_36] : memref<160000x32xf32, #tpu.memory_space<hbm>> -> memref<80x32xf32, #tpu.memory_space<hbm>>
      tpu.enqueue_dma source(%arg9 : memref<80x32xf32, #tpu.memory_space<vmem>>) target(%dma_start3A_37 : memref<80x32xf32, #tpu.memory_space<hbm>>) target_semaphore(%arg13 : memref<!tpu.dma_semaphore, #tpu.memory_space<semaphore_mem>>)
      %dma_wait3A_38 = arith.constant 1 : i32
      %dma_wait3A_39 = arith.constant 0 : i32
      %dma_wait3A_40 = tpu.memref_slice %arg8[%dma_wait3A_38, %dma_wait3A_39] : memref<125x80xi32, #tpu.memory_space<vmem>> -> memref<1x80xi32, #tpu.memory_space<vmem>>
      %dma_wait3A_41 = tpu.memref_squeeze %dma_wait3A_40 : memref<1x80xi32, #tpu.memory_space<vmem>> -> memref<80xi32, #tpu.memory_space<vmem>>
      %dma_wait3A_42 = arith.constant 0 : i32
      %dma_wait3A_43 = arith.constant 0 : i32
      %dma_wait3A_44 = tpu.memref_slice %arg2[%dma_wait3A_42, %dma_wait3A_43] : memref<10000x32xf32, #tpu.memory_space<hbm>> -> memref<10000x32xf32, #tpu.memory_space<hbm>>
      tpu.wait_indirect_dma semaphore(%arg12 : memref<!tpu.dma_semaphore, #tpu.memory_space<semaphore_mem>>) src(%dma_wait3A_44 : memref<10000x32xf32, #tpu.memory_space<hbm>>) dst(%arg10 : memref<80x32xf32, #tpu.memory_space<vmem>>)
      %add3A_45 = arith.constant 9840 : i32
      %add3A_46 = arith.addi %mul3A_0, %add3A_45 : i32
      %dma_start3A_47 = arith.constant 0 : i32
      %dma_start3A_48 = tpu.memref_slice %arg6[%add3A_46, %dma_start3A_47] : memref<160000x32xf32, #tpu.memory_space<hbm>> -> memref<80x32xf32, #tpu.memory_space<hbm>>
      %dma_start3A_49 = arith.constant 0 : i32
      %dma_start3A_50 = tpu.memref_slice %arg6[%add3A_46, %dma_start3A_49] : memref<160000x32xf32, #tpu.memory_space<hbm>> -> memref<80x32xf32, #tpu.memory_space<hbm>>
      tpu.enqueue_dma source(%arg10 : memref<80x32xf32, #tpu.memory_space<vmem>>) target(%dma_start3A_50 : memref<80x32xf32, #tpu.memory_space<hbm>>) target_semaphore(%arg14 : memref<!tpu.dma_semaphore, #tpu.memory_space<semaphore_mem>>)
      %dma_wait3A_51 = arith.constant 0 : i32
      %dma_wait3A_52 = arith.constant 0 : i32
      %dma_wait3A_53 = tpu.memref_slice %arg6[%dma_wait3A_51, %dma_wait3A_52] : memref<160000x32xf32, #tpu.memory_space<hbm>> -> memref<80x32xf32, #tpu.memory_space<hbm>>
      %dma_wait3A_54 = arith.constant 0 : i32
      %dma_wait3A_55 = arith.constant 0 : i32
      %dma_wait3A_56 = tpu.memref_slice %arg6[%dma_wait3A_54, %dma_wait3A_55] : memref<160000x32xf32, #tpu.memory_space<hbm>> -> memref<80x32xf32, #tpu.memory_space<hbm>>
      tpu.wait_dma2 semaphore(%arg13 : memref<!tpu.dma_semaphore, #tpu.memory_space<semaphore_mem>>) src(%arg9 : memref<80x32xf32, #tpu.memory_space<vmem>>) dst(%dma_wait3A_56 : memref<80x32xf32, #tpu.memory_space<hbm>>)
      %dma_wait3A_57 = arith.constant 0 : i32
      %dma_wait3A_58 = arith.constant 0 : i32
      %dma_wait3A_59 = tpu.memref_slice %arg6[%dma_wait3A_57, %dma_wait3A_58] : memref<160000x32xf32, #tpu.memory_space<hbm>> -> memref<80x32xf32, #tpu.memory_space<hbm>>
      %dma_wait3A_60 = arith.constant 0 : i32
      %dma_wait3A_61 = arith.constant 0 : i32
      %dma_wait3A_62 = tpu.memref_slice %arg6[%dma_wait3A_60, %dma_wait3A_61] : memref<160000x32xf32, #tpu.memory_space<hbm>> -> memref<80x32xf32, #tpu.memory_space<hbm>>
      tpu.wait_dma2 semaphore(%arg14 : memref<!tpu.dma_semaphore, #tpu.memory_space<semaphore_mem>>) src(%arg10 : memref<80x32xf32, #tpu.memory_space<vmem>>) dst(%dma_wait3A_62 : memref<80x32xf32, #tpu.memory_space<hbm>>)
      %dma_start3A_63 = arith.constant 124 : i32
      %dma_start3A_64 = arith.constant 0 : i32
      %dma_start3A_65 = tpu.memref_slice %arg8[%dma_start3A_63, %dma_start3A_64] : memref<125x80xi32, #tpu.memory_space<vmem>> -> memref<1x80xi32, #tpu.memory_space<vmem>>
      %dma_start3A_66 = tpu.memref_squeeze %dma_start3A_65 : memref<1x80xi32, #tpu.memory_space<vmem>> -> memref<80xi32, #tpu.memory_space<vmem>>
      %dma_start3A_67 = arith.constant 0 : i32
      %dma_start3A_68 = arith.constant 0 : i32
      %dma_start3A_69 = tpu.memref_slice %arg2[%dma_start3A_67, %dma_start3A_68] : memref<10000x32xf32, #tpu.memory_space<hbm>> -> memref<10000x32xf32, #tpu.memory_space<hbm>>
      tpu.enqueue_indirect_dma source(%dma_start3A_69 : memref<10000x32xf32, #tpu.memory_space<hbm>>) target(%arg9 : memref<80x32xf32, #tpu.memory_space<vmem>>) offsets(%dma_start3A_66 : memref<80xi32, #tpu.memory_space<vmem>>) semaphore(%arg11 : memref<!tpu.dma_semaphore, #tpu.memory_space<semaphore_mem>>)
      %dma_wait3A_70 = arith.constant 124 : i32
      %dma_wait3A_71 = arith.constant 0 : i32
      %dma_wait3A_72 = tpu.memref_slice %arg8[%dma_wait3A_70, %dma_wait3A_71] : memref<125x80xi32, #tpu.memory_space<vmem>> -> memref<1x80xi32, #tpu.memory_space<vmem>>
      %dma_wait3A_73 = tpu.memref_squeeze %dma_wait3A_72 : memref<1x80xi32, #tpu.memory_space<vmem>> -> memref<80xi32, #tpu.memory_space<vmem>>
      %dma_wait3A_74 = arith.constant 0 : i32
      %dma_wait3A_75 = arith.constant 0 : i32
      %dma_wait3A_76 = tpu.memref_slice %arg2[%dma_wait3A_74, %dma_wait3A_75] : memref<10000x32xf32, #tpu.memory_space<hbm>> -> memref<10000x32xf32, #tpu.memory_space<hbm>>
      tpu.wait_indirect_dma semaphore(%arg11 : memref<!tpu.dma_semaphore, #tpu.memory_space<semaphore_mem>>) src(%dma_wait3A_76 : memref<10000x32xf32, #tpu.memory_space<hbm>>) dst(%arg9 : memref<80x32xf32, #tpu.memory_space<vmem>>)
      %add3A_77 = arith.constant 9920 : i32
      %add3A_78 = arith.addi %mul3A_0, %add3A_77 : i32
      "tpu.region"() ({
        %run_scoped3A = tpu.sem_alloc : memref<!tpu.dma_semaphore, #tpu.memory_space<semaphore_mem>>
        %dma_start3A_79 = arith.constant 0 : i32
        %dma_start3A_80 = tpu.memref_slice %arg6[%add3A_78, %dma_start3A_79] : memref<160000x32xf32, #tpu.memory_space<hbm>> -> memref<80x32xf32, #tpu.memory_space<hbm>>
        %dma_start3A_81 = arith.constant 0 : i32
        %dma_start3A_82 = tpu.memref_slice %arg6[%add3A_78, %dma_start3A_81] : memref<160000x32xf32, #tpu.memory_space<hbm>> -> memref<80x32xf32, #tpu.memory_space<hbm>>
        tpu.enqueue_dma source(%arg9 : memref<80x32xf32, #tpu.memory_space<vmem>>) target(%dma_start3A_82 : memref<80x32xf32, #tpu.memory_space<hbm>>) target_semaphore(%run_scoped3A : memref<!tpu.dma_semaphore, #tpu.memory_space<semaphore_mem>>)
        %dma_wait3A_83 = arith.constant 0 : i32
        %dma_wait3A_84 = tpu.memref_slice %arg6[%add3A_78, %dma_wait3A_83] : memref<160000x32xf32, #tpu.memory_space<hbm>> -> memref<80x32xf32, #tpu.memory_space<hbm>>
        %dma_wait3A_85 = arith.constant 0 : i32
        %dma_wait3A_86 = tpu.memref_slice %arg6[%add3A_78, %dma_wait3A_85] : memref<160000x32xf32, #tpu.memory_space<hbm>> -> memref<80x32xf32, #tpu.memory_space<hbm>>
        tpu.wait_dma2 semaphore(%run_scoped3A : memref<!tpu.dma_semaphore, #tpu.memory_space<semaphore_mem>>) src(%arg9 : memref<80x32xf32, #tpu.memory_space<vmem>>) dst(%dma_wait3A_86 : memref<80x32xf32, #tpu.memory_space<hbm>>)
        tpu.yield
      }) : () -> ()
    } else {
    }
    %eq3A_3 = arith.constant 1 : i32
    %eq3A_4 = arith.cmpi eq, %arg0, %eq3A_3 : i32
    %convert_element_type3A_5 = arith.extui %eq3A_4 : i1 to i32
    %cond3A_6 = arith.constant 0 : i32
    %cond3A_7 = arith.cmpi ne, %convert_element_type3A_5, %cond3A_6 : i32
    scf.if %cond3A_7 {
      %mul3A_8 = arith.constant 125 : i32
      %mul3A_9 = arith.muli %arg1, %mul3A_8 : i32
      "tpu.region"() ({
        %run_scoped3A = tpu.sem_alloc : memref<!tpu.dma_semaphore, #tpu.memory_space<semaphore_mem>>
        %dma_start3A_79 = arith.constant 0 : i32
        %dma_start3A_80 = tpu.memref_slice %arg5[%mul3A_9, %dma_start3A_79] : memref<2000x80xi32, #tpu.memory_space<hbm>> -> memref<125x80xi32, #tpu.memory_space<hbm>>
        %dma_start3A_81 = arith.constant 0 : i32
        %dma_start3A_82 = tpu.memref_slice %arg5[%mul3A_9, %dma_start3A_81] : memref<2000x80xi32, #tpu.memory_space<hbm>> -> memref<125x80xi32, #tpu.memory_space<hbm>>
        tpu.enqueue_dma source(%dma_start3A_82 : memref<125x80xi32, #tpu.memory_space<hbm>>) target(%arg8 : memref<125x80xi32, #tpu.memory_space<vmem>>) target_semaphore(%run_scoped3A : memref<!tpu.dma_semaphore, #tpu.memory_space<semaphore_mem>>)
        %dma_wait3A_83 = arith.constant 0 : i32
        %dma_wait3A_84 = tpu.memref_slice %arg5[%mul3A_9, %dma_wait3A_83] : memref<2000x80xi32, #tpu.memory_space<hbm>> -> memref<125x80xi32, #tpu.memory_space<hbm>>
        %dma_wait3A_85 = arith.constant 0 : i32
        %dma_wait3A_86 = tpu.memref_slice %arg5[%mul3A_9, %dma_wait3A_85] : memref<2000x80xi32, #tpu.memory_space<hbm>> -> memref<125x80xi32, #tpu.memory_space<hbm>>
        tpu.wait_dma2 semaphore(%run_scoped3A : memref<!tpu.dma_semaphore, #tpu.memory_space<semaphore_mem>>) src(%dma_wait3A_86 : memref<125x80xi32, #tpu.memory_space<hbm>>) dst(%arg8 : memref<125x80xi32, #tpu.memory_space<vmem>>)
        tpu.yield
      }) : () -> ()
      %dma_start3A = arith.constant 0 : i32
      %dma_start3A_10 = arith.constant 0 : i32
      %dma_start3A_11 = tpu.memref_slice %arg8[%dma_start3A, %dma_start3A_10] : memref<125x80xi32, #tpu.memory_space<vmem>> -> memref<1x80xi32, #tpu.memory_space<vmem>>
      %dma_start3A_12 = tpu.memref_squeeze %dma_start3A_11 : memref<1x80xi32, #tpu.memory_space<vmem>> -> memref<80xi32, #tpu.memory_space<vmem>>
      %dma_start3A_13 = arith.constant 0 : i32
      %dma_start3A_14 = arith.constant 0 : i32
      %dma_start3A_15 = tpu.memref_slice %arg3[%dma_start3A_13, %dma_start3A_14] : memref<10000x32xf32, #tpu.memory_space<hbm>> -> memref<10000x32xf32, #tpu.memory_space<hbm>>
      tpu.enqueue_indirect_dma source(%dma_start3A_15 : memref<10000x32xf32, #tpu.memory_space<hbm>>) target(%arg9 : memref<80x32xf32, #tpu.memory_space<vmem>>) offsets(%dma_start3A_12 : memref<80xi32, #tpu.memory_space<vmem>>) semaphore(%arg11 : memref<!tpu.dma_semaphore, #tpu.memory_space<semaphore_mem>>)
      %dma_start3A_16 = arith.constant 1 : i32
      %dma_start3A_17 = arith.constant 0 : i32
      %dma_start3A_18 = tpu.memref_slice %arg8[%dma_start3A_16, %dma_start3A_17] : memref<125x80xi32, #tpu.memory_space<vmem>> -> memref<1x80xi32, #tpu.memory_space<vmem>>
      %dma_start3A_19 = tpu.memref_squeeze %dma_start3A_18 : memref<1x80xi32, #tpu.memory_space<vmem>> -> memref<80xi32, #tpu.memory_space<vmem>>
      %dma_start3A_20 = arith.constant 0 : i32
      %dma_start3A_21 = arith.constant 0 : i32
      %dma_start3A_22 = tpu.memref_slice %arg3[%dma_start3A_20, %dma_start3A_21] : memref<10000x32xf32, #tpu.memory_space<hbm>> -> memref<10000x32xf32, #tpu.memory_space<hbm>>
      tpu.enqueue_indirect_dma source(%dma_start3A_22 : memref<10000x32xf32, #tpu.memory_space<hbm>>) target(%arg10 : memref<80x32xf32, #tpu.memory_space<vmem>>) offsets(%dma_start3A_19 : memref<80xi32, #tpu.memory_space<vmem>>) semaphore(%arg12 : memref<!tpu.dma_semaphore, #tpu.memory_space<semaphore_mem>>)
      %scan3A = arith.constant 0 : i32
      %scan3A_23 = arith.constant 61 : i32
      %scan3A_24 = arith.addi %scan3A, %scan3A_23 : i32
      %scan3A_25 = arith.constant 1 : i32
      scf.for %scan3A_79 = %scan3A to %scan3A_24 step %scan3A_25  : i32 {
        %mul3A_80 = arith.constant 2 : i32
        %mul3A_81 = arith.muli %scan3A_79, %mul3A_80 : i32
        %add3A_82 = arith.constant 2 : i32
        %add3A_83 = arith.addi %add3A_82, %mul3A_81 : i32
        %dma_wait3A_84 = arith.constant 0 : i32
        %dma_wait3A_85 = arith.constant 0 : i32
        %dma_wait3A_86 = tpu.memref_slice %arg8[%dma_wait3A_84, %dma_wait3A_85] : memref<125x80xi32, #tpu.memory_space<vmem>> -> memref<1x80xi32, #tpu.memory_space<vmem>>
        %dma_wait3A_87 = tpu.memref_squeeze %dma_wait3A_86 : memref<1x80xi32, #tpu.memory_space<vmem>> -> memref<80xi32, #tpu.memory_space<vmem>>
        %dma_wait3A_88 = arith.constant 0 : i32
        %dma_wait3A_89 = arith.constant 0 : i32
        %dma_wait3A_90 = tpu.memref_slice %arg3[%dma_wait3A_88, %dma_wait3A_89] : memref<10000x32xf32, #tpu.memory_space<hbm>> -> memref<10000x32xf32, #tpu.memory_space<hbm>>
        tpu.wait_indirect_dma semaphore(%arg11 : memref<!tpu.dma_semaphore, #tpu.memory_space<semaphore_mem>>) src(%dma_wait3A_90 : memref<10000x32xf32, #tpu.memory_space<hbm>>) dst(%arg9 : memref<80x32xf32, #tpu.memory_space<vmem>>)
        %sub3A = arith.constant 2 : i32
        %sub3A_91 = arith.subi %add3A_83, %sub3A : i32
        %add3A_92 = arith.constant 0 : i32
        %add3A_93 = arith.addi %sub3A_91, %add3A_92 : i32
        %mul3A_94 = arith.constant 80 : i32
        %mul3A_95 = arith.muli %add3A_93, %mul3A_94 : i32
        %add3A_96 = arith.addi %mul3A_0, %mul3A_95 : i32
        %dma_start3A_97 = arith.constant 0 : i32
        %dma_start3A_98 = tpu.memref_slice %arg7[%add3A_96, %dma_start3A_97] : memref<160000x32xf32, #tpu.memory_space<hbm>> -> memref<80x32xf32, #tpu.memory_space<hbm>>
        %dma_start3A_99 = arith.constant 0 : i32
        %dma_start3A_100 = tpu.memref_slice %arg7[%add3A_96, %dma_start3A_99] : memref<160000x32xf32, #tpu.memory_space<hbm>> -> memref<80x32xf32, #tpu.memory_space<hbm>>
        tpu.enqueue_dma source(%arg9 : memref<80x32xf32, #tpu.memory_space<vmem>>) target(%dma_start3A_100 : memref<80x32xf32, #tpu.memory_space<hbm>>) target_semaphore(%arg13 : memref<!tpu.dma_semaphore, #tpu.memory_space<semaphore_mem>>)
        %dma_wait3A_101 = arith.constant 1 : i32
        %dma_wait3A_102 = arith.constant 0 : i32
        %dma_wait3A_103 = tpu.memref_slice %arg8[%dma_wait3A_101, %dma_wait3A_102] : memref<125x80xi32, #tpu.memory_space<vmem>> -> memref<1x80xi32, #tpu.memory_space<vmem>>
        %dma_wait3A_104 = tpu.memref_squeeze %dma_wait3A_103 : memref<1x80xi32, #tpu.memory_space<vmem>> -> memref<80xi32, #tpu.memory_space<vmem>>
        %dma_wait3A_105 = arith.constant 0 : i32
        %dma_wait3A_106 = arith.constant 0 : i32
        %dma_wait3A_107 = tpu.memref_slice %arg3[%dma_wait3A_105, %dma_wait3A_106] : memref<10000x32xf32, #tpu.memory_space<hbm>> -> memref<10000x32xf32, #tpu.memory_space<hbm>>
        tpu.wait_indirect_dma semaphore(%arg12 : memref<!tpu.dma_semaphore, #tpu.memory_space<semaphore_mem>>) src(%dma_wait3A_107 : memref<10000x32xf32, #tpu.memory_space<hbm>>) dst(%arg10 : memref<80x32xf32, #tpu.memory_space<vmem>>)
        %sub3A_108 = arith.constant 2 : i32
        %sub3A_109 = arith.subi %add3A_83, %sub3A_108 : i32
        %add3A_110 = arith.constant 1 : i32
        %add3A_111 = arith.addi %sub3A_109, %add3A_110 : i32
        %mul3A_112 = arith.constant 80 : i32
        %mul3A_113 = arith.muli %add3A_111, %mul3A_112 : i32
        %add3A_114 = arith.addi %mul3A_0, %mul3A_113 : i32
        %dma_start3A_115 = arith.constant 0 : i32
        %dma_start3A_116 = tpu.memref_slice %arg7[%add3A_114, %dma_start3A_115] : memref<160000x32xf32, #tpu.memory_space<hbm>> -> memref<80x32xf32, #tpu.memory_space<hbm>>
        %dma_start3A_117 = arith.constant 0 : i32
        %dma_start3A_118 = tpu.memref_slice %arg7[%add3A_114, %dma_start3A_117] : memref<160000x32xf32, #tpu.memory_space<hbm>> -> memref<80x32xf32, #tpu.memory_space<hbm>>
        tpu.enqueue_dma source(%arg10 : memref<80x32xf32, #tpu.memory_space<vmem>>) target(%dma_start3A_118 : memref<80x32xf32, #tpu.memory_space<hbm>>) target_semaphore(%arg14 : memref<!tpu.dma_semaphore, #tpu.memory_space<semaphore_mem>>)
        %dma_wait3A_119 = arith.constant 0 : i32
        %dma_wait3A_120 = arith.constant 0 : i32
        %dma_wait3A_121 = tpu.memref_slice %arg7[%dma_wait3A_119, %dma_wait3A_120] : memref<160000x32xf32, #tpu.memory_space<hbm>> -> memref<80x32xf32, #tpu.memory_space<hbm>>
        %dma_wait3A_122 = arith.constant 0 : i32
        %dma_wait3A_123 = arith.constant 0 : i32
        %dma_wait3A_124 = tpu.memref_slice %arg7[%dma_wait3A_122, %dma_wait3A_123] : memref<160000x32xf32, #tpu.memory_space<hbm>> -> memref<80x32xf32, #tpu.memory_space<hbm>>
        tpu.wait_dma2 semaphore(%arg13 : memref<!tpu.dma_semaphore, #tpu.memory_space<semaphore_mem>>) src(%arg9 : memref<80x32xf32, #tpu.memory_space<vmem>>) dst(%dma_wait3A_124 : memref<80x32xf32, #tpu.memory_space<hbm>>)
        %add3A_125 = arith.constant 0 : i32
        %add3A_126 = arith.addi %add3A_83, %add3A_125 : i32
        %dma_start3A_127 = arith.constant 0 : i32
        %dma_start3A_128 = tpu.memref_slice %arg8[%add3A_126, %dma_start3A_127] : memref<125x80xi32, #tpu.memory_space<vmem>> -> memref<1x80xi32, #tpu.memory_space<vmem>>
        %dma_start3A_129 = tpu.memref_squeeze %dma_start3A_128 : memref<1x80xi32, #tpu.memory_space<vmem>> -> memref<80xi32, #tpu.memory_space<vmem>>
        %dma_start3A_130 = arith.constant 0 : i32
        %dma_start3A_131 = arith.constant 0 : i32
        %dma_start3A_132 = tpu.memref_slice %arg3[%dma_start3A_130, %dma_start3A_131] : memref<10000x32xf32, #tpu.memory_space<hbm>> -> memref<10000x32xf32, #tpu.memory_space<hbm>>
        tpu.enqueue_indirect_dma source(%dma_start3A_132 : memref<10000x32xf32, #tpu.memory_space<hbm>>) target(%arg9 : memref<80x32xf32, #tpu.memory_space<vmem>>) offsets(%dma_start3A_129 : memref<80xi32, #tpu.memory_space<vmem>>) semaphore(%arg11 : memref<!tpu.dma_semaphore, #tpu.memory_space<semaphore_mem>>)
        %dma_wait3A_133 = arith.constant 0 : i32
        %dma_wait3A_134 = arith.constant 0 : i32
        %dma_wait3A_135 = tpu.memref_slice %arg7[%dma_wait3A_133, %dma_wait3A_134] : memref<160000x32xf32, #tpu.memory_space<hbm>> -> memref<80x32xf32, #tpu.memory_space<hbm>>
        %dma_wait3A_136 = arith.constant 0 : i32
        %dma_wait3A_137 = arith.constant 0 : i32
        %dma_wait3A_138 = tpu.memref_slice %arg7[%dma_wait3A_136, %dma_wait3A_137] : memref<160000x32xf32, #tpu.memory_space<hbm>> -> memref<80x32xf32, #tpu.memory_space<hbm>>
        tpu.wait_dma2 semaphore(%arg14 : memref<!tpu.dma_semaphore, #tpu.memory_space<semaphore_mem>>) src(%arg10 : memref<80x32xf32, #tpu.memory_space<vmem>>) dst(%dma_wait3A_138 : memref<80x32xf32, #tpu.memory_space<hbm>>)
        %add3A_139 = arith.constant 1 : i32
        %add3A_140 = arith.addi %add3A_83, %add3A_139 : i32
        %dma_start3A_141 = arith.constant 0 : i32
        %dma_start3A_142 = tpu.memref_slice %arg8[%add3A_140, %dma_start3A_141] : memref<125x80xi32, #tpu.memory_space<vmem>> -> memref<1x80xi32, #tpu.memory_space<vmem>>
        %dma_start3A_143 = tpu.memref_squeeze %dma_start3A_142 : memref<1x80xi32, #tpu.memory_space<vmem>> -> memref<80xi32, #tpu.memory_space<vmem>>
        %dma_start3A_144 = arith.constant 0 : i32
        %dma_start3A_145 = arith.constant 0 : i32
        %dma_start3A_146 = tpu.memref_slice %arg3[%dma_start3A_144, %dma_start3A_145] : memref<10000x32xf32, #tpu.memory_space<hbm>> -> memref<10000x32xf32, #tpu.memory_space<hbm>>
        tpu.enqueue_indirect_dma source(%dma_start3A_146 : memref<10000x32xf32, #tpu.memory_space<hbm>>) target(%arg10 : memref<80x32xf32, #tpu.memory_space<vmem>>) offsets(%dma_start3A_143 : memref<80xi32, #tpu.memory_space<vmem>>) semaphore(%arg12 : memref<!tpu.dma_semaphore, #tpu.memory_space<semaphore_mem>>)
      }
      %scan3A_26 = arith.constant 61 : i32
      %dma_wait3A = arith.constant 0 : i32
      %dma_wait3A_27 = arith.constant 0 : i32
      %dma_wait3A_28 = tpu.memref_slice %arg8[%dma_wait3A, %dma_wait3A_27] : memref<125x80xi32, #tpu.memory_space<vmem>> -> memref<1x80xi32, #tpu.memory_space<vmem>>
      %dma_wait3A_29 = tpu.memref_squeeze %dma_wait3A_28 : memref<1x80xi32, #tpu.memory_space<vmem>> -> memref<80xi32, #tpu.memory_space<vmem>>
      %dma_wait3A_30 = arith.constant 0 : i32
      %dma_wait3A_31 = arith.constant 0 : i32
      %dma_wait3A_32 = tpu.memref_slice %arg3[%dma_wait3A_30, %dma_wait3A_31] : memref<10000x32xf32, #tpu.memory_space<hbm>> -> memref<10000x32xf32, #tpu.memory_space<hbm>>
      tpu.wait_indirect_dma semaphore(%arg11 : memref<!tpu.dma_semaphore, #tpu.memory_space<semaphore_mem>>) src(%dma_wait3A_32 : memref<10000x32xf32, #tpu.memory_space<hbm>>) dst(%arg9 : memref<80x32xf32, #tpu.memory_space<vmem>>)
      %add3A = arith.constant 9760 : i32
      %add3A_33 = arith.addi %mul3A_0, %add3A : i32
      %dma_start3A_34 = arith.constant 0 : i32
      %dma_start3A_35 = tpu.memref_slice %arg7[%add3A_33, %dma_start3A_34] : memref<160000x32xf32, #tpu.memory_space<hbm>> -> memref<80x32xf32, #tpu.memory_space<hbm>>
      %dma_start3A_36 = arith.constant 0 : i32
      %dma_start3A_37 = tpu.memref_slice %arg7[%add3A_33, %dma_start3A_36] : memref<160000x32xf32, #tpu.memory_space<hbm>> -> memref<80x32xf32, #tpu.memory_space<hbm>>
      tpu.enqueue_dma source(%arg9 : memref<80x32xf32, #tpu.memory_space<vmem>>) target(%dma_start3A_37 : memref<80x32xf32, #tpu.memory_space<hbm>>) target_semaphore(%arg13 : memref<!tpu.dma_semaphore, #tpu.memory_space<semaphore_mem>>)
      %dma_wait3A_38 = arith.constant 1 : i32
      %dma_wait3A_39 = arith.constant 0 : i32
      %dma_wait3A_40 = tpu.memref_slice %arg8[%dma_wait3A_38, %dma_wait3A_39] : memref<125x80xi32, #tpu.memory_space<vmem>> -> memref<1x80xi32, #tpu.memory_space<vmem>>
      %dma_wait3A_41 = tpu.memref_squeeze %dma_wait3A_40 : memref<1x80xi32, #tpu.memory_space<vmem>> -> memref<80xi32, #tpu.memory_space<vmem>>
      %dma_wait3A_42 = arith.constant 0 : i32
      %dma_wait3A_43 = arith.constant 0 : i32
      %dma_wait3A_44 = tpu.memref_slice %arg3[%dma_wait3A_42, %dma_wait3A_43] : memref<10000x32xf32, #tpu.memory_space<hbm>> -> memref<10000x32xf32, #tpu.memory_space<hbm>>
      tpu.wait_indirect_dma semaphore(%arg12 : memref<!tpu.dma_semaphore, #tpu.memory_space<semaphore_mem>>) src(%dma_wait3A_44 : memref<10000x32xf32, #tpu.memory_space<hbm>>) dst(%arg10 : memref<80x32xf32, #tpu.memory_space<vmem>>)
      %add3A_45 = arith.constant 9840 : i32
      %add3A_46 = arith.addi %mul3A_0, %add3A_45 : i32
      %dma_start3A_47 = arith.constant 0 : i32
      %dma_start3A_48 = tpu.memref_slice %arg7[%add3A_46, %dma_start3A_47] : memref<160000x32xf32, #tpu.memory_space<hbm>> -> memref<80x32xf32, #tpu.memory_space<hbm>>
      %dma_start3A_49 = arith.constant 0 : i32
      %dma_start3A_50 = tpu.memref_slice %arg7[%add3A_46, %dma_start3A_49] : memref<160000x32xf32, #tpu.memory_space<hbm>> -> memref<80x32xf32, #tpu.memory_space<hbm>>
      tpu.enqueue_dma source(%arg10 : memref<80x32xf32, #tpu.memory_space<vmem>>) target(%dma_start3A_50 : memref<80x32xf32, #tpu.memory_space<hbm>>) target_semaphore(%arg14 : memref<!tpu.dma_semaphore, #tpu.memory_space<semaphore_mem>>)
      %dma_wait3A_51 = arith.constant 0 : i32
      %dma_wait3A_52 = arith.constant 0 : i32
      %dma_wait3A_53 = tpu.memref_slice %arg7[%dma_wait3A_51, %dma_wait3A_52] : memref<160000x32xf32, #tpu.memory_space<hbm>> -> memref<80x32xf32, #tpu.memory_space<hbm>>
      %dma_wait3A_54 = arith.constant 0 : i32
      %dma_wait3A_55 = arith.constant 0 : i32
      %dma_wait3A_56 = tpu.memref_slice %arg7[%dma_wait3A_54, %dma_wait3A_55] : memref<160000x32xf32, #tpu.memory_space<hbm>> -> memref<80x32xf32, #tpu.memory_space<hbm>>
      tpu.wait_dma2 semaphore(%arg13 : memref<!tpu.dma_semaphore, #tpu.memory_space<semaphore_mem>>) src(%arg9 : memref<80x32xf32, #tpu.memory_space<vmem>>) dst(%dma_wait3A_56 : memref<80x32xf32, #tpu.memory_space<hbm>>)
      %dma_wait3A_57 = arith.constant 0 : i32
      %dma_wait3A_58 = arith.constant 0 : i32
      %dma_wait3A_59 = tpu.memref_slice %arg7[%dma_wait3A_57, %dma_wait3A_58] : memref<160000x32xf32, #tpu.memory_space<hbm>> -> memref<80x32xf32, #tpu.memory_space<hbm>>
      %dma_wait3A_60 = arith.constant 0 : i32
      %dma_wait3A_61 = arith.constant 0 : i32
      %dma_wait3A_62 = tpu.memref_slice %arg7[%dma_wait3A_60, %dma_wait3A_61] : memref<160000x32xf32, #tpu.memory_space<hbm>> -> memref<80x32xf32, #tpu.memory_space<hbm>>
      tpu.wait_dma2 semaphore(%arg14 : memref<!tpu.dma_semaphore, #tpu.memory_space<semaphore_mem>>) src(%arg10 : memref<80x32xf32, #tpu.memory_space<vmem>>) dst(%dma_wait3A_62 : memref<80x32xf32, #tpu.memory_space<hbm>>)
      %dma_start3A_63 = arith.constant 124 : i32
      %dma_start3A_64 = arith.constant 0 : i32
      %dma_start3A_65 = tpu.memref_slice %arg8[%dma_start3A_63, %dma_start3A_64] : memref<125x80xi32, #tpu.memory_space<vmem>> -> memref<1x80xi32, #tpu.memory_space<vmem>>
      %dma_start3A_66 = tpu.memref_squeeze %dma_start3A_65 : memref<1x80xi32, #tpu.memory_space<vmem>> -> memref<80xi32, #tpu.memory_space<vmem>>
      %dma_start3A_67 = arith.constant 0 : i32
      %dma_start3A_68 = arith.constant 0 : i32
      %dma_start3A_69 = tpu.memref_slice %arg3[%dma_start3A_67, %dma_start3A_68] : memref<10000x32xf32, #tpu.memory_space<hbm>> -> memref<10000x32xf32, #tpu.memory_space<hbm>>
      tpu.enqueue_indirect_dma source(%dma_start3A_69 : memref<10000x32xf32, #tpu.memory_space<hbm>>) target(%arg9 : memref<80x32xf32, #tpu.memory_space<vmem>>) offsets(%dma_start3A_66 : memref<80xi32, #tpu.memory_space<vmem>>) semaphore(%arg11 : memref<!tpu.dma_semaphore, #tpu.memory_space<semaphore_mem>>)
      %dma_wait3A_70 = arith.constant 124 : i32
      %dma_wait3A_71 = arith.constant 0 : i32
      %dma_wait3A_72 = tpu.memref_slice %arg8[%dma_wait3A_70, %dma_wait3A_71] : memref<125x80xi32, #tpu.memory_space<vmem>> -> memref<1x80xi32, #tpu.memory_space<vmem>>
      %dma_wait3A_73 = tpu.memref_squeeze %dma_wait3A_72 : memref<1x80xi32, #tpu.memory_space<vmem>> -> memref<80xi32, #tpu.memory_space<vmem>>
      %dma_wait3A_74 = arith.constant 0 : i32
      %dma_wait3A_75 = arith.constant 0 : i32
      %dma_wait3A_76 = tpu.memref_slice %arg3[%dma_wait3A_74, %dma_wait3A_75] : memref<10000x32xf32, #tpu.memory_space<hbm>> -> memref<10000x32xf32, #tpu.memory_space<hbm>>
      tpu.wait_indirect_dma semaphore(%arg11 : memref<!tpu.dma_semaphore, #tpu.memory_space<semaphore_mem>>) src(%dma_wait3A_76 : memref<10000x32xf32, #tpu.memory_space<hbm>>) dst(%arg9 : memref<80x32xf32, #tpu.memory_space<vmem>>)
      %add3A_77 = arith.constant 9920 : i32
      %add3A_78 = arith.addi %mul3A_0, %add3A_77 : i32
      "tpu.region"() ({
        %run_scoped3A = tpu.sem_alloc : memref<!tpu.dma_semaphore, #tpu.memory_space<semaphore_mem>>
        %dma_start3A_79 = arith.constant 0 : i32
        %dma_start3A_80 = tpu.memref_slice %arg7[%add3A_78, %dma_start3A_79] : memref<160000x32xf32, #tpu.memory_space<hbm>> -> memref<80x32xf32, #tpu.memory_space<hbm>>
        %dma_start3A_81 = arith.constant 0 : i32
        %dma_start3A_82 = tpu.memref_slice %arg7[%add3A_78, %dma_start3A_81] : memref<160000x32xf32, #tpu.memory_space<hbm>> -> memref<80x32xf32, #tpu.memory_space<hbm>>
        tpu.enqueue_dma source(%arg9 : memref<80x32xf32, #tpu.memory_space<vmem>>) target(%dma_start3A_82 : memref<80x32xf32, #tpu.memory_space<hbm>>) target_semaphore(%run_scoped3A : memref<!tpu.dma_semaphore, #tpu.memory_space<semaphore_mem>>)
        %dma_wait3A_83 = arith.constant 0 : i32
        %dma_wait3A_84 = tpu.memref_slice %arg7[%add3A_78, %dma_wait3A_83] : memref<160000x32xf32, #tpu.memory_space<hbm>> -> memref<80x32xf32, #tpu.memory_space<hbm>>
        %dma_wait3A_85 = arith.constant 0 : i32
        %dma_wait3A_86 = tpu.memref_slice %arg7[%add3A_78, %dma_wait3A_85] : memref<160000x32xf32, #tpu.memory_space<hbm>> -> memref<80x32xf32, #tpu.memory_space<hbm>>
        tpu.wait_dma2 semaphore(%run_scoped3A : memref<!tpu.dma_semaphore, #tpu.memory_space<semaphore_mem>>) src(%arg9 : memref<80x32xf32, #tpu.memory_space<vmem>>) dst(%dma_wait3A_86 : memref<80x32xf32, #tpu.memory_space<hbm>>)
        tpu.yield
      }) : () -> ()
    } else {
    }
    return
  }
}

#map = affine_map<(d0, d1) -> (0)>
#map1 = affine_map<(d0, d1) -> (0, 0)>
module attributes {stable_mosaic.version = 14 : i64} {
  func.func @_scatter_body(%arg0: i32, %arg1: i32, %arg2: memref<160000xi32, #tpu.memory_space<hbm>>, %arg3: memref<160000x32xf32, #tpu.memory_space<hbm>>, %arg4: memref<160000x32xf32, #tpu.memory_space<hbm>>, %arg5: memref<160000x32xf32, #tpu.memory_space<hbm>>, %arg6: memref<160000x32xf32, #tpu.memory_space<hbm>>, %arg7: memref<160000x32xf32, #tpu.memory_space<hbm>>, %arg8: memref<160000x32xf32, #tpu.memory_space<hbm>>, %arg9: memref<160000x32xf32, #tpu.memory_space<hbm>>, %arg10: memref<160000x32xf32, #tpu.memory_space<hbm>>, %arg11: memref<160000x32xf32, #tpu.memory_space<hbm>>, %arg12: memref<10000x32xf32, #tpu.memory_space<hbm>>, %arg13: memref<10000x32xf32, #tpu.memory_space<hbm>>, %arg14: memref<10000x32xf32, #tpu.memory_space<hbm>>, %arg15: memref<10000x32xf32, #tpu.memory_space<hbm>>, %arg16: memref<10000x32xf32, #tpu.memory_space<hbm>>, %arg17: memref<10000x32xf32, #tpu.memory_space<hbm>>, %arg18: memref<10000x32xf32, #tpu.memory_space<hbm>>, %arg19: memref<10000x32xf32, #tpu.memory_space<hbm>>, %arg20: memref<10000x32xf32, #tpu.memory_space<hbm>>, %arg21: memref<10000x32xf32, #tpu.memory_space<hbm>>, %arg22: memref<80xi32, #tpu.memory_space<vmem>>, %arg23: memref<80xi32, #tpu.memory_space<vmem>>, %arg24: memref<80x32xf32, #tpu.memory_space<vmem>>, %arg25: memref<80x32xf32, #tpu.memory_space<vmem>>, %arg26: memref<80x32xf32, #tpu.memory_space<vmem>>, %arg27: memref<80x32xf32, #tpu.memory_space<vmem>>, %arg28: memref<80x32xf32, #tpu.memory_space<vmem>>, %arg29: memref<80x32xf32, #tpu.memory_space<vmem>>, %arg30: memref<80x32xf32, #tpu.memory_space<vmem>>, %arg31: memref<80x32xf32, #tpu.memory_space<vmem>>, %arg32: memref<80x32xf32, #tpu.memory_space<vmem>>, %arg33: memref<80x32xf32, #tpu.memory_space<vmem>>, %arg34: memref<!tpu.dma_semaphore, #tpu.memory_space<semaphore_mem>>, %arg35: memref<!tpu.dma_semaphore, #tpu.memory_space<semaphore_mem>>, %arg36: memref<!tpu.dma_semaphore, #tpu.memory_space<semaphore_mem>>, %arg37: memref<!tpu.dma_semaphore, #tpu.memory_space<semaphore_mem>>, %arg38: memref<10000x32xf32, #tpu.memory_space<vmem_shared>>, %arg39: memref<10000x32xf32, #tpu.memory_space<vmem_shared>>, %arg40: memref<10000x32xf32, #tpu.memory_space<vmem_shared>>, %arg41: memref<10000x32xf32, #tpu.memory_space<vmem_shared>>, %arg42: memref<10000x32xf32, #tpu.memory_space<vmem_shared>>) attributes {dimension_semantics = [#tpu.dimension_semantics<core_parallel>, #tpu.dimension_semantics<subcore_parallel>], iteration_bounds = array<i64: 2, 16>, scalar_prefetch = 0 : i64, scratch_operands = 21 : i64, tpu.core_type = #tpu.core_type<sc_vector_subcore>, window_params = [{transform_indices = #map}, {transform_indices = #map1}, {transform_indices = #map1}, {transform_indices = #map1}, {transform_indices = #map1}, {transform_indices = #map1}, {transform_indices = #map1}, {transform_indices = #map1}, {transform_indices = #map1}, {transform_indices = #map1}, {transform_indices = #map1}, {transform_indices = #map1}, {transform_indices = #map1}, {transform_indices = #map1}, {transform_indices = #map1}, {transform_indices = #map1}, {transform_indices = #map1}, {transform_indices = #map1}, {transform_indices = #map1}, {transform_indices = #map1}]} {
    %mul3A = arith.constant 625 : i32
    %mul3A_0 = arith.muli %arg1, %mul3A : i32
    %mul3A_1 = arith.constant 10000 : i32
    %mul3A_2 = arith.muli %arg1, %mul3A_1 : i32
    %eq3A = arith.constant 0 : i32
    %eq3A_3 = arith.cmpi eq, %arg0, %eq3A : i32
    %convert_element_type3A = arith.extui %eq3A_3 : i1 to i32
    %cond3A = arith.constant 0 : i32
    %cond3A_4 = arith.cmpi ne, %convert_element_type3A, %cond3A : i32
    scf.if %cond3A_4 {
      "tpu.region"() ({
        %run_scoped3A = tpu.sem_alloc : memref<!tpu.dma_semaphore, #tpu.memory_space<semaphore_mem>>
        %dma_start3A = arith.constant 0 : i32
        %dma_start3A_31 = tpu.memref_slice %arg38[%mul3A_0, %dma_start3A] : memref<10000x32xf32, #tpu.memory_space<vmem_shared>> -> memref<625x32xf32, #tpu.memory_space<vmem_shared>>
        %dma_start3A_32 = arith.constant 0 : i32
        %dma_start3A_33 = tpu.memref_slice %arg12[%mul3A_0, %dma_start3A_32] : memref<10000x32xf32, #tpu.memory_space<hbm>> -> memref<625x32xf32, #tpu.memory_space<hbm>>
        tpu.enqueue_dma source(%dma_start3A_33 : memref<625x32xf32, #tpu.memory_space<hbm>>) target(%dma_start3A_31 : memref<625x32xf32, #tpu.memory_space<vmem_shared>>) target_semaphore(%run_scoped3A : memref<!tpu.dma_semaphore, #tpu.memory_space<semaphore_mem>>)
        %dma_wait3A = arith.constant 0 : i32
        %dma_wait3A_34 = tpu.memref_slice %arg38[%mul3A_0, %dma_wait3A] : memref<10000x32xf32, #tpu.memory_space<vmem_shared>> -> memref<625x32xf32, #tpu.memory_space<vmem_shared>>
        %dma_wait3A_35 = arith.constant 0 : i32
        %dma_wait3A_36 = tpu.memref_slice %arg12[%mul3A_0, %dma_wait3A_35] : memref<10000x32xf32, #tpu.memory_space<hbm>> -> memref<625x32xf32, #tpu.memory_space<hbm>>
        tpu.wait_dma2 semaphore(%run_scoped3A : memref<!tpu.dma_semaphore, #tpu.memory_space<semaphore_mem>>) src(%dma_wait3A_36 : memref<625x32xf32, #tpu.memory_space<hbm>>) dst(%dma_wait3A_34 : memref<625x32xf32, #tpu.memory_space<vmem_shared>>)
        tpu.yield
      }) : () -> ()
      "tpu.region"() ({
        %run_scoped3A = tpu.sem_alloc : memref<!tpu.dma_semaphore, #tpu.memory_space<semaphore_mem>>
        %dma_start3A = arith.constant 0 : i32
        %dma_start3A_31 = tpu.memref_slice %arg39[%mul3A_0, %dma_start3A] : memref<10000x32xf32, #tpu.memory_space<vmem_shared>> -> memref<625x32xf32, #tpu.memory_space<vmem_shared>>
        %dma_start3A_32 = arith.constant 0 : i32
        %dma_start3A_33 = tpu.memref_slice %arg12[%mul3A_0, %dma_start3A_32] : memref<10000x32xf32, #tpu.memory_space<hbm>> -> memref<625x32xf32, #tpu.memory_space<hbm>>
        tpu.enqueue_dma source(%dma_start3A_33 : memref<625x32xf32, #tpu.memory_space<hbm>>) target(%dma_start3A_31 : memref<625x32xf32, #tpu.memory_space<vmem_shared>>) target_semaphore(%run_scoped3A : memref<!tpu.dma_semaphore, #tpu.memory_space<semaphore_mem>>)
        %dma_wait3A = arith.constant 0 : i32
        %dma_wait3A_34 = tpu.memref_slice %arg39[%mul3A_0, %dma_wait3A] : memref<10000x32xf32, #tpu.memory_space<vmem_shared>> -> memref<625x32xf32, #tpu.memory_space<vmem_shared>>
        %dma_wait3A_35 = arith.constant 0 : i32
        %dma_wait3A_36 = tpu.memref_slice %arg12[%mul3A_0, %dma_wait3A_35] : memref<10000x32xf32, #tpu.memory_space<hbm>> -> memref<625x32xf32, #tpu.memory_space<hbm>>
        tpu.wait_dma2 semaphore(%run_scoped3A : memref<!tpu.dma_semaphore, #tpu.memory_space<semaphore_mem>>) src(%dma_wait3A_36 : memref<625x32xf32, #tpu.memory_space<hbm>>) dst(%dma_wait3A_34 : memref<625x32xf32, #tpu.memory_space<vmem_shared>>)
        tpu.yield
      }) : () -> ()
      "tpu.region"() ({
        %run_scoped3A = tpu.sem_alloc : memref<!tpu.dma_semaphore, #tpu.memory_space<semaphore_mem>>
        %dma_start3A = arith.constant 0 : i32
        %dma_start3A_31 = tpu.memref_slice %arg40[%mul3A_0, %dma_start3A] : memref<10000x32xf32, #tpu.memory_space<vmem_shared>> -> memref<625x32xf32, #tpu.memory_space<vmem_shared>>
        %dma_start3A_32 = arith.constant 0 : i32
        %dma_start3A_33 = tpu.memref_slice %arg12[%mul3A_0, %dma_start3A_32] : memref<10000x32xf32, #tpu.memory_space<hbm>> -> memref<625x32xf32, #tpu.memory_space<hbm>>
        tpu.enqueue_dma source(%dma_start3A_33 : memref<625x32xf32, #tpu.memory_space<hbm>>) target(%dma_start3A_31 : memref<625x32xf32, #tpu.memory_space<vmem_shared>>) target_semaphore(%run_scoped3A : memref<!tpu.dma_semaphore, #tpu.memory_space<semaphore_mem>>)
        %dma_wait3A = arith.constant 0 : i32
        %dma_wait3A_34 = tpu.memref_slice %arg40[%mul3A_0, %dma_wait3A] : memref<10000x32xf32, #tpu.memory_space<vmem_shared>> -> memref<625x32xf32, #tpu.memory_space<vmem_shared>>
        %dma_wait3A_35 = arith.constant 0 : i32
        %dma_wait3A_36 = tpu.memref_slice %arg12[%mul3A_0, %dma_wait3A_35] : memref<10000x32xf32, #tpu.memory_space<hbm>> -> memref<625x32xf32, #tpu.memory_space<hbm>>
        tpu.wait_dma2 semaphore(%run_scoped3A : memref<!tpu.dma_semaphore, #tpu.memory_space<semaphore_mem>>) src(%dma_wait3A_36 : memref<625x32xf32, #tpu.memory_space<hbm>>) dst(%dma_wait3A_34 : memref<625x32xf32, #tpu.memory_space<vmem_shared>>)
        tpu.yield
      }) : () -> ()
      "tpu.region"() ({
        %run_scoped3A = tpu.sem_alloc : memref<!tpu.dma_semaphore, #tpu.memory_space<semaphore_mem>>
        %dma_start3A = arith.constant 0 : i32
        %dma_start3A_31 = tpu.memref_slice %arg41[%mul3A_0, %dma_start3A] : memref<10000x32xf32, #tpu.memory_space<vmem_shared>> -> memref<625x32xf32, #tpu.memory_space<vmem_shared>>
        %dma_start3A_32 = arith.constant 0 : i32
        %dma_start3A_33 = tpu.memref_slice %arg12[%mul3A_0, %dma_start3A_32] : memref<10000x32xf32, #tpu.memory_space<hbm>> -> memref<625x32xf32, #tpu.memory_space<hbm>>
        tpu.enqueue_dma source(%dma_start3A_33 : memref<625x32xf32, #tpu.memory_space<hbm>>) target(%dma_start3A_31 : memref<625x32xf32, #tpu.memory_space<vmem_shared>>) target_semaphore(%run_scoped3A : memref<!tpu.dma_semaphore, #tpu.memory_space<semaphore_mem>>)
        %dma_wait3A = arith.constant 0 : i32
        %dma_wait3A_34 = tpu.memref_slice %arg41[%mul3A_0, %dma_wait3A] : memref<10000x32xf32, #tpu.memory_space<vmem_shared>> -> memref<625x32xf32, #tpu.memory_space<vmem_shared>>
        %dma_wait3A_35 = arith.constant 0 : i32
        %dma_wait3A_36 = tpu.memref_slice %arg12[%mul3A_0, %dma_wait3A_35] : memref<10000x32xf32, #tpu.memory_space<hbm>> -> memref<625x32xf32, #tpu.memory_space<hbm>>
        tpu.wait_dma2 semaphore(%run_scoped3A : memref<!tpu.dma_semaphore, #tpu.memory_space<semaphore_mem>>) src(%dma_wait3A_36 : memref<625x32xf32, #tpu.memory_space<hbm>>) dst(%dma_wait3A_34 : memref<625x32xf32, #tpu.memory_space<vmem_shared>>)
        tpu.yield
      }) : () -> ()
      "tpu.region"() ({
        %run_scoped3A = tpu.sem_alloc : memref<!tpu.dma_semaphore, #tpu.memory_space<semaphore_mem>>
        %dma_start3A = arith.constant 0 : i32
        %dma_start3A_31 = tpu.memref_slice %arg42[%mul3A_0, %dma_start3A] : memref<10000x32xf32, #tpu.memory_space<vmem_shared>> -> memref<625x32xf32, #tpu.memory_space<vmem_shared>>
        %dma_start3A_32 = arith.constant 0 : i32
        %dma_start3A_33 = tpu.memref_slice %arg12[%mul3A_0, %dma_start3A_32] : memref<10000x32xf32, #tpu.memory_space<hbm>> -> memref<625x32xf32, #tpu.memory_space<hbm>>
        tpu.enqueue_dma source(%dma_start3A_33 : memref<625x32xf32, #tpu.memory_space<hbm>>) target(%dma_start3A_31 : memref<625x32xf32, #tpu.memory_space<vmem_shared>>) target_semaphore(%run_scoped3A : memref<!tpu.dma_semaphore, #tpu.memory_space<semaphore_mem>>)
        %dma_wait3A = arith.constant 0 : i32
        %dma_wait3A_34 = tpu.memref_slice %arg42[%mul3A_0, %dma_wait3A] : memref<10000x32xf32, #tpu.memory_space<vmem_shared>> -> memref<625x32xf32, #tpu.memory_space<vmem_shared>>
        %dma_wait3A_35 = arith.constant 0 : i32
        %dma_wait3A_36 = tpu.memref_slice %arg12[%mul3A_0, %dma_wait3A_35] : memref<10000x32xf32, #tpu.memory_space<hbm>> -> memref<625x32xf32, #tpu.memory_space<hbm>>
        tpu.wait_dma2 semaphore(%run_scoped3A : memref<!tpu.dma_semaphore, #tpu.memory_space<semaphore_mem>>) src(%dma_wait3A_36 : memref<625x32xf32, #tpu.memory_space<hbm>>) dst(%dma_wait3A_34 : memref<625x32xf32, #tpu.memory_space<vmem_shared>>)
        tpu.yield
      }) : () -> ()
    } else {
    }
    %eq3A_5 = arith.constant 1 : i32
    %eq3A_6 = arith.cmpi eq, %arg0, %eq3A_5 : i32
    %convert_element_type3A_7 = arith.extui %eq3A_6 : i1 to i32
    %cond3A_8 = arith.constant 0 : i32
    %cond3A_9 = arith.cmpi ne, %convert_element_type3A_7, %cond3A_8 : i32
    scf.if %cond3A_9 {
      "tpu.region"() ({
        %run_scoped3A = tpu.sem_alloc : memref<!tpu.dma_semaphore, #tpu.memory_space<semaphore_mem>>
        %dma_start3A = arith.constant 0 : i32
        %dma_start3A_31 = tpu.memref_slice %arg38[%mul3A_0, %dma_start3A] : memref<10000x32xf32, #tpu.memory_space<vmem_shared>> -> memref<625x32xf32, #tpu.memory_space<vmem_shared>>
        %dma_start3A_32 = arith.constant 0 : i32
        %dma_start3A_33 = tpu.memref_slice %arg12[%mul3A_0, %dma_start3A_32] : memref<10000x32xf32, #tpu.memory_space<hbm>> -> memref<625x32xf32, #tpu.memory_space<hbm>>
        tpu.enqueue_dma source(%dma_start3A_33 : memref<625x32xf32, #tpu.memory_space<hbm>>) target(%dma_start3A_31 : memref<625x32xf32, #tpu.memory_space<vmem_shared>>) target_semaphore(%run_scoped3A : memref<!tpu.dma_semaphore, #tpu.memory_space<semaphore_mem>>)
        %dma_wait3A = arith.constant 0 : i32
        %dma_wait3A_34 = tpu.memref_slice %arg38[%mul3A_0, %dma_wait3A] : memref<10000x32xf32, #tpu.memory_space<vmem_shared>> -> memref<625x32xf32, #tpu.memory_space<vmem_shared>>
        %dma_wait3A_35 = arith.constant 0 : i32
        %dma_wait3A_36 = tpu.memref_slice %arg12[%mul3A_0, %dma_wait3A_35] : memref<10000x32xf32, #tpu.memory_space<hbm>> -> memref<625x32xf32, #tpu.memory_space<hbm>>
        tpu.wait_dma2 semaphore(%run_scoped3A : memref<!tpu.dma_semaphore, #tpu.memory_space<semaphore_mem>>) src(%dma_wait3A_36 : memref<625x32xf32, #tpu.memory_space<hbm>>) dst(%dma_wait3A_34 : memref<625x32xf32, #tpu.memory_space<vmem_shared>>)
        tpu.yield
      }) : () -> ()
      "tpu.region"() ({
        %run_scoped3A = tpu.sem_alloc : memref<!tpu.dma_semaphore, #tpu.memory_space<semaphore_mem>>
        %dma_start3A = arith.constant 0 : i32
        %dma_start3A_31 = tpu.memref_slice %arg39[%mul3A_0, %dma_start3A] : memref<10000x32xf32, #tpu.memory_space<vmem_shared>> -> memref<625x32xf32, #tpu.memory_space<vmem_shared>>
        %dma_start3A_32 = arith.constant 0 : i32
        %dma_start3A_33 = tpu.memref_slice %arg12[%mul3A_0, %dma_start3A_32] : memref<10000x32xf32, #tpu.memory_space<hbm>> -> memref<625x32xf32, #tpu.memory_space<hbm>>
        tpu.enqueue_dma source(%dma_start3A_33 : memref<625x32xf32, #tpu.memory_space<hbm>>) target(%dma_start3A_31 : memref<625x32xf32, #tpu.memory_space<vmem_shared>>) target_semaphore(%run_scoped3A : memref<!tpu.dma_semaphore, #tpu.memory_space<semaphore_mem>>)
        %dma_wait3A = arith.constant 0 : i32
        %dma_wait3A_34 = tpu.memref_slice %arg39[%mul3A_0, %dma_wait3A] : memref<10000x32xf32, #tpu.memory_space<vmem_shared>> -> memref<625x32xf32, #tpu.memory_space<vmem_shared>>
        %dma_wait3A_35 = arith.constant 0 : i32
        %dma_wait3A_36 = tpu.memref_slice %arg12[%mul3A_0, %dma_wait3A_35] : memref<10000x32xf32, #tpu.memory_space<hbm>> -> memref<625x32xf32, #tpu.memory_space<hbm>>
        tpu.wait_dma2 semaphore(%run_scoped3A : memref<!tpu.dma_semaphore, #tpu.memory_space<semaphore_mem>>) src(%dma_wait3A_36 : memref<625x32xf32, #tpu.memory_space<hbm>>) dst(%dma_wait3A_34 : memref<625x32xf32, #tpu.memory_space<vmem_shared>>)
        tpu.yield
      }) : () -> ()
      "tpu.region"() ({
        %run_scoped3A = tpu.sem_alloc : memref<!tpu.dma_semaphore, #tpu.memory_space<semaphore_mem>>
        %dma_start3A = arith.constant 0 : i32
        %dma_start3A_31 = tpu.memref_slice %arg40[%mul3A_0, %dma_start3A] : memref<10000x32xf32, #tpu.memory_space<vmem_shared>> -> memref<625x32xf32, #tpu.memory_space<vmem_shared>>
        %dma_start3A_32 = arith.constant 0 : i32
        %dma_start3A_33 = tpu.memref_slice %arg12[%mul3A_0, %dma_start3A_32] : memref<10000x32xf32, #tpu.memory_space<hbm>> -> memref<625x32xf32, #tpu.memory_space<hbm>>
        tpu.enqueue_dma source(%dma_start3A_33 : memref<625x32xf32, #tpu.memory_space<hbm>>) target(%dma_start3A_31 : memref<625x32xf32, #tpu.memory_space<vmem_shared>>) target_semaphore(%run_scoped3A : memref<!tpu.dma_semaphore, #tpu.memory_space<semaphore_mem>>)
        %dma_wait3A = arith.constant 0 : i32
        %dma_wait3A_34 = tpu.memref_slice %arg40[%mul3A_0, %dma_wait3A] : memref<10000x32xf32, #tpu.memory_space<vmem_shared>> -> memref<625x32xf32, #tpu.memory_space<vmem_shared>>
        %dma_wait3A_35 = arith.constant 0 : i32
        %dma_wait3A_36 = tpu.memref_slice %arg12[%mul3A_0, %dma_wait3A_35] : memref<10000x32xf32, #tpu.memory_space<hbm>> -> memref<625x32xf32, #tpu.memory_space<hbm>>
        tpu.wait_dma2 semaphore(%run_scoped3A : memref<!tpu.dma_semaphore, #tpu.memory_space<semaphore_mem>>) src(%dma_wait3A_36 : memref<625x32xf32, #tpu.memory_space<hbm>>) dst(%dma_wait3A_34 : memref<625x32xf32, #tpu.memory_space<vmem_shared>>)
        tpu.yield
      }) : () -> ()
      "tpu.region"() ({
        %run_scoped3A = tpu.sem_alloc : memref<!tpu.dma_semaphore, #tpu.memory_space<semaphore_mem>>
        %dma_start3A = arith.constant 0 : i32
        %dma_start3A_31 = tpu.memref_slice %arg41[%mul3A_0, %dma_start3A] : memref<10000x32xf32, #tpu.memory_space<vmem_shared>> -> memref<625x32xf32, #tpu.memory_space<vmem_shared>>
        %dma_start3A_32 = arith.constant 0 : i32
        %dma_start3A_33 = tpu.memref_slice %arg12[%mul3A_0, %dma_start3A_32] : memref<10000x32xf32, #tpu.memory_space<hbm>> -> memref<625x32xf32, #tpu.memory_space<hbm>>
        tpu.enqueue_dma source(%dma_start3A_33 : memref<625x32xf32, #tpu.memory_space<hbm>>) target(%dma_start3A_31 : memref<625x32xf32, #tpu.memory_space<vmem_shared>>) target_semaphore(%run_scoped3A : memref<!tpu.dma_semaphore, #tpu.memory_space<semaphore_mem>>)
        %dma_wait3A = arith.constant 0 : i32
        %dma_wait3A_34 = tpu.memref_slice %arg41[%mul3A_0, %dma_wait3A] : memref<10000x32xf32, #tpu.memory_space<vmem_shared>> -> memref<625x32xf32, #tpu.memory_space<vmem_shared>>
        %dma_wait3A_35 = arith.constant 0 : i32
        %dma_wait3A_36 = tpu.memref_slice %arg12[%mul3A_0, %dma_wait3A_35] : memref<10000x32xf32, #tpu.memory_space<hbm>> -> memref<625x32xf32, #tpu.memory_space<hbm>>
        tpu.wait_dma2 semaphore(%run_scoped3A : memref<!tpu.dma_semaphore, #tpu.memory_space<semaphore_mem>>) src(%dma_wait3A_36 : memref<625x32xf32, #tpu.memory_space<hbm>>) dst(%dma_wait3A_34 : memref<625x32xf32, #tpu.memory_space<vmem_shared>>)
        tpu.yield
      }) : () -> ()
    } else {
    }
    %barrier3A = arith.constant 0 : index
    tpu.barrier barrier_id(%barrier3A)
    %eq3A_10 = arith.constant 0 : i32
    %eq3A_11 = arith.cmpi eq, %arg0, %eq3A_10 : i32
    %convert_element_type3A_12 = arith.extui %eq3A_11 : i1 to i32
    %cond3A_13 = arith.constant 0 : i32
    %cond3A_14 = arith.cmpi ne, %convert_element_type3A_12, %cond3A_13 : i32
    scf.if %cond3A_14 {
      %add3A = arith.constant 0 : i32
      %add3A_31 = arith.addi %mul3A_2, %add3A : i32
      "tpu.region"() ({
        %run_scoped3A = tpu.sem_alloc : memref<!tpu.dma_semaphore, #tpu.memory_space<semaphore_mem>>
        %dma_start3A_278 = tpu.memref_slice %arg2[%add3A_31] : memref<160000xi32, #tpu.memory_space<hbm>> -> memref<80xi32, #tpu.memory_space<hbm>>
        %dma_start3A_279 = tpu.memref_slice %arg2[%add3A_31] : memref<160000xi32, #tpu.memory_space<hbm>> -> memref<80xi32, #tpu.memory_space<hbm>>
        tpu.enqueue_dma source(%dma_start3A_279 : memref<80xi32, #tpu.memory_space<hbm>>) target(%arg22 : memref<80xi32, #tpu.memory_space<vmem>>) target_semaphore(%run_scoped3A : memref<!tpu.dma_semaphore, #tpu.memory_space<semaphore_mem>>)
        %dma_wait3A_280 = tpu.memref_slice %arg2[%add3A_31] : memref<160000xi32, #tpu.memory_space<hbm>> -> memref<80xi32, #tpu.memory_space<hbm>>
        %dma_wait3A_281 = tpu.memref_slice %arg2[%add3A_31] : memref<160000xi32, #tpu.memory_space<hbm>> -> memref<80xi32, #tpu.memory_space<hbm>>
        tpu.wait_dma2 semaphore(%run_scoped3A : memref<!tpu.dma_semaphore, #tpu.memory_space<semaphore_mem>>) src(%dma_wait3A_281 : memref<80xi32, #tpu.memory_space<hbm>>) dst(%arg22 : memref<80xi32, #tpu.memory_space<vmem>>)
        tpu.yield
      }) : () -> ()
      %dma_start3A = arith.constant 0 : i32
      %dma_start3A_32 = tpu.memref_slice %arg3[%add3A_31, %dma_start3A] : memref<160000x32xf32, #tpu.memory_space<hbm>> -> memref<80x32xf32, #tpu.memory_space<hbm>>
      %dma_start3A_33 = arith.constant 0 : i32
      %dma_start3A_34 = tpu.memref_slice %arg3[%add3A_31, %dma_start3A_33] : memref<160000x32xf32, #tpu.memory_space<hbm>> -> memref<80x32xf32, #tpu.memory_space<hbm>>
      tpu.enqueue_dma source(%dma_start3A_34 : memref<80x32xf32, #tpu.memory_space<hbm>>) target(%arg24 : memref<80x32xf32, #tpu.memory_space<vmem>>) target_semaphore(%arg34 : memref<!tpu.dma_semaphore, #tpu.memory_space<semaphore_mem>>)
      %dma_start3A_35 = arith.constant 0 : i32
      %dma_start3A_36 = tpu.memref_slice %arg4[%add3A_31, %dma_start3A_35] : memref<160000x32xf32, #tpu.memory_space<hbm>> -> memref<80x32xf32, #tpu.memory_space<hbm>>
      %dma_start3A_37 = arith.constant 0 : i32
      %dma_start3A_38 = tpu.memref_slice %arg4[%add3A_31, %dma_start3A_37] : memref<160000x32xf32, #tpu.memory_space<hbm>> -> memref<80x32xf32, #tpu.memory_space<hbm>>
      tpu.enqueue_dma source(%dma_start3A_38 : memref<80x32xf32, #tpu.memory_space<hbm>>) target(%arg25 : memref<80x32xf32, #tpu.memory_space<vmem>>) target_semaphore(%arg34 : memref<!tpu.dma_semaphore, #tpu.memory_space<semaphore_mem>>)
      %dma_start3A_39 = arith.constant 0 : i32
      %dma_start3A_40 = tpu.memref_slice %arg5[%add3A_31, %dma_start3A_39] : memref<160000x32xf32, #tpu.memory_space<hbm>> -> memref<80x32xf32, #tpu.memory_space<hbm>>
      %dma_start3A_41 = arith.constant 0 : i32
      %dma_start3A_42 = tpu.memref_slice %arg5[%add3A_31, %dma_start3A_41] : memref<160000x32xf32, #tpu.memory_space<hbm>> -> memref<80x32xf32, #tpu.memory_space<hbm>>
      tpu.enqueue_dma source(%dma_start3A_42 : memref<80x32xf32, #tpu.memory_space<hbm>>) target(%arg26 : memref<80x32xf32, #tpu.memory_space<vmem>>) target_semaphore(%arg34 : memref<!tpu.dma_semaphore, #tpu.memory_space<semaphore_mem>>)
      %dma_start3A_43 = arith.constant 0 : i32
      %dma_start3A_44 = tpu.memref_slice %arg6[%add3A_31, %dma_start3A_43] : memref<160000x32xf32, #tpu.memory_space<hbm>> -> memref<80x32xf32, #tpu.memory_space<hbm>>
      %dma_start3A_45 = arith.constant 0 : i32
      %dma_start3A_46 = tpu.memref_slice %arg6[%add3A_31, %dma_start3A_45] : memref<160000x32xf32, #tpu.memory_space<hbm>> -> memref<80x32xf32, #tpu.memory_space<hbm>>
      tpu.enqueue_dma source(%dma_start3A_46 : memref<80x32xf32, #tpu.memory_space<hbm>>) target(%arg27 : memref<80x32xf32, #tpu.memory_space<vmem>>) target_semaphore(%arg34 : memref<!tpu.dma_semaphore, #tpu.memory_space<semaphore_mem>>)
      %dma_start3A_47 = arith.constant 0 : i32
      %dma_start3A_48 = tpu.memref_slice %arg7[%add3A_31, %dma_start3A_47] : memref<160000x32xf32, #tpu.memory_space<hbm>> -> memref<80x32xf32, #tpu.memory_space<hbm>>
      %dma_start3A_49 = arith.constant 0 : i32
      %dma_start3A_50 = tpu.memref_slice %arg7[%add3A_31, %dma_start3A_49] : memref<160000x32xf32, #tpu.memory_space<hbm>> -> memref<80x32xf32, #tpu.memory_space<hbm>>
      tpu.enqueue_dma source(%dma_start3A_50 : memref<80x32xf32, #tpu.memory_space<hbm>>) target(%arg28 : memref<80x32xf32, #tpu.memory_space<vmem>>) target_semaphore(%arg34 : memref<!tpu.dma_semaphore, #tpu.memory_space<semaphore_mem>>)
      %add3A_51 = arith.constant 80 : i32
      %add3A_52 = arith.addi %mul3A_2, %add3A_51 : i32
      "tpu.region"() ({
        %run_scoped3A = tpu.sem_alloc : memref<!tpu.dma_semaphore, #tpu.memory_space<semaphore_mem>>
        %dma_start3A_278 = tpu.memref_slice %arg2[%add3A_52] : memref<160000xi32, #tpu.memory_space<hbm>> -> memref<80xi32, #tpu.memory_space<hbm>>
        %dma_start3A_279 = tpu.memref_slice %arg2[%add3A_52] : memref<160000xi32, #tpu.memory_space<hbm>> -> memref<80xi32, #tpu.memory_space<hbm>>
        tpu.enqueue_dma source(%dma_start3A_279 : memref<80xi32, #tpu.memory_space<hbm>>) target(%arg23 : memref<80xi32, #tpu.memory_space<vmem>>) target_semaphore(%run_scoped3A : memref<!tpu.dma_semaphore, #tpu.memory_space<semaphore_mem>>)
        %dma_wait3A_280 = tpu.memref_slice %arg2[%add3A_52] : memref<160000xi32, #tpu.memory_space<hbm>> -> memref<80xi32, #tpu.memory_space<hbm>>
        %dma_wait3A_281 = tpu.memref_slice %arg2[%add3A_52] : memref<160000xi32, #tpu.memory_space<hbm>> -> memref<80xi32, #tpu.memory_space<hbm>>
        tpu.wait_dma2 semaphore(%run_scoped3A : memref<!tpu.dma_semaphore, #tpu.memory_space<semaphore_mem>>) src(%dma_wait3A_281 : memref<80xi32, #tpu.memory_space<hbm>>) dst(%arg23 : memref<80xi32, #tpu.memory_space<vmem>>)
        tpu.yield
      }) : () -> ()
      %dma_start3A_53 = arith.constant 0 : i32
      %dma_start3A_54 = tpu.memref_slice %arg3[%add3A_52, %dma_start3A_53] : memref<160000x32xf32, #tpu.memory_space<hbm>> -> memref<80x32xf32, #tpu.memory_space<hbm>>
      %dma_start3A_55 = arith.constant 0 : i32
      %dma_start3A_56 = tpu.memref_slice %arg3[%add3A_52, %dma_start3A_55] : memref<160000x32xf32, #tpu.memory_space<hbm>> -> memref<80x32xf32, #tpu.memory_space<hbm>>
      tpu.enqueue_dma source(%dma_start3A_56 : memref<80x32xf32, #tpu.memory_space<hbm>>) target(%arg29 : memref<80x32xf32, #tpu.memory_space<vmem>>) target_semaphore(%arg35 : memref<!tpu.dma_semaphore, #tpu.memory_space<semaphore_mem>>)
      %dma_start3A_57 = arith.constant 0 : i32
      %dma_start3A_58 = tpu.memref_slice %arg4[%add3A_52, %dma_start3A_57] : memref<160000x32xf32, #tpu.memory_space<hbm>> -> memref<80x32xf32, #tpu.memory_space<hbm>>
      %dma_start3A_59 = arith.constant 0 : i32
      %dma_start3A_60 = tpu.memref_slice %arg4[%add3A_52, %dma_start3A_59] : memref<160000x32xf32, #tpu.memory_space<hbm>> -> memref<80x32xf32, #tpu.memory_space<hbm>>
      tpu.enqueue_dma source(%dma_start3A_60 : memref<80x32xf32, #tpu.memory_space<hbm>>) target(%arg30 : memref<80x32xf32, #tpu.memory_space<vmem>>) target_semaphore(%arg35 : memref<!tpu.dma_semaphore, #tpu.memory_space<semaphore_mem>>)
      %dma_start3A_61 = arith.constant 0 : i32
      %dma_start3A_62 = tpu.memref_slice %arg5[%add3A_52, %dma_start3A_61] : memref<160000x32xf32, #tpu.memory_space<hbm>> -> memref<80x32xf32, #tpu.memory_space<hbm>>
      %dma_start3A_63 = arith.constant 0 : i32
      %dma_start3A_64 = tpu.memref_slice %arg5[%add3A_52, %dma_start3A_63] : memref<160000x32xf32, #tpu.memory_space<hbm>> -> memref<80x32xf32, #tpu.memory_space<hbm>>
      tpu.enqueue_dma source(%dma_start3A_64 : memref<80x32xf32, #tpu.memory_space<hbm>>) target(%arg31 : memref<80x32xf32, #tpu.memory_space<vmem>>) target_semaphore(%arg35 : memref<!tpu.dma_semaphore, #tpu.memory_space<semaphore_mem>>)
      %dma_start3A_65 = arith.constant 0 : i32
      %dma_start3A_66 = tpu.memref_slice %arg6[%add3A_52, %dma_start3A_65] : memref<160000x32xf32, #tpu.memory_space<hbm>> -> memref<80x32xf32, #tpu.memory_space<hbm>>
      %dma_start3A_67 = arith.constant 0 : i32
      %dma_start3A_68 = tpu.memref_slice %arg6[%add3A_52, %dma_start3A_67] : memref<160000x32xf32, #tpu.memory_space<hbm>> -> memref<80x32xf32, #tpu.memory_space<hbm>>
      tpu.enqueue_dma source(%dma_start3A_68 : memref<80x32xf32, #tpu.memory_space<hbm>>) target(%arg32 : memref<80x32xf32, #tpu.memory_space<vmem>>) target_semaphore(%arg35 : memref<!tpu.dma_semaphore, #tpu.memory_space<semaphore_mem>>)
      %dma_start3A_69 = arith.constant 0 : i32
      %dma_start3A_70 = tpu.memref_slice %arg7[%add3A_52, %dma_start3A_69] : memref<160000x32xf32, #tpu.memory_space<hbm>> -> memref<80x32xf32, #tpu.memory_space<hbm>>
      %dma_start3A_71 = arith.constant 0 : i32
      %dma_start3A_72 = tpu.memref_slice %arg7[%add3A_52, %dma_start3A_71] : memref<160000x32xf32, #tpu.memory_space<hbm>> -> memref<80x32xf32, #tpu.memory_space<hbm>>
      tpu.enqueue_dma source(%dma_start3A_72 : memref<80x32xf32, #tpu.memory_space<hbm>>) target(%arg33 : memref<80x32xf32, #tpu.memory_space<vmem>>) target_semaphore(%arg35 : memref<!tpu.dma_semaphore, #tpu.memory_space<semaphore_mem>>)
      %scan3A = arith.constant 0 : i32
      %scan3A_73 = arith.constant 61 : i32
      %scan3A_74 = arith.addi %scan3A, %scan3A_73 : i32
      %scan3A_75 = arith.constant 1 : i32
      scf.for %scan3A_278 = %scan3A to %scan3A_74 step %scan3A_75  : i32 {
        %mul3A_279 = arith.constant 2 : i32
        %mul3A_280 = arith.muli %scan3A_278, %mul3A_279 : i32
        %add3A_281 = arith.constant 2 : i32
        %add3A_282 = arith.addi %add3A_281, %mul3A_280 : i32
        %dma_wait3A_283 = arith.constant 0 : i32
        %dma_wait3A_284 = arith.constant 0 : i32
        %dma_wait3A_285 = tpu.memref_slice %arg3[%dma_wait3A_283, %dma_wait3A_284] : memref<160000x32xf32, #tpu.memory_space<hbm>> -> memref<80x32xf32, #tpu.memory_space<hbm>>
        %dma_wait3A_286 = arith.constant 0 : i32
        %dma_wait3A_287 = arith.constant 0 : i32
        %dma_wait3A_288 = tpu.memref_slice %arg3[%dma_wait3A_286, %dma_wait3A_287] : memref<160000x32xf32, #tpu.memory_space<hbm>> -> memref<80x32xf32, #tpu.memory_space<hbm>>
        tpu.wait_dma2 semaphore(%arg34 : memref<!tpu.dma_semaphore, #tpu.memory_space<semaphore_mem>>) src(%dma_wait3A_288 : memref<80x32xf32, #tpu.memory_space<hbm>>) dst(%arg24 : memref<80x32xf32, #tpu.memory_space<vmem>>)
        %dma_wait3A_289 = arith.constant 0 : i32
        %dma_wait3A_290 = arith.constant 0 : i32
        %dma_wait3A_291 = tpu.memref_slice %arg4[%dma_wait3A_289, %dma_wait3A_290] : memref<160000x32xf32, #tpu.memory_space<hbm>> -> memref<80x32xf32, #tpu.memory_space<hbm>>
        %dma_wait3A_292 = arith.constant 0 : i32
        %dma_wait3A_293 = arith.constant 0 : i32
        %dma_wait3A_294 = tpu.memref_slice %arg4[%dma_wait3A_292, %dma_wait3A_293] : memref<160000x32xf32, #tpu.memory_space<hbm>> -> memref<80x32xf32, #tpu.memory_space<hbm>>
        tpu.wait_dma2 semaphore(%arg34 : memref<!tpu.dma_semaphore, #tpu.memory_space<semaphore_mem>>) src(%dma_wait3A_294 : memref<80x32xf32, #tpu.memory_space<hbm>>) dst(%arg25 : memref<80x32xf32, #tpu.memory_space<vmem>>)
        %dma_wait3A_295 = arith.constant 0 : i32
        %dma_wait3A_296 = arith.constant 0 : i32
        %dma_wait3A_297 = tpu.memref_slice %arg5[%dma_wait3A_295, %dma_wait3A_296] : memref<160000x32xf32, #tpu.memory_space<hbm>> -> memref<80x32xf32, #tpu.memory_space<hbm>>
        %dma_wait3A_298 = arith.constant 0 : i32
        %dma_wait3A_299 = arith.constant 0 : i32
        %dma_wait3A_300 = tpu.memref_slice %arg5[%dma_wait3A_298, %dma_wait3A_299] : memref<160000x32xf32, #tpu.memory_space<hbm>> -> memref<80x32xf32, #tpu.memory_space<hbm>>
        tpu.wait_dma2 semaphore(%arg34 : memref<!tpu.dma_semaphore, #tpu.memory_space<semaphore_mem>>) src(%dma_wait3A_300 : memref<80x32xf32, #tpu.memory_space<hbm>>) dst(%arg26 : memref<80x32xf32, #tpu.memory_space<vmem>>)
        %dma_wait3A_301 = arith.constant 0 : i32
        %dma_wait3A_302 = arith.constant 0 : i32
        %dma_wait3A_303 = tpu.memref_slice %arg6[%dma_wait3A_301, %dma_wait3A_302] : memref<160000x32xf32, #tpu.memory_space<hbm>> -> memref<80x32xf32, #tpu.memory_space<hbm>>
        %dma_wait3A_304 = arith.constant 0 : i32
        %dma_wait3A_305 = arith.constant 0 : i32
        %dma_wait3A_306 = tpu.memref_slice %arg6[%dma_wait3A_304, %dma_wait3A_305] : memref<160000x32xf32, #tpu.memory_space<hbm>> -> memref<80x32xf32, #tpu.memory_space<hbm>>
        tpu.wait_dma2 semaphore(%arg34 : memref<!tpu.dma_semaphore, #tpu.memory_space<semaphore_mem>>) src(%dma_wait3A_306 : memref<80x32xf32, #tpu.memory_space<hbm>>) dst(%arg27 : memref<80x32xf32, #tpu.memory_space<vmem>>)
        %dma_wait3A_307 = arith.constant 0 : i32
        %dma_wait3A_308 = arith.constant 0 : i32
        %dma_wait3A_309 = tpu.memref_slice %arg7[%dma_wait3A_307, %dma_wait3A_308] : memref<160000x32xf32, #tpu.memory_space<hbm>> -> memref<80x32xf32, #tpu.memory_space<hbm>>
        %dma_wait3A_310 = arith.constant 0 : i32
        %dma_wait3A_311 = arith.constant 0 : i32
        %dma_wait3A_312 = tpu.memref_slice %arg7[%dma_wait3A_310, %dma_wait3A_311] : memref<160000x32xf32, #tpu.memory_space<hbm>> -> memref<80x32xf32, #tpu.memory_space<hbm>>
        tpu.wait_dma2 semaphore(%arg34 : memref<!tpu.dma_semaphore, #tpu.memory_space<semaphore_mem>>) src(%dma_wait3A_312 : memref<80x32xf32, #tpu.memory_space<hbm>>) dst(%arg28 : memref<80x32xf32, #tpu.memory_space<vmem>>)
        %dma_start3A_313 = arith.constant 0 : i32
        %dma_start3A_314 = arith.constant 0 : i32
        %dma_start3A_315 = tpu.memref_slice %arg38[%dma_start3A_313, %dma_start3A_314] : memref<10000x32xf32, #tpu.memory_space<vmem_shared>> -> memref<10000x32xf32, #tpu.memory_space<vmem_shared>>
        tpu.enqueue_indirect_dma source(%arg24 : memref<80x32xf32, #tpu.memory_space<vmem>>) target(%dma_start3A_315 : memref<10000x32xf32, #tpu.memory_space<vmem_shared>>) offsets(%arg22 : memref<80xi32, #tpu.memory_space<vmem>>) semaphore(%arg36 : memref<!tpu.dma_semaphore, #tpu.memory_space<semaphore_mem>>) {add = true}
        %dma_start3A_316 = arith.constant 0 : i32
        %dma_start3A_317 = arith.constant 0 : i32
        %dma_start3A_318 = tpu.memref_slice %arg39[%dma_start3A_316, %dma_start3A_317] : memref<10000x32xf32, #tpu.memory_space<vmem_shared>> -> memref<10000x32xf32, #tpu.memory_space<vmem_shared>>
        tpu.enqueue_indirect_dma source(%arg25 : memref<80x32xf32, #tpu.memory_space<vmem>>) target(%dma_start3A_318 : memref<10000x32xf32, #tpu.memory_space<vmem_shared>>) offsets(%arg22 : memref<80xi32, #tpu.memory_space<vmem>>) semaphore(%arg36 : memref<!tpu.dma_semaphore, #tpu.memory_space<semaphore_mem>>) {add = true}
        %dma_start3A_319 = arith.constant 0 : i32
        %dma_start3A_320 = arith.constant 0 : i32
        %dma_start3A_321 = tpu.memref_slice %arg40[%dma_start3A_319, %dma_start3A_320] : memref<10000x32xf32, #tpu.memory_space<vmem_shared>> -> memref<10000x32xf32, #tpu.memory_space<vmem_shared>>
        tpu.enqueue_indirect_dma source(%arg26 : memref<80x32xf32, #tpu.memory_space<vmem>>) target(%dma_start3A_321 : memref<10000x32xf32, #tpu.memory_space<vmem_shared>>) offsets(%arg22 : memref<80xi32, #tpu.memory_space<vmem>>) semaphore(%arg36 : memref<!tpu.dma_semaphore, #tpu.memory_space<semaphore_mem>>) {add = true}
        %dma_start3A_322 = arith.constant 0 : i32
        %dma_start3A_323 = arith.constant 0 : i32
        %dma_start3A_324 = tpu.memref_slice %arg41[%dma_start3A_322, %dma_start3A_323] : memref<10000x32xf32, #tpu.memory_space<vmem_shared>> -> memref<10000x32xf32, #tpu.memory_space<vmem_shared>>
        tpu.enqueue_indirect_dma source(%arg27 : memref<80x32xf32, #tpu.memory_space<vmem>>) target(%dma_start3A_324 : memref<10000x32xf32, #tpu.memory_space<vmem_shared>>) offsets(%arg22 : memref<80xi32, #tpu.memory_space<vmem>>) semaphore(%arg36 : memref<!tpu.dma_semaphore, #tpu.memory_space<semaphore_mem>>) {add = true}
        %dma_start3A_325 = arith.constant 0 : i32
        %dma_start3A_326 = arith.constant 0 : i32
        %dma_start3A_327 = tpu.memref_slice %arg42[%dma_start3A_325, %dma_start3A_326] : memref<10000x32xf32, #tpu.memory_space<vmem_shared>> -> memref<10000x32xf32, #tpu.memory_space<vmem_shared>>
        tpu.enqueue_indirect_dma source(%arg28 : memref<80x32xf32, #tpu.memory_space<vmem>>) target(%dma_start3A_327 : memref<10000x32xf32, #tpu.memory_space<vmem_shared>>) offsets(%arg22 : memref<80xi32, #tpu.memory_space<vmem>>) semaphore(%arg36 : memref<!tpu.dma_semaphore, #tpu.memory_space<semaphore_mem>>) {add = true}
        %dma_wait3A_328 = arith.constant 0 : i32
        %dma_wait3A_329 = arith.constant 0 : i32
        %dma_wait3A_330 = tpu.memref_slice %arg3[%dma_wait3A_328, %dma_wait3A_329] : memref<160000x32xf32, #tpu.memory_space<hbm>> -> memref<80x32xf32, #tpu.memory_space<hbm>>
        %dma_wait3A_331 = arith.constant 0 : i32
        %dma_wait3A_332 = arith.constant 0 : i32
        %dma_wait3A_333 = tpu.memref_slice %arg3[%dma_wait3A_331, %dma_wait3A_332] : memref<160000x32xf32, #tpu.memory_space<hbm>> -> memref<80x32xf32, #tpu.memory_space<hbm>>
        tpu.wait_dma2 semaphore(%arg35 : memref<!tpu.dma_semaphore, #tpu.memory_space<semaphore_mem>>) src(%dma_wait3A_333 : memref<80x32xf32, #tpu.memory_space<hbm>>) dst(%arg29 : memref<80x32xf32, #tpu.memory_space<vmem>>)
        %dma_wait3A_334 = arith.constant 0 : i32
        %dma_wait3A_335 = arith.constant 0 : i32
        %dma_wait3A_336 = tpu.memref_slice %arg4[%dma_wait3A_334, %dma_wait3A_335] : memref<160000x32xf32, #tpu.memory_space<hbm>> -> memref<80x32xf32, #tpu.memory_space<hbm>>
        %dma_wait3A_337 = arith.constant 0 : i32
        %dma_wait3A_338 = arith.constant 0 : i32
        %dma_wait3A_339 = tpu.memref_slice %arg4[%dma_wait3A_337, %dma_wait3A_338] : memref<160000x32xf32, #tpu.memory_space<hbm>> -> memref<80x32xf32, #tpu.memory_space<hbm>>
        tpu.wait_dma2 semaphore(%arg35 : memref<!tpu.dma_semaphore, #tpu.memory_space<semaphore_mem>>) src(%dma_wait3A_339 : memref<80x32xf32, #tpu.memory_space<hbm>>) dst(%arg30 : memref<80x32xf32, #tpu.memory_space<vmem>>)
        %dma_wait3A_340 = arith.constant 0 : i32
        %dma_wait3A_341 = arith.constant 0 : i32
        %dma_wait3A_342 = tpu.memref_slice %arg5[%dma_wait3A_340, %dma_wait3A_341] : memref<160000x32xf32, #tpu.memory_space<hbm>> -> memref<80x32xf32, #tpu.memory_space<hbm>>
        %dma_wait3A_343 = arith.constant 0 : i32
        %dma_wait3A_344 = arith.constant 0 : i32
        %dma_wait3A_345 = tpu.memref_slice %arg5[%dma_wait3A_343, %dma_wait3A_344] : memref<160000x32xf32, #tpu.memory_space<hbm>> -> memref<80x32xf32, #tpu.memory_space<hbm>>
        tpu.wait_dma2 semaphore(%arg35 : memref<!tpu.dma_semaphore, #tpu.memory_space<semaphore_mem>>) src(%dma_wait3A_345 : memref<80x32xf32, #tpu.memory_space<hbm>>) dst(%arg31 : memref<80x32xf32, #tpu.memory_space<vmem>>)
        %dma_wait3A_346 = arith.constant 0 : i32
        %dma_wait3A_347 = arith.constant 0 : i32
        %dma_wait3A_348 = tpu.memref_slice %arg6[%dma_wait3A_346, %dma_wait3A_347] : memref<160000x32xf32, #tpu.memory_space<hbm>> -> memref<80x32xf32, #tpu.memory_space<hbm>>
        %dma_wait3A_349 = arith.constant 0 : i32
        %dma_wait3A_350 = arith.constant 0 : i32
        %dma_wait3A_351 = tpu.memref_slice %arg6[%dma_wait3A_349, %dma_wait3A_350] : memref<160000x32xf32, #tpu.memory_space<hbm>> -> memref<80x32xf32, #tpu.memory_space<hbm>>
        tpu.wait_dma2 semaphore(%arg35 : memref<!tpu.dma_semaphore, #tpu.memory_space<semaphore_mem>>) src(%dma_wait3A_351 : memref<80x32xf32, #tpu.memory_space<hbm>>) dst(%arg32 : memref<80x32xf32, #tpu.memory_space<vmem>>)
        %dma_wait3A_352 = arith.constant 0 : i32
        %dma_wait3A_353 = arith.constant 0 : i32
        %dma_wait3A_354 = tpu.memref_slice %arg7[%dma_wait3A_352, %dma_wait3A_353] : memref<160000x32xf32, #tpu.memory_space<hbm>> -> memref<80x32xf32, #tpu.memory_space<hbm>>
        %dma_wait3A_355 = arith.constant 0 : i32
        %dma_wait3A_356 = arith.constant 0 : i32
        %dma_wait3A_357 = tpu.memref_slice %arg7[%dma_wait3A_355, %dma_wait3A_356] : memref<160000x32xf32, #tpu.memory_space<hbm>> -> memref<80x32xf32, #tpu.memory_space<hbm>>
        tpu.wait_dma2 semaphore(%arg35 : memref<!tpu.dma_semaphore, #tpu.memory_space<semaphore_mem>>) src(%dma_wait3A_357 : memref<80x32xf32, #tpu.memory_space<hbm>>) dst(%arg33 : memref<80x32xf32, #tpu.memory_space<vmem>>)
        %dma_start3A_358 = arith.constant 0 : i32
        %dma_start3A_359 = arith.constant 0 : i32
        %dma_start3A_360 = tpu.memref_slice %arg38[%dma_start3A_358, %dma_start3A_359] : memref<10000x32xf32, #tpu.memory_space<vmem_shared>> -> memref<10000x32xf32, #tpu.memory_space<vmem_shared>>
        tpu.enqueue_indirect_dma source(%arg29 : memref<80x32xf32, #tpu.memory_space<vmem>>) target(%dma_start3A_360 : memref<10000x32xf32, #tpu.memory_space<vmem_shared>>) offsets(%arg23 : memref<80xi32, #tpu.memory_space<vmem>>) semaphore(%arg37 : memref<!tpu.dma_semaphore, #tpu.memory_space<semaphore_mem>>) {add = true}
        %dma_start3A_361 = arith.constant 0 : i32
        %dma_start3A_362 = arith.constant 0 : i32
        %dma_start3A_363 = tpu.memref_slice %arg39[%dma_start3A_361, %dma_start3A_362] : memref<10000x32xf32, #tpu.memory_space<vmem_shared>> -> memref<10000x32xf32, #tpu.memory_space<vmem_shared>>
        tpu.enqueue_indirect_dma source(%arg30 : memref<80x32xf32, #tpu.memory_space<vmem>>) target(%dma_start3A_363 : memref<10000x32xf32, #tpu.memory_space<vmem_shared>>) offsets(%arg23 : memref<80xi32, #tpu.memory_space<vmem>>) semaphore(%arg37 : memref<!tpu.dma_semaphore, #tpu.memory_space<semaphore_mem>>) {add = true}
        %dma_start3A_364 = arith.constant 0 : i32
        %dma_start3A_365 = arith.constant 0 : i32
        %dma_start3A_366 = tpu.memref_slice %arg40[%dma_start3A_364, %dma_start3A_365] : memref<10000x32xf32, #tpu.memory_space<vmem_shared>> -> memref<10000x32xf32, #tpu.memory_space<vmem_shared>>
        tpu.enqueue_indirect_dma source(%arg31 : memref<80x32xf32, #tpu.memory_space<vmem>>) target(%dma_start3A_366 : memref<10000x32xf32, #tpu.memory_space<vmem_shared>>) offsets(%arg23 : memref<80xi32, #tpu.memory_space<vmem>>) semaphore(%arg37 : memref<!tpu.dma_semaphore, #tpu.memory_space<semaphore_mem>>) {add = true}
        %dma_start3A_367 = arith.constant 0 : i32
        %dma_start3A_368 = arith.constant 0 : i32
        %dma_start3A_369 = tpu.memref_slice %arg41[%dma_start3A_367, %dma_start3A_368] : memref<10000x32xf32, #tpu.memory_space<vmem_shared>> -> memref<10000x32xf32, #tpu.memory_space<vmem_shared>>
        tpu.enqueue_indirect_dma source(%arg32 : memref<80x32xf32, #tpu.memory_space<vmem>>) target(%dma_start3A_369 : memref<10000x32xf32, #tpu.memory_space<vmem_shared>>) offsets(%arg23 : memref<80xi32, #tpu.memory_space<vmem>>) semaphore(%arg37 : memref<!tpu.dma_semaphore, #tpu.memory_space<semaphore_mem>>) {add = true}
        %dma_start3A_370 = arith.constant 0 : i32
        %dma_start3A_371 = arith.constant 0 : i32
        %dma_start3A_372 = tpu.memref_slice %arg42[%dma_start3A_370, %dma_start3A_371] : memref<10000x32xf32, #tpu.memory_space<vmem_shared>> -> memref<10000x32xf32, #tpu.memory_space<vmem_shared>>
        tpu.enqueue_indirect_dma source(%arg33 : memref<80x32xf32, #tpu.memory_space<vmem>>) target(%dma_start3A_372 : memref<10000x32xf32, #tpu.memory_space<vmem_shared>>) offsets(%arg23 : memref<80xi32, #tpu.memory_space<vmem>>) semaphore(%arg37 : memref<!tpu.dma_semaphore, #tpu.memory_space<semaphore_mem>>) {add = true}
        %dma_wait3A_373 = arith.constant 0 : i32
        %dma_wait3A_374 = arith.constant 0 : i32
        %dma_wait3A_375 = tpu.memref_slice %arg38[%dma_wait3A_373, %dma_wait3A_374] : memref<10000x32xf32, #tpu.memory_space<vmem_shared>> -> memref<10000x32xf32, #tpu.memory_space<vmem_shared>>
        tpu.wait_indirect_dma semaphore(%arg36 : memref<!tpu.dma_semaphore, #tpu.memory_space<semaphore_mem>>) src(%arg24 : memref<80x32xf32, #tpu.memory_space<vmem>>) dst(%dma_wait3A_375 : memref<10000x32xf32, #tpu.memory_space<vmem_shared>>)
        %dma_wait3A_376 = arith.constant 0 : i32
        %dma_wait3A_377 = arith.constant 0 : i32
        %dma_wait3A_378 = tpu.memref_slice %arg39[%dma_wait3A_376, %dma_wait3A_377] : memref<10000x32xf32, #tpu.memory_space<vmem_shared>> -> memref<10000x32xf32, #tpu.memory_space<vmem_shared>>
        tpu.wait_indirect_dma semaphore(%arg36 : memref<!tpu.dma_semaphore, #tpu.memory_space<semaphore_mem>>) src(%arg25 : memref<80x32xf32, #tpu.memory_space<vmem>>) dst(%dma_wait3A_378 : memref<10000x32xf32, #tpu.memory_space<vmem_shared>>)
        %dma_wait3A_379 = arith.constant 0 : i32
        %dma_wait3A_380 = arith.constant 0 : i32
        %dma_wait3A_381 = tpu.memref_slice %arg40[%dma_wait3A_379, %dma_wait3A_380] : memref<10000x32xf32, #tpu.memory_space<vmem_shared>> -> memref<10000x32xf32, #tpu.memory_space<vmem_shared>>
        tpu.wait_indirect_dma semaphore(%arg36 : memref<!tpu.dma_semaphore, #tpu.memory_space<semaphore_mem>>) src(%arg26 : memref<80x32xf32, #tpu.memory_space<vmem>>) dst(%dma_wait3A_381 : memref<10000x32xf32, #tpu.memory_space<vmem_shared>>)
        %dma_wait3A_382 = arith.constant 0 : i32
        %dma_wait3A_383 = arith.constant 0 : i32
        %dma_wait3A_384 = tpu.memref_slice %arg41[%dma_wait3A_382, %dma_wait3A_383] : memref<10000x32xf32, #tpu.memory_space<vmem_shared>> -> memref<10000x32xf32, #tpu.memory_space<vmem_shared>>
        tpu.wait_indirect_dma semaphore(%arg36 : memref<!tpu.dma_semaphore, #tpu.memory_space<semaphore_mem>>) src(%arg27 : memref<80x32xf32, #tpu.memory_space<vmem>>) dst(%dma_wait3A_384 : memref<10000x32xf32, #tpu.memory_space<vmem_shared>>)
        %dma_wait3A_385 = arith.constant 0 : i32
        %dma_wait3A_386 = arith.constant 0 : i32
        %dma_wait3A_387 = tpu.memref_slice %arg42[%dma_wait3A_385, %dma_wait3A_386] : memref<10000x32xf32, #tpu.memory_space<vmem_shared>> -> memref<10000x32xf32, #tpu.memory_space<vmem_shared>>
        tpu.wait_indirect_dma semaphore(%arg36 : memref<!tpu.dma_semaphore, #tpu.memory_space<semaphore_mem>>) src(%arg28 : memref<80x32xf32, #tpu.memory_space<vmem>>) dst(%dma_wait3A_387 : memref<10000x32xf32, #tpu.memory_space<vmem_shared>>)
        %add3A_388 = arith.constant 0 : i32
        %add3A_389 = arith.addi %add3A_282, %add3A_388 : i32
        %mul3A_390 = arith.constant 80 : i32
        %mul3A_391 = arith.muli %add3A_389, %mul3A_390 : i32
        %add3A_392 = arith.addi %mul3A_2, %mul3A_391 : i32
        "tpu.region"() ({
          %run_scoped3A = tpu.sem_alloc : memref<!tpu.dma_semaphore, #tpu.memory_space<semaphore_mem>>
          %dma_start3A_453 = tpu.memref_slice %arg2[%add3A_392] : memref<160000xi32, #tpu.memory_space<hbm>> -> memref<80xi32, #tpu.memory_space<hbm>>
          %dma_start3A_454 = tpu.memref_slice %arg2[%add3A_392] : memref<160000xi32, #tpu.memory_space<hbm>> -> memref<80xi32, #tpu.memory_space<hbm>>
          tpu.enqueue_dma source(%dma_start3A_454 : memref<80xi32, #tpu.memory_space<hbm>>) target(%arg22 : memref<80xi32, #tpu.memory_space<vmem>>) target_semaphore(%run_scoped3A : memref<!tpu.dma_semaphore, #tpu.memory_space<semaphore_mem>>)
          %dma_wait3A_455 = tpu.memref_slice %arg2[%add3A_392] : memref<160000xi32, #tpu.memory_space<hbm>> -> memref<80xi32, #tpu.memory_space<hbm>>
          %dma_wait3A_456 = tpu.memref_slice %arg2[%add3A_392] : memref<160000xi32, #tpu.memory_space<hbm>> -> memref<80xi32, #tpu.memory_space<hbm>>
          tpu.wait_dma2 semaphore(%run_scoped3A : memref<!tpu.dma_semaphore, #tpu.memory_space<semaphore_mem>>) src(%dma_wait3A_456 : memref<80xi32, #tpu.memory_space<hbm>>) dst(%arg22 : memref<80xi32, #tpu.memory_space<vmem>>)
          tpu.yield
        }) : () -> ()
        %dma_start3A_393 = arith.constant 0 : i32
        %dma_start3A_394 = tpu.memref_slice %arg3[%add3A_392, %dma_start3A_393] : memref<160000x32xf32, #tpu.memory_space<hbm>> -> memref<80x32xf32, #tpu.memory_space<hbm>>
        %dma_start3A_395 = arith.constant 0 : i32
        %dma_start3A_396 = tpu.memref_slice %arg3[%add3A_392, %dma_start3A_395] : memref<160000x32xf32, #tpu.memory_space<hbm>> -> memref<80x32xf32, #tpu.memory_space<hbm>>
        tpu.enqueue_dma source(%dma_start3A_396 : memref<80x32xf32, #tpu.memory_space<hbm>>) target(%arg24 : memref<80x32xf32, #tpu.memory_space<vmem>>) target_semaphore(%arg34 : memref<!tpu.dma_semaphore, #tpu.memory_space<semaphore_mem>>)
        %dma_start3A_397 = arith.constant 0 : i32
        %dma_start3A_398 = tpu.memref_slice %arg4[%add3A_392, %dma_start3A_397] : memref<160000x32xf32, #tpu.memory_space<hbm>> -> memref<80x32xf32, #tpu.memory_space<hbm>>
        %dma_start3A_399 = arith.constant 0 : i32
        %dma_start3A_400 = tpu.memref_slice %arg4[%add3A_392, %dma_start3A_399] : memref<160000x32xf32, #tpu.memory_space<hbm>> -> memref<80x32xf32, #tpu.memory_space<hbm>>
        tpu.enqueue_dma source(%dma_start3A_400 : memref<80x32xf32, #tpu.memory_space<hbm>>) target(%arg25 : memref<80x32xf32, #tpu.memory_space<vmem>>) target_semaphore(%arg34 : memref<!tpu.dma_semaphore, #tpu.memory_space<semaphore_mem>>)
        %dma_start3A_401 = arith.constant 0 : i32
        %dma_start3A_402 = tpu.memref_slice %arg5[%add3A_392, %dma_start3A_401] : memref<160000x32xf32, #tpu.memory_space<hbm>> -> memref<80x32xf32, #tpu.memory_space<hbm>>
        %dma_start3A_403 = arith.constant 0 : i32
        %dma_start3A_404 = tpu.memref_slice %arg5[%add3A_392, %dma_start3A_403] : memref<160000x32xf32, #tpu.memory_space<hbm>> -> memref<80x32xf32, #tpu.memory_space<hbm>>
        tpu.enqueue_dma source(%dma_start3A_404 : memref<80x32xf32, #tpu.memory_space<hbm>>) target(%arg26 : memref<80x32xf32, #tpu.memory_space<vmem>>) target_semaphore(%arg34 : memref<!tpu.dma_semaphore, #tpu.memory_space<semaphore_mem>>)
        %dma_start3A_405 = arith.constant 0 : i32
        %dma_start3A_406 = tpu.memref_slice %arg6[%add3A_392, %dma_start3A_405] : memref<160000x32xf32, #tpu.memory_space<hbm>> -> memref<80x32xf32, #tpu.memory_space<hbm>>
        %dma_start3A_407 = arith.constant 0 : i32
        %dma_start3A_408 = tpu.memref_slice %arg6[%add3A_392, %dma_start3A_407] : memref<160000x32xf32, #tpu.memory_space<hbm>> -> memref<80x32xf32, #tpu.memory_space<hbm>>
        tpu.enqueue_dma source(%dma_start3A_408 : memref<80x32xf32, #tpu.memory_space<hbm>>) target(%arg27 : memref<80x32xf32, #tpu.memory_space<vmem>>) target_semaphore(%arg34 : memref<!tpu.dma_semaphore, #tpu.memory_space<semaphore_mem>>)
        %dma_start3A_409 = arith.constant 0 : i32
        %dma_start3A_410 = tpu.memref_slice %arg7[%add3A_392, %dma_start3A_409] : memref<160000x32xf32, #tpu.memory_space<hbm>> -> memref<80x32xf32, #tpu.memory_space<hbm>>
        %dma_start3A_411 = arith.constant 0 : i32
        %dma_start3A_412 = tpu.memref_slice %arg7[%add3A_392, %dma_start3A_411] : memref<160000x32xf32, #tpu.memory_space<hbm>> -> memref<80x32xf32, #tpu.memory_space<hbm>>
        tpu.enqueue_dma source(%dma_start3A_412 : memref<80x32xf32, #tpu.memory_space<hbm>>) target(%arg28 : memref<80x32xf32, #tpu.memory_space<vmem>>) target_semaphore(%arg34 : memref<!tpu.dma_semaphore, #tpu.memory_space<semaphore_mem>>)
        %dma_wait3A_413 = arith.constant 0 : i32
        %dma_wait3A_414 = arith.constant 0 : i32
        %dma_wait3A_415 = tpu.memref_slice %arg38[%dma_wait3A_413, %dma_wait3A_414] : memref<10000x32xf32, #tpu.memory_space<vmem_shared>> -> memref<10000x32xf32, #tpu.memory_space<vmem_shared>>
        tpu.wait_indirect_dma semaphore(%arg37 : memref<!tpu.dma_semaphore, #tpu.memory_space<semaphore_mem>>) src(%arg29 : memref<80x32xf32, #tpu.memory_space<vmem>>) dst(%dma_wait3A_415 : memref<10000x32xf32, #tpu.memory_space<vmem_shared>>)
        %dma_wait3A_416 = arith.constant 0 : i32
        %dma_wait3A_417 = arith.constant 0 : i32
        %dma_wait3A_418 = tpu.memref_slice %arg39[%dma_wait3A_416, %dma_wait3A_417] : memref<10000x32xf32, #tpu.memory_space<vmem_shared>> -> memref<10000x32xf32, #tpu.memory_space<vmem_shared>>
        tpu.wait_indirect_dma semaphore(%arg37 : memref<!tpu.dma_semaphore, #tpu.memory_space<semaphore_mem>>) src(%arg30 : memref<80x32xf32, #tpu.memory_space<vmem>>) dst(%dma_wait3A_418 : memref<10000x32xf32, #tpu.memory_space<vmem_shared>>)
        %dma_wait3A_419 = arith.constant 0 : i32
        %dma_wait3A_420 = arith.constant 0 : i32
        %dma_wait3A_421 = tpu.memref_slice %arg40[%dma_wait3A_419, %dma_wait3A_420] : memref<10000x32xf32, #tpu.memory_space<vmem_shared>> -> memref<10000x32xf32, #tpu.memory_space<vmem_shared>>
        tpu.wait_indirect_dma semaphore(%arg37 : memref<!tpu.dma_semaphore, #tpu.memory_space<semaphore_mem>>) src(%arg31 : memref<80x32xf32, #tpu.memory_space<vmem>>) dst(%dma_wait3A_421 : memref<10000x32xf32, #tpu.memory_space<vmem_shared>>)
        %dma_wait3A_422 = arith.constant 0 : i32
        %dma_wait3A_423 = arith.constant 0 : i32
        %dma_wait3A_424 = tpu.memref_slice %arg41[%dma_wait3A_422, %dma_wait3A_423] : memref<10000x32xf32, #tpu.memory_space<vmem_shared>> -> memref<10000x32xf32, #tpu.memory_space<vmem_shared>>
        tpu.wait_indirect_dma semaphore(%arg37 : memref<!tpu.dma_semaphore, #tpu.memory_space<semaphore_mem>>) src(%arg32 : memref<80x32xf32, #tpu.memory_space<vmem>>) dst(%dma_wait3A_424 : memref<10000x32xf32, #tpu.memory_space<vmem_shared>>)
        %dma_wait3A_425 = arith.constant 0 : i32
        %dma_wait3A_426 = arith.constant 0 : i32
        %dma_wait3A_427 = tpu.memref_slice %arg42[%dma_wait3A_425, %dma_wait3A_426] : memref<10000x32xf32, #tpu.memory_space<vmem_shared>> -> memref<10000x32xf32, #tpu.memory_space<vmem_shared>>
        tpu.wait_indirect_dma semaphore(%arg37 : memref<!tpu.dma_semaphore, #tpu.memory_space<semaphore_mem>>) src(%arg33 : memref<80x32xf32, #tpu.memory_space<vmem>>) dst(%dma_wait3A_427 : memref<10000x32xf32, #tpu.memory_space<vmem_shared>>)
        %add3A_428 = arith.constant 1 : i32
        %add3A_429 = arith.addi %add3A_282, %add3A_428 : i32
        %mul3A_430 = arith.constant 80 : i32
        %mul3A_431 = arith.muli %add3A_429, %mul3A_430 : i32
        %add3A_432 = arith.addi %mul3A_2, %mul3A_431 : i32
        "tpu.region"() ({
          %run_scoped3A = tpu.sem_alloc : memref<!tpu.dma_semaphore, #tpu.memory_space<semaphore_mem>>
          %dma_start3A_453 = tpu.memref_slice %arg2[%add3A_432] : memref<160000xi32, #tpu.memory_space<hbm>> -> memref<80xi32, #tpu.memory_space<hbm>>
          %dma_start3A_454 = tpu.memref_slice %arg2[%add3A_432] : memref<160000xi32, #tpu.memory_space<hbm>> -> memref<80xi32, #tpu.memory_space<hbm>>
          tpu.enqueue_dma source(%dma_start3A_454 : memref<80xi32, #tpu.memory_space<hbm>>) target(%arg23 : memref<80xi32, #tpu.memory_space<vmem>>) target_semaphore(%run_scoped3A : memref<!tpu.dma_semaphore, #tpu.memory_space<semaphore_mem>>)
          %dma_wait3A_455 = tpu.memref_slice %arg2[%add3A_432] : memref<160000xi32, #tpu.memory_space<hbm>> -> memref<80xi32, #tpu.memory_space<hbm>>
          %dma_wait3A_456 = tpu.memref_slice %arg2[%add3A_432] : memref<160000xi32, #tpu.memory_space<hbm>> -> memref<80xi32, #tpu.memory_space<hbm>>
          tpu.wait_dma2 semaphore(%run_scoped3A : memref<!tpu.dma_semaphore, #tpu.memory_space<semaphore_mem>>) src(%dma_wait3A_456 : memref<80xi32, #tpu.memory_space<hbm>>) dst(%arg23 : memref<80xi32, #tpu.memory_space<vmem>>)
          tpu.yield
        }) : () -> ()
        %dma_start3A_433 = arith.constant 0 : i32
        %dma_start3A_434 = tpu.memref_slice %arg3[%add3A_432, %dma_start3A_433] : memref<160000x32xf32, #tpu.memory_space<hbm>> -> memref<80x32xf32, #tpu.memory_space<hbm>>
        %dma_start3A_435 = arith.constant 0 : i32
        %dma_start3A_436 = tpu.memref_slice %arg3[%add3A_432, %dma_start3A_435] : memref<160000x32xf32, #tpu.memory_space<hbm>> -> memref<80x32xf32, #tpu.memory_space<hbm>>
        tpu.enqueue_dma source(%dma_start3A_436 : memref<80x32xf32, #tpu.memory_space<hbm>>) target(%arg29 : memref<80x32xf32, #tpu.memory_space<vmem>>) target_semaphore(%arg35 : memref<!tpu.dma_semaphore, #tpu.memory_space<semaphore_mem>>)
        %dma_start3A_437 = arith.constant 0 : i32
        %dma_start3A_438 = tpu.memref_slice %arg4[%add3A_432, %dma_start3A_437] : memref<160000x32xf32, #tpu.memory_space<hbm>> -> memref<80x32xf32, #tpu.memory_space<hbm>>
        %dma_start3A_439 = arith.constant 0 : i32
        %dma_start3A_440 = tpu.memref_slice %arg4[%add3A_432, %dma_start3A_439] : memref<160000x32xf32, #tpu.memory_space<hbm>> -> memref<80x32xf32, #tpu.memory_space<hbm>>
        tpu.enqueue_dma source(%dma_start3A_440 : memref<80x32xf32, #tpu.memory_space<hbm>>) target(%arg30 : memref<80x32xf32, #tpu.memory_space<vmem>>) target_semaphore(%arg35 : memref<!tpu.dma_semaphore, #tpu.memory_space<semaphore_mem>>)
        %dma_start3A_441 = arith.constant 0 : i32
        %dma_start3A_442 = tpu.memref_slice %arg5[%add3A_432, %dma_start3A_441] : memref<160000x32xf32, #tpu.memory_space<hbm>> -> memref<80x32xf32, #tpu.memory_space<hbm>>
        %dma_start3A_443 = arith.constant 0 : i32
        %dma_start3A_444 = tpu.memref_slice %arg5[%add3A_432, %dma_start3A_443] : memref<160000x32xf32, #tpu.memory_space<hbm>> -> memref<80x32xf32, #tpu.memory_space<hbm>>
        tpu.enqueue_dma source(%dma_start3A_444 : memref<80x32xf32, #tpu.memory_space<hbm>>) target(%arg31 : memref<80x32xf32, #tpu.memory_space<vmem>>) target_semaphore(%arg35 : memref<!tpu.dma_semaphore, #tpu.memory_space<semaphore_mem>>)
        %dma_start3A_445 = arith.constant 0 : i32
        %dma_start3A_446 = tpu.memref_slice %arg6[%add3A_432, %dma_start3A_445] : memref<160000x32xf32, #tpu.memory_space<hbm>> -> memref<80x32xf32, #tpu.memory_space<hbm>>
        %dma_start3A_447 = arith.constant 0 : i32
        %dma_start3A_448 = tpu.memref_slice %arg6[%add3A_432, %dma_start3A_447] : memref<160000x32xf32, #tpu.memory_space<hbm>> -> memref<80x32xf32, #tpu.memory_space<hbm>>
        tpu.enqueue_dma source(%dma_start3A_448 : memref<80x32xf32, #tpu.memory_space<hbm>>) target(%arg32 : memref<80x32xf32, #tpu.memory_space<vmem>>) target_semaphore(%arg35 : memref<!tpu.dma_semaphore, #tpu.memory_space<semaphore_mem>>)
        %dma_start3A_449 = arith.constant 0 : i32
        %dma_start3A_450 = tpu.memref_slice %arg7[%add3A_432, %dma_start3A_449] : memref<160000x32xf32, #tpu.memory_space<hbm>> -> memref<80x32xf32, #tpu.memory_space<hbm>>
        %dma_start3A_451 = arith.constant 0 : i32
        %dma_start3A_452 = tpu.memref_slice %arg7[%add3A_432, %dma_start3A_451] : memref<160000x32xf32, #tpu.memory_space<hbm>> -> memref<80x32xf32, #tpu.memory_space<hbm>>
        tpu.enqueue_dma source(%dma_start3A_452 : memref<80x32xf32, #tpu.memory_space<hbm>>) target(%arg33 : memref<80x32xf32, #tpu.memory_space<vmem>>) target_semaphore(%arg35 : memref<!tpu.dma_semaphore, #tpu.memory_space<semaphore_mem>>)
      }
      %scan3A_76 = arith.constant 61 : i32
      %dma_wait3A = arith.constant 0 : i32
      %dma_wait3A_77 = arith.constant 0 : i32
      %dma_wait3A_78 = tpu.memref_slice %arg3[%dma_wait3A, %dma_wait3A_77] : memref<160000x32xf32, #tpu.memory_space<hbm>> -> memref<80x32xf32, #tpu.memory_space<hbm>>
      %dma_wait3A_79 = arith.constant 0 : i32
      %dma_wait3A_80 = arith.constant 0 : i32
      %dma_wait3A_81 = tpu.memref_slice %arg3[%dma_wait3A_79, %dma_wait3A_80] : memref<160000x32xf32, #tpu.memory_space<hbm>> -> memref<80x32xf32, #tpu.memory_space<hbm>>
      tpu.wait_dma2 semaphore(%arg34 : memref<!tpu.dma_semaphore, #tpu.memory_space<semaphore_mem>>) src(%dma_wait3A_81 : memref<80x32xf32, #tpu.memory_space<hbm>>) dst(%arg24 : memref<80x32xf32, #tpu.memory_space<vmem>>)
      %dma_wait3A_82 = arith.constant 0 : i32
      %dma_wait3A_83 = arith.constant 0 : i32
      %dma_wait3A_84 = tpu.memref_slice %arg4[%dma_wait3A_82, %dma_wait3A_83] : memref<160000x32xf32, #tpu.memory_space<hbm>> -> memref<80x32xf32, #tpu.memory_space<hbm>>
      %dma_wait3A_85 = arith.constant 0 : i32
      %dma_wait3A_86 = arith.constant 0 : i32
      %dma_wait3A_87 = tpu.memref_slice %arg4[%dma_wait3A_85, %dma_wait3A_86] : memref<160000x32xf32, #tpu.memory_space<hbm>> -> memref<80x32xf32, #tpu.memory_space<hbm>>
      tpu.wait_dma2 semaphore(%arg34 : memref<!tpu.dma_semaphore, #tpu.memory_space<semaphore_mem>>) src(%dma_wait3A_87 : memref<80x32xf32, #tpu.memory_space<hbm>>) dst(%arg25 : memref<80x32xf32, #tpu.memory_space<vmem>>)
      %dma_wait3A_88 = arith.constant 0 : i32
      %dma_wait3A_89 = arith.constant 0 : i32
      %dma_wait3A_90 = tpu.memref_slice %arg5[%dma_wait3A_88, %dma_wait3A_89] : memref<160000x32xf32, #tpu.memory_space<hbm>> -> memref<80x32xf32, #tpu.memory_space<hbm>>
      %dma_wait3A_91 = arith.constant 0 : i32
      %dma_wait3A_92 = arith.constant 0 : i32
      %dma_wait3A_93 = tpu.memref_slice %arg5[%dma_wait3A_91, %dma_wait3A_92] : memref<160000x32xf32, #tpu.memory_space<hbm>> -> memref<80x32xf32, #tpu.memory_space<hbm>>
      tpu.wait_dma2 semaphore(%arg34 : memref<!tpu.dma_semaphore, #tpu.memory_space<semaphore_mem>>) src(%dma_wait3A_93 : memref<80x32xf32, #tpu.memory_space<hbm>>) dst(%arg26 : memref<80x32xf32, #tpu.memory_space<vmem>>)
      %dma_wait3A_94 = arith.constant 0 : i32
      %dma_wait3A_95 = arith.constant 0 : i32
      %dma_wait3A_96 = tpu.memref_slice %arg6[%dma_wait3A_94, %dma_wait3A_95] : memref<160000x32xf32, #tpu.memory_space<hbm>> -> memref<80x32xf32, #tpu.memory_space<hbm>>
      %dma_wait3A_97 = arith.constant 0 : i32
      %dma_wait3A_98 = arith.constant 0 : i32
      %dma_wait3A_99 = tpu.memref_slice %arg6[%dma_wait3A_97, %dma_wait3A_98] : memref<160000x32xf32, #tpu.memory_space<hbm>> -> memref<80x32xf32, #tpu.memory_space<hbm>>
      tpu.wait_dma2 semaphore(%arg34 : memref<!tpu.dma_semaphore, #tpu.memory_space<semaphore_mem>>) src(%dma_wait3A_99 : memref<80x32xf32, #tpu.memory_space<hbm>>) dst(%arg27 : memref<80x32xf32, #tpu.memory_space<vmem>>)
      %dma_wait3A_100 = arith.constant 0 : i32
      %dma_wait3A_101 = arith.constant 0 : i32
      %dma_wait3A_102 = tpu.memref_slice %arg7[%dma_wait3A_100, %dma_wait3A_101] : memref<160000x32xf32, #tpu.memory_space<hbm>> -> memref<80x32xf32, #tpu.memory_space<hbm>>
      %dma_wait3A_103 = arith.constant 0 : i32
      %dma_wait3A_104 = arith.constant 0 : i32
      %dma_wait3A_105 = tpu.memref_slice %arg7[%dma_wait3A_103, %dma_wait3A_104] : memref<160000x32xf32, #tpu.memory_space<hbm>> -> memref<80x32xf32, #tpu.memory_space<hbm>>
      tpu.wait_dma2 semaphore(%arg34 : memref<!tpu.dma_semaphore, #tpu.memory_space<semaphore_mem>>) src(%dma_wait3A_105 : memref<80x32xf32, #tpu.memory_space<hbm>>) dst(%arg28 : memref<80x32xf32, #tpu.memory_space<vmem>>)
      %dma_start3A_106 = arith.constant 0 : i32
      %dma_start3A_107 = arith.constant 0 : i32
      %dma_start3A_108 = tpu.memref_slice %arg38[%dma_start3A_106, %dma_start3A_107] : memref<10000x32xf32, #tpu.memory_space<vmem_shared>> -> memref<10000x32xf32, #tpu.memory_space<vmem_shared>>
      tpu.enqueue_indirect_dma source(%arg24 : memref<80x32xf32, #tpu.memory_space<vmem>>) target(%dma_start3A_108 : memref<10000x32xf32, #tpu.memory_space<vmem_shared>>) offsets(%arg22 : memref<80xi32, #tpu.memory_space<vmem>>) semaphore(%arg36 : memref<!tpu.dma_semaphore, #tpu.memory_space<semaphore_mem>>) {add = true}
      %dma_start3A_109 = arith.constant 0 : i32
      %dma_start3A_110 = arith.constant 0 : i32
      %dma_start3A_111 = tpu.memref_slice %arg39[%dma_start3A_109, %dma_start3A_110] : memref<10000x32xf32, #tpu.memory_space<vmem_shared>> -> memref<10000x32xf32, #tpu.memory_space<vmem_shared>>
      tpu.enqueue_indirect_dma source(%arg25 : memref<80x32xf32, #tpu.memory_space<vmem>>) target(%dma_start3A_111 : memref<10000x32xf32, #tpu.memory_space<vmem_shared>>) offsets(%arg22 : memref<80xi32, #tpu.memory_space<vmem>>) semaphore(%arg36 : memref<!tpu.dma_semaphore, #tpu.memory_space<semaphore_mem>>) {add = true}
      %dma_start3A_112 = arith.constant 0 : i32
      %dma_start3A_113 = arith.constant 0 : i32
      %dma_start3A_114 = tpu.memref_slice %arg40[%dma_start3A_112, %dma_start3A_113] : memref<10000x32xf32, #tpu.memory_space<vmem_shared>> -> memref<10000x32xf32, #tpu.memory_space<vmem_shared>>
      tpu.enqueue_indirect_dma source(%arg26 : memref<80x32xf32, #tpu.memory_space<vmem>>) target(%dma_start3A_114 : memref<10000x32xf32, #tpu.memory_space<vmem_shared>>) offsets(%arg22 : memref<80xi32, #tpu.memory_space<vmem>>) semaphore(%arg36 : memref<!tpu.dma_semaphore, #tpu.memory_space<semaphore_mem>>) {add = true}
      %dma_start3A_115 = arith.constant 0 : i32
      %dma_start3A_116 = arith.constant 0 : i32
      %dma_start3A_117 = tpu.memref_slice %arg41[%dma_start3A_115, %dma_start3A_116] : memref<10000x32xf32, #tpu.memory_space<vmem_shared>> -> memref<10000x32xf32, #tpu.memory_space<vmem_shared>>
      tpu.enqueue_indirect_dma source(%arg27 : memref<80x32xf32, #tpu.memory_space<vmem>>) target(%dma_start3A_117 : memref<10000x32xf32, #tpu.memory_space<vmem_shared>>) offsets(%arg22 : memref<80xi32, #tpu.memory_space<vmem>>) semaphore(%arg36 : memref<!tpu.dma_semaphore, #tpu.memory_space<semaphore_mem>>) {add = true}
      %dma_start3A_118 = arith.constant 0 : i32
      %dma_start3A_119 = arith.constant 0 : i32
      %dma_start3A_120 = tpu.memref_slice %arg42[%dma_start3A_118, %dma_start3A_119] : memref<10000x32xf32, #tpu.memory_space<vmem_shared>> -> memref<10000x32xf32, #tpu.memory_space<vmem_shared>>
      tpu.enqueue_indirect_dma source(%arg28 : memref<80x32xf32, #tpu.memory_space<vmem>>) target(%dma_start3A_120 : memref<10000x32xf32, #tpu.memory_space<vmem_shared>>) offsets(%arg22 : memref<80xi32, #tpu.memory_space<vmem>>) semaphore(%arg36 : memref<!tpu.dma_semaphore, #tpu.memory_space<semaphore_mem>>) {add = true}
      %dma_wait3A_121 = arith.constant 0 : i32
      %dma_wait3A_122 = arith.constant 0 : i32
      %dma_wait3A_123 = tpu.memref_slice %arg3[%dma_wait3A_121, %dma_wait3A_122] : memref<160000x32xf32, #tpu.memory_space<hbm>> -> memref<80x32xf32, #tpu.memory_space<hbm>>
      %dma_wait3A_124 = arith.constant 0 : i32
      %dma_wait3A_125 = arith.constant 0 : i32
      %dma_wait3A_126 = tpu.memref_slice %arg3[%dma_wait3A_124, %dma_wait3A_125] : memref<160000x32xf32, #tpu.memory_space<hbm>> -> memref<80x32xf32, #tpu.memory_space<hbm>>
      tpu.wait_dma2 semaphore(%arg35 : memref<!tpu.dma_semaphore, #tpu.memory_space<semaphore_mem>>) src(%dma_wait3A_126 : memref<80x32xf32, #tpu.memory_space<hbm>>) dst(%arg29 : memref<80x32xf32, #tpu.memory_space<vmem>>)
      %dma_wait3A_127 = arith.constant 0 : i32
      %dma_wait3A_128 = arith.constant 0 : i32
      %dma_wait3A_129 = tpu.memref_slice %arg4[%dma_wait3A_127, %dma_wait3A_128] : memref<160000x32xf32, #tpu.memory_space<hbm>> -> memref<80x32xf32, #tpu.memory_space<hbm>>
      %dma_wait3A_130 = arith.constant 0 : i32
      %dma_wait3A_131 = arith.constant 0 : i32
      %dma_wait3A_132 = tpu.memref_slice %arg4[%dma_wait3A_130, %dma_wait3A_131] : memref<160000x32xf32, #tpu.memory_space<hbm>> -> memref<80x32xf32, #tpu.memory_space<hbm>>
      tpu.wait_dma2 semaphore(%arg35 : memref<!tpu.dma_semaphore, #tpu.memory_space<semaphore_mem>>) src(%dma_wait3A_132 : memref<80x32xf32, #tpu.memory_space<hbm>>) dst(%arg30 : memref<80x32xf32, #tpu.memory_space<vmem>>)
      %dma_wait3A_133 = arith.constant 0 : i32
      %dma_wait3A_134 = arith.constant 0 : i32
      %dma_wait3A_135 = tpu.memref_slice %arg5[%dma_wait3A_133, %dma_wait3A_134] : memref<160000x32xf32, #tpu.memory_space<hbm>> -> memref<80x32xf32, #tpu.memory_space<hbm>>
      %dma_wait3A_136 = arith.constant 0 : i32
      %dma_wait3A_137 = arith.constant 0 : i32
      %dma_wait3A_138 = tpu.memref_slice %arg5[%dma_wait3A_136, %dma_wait3A_137] : memref<160000x32xf32, #tpu.memory_space<hbm>> -> memref<80x32xf32, #tpu.memory_space<hbm>>
      tpu.wait_dma2 semaphore(%arg35 : memref<!tpu.dma_semaphore, #tpu.memory_space<semaphore_mem>>) src(%dma_wait3A_138 : memref<80x32xf32, #tpu.memory_space<hbm>>) dst(%arg31 : memref<80x32xf32, #tpu.memory_space<vmem>>)
      %dma_wait3A_139 = arith.constant 0 : i32
      %dma_wait3A_140 = arith.constant 0 : i32
      %dma_wait3A_141 = tpu.memref_slice %arg6[%dma_wait3A_139, %dma_wait3A_140] : memref<160000x32xf32, #tpu.memory_space<hbm>> -> memref<80x32xf32, #tpu.memory_space<hbm>>
      %dma_wait3A_142 = arith.constant 0 : i32
      %dma_wait3A_143 = arith.constant 0 : i32
      %dma_wait3A_144 = tpu.memref_slice %arg6[%dma_wait3A_142, %dma_wait3A_143] : memref<160000x32xf32, #tpu.memory_space<hbm>> -> memref<80x32xf32, #tpu.memory_space<hbm>>
      tpu.wait_dma2 semaphore(%arg35 : memref<!tpu.dma_semaphore, #tpu.memory_space<semaphore_mem>>) src(%dma_wait3A_144 : memref<80x32xf32, #tpu.memory_space<hbm>>) dst(%arg32 : memref<80x32xf32, #tpu.memory_space<vmem>>)
      %dma_wait3A_145 = arith.constant 0 : i32
      %dma_wait3A_146 = arith.constant 0 : i32
      %dma_wait3A_147 = tpu.memref_slice %arg7[%dma_wait3A_145, %dma_wait3A_146] : memref<160000x32xf32, #tpu.memory_space<hbm>> -> memref<80x32xf32, #tpu.memory_space<hbm>>
      %dma_wait3A_148 = arith.constant 0 : i32
      %dma_wait3A_149 = arith.constant 0 : i32
      %dma_wait3A_150 = tpu.memref_slice %arg7[%dma_wait3A_148, %dma_wait3A_149] : memref<160000x32xf32, #tpu.memory_space<hbm>> -> memref<80x32xf32, #tpu.memory_space<hbm>>
      tpu.wait_dma2 semaphore(%arg35 : memref<!tpu.dma_semaphore, #tpu.memory_space<semaphore_mem>>) src(%dma_wait3A_150 : memref<80x32xf32, #tpu.memory_space<hbm>>) dst(%arg33 : memref<80x32xf32, #tpu.memory_space<vmem>>)
      %dma_start3A_151 = arith.constant 0 : i32
      %dma_start3A_152 = arith.constant 0 : i32
      %dma_start3A_153 = tpu.memref_slice %arg38[%dma_start3A_151, %dma_start3A_152] : memref<10000x32xf32, #tpu.memory_space<vmem_shared>> -> memref<10000x32xf32, #tpu.memory_space<vmem_shared>>
      tpu.enqueue_indirect_dma source(%arg29 : memref<80x32xf32, #tpu.memory_space<vmem>>) target(%dma_start3A_153 : memref<10000x32xf32, #tpu.memory_space<vmem_shared>>) offsets(%arg23 : memref<80xi32, #tpu.memory_space<vmem>>) semaphore(%arg37 : memref<!tpu.dma_semaphore, #tpu.memory_space<semaphore_mem>>) {add = true}
      %dma_start3A_154 = arith.constant 0 : i32
      %dma_start3A_155 = arith.constant 0 : i32
      %dma_start3A_156 = tpu.memref_slice %arg39[%dma_start3A_154, %dma_start3A_155] : memref<10000x32xf32, #tpu.memory_space<vmem_shared>> -> memref<10000x32xf32, #tpu.memory_space<vmem_shared>>
      tpu.enqueue_indirect_dma source(%arg30 : memref<80x32xf32, #tpu.memory_space<vmem>>) target(%dma_start3A_156 : memref<10000x32xf32, #tpu.memory_space<vmem_shared>>) offsets(%arg23 : memref<80xi32, #tpu.memory_space<vmem>>) semaphore(%arg37 : memref<!tpu.dma_semaphore, #tpu.memory_space<semaphore_mem>>) {add = true}
      %dma_start3A_157 = arith.constant 0 : i32
      %dma_start3A_158 = arith.constant 0 : i32
      %dma_start3A_159 = tpu.memref_slice %arg40[%dma_start3A_157, %dma_start3A_158] : memref<10000x32xf32, #tpu.memory_space<vmem_shared>> -> memref<10000x32xf32, #tpu.memory_space<vmem_shared>>
      tpu.enqueue_indirect_dma source(%arg31 : memref<80x32xf32, #tpu.memory_space<vmem>>) target(%dma_start3A_159 : memref<10000x32xf32, #tpu.memory_space<vmem_shared>>) offsets(%arg23 : memref<80xi32, #tpu.memory_space<vmem>>) semaphore(%arg37 : memref<!tpu.dma_semaphore, #tpu.memory_space<semaphore_mem>>) {add = true}
      %dma_start3A_160 = arith.constant 0 : i32
      %dma_start3A_161 = arith.constant 0 : i32
      %dma_start3A_162 = tpu.memref_slice %arg41[%dma_start3A_160, %dma_start3A_161] : memref<10000x32xf32, #tpu.memory_space<vmem_shared>> -> memref<10000x32xf32, #tpu.memory_space<vmem_shared>>
      tpu.enqueue_indirect_dma source(%arg32 : memref<80x32xf32, #tpu.memory_space<vmem>>) target(%dma_start3A_162 : memref<10000x32xf32, #tpu.memory_space<vmem_shared>>) offsets(%arg23 : memref<80xi32, #tpu.memory_space<vmem>>) semaphore(%arg37 : memref<!tpu.dma_semaphore, #tpu.memory_space<semaphore_mem>>) {add = true}
      %dma_start3A_163 = arith.constant 0 : i32
      %dma_start3A_164 = arith.constant 0 : i32
      %dma_start3A_165 = tpu.memref_slice %arg42[%dma_start3A_163, %dma_start3A_164] : memref<10000x32xf32, #tpu.memory_space<vmem_shared>> -> memref<10000x32xf32, #tpu.memory_space<vmem_shared>>
      tpu.enqueue_indirect_dma source(%arg33 : memref<80x32xf32, #tpu.memory_space<vmem>>) target(%dma_start3A_165 : memref<10000x32xf32, #tpu.memory_space<vmem_shared>>) offsets(%arg23 : memref<80xi32, #tpu.memory_space<vmem>>) semaphore(%arg37 : memref<!tpu.dma_semaphore, #tpu.memory_space<semaphore_mem>>) {add = true}
      %dma_wait3A_166 = arith.constant 0 : i32
      %dma_wait3A_167 = arith.constant 0 : i32
      %dma_wait3A_168 = tpu.memref_slice %arg38[%dma_wait3A_166, %dma_wait3A_167] : memref<10000x32xf32, #tpu.memory_space<vmem_shared>> -> memref<10000x32xf32, #tpu.memory_space<vmem_shared>>
      tpu.wait_indirect_dma semaphore(%arg36 : memref<!tpu.dma_semaphore, #tpu.memory_space<semaphore_mem>>) src(%arg24 : memref<80x32xf32, #tpu.memory_space<vmem>>) dst(%dma_wait3A_168 : memref<10000x32xf32, #tpu.memory_space<vmem_shared>>)
      %dma_wait3A_169 = arith.constant 0 : i32
      %dma_wait3A_170 = arith.constant 0 : i32
      %dma_wait3A_171 = tpu.memref_slice %arg39[%dma_wait3A_169, %dma_wait3A_170] : memref<10000x32xf32, #tpu.memory_space<vmem_shared>> -> memref<10000x32xf32, #tpu.memory_space<vmem_shared>>
      tpu.wait_indirect_dma semaphore(%arg36 : memref<!tpu.dma_semaphore, #tpu.memory_space<semaphore_mem>>) src(%arg25 : memref<80x32xf32, #tpu.memory_space<vmem>>) dst(%dma_wait3A_171 : memref<10000x32xf32, #tpu.memory_space<vmem_shared>>)
      %dma_wait3A_172 = arith.constant 0 : i32
      %dma_wait3A_173 = arith.constant 0 : i32
      %dma_wait3A_174 = tpu.memref_slice %arg40[%dma_wait3A_172, %dma_wait3A_173] : memref<10000x32xf32, #tpu.memory_space<vmem_shared>> -> memref<10000x32xf32, #tpu.memory_space<vmem_shared>>
      tpu.wait_indirect_dma semaphore(%arg36 : memref<!tpu.dma_semaphore, #tpu.memory_space<semaphore_mem>>) src(%arg26 : memref<80x32xf32, #tpu.memory_space<vmem>>) dst(%dma_wait3A_174 : memref<10000x32xf32, #tpu.memory_space<vmem_shared>>)
      %dma_wait3A_175 = arith.constant 0 : i32
      %dma_wait3A_176 = arith.constant 0 : i32
      %dma_wait3A_177 = tpu.memref_slice %arg41[%dma_wait3A_175, %dma_wait3A_176] : memref<10000x32xf32, #tpu.memory_space<vmem_shared>> -> memref<10000x32xf32, #tpu.memory_space<vmem_shared>>
      tpu.wait_indirect_dma semaphore(%arg36 : memref<!tpu.dma_semaphore, #tpu.memory_space<semaphore_mem>>) src(%arg27 : memref<80x32xf32, #tpu.memory_space<vmem>>) dst(%dma_wait3A_177 : memref<10000x32xf32, #tpu.memory_space<vmem_shared>>)
      %dma_wait3A_178 = arith.constant 0 : i32
      %dma_wait3A_179 = arith.constant 0 : i32
      %dma_wait3A_180 = tpu.memref_slice %arg42[%dma_wait3A_178, %dma_wait3A_179] : memref<10000x32xf32, #tpu.memory_space<vmem_shared>> -> memref<10000x32xf32, #tpu.memory_space<vmem_shared>>
      tpu.wait_indirect_dma semaphore(%arg36 : memref<!tpu.dma_semaphore, #tpu.memory_space<semaphore_mem>>) src(%arg28 : memref<80x32xf32, #tpu.memory_space<vmem>>) dst(%dma_wait3A_180 : memref<10000x32xf32, #tpu.memory_space<vmem_shared>>)
      %dma_wait3A_181 = arith.constant 0 : i32
      %dma_wait3A_182 = arith.constant 0 : i32
      %dma_wait3A_183 = tpu.memref_slice %arg38[%dma_wait3A_181, %dma_wait3A_182] : memref<10000x32xf32, #tpu.memory_space<vmem_shared>> -> memref<10000x32xf32, #tpu.memory_space<vmem_shared>>
      tpu.wait_indirect_dma semaphore(%arg37 : memref<!tpu.dma_semaphore, #tpu.memory_space<semaphore_mem>>) src(%arg29 : memref<80x32xf32, #tpu.memory_space<vmem>>) dst(%dma_wait3A_183 : memref<10000x32xf32, #tpu.memory_space<vmem_shared>>)
      %dma_wait3A_184 = arith.constant 0 : i32
      %dma_wait3A_185 = arith.constant 0 : i32
      %dma_wait3A_186 = tpu.memref_slice %arg39[%dma_wait3A_184, %dma_wait3A_185] : memref<10000x32xf32, #tpu.memory_space<vmem_shared>> -> memref<10000x32xf32, #tpu.memory_space<vmem_shared>>
      tpu.wait_indirect_dma semaphore(%arg37 : memref<!tpu.dma_semaphore, #tpu.memory_space<semaphore_mem>>) src(%arg30 : memref<80x32xf32, #tpu.memory_space<vmem>>) dst(%dma_wait3A_186 : memref<10000x32xf32, #tpu.memory_space<vmem_shared>>)
      %dma_wait3A_187 = arith.constant 0 : i32
      %dma_wait3A_188 = arith.constant 0 : i32
      %dma_wait3A_189 = tpu.memref_slice %arg40[%dma_wait3A_187, %dma_wait3A_188] : memref<10000x32xf32, #tpu.memory_space<vmem_shared>> -> memref<10000x32xf32, #tpu.memory_space<vmem_shared>>
      tpu.wait_indirect_dma semaphore(%arg37 : memref<!tpu.dma_semaphore, #tpu.memory_space<semaphore_mem>>) src(%arg31 : memref<80x32xf32, #tpu.memory_space<vmem>>) dst(%dma_wait3A_189 : memref<10000x32xf32, #tpu.memory_space<vmem_shared>>)
      %dma_wait3A_190 = arith.constant 0 : i32
      %dma_wait3A_191 = arith.constant 0 : i32
      %dma_wait3A_192 = tpu.memref_slice %arg41[%dma_wait3A_190, %dma_wait3A_191] : memref<10000x32xf32, #tpu.memory_space<vmem_shared>> -> memref<10000x32xf32, #tpu.memory_space<vmem_shared>>
      tpu.wait_indirect_dma semaphore(%arg37 : memref<!tpu.dma_semaphore, #tpu.memory_space<semaphore_mem>>) src(%arg32 : memref<80x32xf32, #tpu.memory_space<vmem>>) dst(%dma_wait3A_192 : memref<10000x32xf32, #tpu.memory_space<vmem_shared>>)
      %dma_wait3A_193 = arith.constant 0 : i32
      %dma_wait3A_194 = arith.constant 0 : i32
      %dma_wait3A_195 = tpu.memref_slice %arg42[%dma_wait3A_193, %dma_wait3A_194] : memref<10000x32xf32, #tpu.memory_space<vmem_shared>> -> memref<10000x32xf32, #tpu.memory_space<vmem_shared>>
      tpu.wait_indirect_dma semaphore(%arg37 : memref<!tpu.dma_semaphore, #tpu.memory_space<semaphore_mem>>) src(%arg33 : memref<80x32xf32, #tpu.memory_space<vmem>>) dst(%dma_wait3A_195 : memref<10000x32xf32, #tpu.memory_space<vmem_shared>>)
      %add3A_196 = arith.constant 9920 : i32
      %add3A_197 = arith.addi %mul3A_2, %add3A_196 : i32
      "tpu.region"() ({
        %run_scoped3A = tpu.sem_alloc : memref<!tpu.dma_semaphore, #tpu.memory_space<semaphore_mem>>
        %dma_start3A_278 = tpu.memref_slice %arg2[%add3A_197] : memref<160000xi32, #tpu.memory_space<hbm>> -> memref<80xi32, #tpu.memory_space<hbm>>
        %dma_start3A_279 = tpu.memref_slice %arg2[%add3A_197] : memref<160000xi32, #tpu.memory_space<hbm>> -> memref<80xi32, #tpu.memory_space<hbm>>
        tpu.enqueue_dma source(%dma_start3A_279 : memref<80xi32, #tpu.memory_space<hbm>>) target(%arg22 : memref<80xi32, #tpu.memory_space<vmem>>) target_semaphore(%run_scoped3A : memref<!tpu.dma_semaphore, #tpu.memory_space<semaphore_mem>>)
        %dma_wait3A_280 = tpu.memref_slice %arg2[%add3A_197] : memref<160000xi32, #tpu.memory_space<hbm>> -> memref<80xi32, #tpu.memory_space<hbm>>
        %dma_wait3A_281 = tpu.memref_slice %arg2[%add3A_197] : memref<160000xi32, #tpu.memory_space<hbm>> -> memref<80xi32, #tpu.memory_space<hbm>>
        tpu.wait_dma2 semaphore(%run_scoped3A : memref<!tpu.dma_semaphore, #tpu.memory_space<semaphore_mem>>) src(%dma_wait3A_281 : memref<80xi32, #tpu.memory_space<hbm>>) dst(%arg22 : memref<80xi32, #tpu.memory_space<vmem>>)
        tpu.yield
      }) : () -> ()
      %dma_start3A_198 = arith.constant 0 : i32
      %dma_start3A_199 = tpu.memref_slice %arg3[%add3A_197, %dma_start3A_198] : memref<160000x32xf32, #tpu.memory_space<hbm>> -> memref<80x32xf32, #tpu.memory_space<hbm>>
      %dma_start3A_200 = arith.constant 0 : i32
      %dma_start3A_201 = tpu.memref_slice %arg3[%add3A_197, %dma_start3A_200] : memref<160000x32xf32, #tpu.memory_space<hbm>> -> memref<80x32xf32, #tpu.memory_space<hbm>>
      tpu.enqueue_dma source(%dma_start3A_201 : memref<80x32xf32, #tpu.memory_space<hbm>>) target(%arg24 : memref<80x32xf32, #tpu.memory_space<vmem>>) target_semaphore(%arg34 : memref<!tpu.dma_semaphore, #tpu.memory_space<semaphore_mem>>)
      %dma_start3A_202 = arith.constant 0 : i32
      %dma_start3A_203 = tpu.memref_slice %arg4[%add3A_197, %dma_start3A_202] : memref<160000x32xf32, #tpu.memory_space<hbm>> -> memref<80x32xf32, #tpu.memory_space<hbm>>
      %dma_start3A_204 = arith.constant 0 : i32
      %dma_start3A_205 = tpu.memref_slice %arg4[%add3A_197, %dma_start3A_204] : memref<160000x32xf32, #tpu.memory_space<hbm>> -> memref<80x32xf32, #tpu.memory_space<hbm>>
      tpu.enqueue_dma source(%dma_start3A_205 : memref<80x32xf32, #tpu.memory_space<hbm>>) target(%arg25 : memref<80x32xf32, #tpu.memory_space<vmem>>) target_semaphore(%arg34 : memref<!tpu.dma_semaphore, #tpu.memory_space<semaphore_mem>>)
      %dma_start3A_206 = arith.constant 0 : i32
      %dma_start3A_207 = tpu.memref_slice %arg5[%add3A_197, %dma_start3A_206] : memref<160000x32xf32, #tpu.memory_space<hbm>> -> memref<80x32xf32, #tpu.memory_space<hbm>>
      %dma_start3A_208 = arith.constant 0 : i32
      %dma_start3A_209 = tpu.memref_slice %arg5[%add3A_197, %dma_start3A_208] : memref<160000x32xf32, #tpu.memory_space<hbm>> -> memref<80x32xf32, #tpu.memory_space<hbm>>
      tpu.enqueue_dma source(%dma_start3A_209 : memref<80x32xf32, #tpu.memory_space<hbm>>) target(%arg26 : memref<80x32xf32, #tpu.memory_space<vmem>>) target_semaphore(%arg34 : memref<!tpu.dma_semaphore, #tpu.memory_space<semaphore_mem>>)
      %dma_start3A_210 = arith.constant 0 : i32
      %dma_start3A_211 = tpu.memref_slice %arg6[%add3A_197, %dma_start3A_210] : memref<160000x32xf32, #tpu.memory_space<hbm>> -> memref<80x32xf32, #tpu.memory_space<hbm>>
      %dma_start3A_212 = arith.constant 0 : i32
      %dma_start3A_213 = tpu.memref_slice %arg6[%add3A_197, %dma_start3A_212] : memref<160000x32xf32, #tpu.memory_space<hbm>> -> memref<80x32xf32, #tpu.memory_space<hbm>>
      tpu.enqueue_dma source(%dma_start3A_213 : memref<80x32xf32, #tpu.memory_space<hbm>>) target(%arg27 : memref<80x32xf32, #tpu.memory_space<vmem>>) target_semaphore(%arg34 : memref<!tpu.dma_semaphore, #tpu.memory_space<semaphore_mem>>)
      %dma_start3A_214 = arith.constant 0 : i32
      %dma_start3A_215 = tpu.memref_slice %arg7[%add3A_197, %dma_start3A_214] : memref<160000x32xf32, #tpu.memory_space<hbm>> -> memref<80x32xf32, #tpu.memory_space<hbm>>
      %dma_start3A_216 = arith.constant 0 : i32
      %dma_start3A_217 = tpu.memref_slice %arg7[%add3A_197, %dma_start3A_216] : memref<160000x32xf32, #tpu.memory_space<hbm>> -> memref<80x32xf32, #tpu.memory_space<hbm>>
      tpu.enqueue_dma source(%dma_start3A_217 : memref<80x32xf32, #tpu.memory_space<hbm>>) target(%arg28 : memref<80x32xf32, #tpu.memory_space<vmem>>) target_semaphore(%arg34 : memref<!tpu.dma_semaphore, #tpu.memory_space<semaphore_mem>>)
      %dma_wait3A_218 = arith.constant 0 : i32
      %dma_wait3A_219 = arith.constant 0 : i32
      %dma_wait3A_220 = tpu.memref_slice %arg3[%dma_wait3A_218, %dma_wait3A_219] : memref<160000x32xf32, #tpu.memory_space<hbm>> -> memref<80x32xf32, #tpu.memory_space<hbm>>
      %dma_wait3A_221 = arith.constant 0 : i32
      %dma_wait3A_222 = arith.constant 0 : i32
      %dma_wait3A_223 = tpu.memref_slice %arg3[%dma_wait3A_221, %dma_wait3A_222] : memref<160000x32xf32, #tpu.memory_space<hbm>> -> memref<80x32xf32, #tpu.memory_space<hbm>>
      tpu.wait_dma2 semaphore(%arg34 : memref<!tpu.dma_semaphore, #tpu.memory_space<semaphore_mem>>) src(%dma_wait3A_223 : memref<80x32xf32, #tpu.memory_space<hbm>>) dst(%arg24 : memref<80x32xf32, #tpu.memory_space<vmem>>)
      %dma_wait3A_224 = arith.constant 0 : i32
      %dma_wait3A_225 = arith.constant 0 : i32
      %dma_wait3A_226 = tpu.memref_slice %arg4[%dma_wait3A_224, %dma_wait3A_225] : memref<160000x32xf32, #tpu.memory_space<hbm>> -> memref<80x32xf32, #tpu.memory_space<hbm>>
      %dma_wait3A_227 = arith.constant 0 : i32
      %dma_wait3A_228 = arith.constant 0 : i32
      %dma_wait3A_229 = tpu.memref_slice %arg4[%dma_wait3A_227, %dma_wait3A_228] : memref<160000x32xf32, #tpu.memory_space<hbm>> -> memref<80x32xf32, #tpu.memory_space<hbm>>
      tpu.wait_dma2 semaphore(%arg34 : memref<!tpu.dma_semaphore, #tpu.memory_space<semaphore_mem>>) src(%dma_wait3A_229 : memref<80x32xf32, #tpu.memory_space<hbm>>) dst(%arg25 : memref<80x32xf32, #tpu.memory_space<vmem>>)
      %dma_wait3A_230 = arith.constant 0 : i32
      %dma_wait3A_231 = arith.constant 0 : i32
      %dma_wait3A_232 = tpu.memref_slice %arg5[%dma_wait3A_230, %dma_wait3A_231] : memref<160000x32xf32, #tpu.memory_space<hbm>> -> memref<80x32xf32, #tpu.memory_space<hbm>>
      %dma_wait3A_233 = arith.constant 0 : i32
      %dma_wait3A_234 = arith.constant 0 : i32
      %dma_wait3A_235 = tpu.memref_slice %arg5[%dma_wait3A_233, %dma_wait3A_234] : memref<160000x32xf32, #tpu.memory_space<hbm>> -> memref<80x32xf32, #tpu.memory_space<hbm>>
      tpu.wait_dma2 semaphore(%arg34 : memref<!tpu.dma_semaphore, #tpu.memory_space<semaphore_mem>>) src(%dma_wait3A_235 : memref<80x32xf32, #tpu.memory_space<hbm>>) dst(%arg26 : memref<80x32xf32, #tpu.memory_space<vmem>>)
      %dma_wait3A_236 = arith.constant 0 : i32
      %dma_wait3A_237 = arith.constant 0 : i32
      %dma_wait3A_238 = tpu.memref_slice %arg6[%dma_wait3A_236, %dma_wait3A_237] : memref<160000x32xf32, #tpu.memory_space<hbm>> -> memref<80x32xf32, #tpu.memory_space<hbm>>
      %dma_wait3A_239 = arith.constant 0 : i32
      %dma_wait3A_240 = arith.constant 0 : i32
      %dma_wait3A_241 = tpu.memref_slice %arg6[%dma_wait3A_239, %dma_wait3A_240] : memref<160000x32xf32, #tpu.memory_space<hbm>> -> memref<80x32xf32, #tpu.memory_space<hbm>>
      tpu.wait_dma2 semaphore(%arg34 : memref<!tpu.dma_semaphore, #tpu.memory_space<semaphore_mem>>) src(%dma_wait3A_241 : memref<80x32xf32, #tpu.memory_space<hbm>>) dst(%arg27 : memref<80x32xf32, #tpu.memory_space<vmem>>)
      %dma_wait3A_242 = arith.constant 0 : i32
      %dma_wait3A_243 = arith.constant 0 : i32
      %dma_wait3A_244 = tpu.memref_slice %arg7[%dma_wait3A_242, %dma_wait3A_243] : memref<160000x32xf32, #tpu.memory_space<hbm>> -> memref<80x32xf32, #tpu.memory_space<hbm>>
      %dma_wait3A_245 = arith.constant 0 : i32
      %dma_wait3A_246 = arith.constant 0 : i32
      %dma_wait3A_247 = tpu.memref_slice %arg7[%dma_wait3A_245, %dma_wait3A_246] : memref<160000x32xf32, #tpu.memory_space<hbm>> -> memref<80x32xf32, #tpu.memory_space<hbm>>
      tpu.wait_dma2 semaphore(%arg34 : memref<!tpu.dma_semaphore, #tpu.memory_space<semaphore_mem>>) src(%dma_wait3A_247 : memref<80x32xf32, #tpu.memory_space<hbm>>) dst(%arg28 : memref<80x32xf32, #tpu.memory_space<vmem>>)
      %dma_start3A_248 = arith.constant 0 : i32
      %dma_start3A_249 = arith.constant 0 : i32
      %dma_start3A_250 = tpu.memref_slice %arg38[%dma_start3A_248, %dma_start3A_249] : memref<10000x32xf32, #tpu.memory_space<vmem_shared>> -> memref<10000x32xf32, #tpu.memory_space<vmem_shared>>
      tpu.enqueue_indirect_dma source(%arg24 : memref<80x32xf32, #tpu.memory_space<vmem>>) target(%dma_start3A_250 : memref<10000x32xf32, #tpu.memory_space<vmem_shared>>) offsets(%arg22 : memref<80xi32, #tpu.memory_space<vmem>>) semaphore(%arg36 : memref<!tpu.dma_semaphore, #tpu.memory_space<semaphore_mem>>) {add = true}
      %dma_start3A_251 = arith.constant 0 : i32
      %dma_start3A_252 = arith.constant 0 : i32
      %dma_start3A_253 = tpu.memref_slice %arg39[%dma_start3A_251, %dma_start3A_252] : memref<10000x32xf32, #tpu.memory_space<vmem_shared>> -> memref<10000x32xf32, #tpu.memory_space<vmem_shared>>
      tpu.enqueue_indirect_dma source(%arg25 : memref<80x32xf32, #tpu.memory_space<vmem>>) target(%dma_start3A_253 : memref<10000x32xf32, #tpu.memory_space<vmem_shared>>) offsets(%arg22 : memref<80xi32, #tpu.memory_space<vmem>>) semaphore(%arg36 : memref<!tpu.dma_semaphore, #tpu.memory_space<semaphore_mem>>) {add = true}
      %dma_start3A_254 = arith.constant 0 : i32
      %dma_start3A_255 = arith.constant 0 : i32
      %dma_start3A_256 = tpu.memref_slice %arg40[%dma_start3A_254, %dma_start3A_255] : memref<10000x32xf32, #tpu.memory_space<vmem_shared>> -> memref<10000x32xf32, #tpu.memory_space<vmem_shared>>
      tpu.enqueue_indirect_dma source(%arg26 : memref<80x32xf32, #tpu.memory_space<vmem>>) target(%dma_start3A_256 : memref<10000x32xf32, #tpu.memory_space<vmem_shared>>) offsets(%arg22 : memref<80xi32, #tpu.memory_space<vmem>>) semaphore(%arg36 : memref<!tpu.dma_semaphore, #tpu.memory_space<semaphore_mem>>) {add = true}
      %dma_start3A_257 = arith.constant 0 : i32
      %dma_start3A_258 = arith.constant 0 : i32
      %dma_start3A_259 = tpu.memref_slice %arg41[%dma_start3A_257, %dma_start3A_258] : memref<10000x32xf32, #tpu.memory_space<vmem_shared>> -> memref<10000x32xf32, #tpu.memory_space<vmem_shared>>
      tpu.enqueue_indirect_dma source(%arg27 : memref<80x32xf32, #tpu.memory_space<vmem>>) target(%dma_start3A_259 : memref<10000x32xf32, #tpu.memory_space<vmem_shared>>) offsets(%arg22 : memref<80xi32, #tpu.memory_space<vmem>>) semaphore(%arg36 : memref<!tpu.dma_semaphore, #tpu.memory_space<semaphore_mem>>) {add = true}
      %dma_start3A_260 = arith.constant 0 : i32
      %dma_start3A_261 = arith.constant 0 : i32
      %dma_start3A_262 = tpu.memref_slice %arg42[%dma_start3A_260, %dma_start3A_261] : memref<10000x32xf32, #tpu.memory_space<vmem_shared>> -> memref<10000x32xf32, #tpu.memory_space<vmem_shared>>
      tpu.enqueue_indirect_dma source(%arg28 : memref<80x32xf32, #tpu.memory_space<vmem>>) target(%dma_start3A_262 : memref<10000x32xf32, #tpu.memory_space<vmem_shared>>) offsets(%arg22 : memref<80xi32, #tpu.memory_space<vmem>>) semaphore(%arg36 : memref<!tpu.dma_semaphore, #tpu.memory_space<semaphore_mem>>) {add = true}
      %dma_wait3A_263 = arith.constant 0 : i32
      %dma_wait3A_264 = arith.constant 0 : i32
      %dma_wait3A_265 = tpu.memref_slice %arg38[%dma_wait3A_263, %dma_wait3A_264] : memref<10000x32xf32, #tpu.memory_space<vmem_shared>> -> memref<10000x32xf32, #tpu.memory_space<vmem_shared>>
      tpu.wait_indirect_dma semaphore(%arg36 : memref<!tpu.dma_semaphore, #tpu.memory_space<semaphore_mem>>) src(%arg24 : memref<80x32xf32, #tpu.memory_space<vmem>>) dst(%dma_wait3A_265 : memref<10000x32xf32, #tpu.memory_space<vmem_shared>>)
      %dma_wait3A_266 = arith.constant 0 : i32
      %dma_wait3A_267 = arith.constant 0 : i32
      %dma_wait3A_268 = tpu.memref_slice %arg39[%dma_wait3A_266, %dma_wait3A_267] : memref<10000x32xf32, #tpu.memory_space<vmem_shared>> -> memref<10000x32xf32, #tpu.memory_space<vmem_shared>>
      tpu.wait_indirect_dma semaphore(%arg36 : memref<!tpu.dma_semaphore, #tpu.memory_space<semaphore_mem>>) src(%arg25 : memref<80x32xf32, #tpu.memory_space<vmem>>) dst(%dma_wait3A_268 : memref<10000x32xf32, #tpu.memory_space<vmem_shared>>)
      %dma_wait3A_269 = arith.constant 0 : i32
      %dma_wait3A_270 = arith.constant 0 : i32
      %dma_wait3A_271 = tpu.memref_slice %arg40[%dma_wait3A_269, %dma_wait3A_270] : memref<10000x32xf32, #tpu.memory_space<vmem_shared>> -> memref<10000x32xf32, #tpu.memory_space<vmem_shared>>
      tpu.wait_indirect_dma semaphore(%arg36 : memref<!tpu.dma_semaphore, #tpu.memory_space<semaphore_mem>>) src(%arg26 : memref<80x32xf32, #tpu.memory_space<vmem>>) dst(%dma_wait3A_271 : memref<10000x32xf32, #tpu.memory_space<vmem_shared>>)
      %dma_wait3A_272 = arith.constant 0 : i32
      %dma_wait3A_273 = arith.constant 0 : i32
      %dma_wait3A_274 = tpu.memref_slice %arg41[%dma_wait3A_272, %dma_wait3A_273] : memref<10000x32xf32, #tpu.memory_space<vmem_shared>> -> memref<10000x32xf32, #tpu.memory_space<vmem_shared>>
      tpu.wait_indirect_dma semaphore(%arg36 : memref<!tpu.dma_semaphore, #tpu.memory_space<semaphore_mem>>) src(%arg27 : memref<80x32xf32, #tpu.memory_space<vmem>>) dst(%dma_wait3A_274 : memref<10000x32xf32, #tpu.memory_space<vmem_shared>>)
      %dma_wait3A_275 = arith.constant 0 : i32
      %dma_wait3A_276 = arith.constant 0 : i32
      %dma_wait3A_277 = tpu.memref_slice %arg42[%dma_wait3A_275, %dma_wait3A_276] : memref<10000x32xf32, #tpu.memory_space<vmem_shared>> -> memref<10000x32xf32, #tpu.memory_space<vmem_shared>>
      tpu.wait_indirect_dma semaphore(%arg36 : memref<!tpu.dma_semaphore, #tpu.memory_space<semaphore_mem>>) src(%arg28 : memref<80x32xf32, #tpu.memory_space<vmem>>) dst(%dma_wait3A_277 : memref<10000x32xf32, #tpu.memory_space<vmem_shared>>)
    } else {
    }
    %eq3A_15 = arith.constant 1 : i32
    %eq3A_16 = arith.cmpi eq, %arg0, %eq3A_15 : i32
    %convert_element_type3A_17 = arith.extui %eq3A_16 : i1 to i32
    %cond3A_18 = arith.constant 0 : i32
    %cond3A_19 = arith.cmpi ne, %convert_element_type3A_17, %cond3A_18 : i32
    scf.if %cond3A_19 {
      %add3A = arith.constant 0 : i32
      %add3A_31 = arith.addi %mul3A_2, %add3A : i32
      "tpu.region"() ({
        %run_scoped3A = tpu.sem_alloc : memref<!tpu.dma_semaphore, #tpu.memory_space<semaphore_mem>>
        %dma_start3A_230 = tpu.memref_slice %arg2[%add3A_31] : memref<160000xi32, #tpu.memory_space<hbm>> -> memref<80xi32, #tpu.memory_space<hbm>>
        %dma_start3A_231 = tpu.memref_slice %arg2[%add3A_31] : memref<160000xi32, #tpu.memory_space<hbm>> -> memref<80xi32, #tpu.memory_space<hbm>>
        tpu.enqueue_dma source(%dma_start3A_231 : memref<80xi32, #tpu.memory_space<hbm>>) target(%arg22 : memref<80xi32, #tpu.memory_space<vmem>>) target_semaphore(%run_scoped3A : memref<!tpu.dma_semaphore, #tpu.memory_space<semaphore_mem>>)
        %dma_wait3A_232 = tpu.memref_slice %arg2[%add3A_31] : memref<160000xi32, #tpu.memory_space<hbm>> -> memref<80xi32, #tpu.memory_space<hbm>>
        %dma_wait3A_233 = tpu.memref_slice %arg2[%add3A_31] : memref<160000xi32, #tpu.memory_space<hbm>> -> memref<80xi32, #tpu.memory_space<hbm>>
        tpu.wait_dma2 semaphore(%run_scoped3A : memref<!tpu.dma_semaphore, #tpu.memory_space<semaphore_mem>>) src(%dma_wait3A_233 : memref<80xi32, #tpu.memory_space<hbm>>) dst(%arg22 : memref<80xi32, #tpu.memory_space<vmem>>)
        tpu.yield
      }) : () -> ()
      %dma_start3A = arith.constant 0 : i32
      %dma_start3A_32 = tpu.memref_slice %arg8[%add3A_31, %dma_start3A] : memref<160000x32xf32, #tpu.memory_space<hbm>> -> memref<80x32xf32, #tpu.memory_space<hbm>>
      %dma_start3A_33 = arith.constant 0 : i32
      %dma_start3A_34 = tpu.memref_slice %arg8[%add3A_31, %dma_start3A_33] : memref<160000x32xf32, #tpu.memory_space<hbm>> -> memref<80x32xf32, #tpu.memory_space<hbm>>
      tpu.enqueue_dma source(%dma_start3A_34 : memref<80x32xf32, #tpu.memory_space<hbm>>) target(%arg24 : memref<80x32xf32, #tpu.memory_space<vmem>>) target_semaphore(%arg34 : memref<!tpu.dma_semaphore, #tpu.memory_space<semaphore_mem>>)
      %dma_start3A_35 = arith.constant 0 : i32
      %dma_start3A_36 = tpu.memref_slice %arg9[%add3A_31, %dma_start3A_35] : memref<160000x32xf32, #tpu.memory_space<hbm>> -> memref<80x32xf32, #tpu.memory_space<hbm>>
      %dma_start3A_37 = arith.constant 0 : i32
      %dma_start3A_38 = tpu.memref_slice %arg9[%add3A_31, %dma_start3A_37] : memref<160000x32xf32, #tpu.memory_space<hbm>> -> memref<80x32xf32, #tpu.memory_space<hbm>>
      tpu.enqueue_dma source(%dma_start3A_38 : memref<80x32xf32, #tpu.memory_space<hbm>>) target(%arg25 : memref<80x32xf32, #tpu.memory_space<vmem>>) target_semaphore(%arg34 : memref<!tpu.dma_semaphore, #tpu.memory_space<semaphore_mem>>)
      %dma_start3A_39 = arith.constant 0 : i32
      %dma_start3A_40 = tpu.memref_slice %arg10[%add3A_31, %dma_start3A_39] : memref<160000x32xf32, #tpu.memory_space<hbm>> -> memref<80x32xf32, #tpu.memory_space<hbm>>
      %dma_start3A_41 = arith.constant 0 : i32
      %dma_start3A_42 = tpu.memref_slice %arg10[%add3A_31, %dma_start3A_41] : memref<160000x32xf32, #tpu.memory_space<hbm>> -> memref<80x32xf32, #tpu.memory_space<hbm>>
      tpu.enqueue_dma source(%dma_start3A_42 : memref<80x32xf32, #tpu.memory_space<hbm>>) target(%arg26 : memref<80x32xf32, #tpu.memory_space<vmem>>) target_semaphore(%arg34 : memref<!tpu.dma_semaphore, #tpu.memory_space<semaphore_mem>>)
      %dma_start3A_43 = arith.constant 0 : i32
      %dma_start3A_44 = tpu.memref_slice %arg11[%add3A_31, %dma_start3A_43] : memref<160000x32xf32, #tpu.memory_space<hbm>> -> memref<80x32xf32, #tpu.memory_space<hbm>>
      %dma_start3A_45 = arith.constant 0 : i32
      %dma_start3A_46 = tpu.memref_slice %arg11[%add3A_31, %dma_start3A_45] : memref<160000x32xf32, #tpu.memory_space<hbm>> -> memref<80x32xf32, #tpu.memory_space<hbm>>
      tpu.enqueue_dma source(%dma_start3A_46 : memref<80x32xf32, #tpu.memory_space<hbm>>) target(%arg27 : memref<80x32xf32, #tpu.memory_space<vmem>>) target_semaphore(%arg34 : memref<!tpu.dma_semaphore, #tpu.memory_space<semaphore_mem>>)
      %add3A_47 = arith.constant 80 : i32
      %add3A_48 = arith.addi %mul3A_2, %add3A_47 : i32
      "tpu.region"() ({
        %run_scoped3A = tpu.sem_alloc : memref<!tpu.dma_semaphore, #tpu.memory_space<semaphore_mem>>
        %dma_start3A_230 = tpu.memref_slice %arg2[%add3A_48] : memref<160000xi32, #tpu.memory_space<hbm>> -> memref<80xi32, #tpu.memory_space<hbm>>
        %dma_start3A_231 = tpu.memref_slice %arg2[%add3A_48] : memref<160000xi32, #tpu.memory_space<hbm>> -> memref<80xi32, #tpu.memory_space<hbm>>
        tpu.enqueue_dma source(%dma_start3A_231 : memref<80xi32, #tpu.memory_space<hbm>>) target(%arg23 : memref<80xi32, #tpu.memory_space<vmem>>) target_semaphore(%run_scoped3A : memref<!tpu.dma_semaphore, #tpu.memory_space<semaphore_mem>>)
        %dma_wait3A_232 = tpu.memref_slice %arg2[%add3A_48] : memref<160000xi32, #tpu.memory_space<hbm>> -> memref<80xi32, #tpu.memory_space<hbm>>
        %dma_wait3A_233 = tpu.memref_slice %arg2[%add3A_48] : memref<160000xi32, #tpu.memory_space<hbm>> -> memref<80xi32, #tpu.memory_space<hbm>>
        tpu.wait_dma2 semaphore(%run_scoped3A : memref<!tpu.dma_semaphore, #tpu.memory_space<semaphore_mem>>) src(%dma_wait3A_233 : memref<80xi32, #tpu.memory_space<hbm>>) dst(%arg23 : memref<80xi32, #tpu.memory_space<vmem>>)
        tpu.yield
      }) : () -> ()
      %dma_start3A_49 = arith.constant 0 : i32
      %dma_start3A_50 = tpu.memref_slice %arg8[%add3A_48, %dma_start3A_49] : memref<160000x32xf32, #tpu.memory_space<hbm>> -> memref<80x32xf32, #tpu.memory_space<hbm>>
      %dma_start3A_51 = arith.constant 0 : i32
      %dma_start3A_52 = tpu.memref_slice %arg8[%add3A_48, %dma_start3A_51] : memref<160000x32xf32, #tpu.memory_space<hbm>> -> memref<80x32xf32, #tpu.memory_space<hbm>>
      tpu.enqueue_dma source(%dma_start3A_52 : memref<80x32xf32, #tpu.memory_space<hbm>>) target(%arg29 : memref<80x32xf32, #tpu.memory_space<vmem>>) target_semaphore(%arg35 : memref<!tpu.dma_semaphore, #tpu.memory_space<semaphore_mem>>)
      %dma_start3A_53 = arith.constant 0 : i32
      %dma_start3A_54 = tpu.memref_slice %arg9[%add3A_48, %dma_start3A_53] : memref<160000x32xf32, #tpu.memory_space<hbm>> -> memref<80x32xf32, #tpu.memory_space<hbm>>
      %dma_start3A_55 = arith.constant 0 : i32
      %dma_start3A_56 = tpu.memref_slice %arg9[%add3A_48, %dma_start3A_55] : memref<160000x32xf32, #tpu.memory_space<hbm>> -> memref<80x32xf32, #tpu.memory_space<hbm>>
      tpu.enqueue_dma source(%dma_start3A_56 : memref<80x32xf32, #tpu.memory_space<hbm>>) target(%arg30 : memref<80x32xf32, #tpu.memory_space<vmem>>) target_semaphore(%arg35 : memref<!tpu.dma_semaphore, #tpu.memory_space<semaphore_mem>>)
      %dma_start3A_57 = arith.constant 0 : i32
      %dma_start3A_58 = tpu.memref_slice %arg10[%add3A_48, %dma_start3A_57] : memref<160000x32xf32, #tpu.memory_space<hbm>> -> memref<80x32xf32, #tpu.memory_space<hbm>>
      %dma_start3A_59 = arith.constant 0 : i32
      %dma_start3A_60 = tpu.memref_slice %arg10[%add3A_48, %dma_start3A_59] : memref<160000x32xf32, #tpu.memory_space<hbm>> -> memref<80x32xf32, #tpu.memory_space<hbm>>
      tpu.enqueue_dma source(%dma_start3A_60 : memref<80x32xf32, #tpu.memory_space<hbm>>) target(%arg31 : memref<80x32xf32, #tpu.memory_space<vmem>>) target_semaphore(%arg35 : memref<!tpu.dma_semaphore, #tpu.memory_space<semaphore_mem>>)
      %dma_start3A_61 = arith.constant 0 : i32
      %dma_start3A_62 = tpu.memref_slice %arg11[%add3A_48, %dma_start3A_61] : memref<160000x32xf32, #tpu.memory_space<hbm>> -> memref<80x32xf32, #tpu.memory_space<hbm>>
      %dma_start3A_63 = arith.constant 0 : i32
      %dma_start3A_64 = tpu.memref_slice %arg11[%add3A_48, %dma_start3A_63] : memref<160000x32xf32, #tpu.memory_space<hbm>> -> memref<80x32xf32, #tpu.memory_space<hbm>>
      tpu.enqueue_dma source(%dma_start3A_64 : memref<80x32xf32, #tpu.memory_space<hbm>>) target(%arg32 : memref<80x32xf32, #tpu.memory_space<vmem>>) target_semaphore(%arg35 : memref<!tpu.dma_semaphore, #tpu.memory_space<semaphore_mem>>)
      %scan3A = arith.constant 0 : i32
      %scan3A_65 = arith.constant 61 : i32
      %scan3A_66 = arith.addi %scan3A, %scan3A_65 : i32
      %scan3A_67 = arith.constant 1 : i32
      scf.for %scan3A_230 = %scan3A to %scan3A_66 step %scan3A_67  : i32 {
        %mul3A_231 = arith.constant 2 : i32
        %mul3A_232 = arith.muli %scan3A_230, %mul3A_231 : i32
        %add3A_233 = arith.constant 2 : i32
        %add3A_234 = arith.addi %add3A_233, %mul3A_232 : i32
        %dma_wait3A_235 = arith.constant 0 : i32
        %dma_wait3A_236 = arith.constant 0 : i32
        %dma_wait3A_237 = tpu.memref_slice %arg8[%dma_wait3A_235, %dma_wait3A_236] : memref<160000x32xf32, #tpu.memory_space<hbm>> -> memref<80x32xf32, #tpu.memory_space<hbm>>
        %dma_wait3A_238 = arith.constant 0 : i32
        %dma_wait3A_239 = arith.constant 0 : i32
        %dma_wait3A_240 = tpu.memref_slice %arg8[%dma_wait3A_238, %dma_wait3A_239] : memref<160000x32xf32, #tpu.memory_space<hbm>> -> memref<80x32xf32, #tpu.memory_space<hbm>>
        tpu.wait_dma2 semaphore(%arg34 : memref<!tpu.dma_semaphore, #tpu.memory_space<semaphore_mem>>) src(%dma_wait3A_240 : memref<80x32xf32, #tpu.memory_space<hbm>>) dst(%arg24 : memref<80x32xf32, #tpu.memory_space<vmem>>)
        %dma_wait3A_241 = arith.constant 0 : i32
        %dma_wait3A_242 = arith.constant 0 : i32
        %dma_wait3A_243 = tpu.memref_slice %arg9[%dma_wait3A_241, %dma_wait3A_242] : memref<160000x32xf32, #tpu.memory_space<hbm>> -> memref<80x32xf32, #tpu.memory_space<hbm>>
        %dma_wait3A_244 = arith.constant 0 : i32
        %dma_wait3A_245 = arith.constant 0 : i32
        %dma_wait3A_246 = tpu.memref_slice %arg9[%dma_wait3A_244, %dma_wait3A_245] : memref<160000x32xf32, #tpu.memory_space<hbm>> -> memref<80x32xf32, #tpu.memory_space<hbm>>
        tpu.wait_dma2 semaphore(%arg34 : memref<!tpu.dma_semaphore, #tpu.memory_space<semaphore_mem>>) src(%dma_wait3A_246 : memref<80x32xf32, #tpu.memory_space<hbm>>) dst(%arg25 : memref<80x32xf32, #tpu.memory_space<vmem>>)
        %dma_wait3A_247 = arith.constant 0 : i32
        %dma_wait3A_248 = arith.constant 0 : i32
        %dma_wait3A_249 = tpu.memref_slice %arg10[%dma_wait3A_247, %dma_wait3A_248] : memref<160000x32xf32, #tpu.memory_space<hbm>> -> memref<80x32xf32, #tpu.memory_space<hbm>>
        %dma_wait3A_250 = arith.constant 0 : i32
        %dma_wait3A_251 = arith.constant 0 : i32
        %dma_wait3A_252 = tpu.memref_slice %arg10[%dma_wait3A_250, %dma_wait3A_251] : memref<160000x32xf32, #tpu.memory_space<hbm>> -> memref<80x32xf32, #tpu.memory_space<hbm>>
        tpu.wait_dma2 semaphore(%arg34 : memref<!tpu.dma_semaphore, #tpu.memory_space<semaphore_mem>>) src(%dma_wait3A_252 : memref<80x32xf32, #tpu.memory_space<hbm>>) dst(%arg26 : memref<80x32xf32, #tpu.memory_space<vmem>>)
        %dma_wait3A_253 = arith.constant 0 : i32
        %dma_wait3A_254 = arith.constant 0 : i32
        %dma_wait3A_255 = tpu.memref_slice %arg11[%dma_wait3A_253, %dma_wait3A_254] : memref<160000x32xf32, #tpu.memory_space<hbm>> -> memref<80x32xf32, #tpu.memory_space<hbm>>
        %dma_wait3A_256 = arith.constant 0 : i32
        %dma_wait3A_257 = arith.constant 0 : i32
        %dma_wait3A_258 = tpu.memref_slice %arg11[%dma_wait3A_256, %dma_wait3A_257] : memref<160000x32xf32, #tpu.memory_space<hbm>> -> memref<80x32xf32, #tpu.memory_space<hbm>>
        tpu.wait_dma2 semaphore(%arg34 : memref<!tpu.dma_semaphore, #tpu.memory_space<semaphore_mem>>) src(%dma_wait3A_258 : memref<80x32xf32, #tpu.memory_space<hbm>>) dst(%arg27 : memref<80x32xf32, #tpu.memory_space<vmem>>)
        %dma_start3A_259 = arith.constant 0 : i32
        %dma_start3A_260 = arith.constant 0 : i32
        %dma_start3A_261 = tpu.memref_slice %arg38[%dma_start3A_259, %dma_start3A_260] : memref<10000x32xf32, #tpu.memory_space<vmem_shared>> -> memref<10000x32xf32, #tpu.memory_space<vmem_shared>>
        tpu.enqueue_indirect_dma source(%arg24 : memref<80x32xf32, #tpu.memory_space<vmem>>) target(%dma_start3A_261 : memref<10000x32xf32, #tpu.memory_space<vmem_shared>>) offsets(%arg22 : memref<80xi32, #tpu.memory_space<vmem>>) semaphore(%arg36 : memref<!tpu.dma_semaphore, #tpu.memory_space<semaphore_mem>>) {add = true}
        %dma_start3A_262 = arith.constant 0 : i32
        %dma_start3A_263 = arith.constant 0 : i32
        %dma_start3A_264 = tpu.memref_slice %arg39[%dma_start3A_262, %dma_start3A_263] : memref<10000x32xf32, #tpu.memory_space<vmem_shared>> -> memref<10000x32xf32, #tpu.memory_space<vmem_shared>>
        tpu.enqueue_indirect_dma source(%arg25 : memref<80x32xf32, #tpu.memory_space<vmem>>) target(%dma_start3A_264 : memref<10000x32xf32, #tpu.memory_space<vmem_shared>>) offsets(%arg22 : memref<80xi32, #tpu.memory_space<vmem>>) semaphore(%arg36 : memref<!tpu.dma_semaphore, #tpu.memory_space<semaphore_mem>>) {add = true}
        %dma_start3A_265 = arith.constant 0 : i32
        %dma_start3A_266 = arith.constant 0 : i32
        %dma_start3A_267 = tpu.memref_slice %arg40[%dma_start3A_265, %dma_start3A_266] : memref<10000x32xf32, #tpu.memory_space<vmem_shared>> -> memref<10000x32xf32, #tpu.memory_space<vmem_shared>>
        tpu.enqueue_indirect_dma source(%arg26 : memref<80x32xf32, #tpu.memory_space<vmem>>) target(%dma_start3A_267 : memref<10000x32xf32, #tpu.memory_space<vmem_shared>>) offsets(%arg22 : memref<80xi32, #tpu.memory_space<vmem>>) semaphore(%arg36 : memref<!tpu.dma_semaphore, #tpu.memory_space<semaphore_mem>>) {add = true}
        %dma_start3A_268 = arith.constant 0 : i32
        %dma_start3A_269 = arith.constant 0 : i32
        %dma_start3A_270 = tpu.memref_slice %arg41[%dma_start3A_268, %dma_start3A_269] : memref<10000x32xf32, #tpu.memory_space<vmem_shared>> -> memref<10000x32xf32, #tpu.memory_space<vmem_shared>>
        tpu.enqueue_indirect_dma source(%arg27 : memref<80x32xf32, #tpu.memory_space<vmem>>) target(%dma_start3A_270 : memref<10000x32xf32, #tpu.memory_space<vmem_shared>>) offsets(%arg22 : memref<80xi32, #tpu.memory_space<vmem>>) semaphore(%arg36 : memref<!tpu.dma_semaphore, #tpu.memory_space<semaphore_mem>>) {add = true}
        %dma_wait3A_271 = arith.constant 0 : i32
        %dma_wait3A_272 = arith.constant 0 : i32
        %dma_wait3A_273 = tpu.memref_slice %arg8[%dma_wait3A_271, %dma_wait3A_272] : memref<160000x32xf32, #tpu.memory_space<hbm>> -> memref<80x32xf32, #tpu.memory_space<hbm>>
        %dma_wait3A_274 = arith.constant 0 : i32
        %dma_wait3A_275 = arith.constant 0 : i32
        %dma_wait3A_276 = tpu.memref_slice %arg8[%dma_wait3A_274, %dma_wait3A_275] : memref<160000x32xf32, #tpu.memory_space<hbm>> -> memref<80x32xf32, #tpu.memory_space<hbm>>
        tpu.wait_dma2 semaphore(%arg35 : memref<!tpu.dma_semaphore, #tpu.memory_space<semaphore_mem>>) src(%dma_wait3A_276 : memref<80x32xf32, #tpu.memory_space<hbm>>) dst(%arg29 : memref<80x32xf32, #tpu.memory_space<vmem>>)
        %dma_wait3A_277 = arith.constant 0 : i32
        %dma_wait3A_278 = arith.constant 0 : i32
        %dma_wait3A_279 = tpu.memref_slice %arg9[%dma_wait3A_277, %dma_wait3A_278] : memref<160000x32xf32, #tpu.memory_space<hbm>> -> memref<80x32xf32, #tpu.memory_space<hbm>>
        %dma_wait3A_280 = arith.constant 0 : i32
        %dma_wait3A_281 = arith.constant 0 : i32
        %dma_wait3A_282 = tpu.memref_slice %arg9[%dma_wait3A_280, %dma_wait3A_281] : memref<160000x32xf32, #tpu.memory_space<hbm>> -> memref<80x32xf32, #tpu.memory_space<hbm>>
        tpu.wait_dma2 semaphore(%arg35 : memref<!tpu.dma_semaphore, #tpu.memory_space<semaphore_mem>>) src(%dma_wait3A_282 : memref<80x32xf32, #tpu.memory_space<hbm>>) dst(%arg30 : memref<80x32xf32, #tpu.memory_space<vmem>>)
        %dma_wait3A_283 = arith.constant 0 : i32
        %dma_wait3A_284 = arith.constant 0 : i32
        %dma_wait3A_285 = tpu.memref_slice %arg10[%dma_wait3A_283, %dma_wait3A_284] : memref<160000x32xf32, #tpu.memory_space<hbm>> -> memref<80x32xf32, #tpu.memory_space<hbm>>
        %dma_wait3A_286 = arith.constant 0 : i32
        %dma_wait3A_287 = arith.constant 0 : i32
        %dma_wait3A_288 = tpu.memref_slice %arg10[%dma_wait3A_286, %dma_wait3A_287] : memref<160000x32xf32, #tpu.memory_space<hbm>> -> memref<80x32xf32, #tpu.memory_space<hbm>>
        tpu.wait_dma2 semaphore(%arg35 : memref<!tpu.dma_semaphore, #tpu.memory_space<semaphore_mem>>) src(%dma_wait3A_288 : memref<80x32xf32, #tpu.memory_space<hbm>>) dst(%arg31 : memref<80x32xf32, #tpu.memory_space<vmem>>)
        %dma_wait3A_289 = arith.constant 0 : i32
        %dma_wait3A_290 = arith.constant 0 : i32
        %dma_wait3A_291 = tpu.memref_slice %arg11[%dma_wait3A_289, %dma_wait3A_290] : memref<160000x32xf32, #tpu.memory_space<hbm>> -> memref<80x32xf32, #tpu.memory_space<hbm>>
        %dma_wait3A_292 = arith.constant 0 : i32
        %dma_wait3A_293 = arith.constant 0 : i32
        %dma_wait3A_294 = tpu.memref_slice %arg11[%dma_wait3A_292, %dma_wait3A_293] : memref<160000x32xf32, #tpu.memory_space<hbm>> -> memref<80x32xf32, #tpu.memory_space<hbm>>
        tpu.wait_dma2 semaphore(%arg35 : memref<!tpu.dma_semaphore, #tpu.memory_space<semaphore_mem>>) src(%dma_wait3A_294 : memref<80x32xf32, #tpu.memory_space<hbm>>) dst(%arg32 : memref<80x32xf32, #tpu.memory_space<vmem>>)
        %dma_start3A_295 = arith.constant 0 : i32
        %dma_start3A_296 = arith.constant 0 : i32
        %dma_start3A_297 = tpu.memref_slice %arg38[%dma_start3A_295, %dma_start3A_296] : memref<10000x32xf32, #tpu.memory_space<vmem_shared>> -> memref<10000x32xf32, #tpu.memory_space<vmem_shared>>
        tpu.enqueue_indirect_dma source(%arg29 : memref<80x32xf32, #tpu.memory_space<vmem>>) target(%dma_start3A_297 : memref<10000x32xf32, #tpu.memory_space<vmem_shared>>) offsets(%arg23 : memref<80xi32, #tpu.memory_space<vmem>>) semaphore(%arg37 : memref<!tpu.dma_semaphore, #tpu.memory_space<semaphore_mem>>) {add = true}
        %dma_start3A_298 = arith.constant 0 : i32
        %dma_start3A_299 = arith.constant 0 : i32
        %dma_start3A_300 = tpu.memref_slice %arg39[%dma_start3A_298, %dma_start3A_299] : memref<10000x32xf32, #tpu.memory_space<vmem_shared>> -> memref<10000x32xf32, #tpu.memory_space<vmem_shared>>
        tpu.enqueue_indirect_dma source(%arg30 : memref<80x32xf32, #tpu.memory_space<vmem>>) target(%dma_start3A_300 : memref<10000x32xf32, #tpu.memory_space<vmem_shared>>) offsets(%arg23 : memref<80xi32, #tpu.memory_space<vmem>>) semaphore(%arg37 : memref<!tpu.dma_semaphore, #tpu.memory_space<semaphore_mem>>) {add = true}
        %dma_start3A_301 = arith.constant 0 : i32
        %dma_start3A_302 = arith.constant 0 : i32
        %dma_start3A_303 = tpu.memref_slice %arg40[%dma_start3A_301, %dma_start3A_302] : memref<10000x32xf32, #tpu.memory_space<vmem_shared>> -> memref<10000x32xf32, #tpu.memory_space<vmem_shared>>
        tpu.enqueue_indirect_dma source(%arg31 : memref<80x32xf32, #tpu.memory_space<vmem>>) target(%dma_start3A_303 : memref<10000x32xf32, #tpu.memory_space<vmem_shared>>) offsets(%arg23 : memref<80xi32, #tpu.memory_space<vmem>>) semaphore(%arg37 : memref<!tpu.dma_semaphore, #tpu.memory_space<semaphore_mem>>) {add = true}
        %dma_start3A_304 = arith.constant 0 : i32
        %dma_start3A_305 = arith.constant 0 : i32
        %dma_start3A_306 = tpu.memref_slice %arg41[%dma_start3A_304, %dma_start3A_305] : memref<10000x32xf32, #tpu.memory_space<vmem_shared>> -> memref<10000x32xf32, #tpu.memory_space<vmem_shared>>
        tpu.enqueue_indirect_dma source(%arg32 : memref<80x32xf32, #tpu.memory_space<vmem>>) target(%dma_start3A_306 : memref<10000x32xf32, #tpu.memory_space<vmem_shared>>) offsets(%arg23 : memref<80xi32, #tpu.memory_space<vmem>>) semaphore(%arg37 : memref<!tpu.dma_semaphore, #tpu.memory_space<semaphore_mem>>) {add = true}
        %dma_wait3A_307 = arith.constant 0 : i32
        %dma_wait3A_308 = arith.constant 0 : i32
        %dma_wait3A_309 = tpu.memref_slice %arg38[%dma_wait3A_307, %dma_wait3A_308] : memref<10000x32xf32, #tpu.memory_space<vmem_shared>> -> memref<10000x32xf32, #tpu.memory_space<vmem_shared>>
        tpu.wait_indirect_dma semaphore(%arg36 : memref<!tpu.dma_semaphore, #tpu.memory_space<semaphore_mem>>) src(%arg24 : memref<80x32xf32, #tpu.memory_space<vmem>>) dst(%dma_wait3A_309 : memref<10000x32xf32, #tpu.memory_space<vmem_shared>>)
        %dma_wait3A_310 = arith.constant 0 : i32
        %dma_wait3A_311 = arith.constant 0 : i32
        %dma_wait3A_312 = tpu.memref_slice %arg39[%dma_wait3A_310, %dma_wait3A_311] : memref<10000x32xf32, #tpu.memory_space<vmem_shared>> -> memref<10000x32xf32, #tpu.memory_space<vmem_shared>>
        tpu.wait_indirect_dma semaphore(%arg36 : memref<!tpu.dma_semaphore, #tpu.memory_space<semaphore_mem>>) src(%arg25 : memref<80x32xf32, #tpu.memory_space<vmem>>) dst(%dma_wait3A_312 : memref<10000x32xf32, #tpu.memory_space<vmem_shared>>)
        %dma_wait3A_313 = arith.constant 0 : i32
        %dma_wait3A_314 = arith.constant 0 : i32
        %dma_wait3A_315 = tpu.memref_slice %arg40[%dma_wait3A_313, %dma_wait3A_314] : memref<10000x32xf32, #tpu.memory_space<vmem_shared>> -> memref<10000x32xf32, #tpu.memory_space<vmem_shared>>
        tpu.wait_indirect_dma semaphore(%arg36 : memref<!tpu.dma_semaphore, #tpu.memory_space<semaphore_mem>>) src(%arg26 : memref<80x32xf32, #tpu.memory_space<vmem>>) dst(%dma_wait3A_315 : memref<10000x32xf32, #tpu.memory_space<vmem_shared>>)
        %dma_wait3A_316 = arith.constant 0 : i32
        %dma_wait3A_317 = arith.constant 0 : i32
        %dma_wait3A_318 = tpu.memref_slice %arg41[%dma_wait3A_316, %dma_wait3A_317] : memref<10000x32xf32, #tpu.memory_space<vmem_shared>> -> memref<10000x32xf32, #tpu.memory_space<vmem_shared>>
        tpu.wait_indirect_dma semaphore(%arg36 : memref<!tpu.dma_semaphore, #tpu.memory_space<semaphore_mem>>) src(%arg27 : memref<80x32xf32, #tpu.memory_space<vmem>>) dst(%dma_wait3A_318 : memref<10000x32xf32, #tpu.memory_space<vmem_shared>>)
        %add3A_319 = arith.constant 0 : i32
        %add3A_320 = arith.addi %add3A_234, %add3A_319 : i32
        %mul3A_321 = arith.constant 80 : i32
        %mul3A_322 = arith.muli %add3A_320, %mul3A_321 : i32
        %add3A_323 = arith.addi %mul3A_2, %mul3A_322 : i32
        "tpu.region"() ({
          %run_scoped3A = tpu.sem_alloc : memref<!tpu.dma_semaphore, #tpu.memory_space<semaphore_mem>>
          %dma_start3A_373 = tpu.memref_slice %arg2[%add3A_323] : memref<160000xi32, #tpu.memory_space<hbm>> -> memref<80xi32, #tpu.memory_space<hbm>>
          %dma_start3A_374 = tpu.memref_slice %arg2[%add3A_323] : memref<160000xi32, #tpu.memory_space<hbm>> -> memref<80xi32, #tpu.memory_space<hbm>>
          tpu.enqueue_dma source(%dma_start3A_374 : memref<80xi32, #tpu.memory_space<hbm>>) target(%arg22 : memref<80xi32, #tpu.memory_space<vmem>>) target_semaphore(%run_scoped3A : memref<!tpu.dma_semaphore, #tpu.memory_space<semaphore_mem>>)
          %dma_wait3A_375 = tpu.memref_slice %arg2[%add3A_323] : memref<160000xi32, #tpu.memory_space<hbm>> -> memref<80xi32, #tpu.memory_space<hbm>>
          %dma_wait3A_376 = tpu.memref_slice %arg2[%add3A_323] : memref<160000xi32, #tpu.memory_space<hbm>> -> memref<80xi32, #tpu.memory_space<hbm>>
          tpu.wait_dma2 semaphore(%run_scoped3A : memref<!tpu.dma_semaphore, #tpu.memory_space<semaphore_mem>>) src(%dma_wait3A_376 : memref<80xi32, #tpu.memory_space<hbm>>) dst(%arg22 : memref<80xi32, #tpu.memory_space<vmem>>)
          tpu.yield
        }) : () -> ()
        %dma_start3A_324 = arith.constant 0 : i32
        %dma_start3A_325 = tpu.memref_slice %arg8[%add3A_323, %dma_start3A_324] : memref<160000x32xf32, #tpu.memory_space<hbm>> -> memref<80x32xf32, #tpu.memory_space<hbm>>
        %dma_start3A_326 = arith.constant 0 : i32
        %dma_start3A_327 = tpu.memref_slice %arg8[%add3A_323, %dma_start3A_326] : memref<160000x32xf32, #tpu.memory_space<hbm>> -> memref<80x32xf32, #tpu.memory_space<hbm>>
        tpu.enqueue_dma source(%dma_start3A_327 : memref<80x32xf32, #tpu.memory_space<hbm>>) target(%arg24 : memref<80x32xf32, #tpu.memory_space<vmem>>) target_semaphore(%arg34 : memref<!tpu.dma_semaphore, #tpu.memory_space<semaphore_mem>>)
        %dma_start3A_328 = arith.constant 0 : i32
        %dma_start3A_329 = tpu.memref_slice %arg9[%add3A_323, %dma_start3A_328] : memref<160000x32xf32, #tpu.memory_space<hbm>> -> memref<80x32xf32, #tpu.memory_space<hbm>>
        %dma_start3A_330 = arith.constant 0 : i32
        %dma_start3A_331 = tpu.memref_slice %arg9[%add3A_323, %dma_start3A_330] : memref<160000x32xf32, #tpu.memory_space<hbm>> -> memref<80x32xf32, #tpu.memory_space<hbm>>
        tpu.enqueue_dma source(%dma_start3A_331 : memref<80x32xf32, #tpu.memory_space<hbm>>) target(%arg25 : memref<80x32xf32, #tpu.memory_space<vmem>>) target_semaphore(%arg34 : memref<!tpu.dma_semaphore, #tpu.memory_space<semaphore_mem>>)
        %dma_start3A_332 = arith.constant 0 : i32
        %dma_start3A_333 = tpu.memref_slice %arg10[%add3A_323, %dma_start3A_332] : memref<160000x32xf32, #tpu.memory_space<hbm>> -> memref<80x32xf32, #tpu.memory_space<hbm>>
        %dma_start3A_334 = arith.constant 0 : i32
        %dma_start3A_335 = tpu.memref_slice %arg10[%add3A_323, %dma_start3A_334] : memref<160000x32xf32, #tpu.memory_space<hbm>> -> memref<80x32xf32, #tpu.memory_space<hbm>>
        tpu.enqueue_dma source(%dma_start3A_335 : memref<80x32xf32, #tpu.memory_space<hbm>>) target(%arg26 : memref<80x32xf32, #tpu.memory_space<vmem>>) target_semaphore(%arg34 : memref<!tpu.dma_semaphore, #tpu.memory_space<semaphore_mem>>)
        %dma_start3A_336 = arith.constant 0 : i32
        %dma_start3A_337 = tpu.memref_slice %arg11[%add3A_323, %dma_start3A_336] : memref<160000x32xf32, #tpu.memory_space<hbm>> -> memref<80x32xf32, #tpu.memory_space<hbm>>
        %dma_start3A_338 = arith.constant 0 : i32
        %dma_start3A_339 = tpu.memref_slice %arg11[%add3A_323, %dma_start3A_338] : memref<160000x32xf32, #tpu.memory_space<hbm>> -> memref<80x32xf32, #tpu.memory_space<hbm>>
        tpu.enqueue_dma source(%dma_start3A_339 : memref<80x32xf32, #tpu.memory_space<hbm>>) target(%arg27 : memref<80x32xf32, #tpu.memory_space<vmem>>) target_semaphore(%arg34 : memref<!tpu.dma_semaphore, #tpu.memory_space<semaphore_mem>>)
        %dma_wait3A_340 = arith.constant 0 : i32
        %dma_wait3A_341 = arith.constant 0 : i32
        %dma_wait3A_342 = tpu.memref_slice %arg38[%dma_wait3A_340, %dma_wait3A_341] : memref<10000x32xf32, #tpu.memory_space<vmem_shared>> -> memref<10000x32xf32, #tpu.memory_space<vmem_shared>>
        tpu.wait_indirect_dma semaphore(%arg37 : memref<!tpu.dma_semaphore, #tpu.memory_space<semaphore_mem>>) src(%arg29 : memref<80x32xf32, #tpu.memory_space<vmem>>) dst(%dma_wait3A_342 : memref<10000x32xf32, #tpu.memory_space<vmem_shared>>)
        %dma_wait3A_343 = arith.constant 0 : i32
        %dma_wait3A_344 = arith.constant 0 : i32
        %dma_wait3A_345 = tpu.memref_slice %arg39[%dma_wait3A_343, %dma_wait3A_344] : memref<10000x32xf32, #tpu.memory_space<vmem_shared>> -> memref<10000x32xf32, #tpu.memory_space<vmem_shared>>
        tpu.wait_indirect_dma semaphore(%arg37 : memref<!tpu.dma_semaphore, #tpu.memory_space<semaphore_mem>>) src(%arg30 : memref<80x32xf32, #tpu.memory_space<vmem>>) dst(%dma_wait3A_345 : memref<10000x32xf32, #tpu.memory_space<vmem_shared>>)
        %dma_wait3A_346 = arith.constant 0 : i32
        %dma_wait3A_347 = arith.constant 0 : i32
        %dma_wait3A_348 = tpu.memref_slice %arg40[%dma_wait3A_346, %dma_wait3A_347] : memref<10000x32xf32, #tpu.memory_space<vmem_shared>> -> memref<10000x32xf32, #tpu.memory_space<vmem_shared>>
        tpu.wait_indirect_dma semaphore(%arg37 : memref<!tpu.dma_semaphore, #tpu.memory_space<semaphore_mem>>) src(%arg31 : memref<80x32xf32, #tpu.memory_space<vmem>>) dst(%dma_wait3A_348 : memref<10000x32xf32, #tpu.memory_space<vmem_shared>>)
        %dma_wait3A_349 = arith.constant 0 : i32
        %dma_wait3A_350 = arith.constant 0 : i32
        %dma_wait3A_351 = tpu.memref_slice %arg41[%dma_wait3A_349, %dma_wait3A_350] : memref<10000x32xf32, #tpu.memory_space<vmem_shared>> -> memref<10000x32xf32, #tpu.memory_space<vmem_shared>>
        tpu.wait_indirect_dma semaphore(%arg37 : memref<!tpu.dma_semaphore, #tpu.memory_space<semaphore_mem>>) src(%arg32 : memref<80x32xf32, #tpu.memory_space<vmem>>) dst(%dma_wait3A_351 : memref<10000x32xf32, #tpu.memory_space<vmem_shared>>)
        %add3A_352 = arith.constant 1 : i32
        %add3A_353 = arith.addi %add3A_234, %add3A_352 : i32
        %mul3A_354 = arith.constant 80 : i32
        %mul3A_355 = arith.muli %add3A_353, %mul3A_354 : i32
        %add3A_356 = arith.addi %mul3A_2, %mul3A_355 : i32
        "tpu.region"() ({
          %run_scoped3A = tpu.sem_alloc : memref<!tpu.dma_semaphore, #tpu.memory_space<semaphore_mem>>
          %dma_start3A_373 = tpu.memref_slice %arg2[%add3A_356] : memref<160000xi32, #tpu.memory_space<hbm>> -> memref<80xi32, #tpu.memory_space<hbm>>
          %dma_start3A_374 = tpu.memref_slice %arg2[%add3A_356] : memref<160000xi32, #tpu.memory_space<hbm>> -> memref<80xi32, #tpu.memory_space<hbm>>
          tpu.enqueue_dma source(%dma_start3A_374 : memref<80xi32, #tpu.memory_space<hbm>>) target(%arg23 : memref<80xi32, #tpu.memory_space<vmem>>) target_semaphore(%run_scoped3A : memref<!tpu.dma_semaphore, #tpu.memory_space<semaphore_mem>>)
          %dma_wait3A_375 = tpu.memref_slice %arg2[%add3A_356] : memref<160000xi32, #tpu.memory_space<hbm>> -> memref<80xi32, #tpu.memory_space<hbm>>
          %dma_wait3A_376 = tpu.memref_slice %arg2[%add3A_356] : memref<160000xi32, #tpu.memory_space<hbm>> -> memref<80xi32, #tpu.memory_space<hbm>>
          tpu.wait_dma2 semaphore(%run_scoped3A : memref<!tpu.dma_semaphore, #tpu.memory_space<semaphore_mem>>) src(%dma_wait3A_376 : memref<80xi32, #tpu.memory_space<hbm>>) dst(%arg23 : memref<80xi32, #tpu.memory_space<vmem>>)
          tpu.yield
        }) : () -> ()
        %dma_start3A_357 = arith.constant 0 : i32
        %dma_start3A_358 = tpu.memref_slice %arg8[%add3A_356, %dma_start3A_357] : memref<160000x32xf32, #tpu.memory_space<hbm>> -> memref<80x32xf32, #tpu.memory_space<hbm>>
        %dma_start3A_359 = arith.constant 0 : i32
        %dma_start3A_360 = tpu.memref_slice %arg8[%add3A_356, %dma_start3A_359] : memref<160000x32xf32, #tpu.memory_space<hbm>> -> memref<80x32xf32, #tpu.memory_space<hbm>>
        tpu.enqueue_dma source(%dma_start3A_360 : memref<80x32xf32, #tpu.memory_space<hbm>>) target(%arg29 : memref<80x32xf32, #tpu.memory_space<vmem>>) target_semaphore(%arg35 : memref<!tpu.dma_semaphore, #tpu.memory_space<semaphore_mem>>)
        %dma_start3A_361 = arith.constant 0 : i32
        %dma_start3A_362 = tpu.memref_slice %arg9[%add3A_356, %dma_start3A_361] : memref<160000x32xf32, #tpu.memory_space<hbm>> -> memref<80x32xf32, #tpu.memory_space<hbm>>
        %dma_start3A_363 = arith.constant 0 : i32
        %dma_start3A_364 = tpu.memref_slice %arg9[%add3A_356, %dma_start3A_363] : memref<160000x32xf32, #tpu.memory_space<hbm>> -> memref<80x32xf32, #tpu.memory_space<hbm>>
        tpu.enqueue_dma source(%dma_start3A_364 : memref<80x32xf32, #tpu.memory_space<hbm>>) target(%arg30 : memref<80x32xf32, #tpu.memory_space<vmem>>) target_semaphore(%arg35 : memref<!tpu.dma_semaphore, #tpu.memory_space<semaphore_mem>>)
        %dma_start3A_365 = arith.constant 0 : i32
        %dma_start3A_366 = tpu.memref_slice %arg10[%add3A_356, %dma_start3A_365] : memref<160000x32xf32, #tpu.memory_space<hbm>> -> memref<80x32xf32, #tpu.memory_space<hbm>>
        %dma_start3A_367 = arith.constant 0 : i32
        %dma_start3A_368 = tpu.memref_slice %arg10[%add3A_356, %dma_start3A_367] : memref<160000x32xf32, #tpu.memory_space<hbm>> -> memref<80x32xf32, #tpu.memory_space<hbm>>
        tpu.enqueue_dma source(%dma_start3A_368 : memref<80x32xf32, #tpu.memory_space<hbm>>) target(%arg31 : memref<80x32xf32, #tpu.memory_space<vmem>>) target_semaphore(%arg35 : memref<!tpu.dma_semaphore, #tpu.memory_space<semaphore_mem>>)
        %dma_start3A_369 = arith.constant 0 : i32
        %dma_start3A_370 = tpu.memref_slice %arg11[%add3A_356, %dma_start3A_369] : memref<160000x32xf32, #tpu.memory_space<hbm>> -> memref<80x32xf32, #tpu.memory_space<hbm>>
        %dma_start3A_371 = arith.constant 0 : i32
        %dma_start3A_372 = tpu.memref_slice %arg11[%add3A_356, %dma_start3A_371] : memref<160000x32xf32, #tpu.memory_space<hbm>> -> memref<80x32xf32, #tpu.memory_space<hbm>>
        tpu.enqueue_dma source(%dma_start3A_372 : memref<80x32xf32, #tpu.memory_space<hbm>>) target(%arg32 : memref<80x32xf32, #tpu.memory_space<vmem>>) target_semaphore(%arg35 : memref<!tpu.dma_semaphore, #tpu.memory_space<semaphore_mem>>)
      }
      %scan3A_68 = arith.constant 61 : i32
      %dma_wait3A = arith.constant 0 : i32
      %dma_wait3A_69 = arith.constant 0 : i32
      %dma_wait3A_70 = tpu.memref_slice %arg8[%dma_wait3A, %dma_wait3A_69] : memref<160000x32xf32, #tpu.memory_space<hbm>> -> memref<80x32xf32, #tpu.memory_space<hbm>>
      %dma_wait3A_71 = arith.constant 0 : i32
      %dma_wait3A_72 = arith.constant 0 : i32
      %dma_wait3A_73 = tpu.memref_slice %arg8[%dma_wait3A_71, %dma_wait3A_72] : memref<160000x32xf32, #tpu.memory_space<hbm>> -> memref<80x32xf32, #tpu.memory_space<hbm>>
      tpu.wait_dma2 semaphore(%arg34 : memref<!tpu.dma_semaphore, #tpu.memory_space<semaphore_mem>>) src(%dma_wait3A_73 : memref<80x32xf32, #tpu.memory_space<hbm>>) dst(%arg24 : memref<80x32xf32, #tpu.memory_space<vmem>>)
      %dma_wait3A_74 = arith.constant 0 : i32
      %dma_wait3A_75 = arith.constant 0 : i32
      %dma_wait3A_76 = tpu.memref_slice %arg9[%dma_wait3A_74, %dma_wait3A_75] : memref<160000x32xf32, #tpu.memory_space<hbm>> -> memref<80x32xf32, #tpu.memory_space<hbm>>
      %dma_wait3A_77 = arith.constant 0 : i32
      %dma_wait3A_78 = arith.constant 0 : i32
      %dma_wait3A_79 = tpu.memref_slice %arg9[%dma_wait3A_77, %dma_wait3A_78] : memref<160000x32xf32, #tpu.memory_space<hbm>> -> memref<80x32xf32, #tpu.memory_space<hbm>>
      tpu.wait_dma2 semaphore(%arg34 : memref<!tpu.dma_semaphore, #tpu.memory_space<semaphore_mem>>) src(%dma_wait3A_79 : memref<80x32xf32, #tpu.memory_space<hbm>>) dst(%arg25 : memref<80x32xf32, #tpu.memory_space<vmem>>)
      %dma_wait3A_80 = arith.constant 0 : i32
      %dma_wait3A_81 = arith.constant 0 : i32
      %dma_wait3A_82 = tpu.memref_slice %arg10[%dma_wait3A_80, %dma_wait3A_81] : memref<160000x32xf32, #tpu.memory_space<hbm>> -> memref<80x32xf32, #tpu.memory_space<hbm>>
      %dma_wait3A_83 = arith.constant 0 : i32
      %dma_wait3A_84 = arith.constant 0 : i32
      %dma_wait3A_85 = tpu.memref_slice %arg10[%dma_wait3A_83, %dma_wait3A_84] : memref<160000x32xf32, #tpu.memory_space<hbm>> -> memref<80x32xf32, #tpu.memory_space<hbm>>
      tpu.wait_dma2 semaphore(%arg34 : memref<!tpu.dma_semaphore, #tpu.memory_space<semaphore_mem>>) src(%dma_wait3A_85 : memref<80x32xf32, #tpu.memory_space<hbm>>) dst(%arg26 : memref<80x32xf32, #tpu.memory_space<vmem>>)
      %dma_wait3A_86 = arith.constant 0 : i32
      %dma_wait3A_87 = arith.constant 0 : i32
      %dma_wait3A_88 = tpu.memref_slice %arg11[%dma_wait3A_86, %dma_wait3A_87] : memref<160000x32xf32, #tpu.memory_space<hbm>> -> memref<80x32xf32, #tpu.memory_space<hbm>>
      %dma_wait3A_89 = arith.constant 0 : i32
      %dma_wait3A_90 = arith.constant 0 : i32
      %dma_wait3A_91 = tpu.memref_slice %arg11[%dma_wait3A_89, %dma_wait3A_90] : memref<160000x32xf32, #tpu.memory_space<hbm>> -> memref<80x32xf32, #tpu.memory_space<hbm>>
      tpu.wait_dma2 semaphore(%arg34 : memref<!tpu.dma_semaphore, #tpu.memory_space<semaphore_mem>>) src(%dma_wait3A_91 : memref<80x32xf32, #tpu.memory_space<hbm>>) dst(%arg27 : memref<80x32xf32, #tpu.memory_space<vmem>>)
      %dma_start3A_92 = arith.constant 0 : i32
      %dma_start3A_93 = arith.constant 0 : i32
      %dma_start3A_94 = tpu.memref_slice %arg38[%dma_start3A_92, %dma_start3A_93] : memref<10000x32xf32, #tpu.memory_space<vmem_shared>> -> memref<10000x32xf32, #tpu.memory_space<vmem_shared>>
      tpu.enqueue_indirect_dma source(%arg24 : memref<80x32xf32, #tpu.memory_space<vmem>>) target(%dma_start3A_94 : memref<10000x32xf32, #tpu.memory_space<vmem_shared>>) offsets(%arg22 : memref<80xi32, #tpu.memory_space<vmem>>) semaphore(%arg36 : memref<!tpu.dma_semaphore, #tpu.memory_space<semaphore_mem>>) {add = true}
      %dma_start3A_95 = arith.constant 0 : i32
      %dma_start3A_96 = arith.constant 0 : i32
      %dma_start3A_97 = tpu.memref_slice %arg39[%dma_start3A_95, %dma_start3A_96] : memref<10000x32xf32, #tpu.memory_space<vmem_shared>> -> memref<10000x32xf32, #tpu.memory_space<vmem_shared>>
      tpu.enqueue_indirect_dma source(%arg25 : memref<80x32xf32, #tpu.memory_space<vmem>>) target(%dma_start3A_97 : memref<10000x32xf32, #tpu.memory_space<vmem_shared>>) offsets(%arg22 : memref<80xi32, #tpu.memory_space<vmem>>) semaphore(%arg36 : memref<!tpu.dma_semaphore, #tpu.memory_space<semaphore_mem>>) {add = true}
      %dma_start3A_98 = arith.constant 0 : i32
      %dma_start3A_99 = arith.constant 0 : i32
      %dma_start3A_100 = tpu.memref_slice %arg40[%dma_start3A_98, %dma_start3A_99] : memref<10000x32xf32, #tpu.memory_space<vmem_shared>> -> memref<10000x32xf32, #tpu.memory_space<vmem_shared>>
      tpu.enqueue_indirect_dma source(%arg26 : memref<80x32xf32, #tpu.memory_space<vmem>>) target(%dma_start3A_100 : memref<10000x32xf32, #tpu.memory_space<vmem_shared>>) offsets(%arg22 : memref<80xi32, #tpu.memory_space<vmem>>) semaphore(%arg36 : memref<!tpu.dma_semaphore, #tpu.memory_space<semaphore_mem>>) {add = true}
      %dma_start3A_101 = arith.constant 0 : i32
      %dma_start3A_102 = arith.constant 0 : i32
      %dma_start3A_103 = tpu.memref_slice %arg41[%dma_start3A_101, %dma_start3A_102] : memref<10000x32xf32, #tpu.memory_space<vmem_shared>> -> memref<10000x32xf32, #tpu.memory_space<vmem_shared>>
      tpu.enqueue_indirect_dma source(%arg27 : memref<80x32xf32, #tpu.memory_space<vmem>>) target(%dma_start3A_103 : memref<10000x32xf32, #tpu.memory_space<vmem_shared>>) offsets(%arg22 : memref<80xi32, #tpu.memory_space<vmem>>) semaphore(%arg36 : memref<!tpu.dma_semaphore, #tpu.memory_space<semaphore_mem>>) {add = true}
      %dma_wait3A_104 = arith.constant 0 : i32
      %dma_wait3A_105 = arith.constant 0 : i32
      %dma_wait3A_106 = tpu.memref_slice %arg8[%dma_wait3A_104, %dma_wait3A_105] : memref<160000x32xf32, #tpu.memory_space<hbm>> -> memref<80x32xf32, #tpu.memory_space<hbm>>
      %dma_wait3A_107 = arith.constant 0 : i32
      %dma_wait3A_108 = arith.constant 0 : i32
      %dma_wait3A_109 = tpu.memref_slice %arg8[%dma_wait3A_107, %dma_wait3A_108] : memref<160000x32xf32, #tpu.memory_space<hbm>> -> memref<80x32xf32, #tpu.memory_space<hbm>>
      tpu.wait_dma2 semaphore(%arg35 : memref<!tpu.dma_semaphore, #tpu.memory_space<semaphore_mem>>) src(%dma_wait3A_109 : memref<80x32xf32, #tpu.memory_space<hbm>>) dst(%arg29 : memref<80x32xf32, #tpu.memory_space<vmem>>)
      %dma_wait3A_110 = arith.constant 0 : i32
      %dma_wait3A_111 = arith.constant 0 : i32
      %dma_wait3A_112 = tpu.memref_slice %arg9[%dma_wait3A_110, %dma_wait3A_111] : memref<160000x32xf32, #tpu.memory_space<hbm>> -> memref<80x32xf32, #tpu.memory_space<hbm>>
      %dma_wait3A_113 = arith.constant 0 : i32
      %dma_wait3A_114 = arith.constant 0 : i32
      %dma_wait3A_115 = tpu.memref_slice %arg9[%dma_wait3A_113, %dma_wait3A_114] : memref<160000x32xf32, #tpu.memory_space<hbm>> -> memref<80x32xf32, #tpu.memory_space<hbm>>
      tpu.wait_dma2 semaphore(%arg35 : memref<!tpu.dma_semaphore, #tpu.memory_space<semaphore_mem>>) src(%dma_wait3A_115 : memref<80x32xf32, #tpu.memory_space<hbm>>) dst(%arg30 : memref<80x32xf32, #tpu.memory_space<vmem>>)
      %dma_wait3A_116 = arith.constant 0 : i32
      %dma_wait3A_117 = arith.constant 0 : i32
      %dma_wait3A_118 = tpu.memref_slice %arg10[%dma_wait3A_116, %dma_wait3A_117] : memref<160000x32xf32, #tpu.memory_space<hbm>> -> memref<80x32xf32, #tpu.memory_space<hbm>>
      %dma_wait3A_119 = arith.constant 0 : i32
      %dma_wait3A_120 = arith.constant 0 : i32
      %dma_wait3A_121 = tpu.memref_slice %arg10[%dma_wait3A_119, %dma_wait3A_120] : memref<160000x32xf32, #tpu.memory_space<hbm>> -> memref<80x32xf32, #tpu.memory_space<hbm>>
      tpu.wait_dma2 semaphore(%arg35 : memref<!tpu.dma_semaphore, #tpu.memory_space<semaphore_mem>>) src(%dma_wait3A_121 : memref<80x32xf32, #tpu.memory_space<hbm>>) dst(%arg31 : memref<80x32xf32, #tpu.memory_space<vmem>>)
      %dma_wait3A_122 = arith.constant 0 : i32
      %dma_wait3A_123 = arith.constant 0 : i32
      %dma_wait3A_124 = tpu.memref_slice %arg11[%dma_wait3A_122, %dma_wait3A_123] : memref<160000x32xf32, #tpu.memory_space<hbm>> -> memref<80x32xf32, #tpu.memory_space<hbm>>
      %dma_wait3A_125 = arith.constant 0 : i32
      %dma_wait3A_126 = arith.constant 0 : i32
      %dma_wait3A_127 = tpu.memref_slice %arg11[%dma_wait3A_125, %dma_wait3A_126] : memref<160000x32xf32, #tpu.memory_space<hbm>> -> memref<80x32xf32, #tpu.memory_space<hbm>>
      tpu.wait_dma2 semaphore(%arg35 : memref<!tpu.dma_semaphore, #tpu.memory_space<semaphore_mem>>) src(%dma_wait3A_127 : memref<80x32xf32, #tpu.memory_space<hbm>>) dst(%arg32 : memref<80x32xf32, #tpu.memory_space<vmem>>)
      %dma_start3A_128 = arith.constant 0 : i32
      %dma_start3A_129 = arith.constant 0 : i32
      %dma_start3A_130 = tpu.memref_slice %arg38[%dma_start3A_128, %dma_start3A_129] : memref<10000x32xf32, #tpu.memory_space<vmem_shared>> -> memref<10000x32xf32, #tpu.memory_space<vmem_shared>>
      tpu.enqueue_indirect_dma source(%arg29 : memref<80x32xf32, #tpu.memory_space<vmem>>) target(%dma_start3A_130 : memref<10000x32xf32, #tpu.memory_space<vmem_shared>>) offsets(%arg23 : memref<80xi32, #tpu.memory_space<vmem>>) semaphore(%arg37 : memref<!tpu.dma_semaphore, #tpu.memory_space<semaphore_mem>>) {add = true}
      %dma_start3A_131 = arith.constant 0 : i32
      %dma_start3A_132 = arith.constant 0 : i32
      %dma_start3A_133 = tpu.memref_slice %arg39[%dma_start3A_131, %dma_start3A_132] : memref<10000x32xf32, #tpu.memory_space<vmem_shared>> -> memref<10000x32xf32, #tpu.memory_space<vmem_shared>>
      tpu.enqueue_indirect_dma source(%arg30 : memref<80x32xf32, #tpu.memory_space<vmem>>) target(%dma_start3A_133 : memref<10000x32xf32, #tpu.memory_space<vmem_shared>>) offsets(%arg23 : memref<80xi32, #tpu.memory_space<vmem>>) semaphore(%arg37 : memref<!tpu.dma_semaphore, #tpu.memory_space<semaphore_mem>>) {add = true}
      %dma_start3A_134 = arith.constant 0 : i32
      %dma_start3A_135 = arith.constant 0 : i32
      %dma_start3A_136 = tpu.memref_slice %arg40[%dma_start3A_134, %dma_start3A_135] : memref<10000x32xf32, #tpu.memory_space<vmem_shared>> -> memref<10000x32xf32, #tpu.memory_space<vmem_shared>>
      tpu.enqueue_indirect_dma source(%arg31 : memref<80x32xf32, #tpu.memory_space<vmem>>) target(%dma_start3A_136 : memref<10000x32xf32, #tpu.memory_space<vmem_shared>>) offsets(%arg23 : memref<80xi32, #tpu.memory_space<vmem>>) semaphore(%arg37 : memref<!tpu.dma_semaphore, #tpu.memory_space<semaphore_mem>>) {add = true}
      %dma_start3A_137 = arith.constant 0 : i32
      %dma_start3A_138 = arith.constant 0 : i32
      %dma_start3A_139 = tpu.memref_slice %arg41[%dma_start3A_137, %dma_start3A_138] : memref<10000x32xf32, #tpu.memory_space<vmem_shared>> -> memref<10000x32xf32, #tpu.memory_space<vmem_shared>>
      tpu.enqueue_indirect_dma source(%arg32 : memref<80x32xf32, #tpu.memory_space<vmem>>) target(%dma_start3A_139 : memref<10000x32xf32, #tpu.memory_space<vmem_shared>>) offsets(%arg23 : memref<80xi32, #tpu.memory_space<vmem>>) semaphore(%arg37 : memref<!tpu.dma_semaphore, #tpu.memory_space<semaphore_mem>>) {add = true}
      %dma_wait3A_140 = arith.constant 0 : i32
      %dma_wait3A_141 = arith.constant 0 : i32
      %dma_wait3A_142 = tpu.memref_slice %arg38[%dma_wait3A_140, %dma_wait3A_141] : memref<10000x32xf32, #tpu.memory_space<vmem_shared>> -> memref<10000x32xf32, #tpu.memory_space<vmem_shared>>
      tpu.wait_indirect_dma semaphore(%arg36 : memref<!tpu.dma_semaphore, #tpu.memory_space<semaphore_mem>>) src(%arg24 : memref<80x32xf32, #tpu.memory_space<vmem>>) dst(%dma_wait3A_142 : memref<10000x32xf32, #tpu.memory_space<vmem_shared>>)
      %dma_wait3A_143 = arith.constant 0 : i32
      %dma_wait3A_144 = arith.constant 0 : i32
      %dma_wait3A_145 = tpu.memref_slice %arg39[%dma_wait3A_143, %dma_wait3A_144] : memref<10000x32xf32, #tpu.memory_space<vmem_shared>> -> memref<10000x32xf32, #tpu.memory_space<vmem_shared>>
      tpu.wait_indirect_dma semaphore(%arg36 : memref<!tpu.dma_semaphore, #tpu.memory_space<semaphore_mem>>) src(%arg25 : memref<80x32xf32, #tpu.memory_space<vmem>>) dst(%dma_wait3A_145 : memref<10000x32xf32, #tpu.memory_space<vmem_shared>>)
      %dma_wait3A_146 = arith.constant 0 : i32
      %dma_wait3A_147 = arith.constant 0 : i32
      %dma_wait3A_148 = tpu.memref_slice %arg40[%dma_wait3A_146, %dma_wait3A_147] : memref<10000x32xf32, #tpu.memory_space<vmem_shared>> -> memref<10000x32xf32, #tpu.memory_space<vmem_shared>>
      tpu.wait_indirect_dma semaphore(%arg36 : memref<!tpu.dma_semaphore, #tpu.memory_space<semaphore_mem>>) src(%arg26 : memref<80x32xf32, #tpu.memory_space<vmem>>) dst(%dma_wait3A_148 : memref<10000x32xf32, #tpu.memory_space<vmem_shared>>)
      %dma_wait3A_149 = arith.constant 0 : i32
      %dma_wait3A_150 = arith.constant 0 : i32
      %dma_wait3A_151 = tpu.memref_slice %arg41[%dma_wait3A_149, %dma_wait3A_150] : memref<10000x32xf32, #tpu.memory_space<vmem_shared>> -> memref<10000x32xf32, #tpu.memory_space<vmem_shared>>
      tpu.wait_indirect_dma semaphore(%arg36 : memref<!tpu.dma_semaphore, #tpu.memory_space<semaphore_mem>>) src(%arg27 : memref<80x32xf32, #tpu.memory_space<vmem>>) dst(%dma_wait3A_151 : memref<10000x32xf32, #tpu.memory_space<vmem_shared>>)
      %dma_wait3A_152 = arith.constant 0 : i32
      %dma_wait3A_153 = arith.constant 0 : i32
      %dma_wait3A_154 = tpu.memref_slice %arg38[%dma_wait3A_152, %dma_wait3A_153] : memref<10000x32xf32, #tpu.memory_space<vmem_shared>> -> memref<10000x32xf32, #tpu.memory_space<vmem_shared>>
      tpu.wait_indirect_dma semaphore(%arg37 : memref<!tpu.dma_semaphore, #tpu.memory_space<semaphore_mem>>) src(%arg29 : memref<80x32xf32, #tpu.memory_space<vmem>>) dst(%dma_wait3A_154 : memref<10000x32xf32, #tpu.memory_space<vmem_shared>>)
      %dma_wait3A_155 = arith.constant 0 : i32
      %dma_wait3A_156 = arith.constant 0 : i32
      %dma_wait3A_157 = tpu.memref_slice %arg39[%dma_wait3A_155, %dma_wait3A_156] : memref<10000x32xf32, #tpu.memory_space<vmem_shared>> -> memref<10000x32xf32, #tpu.memory_space<vmem_shared>>
      tpu.wait_indirect_dma semaphore(%arg37 : memref<!tpu.dma_semaphore, #tpu.memory_space<semaphore_mem>>) src(%arg30 : memref<80x32xf32, #tpu.memory_space<vmem>>) dst(%dma_wait3A_157 : memref<10000x32xf32, #tpu.memory_space<vmem_shared>>)
      %dma_wait3A_158 = arith.constant 0 : i32
      %dma_wait3A_159 = arith.constant 0 : i32
      %dma_wait3A_160 = tpu.memref_slice %arg40[%dma_wait3A_158, %dma_wait3A_159] : memref<10000x32xf32, #tpu.memory_space<vmem_shared>> -> memref<10000x32xf32, #tpu.memory_space<vmem_shared>>
      tpu.wait_indirect_dma semaphore(%arg37 : memref<!tpu.dma_semaphore, #tpu.memory_space<semaphore_mem>>) src(%arg31 : memref<80x32xf32, #tpu.memory_space<vmem>>) dst(%dma_wait3A_160 : memref<10000x32xf32, #tpu.memory_space<vmem_shared>>)
      %dma_wait3A_161 = arith.constant 0 : i32
      %dma_wait3A_162 = arith.constant 0 : i32
      %dma_wait3A_163 = tpu.memref_slice %arg41[%dma_wait3A_161, %dma_wait3A_162] : memref<10000x32xf32, #tpu.memory_space<vmem_shared>> -> memref<10000x32xf32, #tpu.memory_space<vmem_shared>>
      tpu.wait_indirect_dma semaphore(%arg37 : memref<!tpu.dma_semaphore, #tpu.memory_space<semaphore_mem>>) src(%arg32 : memref<80x32xf32, #tpu.memory_space<vmem>>) dst(%dma_wait3A_163 : memref<10000x32xf32, #tpu.memory_space<vmem_shared>>)
      %add3A_164 = arith.constant 9920 : i32
      %add3A_165 = arith.addi %mul3A_2, %add3A_164 : i32
      "tpu.region"() ({
        %run_scoped3A = tpu.sem_alloc : memref<!tpu.dma_semaphore, #tpu.memory_space<semaphore_mem>>
        %dma_start3A_230 = tpu.memref_slice %arg2[%add3A_165] : memref<160000xi32, #tpu.memory_space<hbm>> -> memref<80xi32, #tpu.memory_space<hbm>>
        %dma_start3A_231 = tpu.memref_slice %arg2[%add3A_165] : memref<160000xi32, #tpu.memory_space<hbm>> -> memref<80xi32, #tpu.memory_space<hbm>>
        tpu.enqueue_dma source(%dma_start3A_231 : memref<80xi32, #tpu.memory_space<hbm>>) target(%arg22 : memref<80xi32, #tpu.memory_space<vmem>>) target_semaphore(%run_scoped3A : memref<!tpu.dma_semaphore, #tpu.memory_space<semaphore_mem>>)
        %dma_wait3A_232 = tpu.memref_slice %arg2[%add3A_165] : memref<160000xi32, #tpu.memory_space<hbm>> -> memref<80xi32, #tpu.memory_space<hbm>>
        %dma_wait3A_233 = tpu.memref_slice %arg2[%add3A_165] : memref<160000xi32, #tpu.memory_space<hbm>> -> memref<80xi32, #tpu.memory_space<hbm>>
        tpu.wait_dma2 semaphore(%run_scoped3A : memref<!tpu.dma_semaphore, #tpu.memory_space<semaphore_mem>>) src(%dma_wait3A_233 : memref<80xi32, #tpu.memory_space<hbm>>) dst(%arg22 : memref<80xi32, #tpu.memory_space<vmem>>)
        tpu.yield
      }) : () -> ()
      %dma_start3A_166 = arith.constant 0 : i32
      %dma_start3A_167 = tpu.memref_slice %arg8[%add3A_165, %dma_start3A_166] : memref<160000x32xf32, #tpu.memory_space<hbm>> -> memref<80x32xf32, #tpu.memory_space<hbm>>
      %dma_start3A_168 = arith.constant 0 : i32
      %dma_start3A_169 = tpu.memref_slice %arg8[%add3A_165, %dma_start3A_168] : memref<160000x32xf32, #tpu.memory_space<hbm>> -> memref<80x32xf32, #tpu.memory_space<hbm>>
      tpu.enqueue_dma source(%dma_start3A_169 : memref<80x32xf32, #tpu.memory_space<hbm>>) target(%arg24 : memref<80x32xf32, #tpu.memory_space<vmem>>) target_semaphore(%arg34 : memref<!tpu.dma_semaphore, #tpu.memory_space<semaphore_mem>>)
      %dma_start3A_170 = arith.constant 0 : i32
      %dma_start3A_171 = tpu.memref_slice %arg9[%add3A_165, %dma_start3A_170] : memref<160000x32xf32, #tpu.memory_space<hbm>> -> memref<80x32xf32, #tpu.memory_space<hbm>>
      %dma_start3A_172 = arith.constant 0 : i32
      %dma_start3A_173 = tpu.memref_slice %arg9[%add3A_165, %dma_start3A_172] : memref<160000x32xf32, #tpu.memory_space<hbm>> -> memref<80x32xf32, #tpu.memory_space<hbm>>
      tpu.enqueue_dma source(%dma_start3A_173 : memref<80x32xf32, #tpu.memory_space<hbm>>) target(%arg25 : memref<80x32xf32, #tpu.memory_space<vmem>>) target_semaphore(%arg34 : memref<!tpu.dma_semaphore, #tpu.memory_space<semaphore_mem>>)
      %dma_start3A_174 = arith.constant 0 : i32
      %dma_start3A_175 = tpu.memref_slice %arg10[%add3A_165, %dma_start3A_174] : memref<160000x32xf32, #tpu.memory_space<hbm>> -> memref<80x32xf32, #tpu.memory_space<hbm>>
      %dma_start3A_176 = arith.constant 0 : i32
      %dma_start3A_177 = tpu.memref_slice %arg10[%add3A_165, %dma_start3A_176] : memref<160000x32xf32, #tpu.memory_space<hbm>> -> memref<80x32xf32, #tpu.memory_space<hbm>>
      tpu.enqueue_dma source(%dma_start3A_177 : memref<80x32xf32, #tpu.memory_space<hbm>>) target(%arg26 : memref<80x32xf32, #tpu.memory_space<vmem>>) target_semaphore(%arg34 : memref<!tpu.dma_semaphore, #tpu.memory_space<semaphore_mem>>)
      %dma_start3A_178 = arith.constant 0 : i32
      %dma_start3A_179 = tpu.memref_slice %arg11[%add3A_165, %dma_start3A_178] : memref<160000x32xf32, #tpu.memory_space<hbm>> -> memref<80x32xf32, #tpu.memory_space<hbm>>
      %dma_start3A_180 = arith.constant 0 : i32
      %dma_start3A_181 = tpu.memref_slice %arg11[%add3A_165, %dma_start3A_180] : memref<160000x32xf32, #tpu.memory_space<hbm>> -> memref<80x32xf32, #tpu.memory_space<hbm>>
      tpu.enqueue_dma source(%dma_start3A_181 : memref<80x32xf32, #tpu.memory_space<hbm>>) target(%arg27 : memref<80x32xf32, #tpu.memory_space<vmem>>) target_semaphore(%arg34 : memref<!tpu.dma_semaphore, #tpu.memory_space<semaphore_mem>>)
      %dma_wait3A_182 = arith.constant 0 : i32
      %dma_wait3A_183 = arith.constant 0 : i32
      %dma_wait3A_184 = tpu.memref_slice %arg8[%dma_wait3A_182, %dma_wait3A_183] : memref<160000x32xf32, #tpu.memory_space<hbm>> -> memref<80x32xf32, #tpu.memory_space<hbm>>
      %dma_wait3A_185 = arith.constant 0 : i32
      %dma_wait3A_186 = arith.constant 0 : i32
      %dma_wait3A_187 = tpu.memref_slice %arg8[%dma_wait3A_185, %dma_wait3A_186] : memref<160000x32xf32, #tpu.memory_space<hbm>> -> memref<80x32xf32, #tpu.memory_space<hbm>>
      tpu.wait_dma2 semaphore(%arg34 : memref<!tpu.dma_semaphore, #tpu.memory_space<semaphore_mem>>) src(%dma_wait3A_187 : memref<80x32xf32, #tpu.memory_space<hbm>>) dst(%arg24 : memref<80x32xf32, #tpu.memory_space<vmem>>)
      %dma_wait3A_188 = arith.constant 0 : i32
      %dma_wait3A_189 = arith.constant 0 : i32
      %dma_wait3A_190 = tpu.memref_slice %arg9[%dma_wait3A_188, %dma_wait3A_189] : memref<160000x32xf32, #tpu.memory_space<hbm>> -> memref<80x32xf32, #tpu.memory_space<hbm>>
      %dma_wait3A_191 = arith.constant 0 : i32
      %dma_wait3A_192 = arith.constant 0 : i32
      %dma_wait3A_193 = tpu.memref_slice %arg9[%dma_wait3A_191, %dma_wait3A_192] : memref<160000x32xf32, #tpu.memory_space<hbm>> -> memref<80x32xf32, #tpu.memory_space<hbm>>
      tpu.wait_dma2 semaphore(%arg34 : memref<!tpu.dma_semaphore, #tpu.memory_space<semaphore_mem>>) src(%dma_wait3A_193 : memref<80x32xf32, #tpu.memory_space<hbm>>) dst(%arg25 : memref<80x32xf32, #tpu.memory_space<vmem>>)
      %dma_wait3A_194 = arith.constant 0 : i32
      %dma_wait3A_195 = arith.constant 0 : i32
      %dma_wait3A_196 = tpu.memref_slice %arg10[%dma_wait3A_194, %dma_wait3A_195] : memref<160000x32xf32, #tpu.memory_space<hbm>> -> memref<80x32xf32, #tpu.memory_space<hbm>>
      %dma_wait3A_197 = arith.constant 0 : i32
      %dma_wait3A_198 = arith.constant 0 : i32
      %dma_wait3A_199 = tpu.memref_slice %arg10[%dma_wait3A_197, %dma_wait3A_198] : memref<160000x32xf32, #tpu.memory_space<hbm>> -> memref<80x32xf32, #tpu.memory_space<hbm>>
      tpu.wait_dma2 semaphore(%arg34 : memref<!tpu.dma_semaphore, #tpu.memory_space<semaphore_mem>>) src(%dma_wait3A_199 : memref<80x32xf32, #tpu.memory_space<hbm>>) dst(%arg26 : memref<80x32xf32, #tpu.memory_space<vmem>>)
      %dma_wait3A_200 = arith.constant 0 : i32
      %dma_wait3A_201 = arith.constant 0 : i32
      %dma_wait3A_202 = tpu.memref_slice %arg11[%dma_wait3A_200, %dma_wait3A_201] : memref<160000x32xf32, #tpu.memory_space<hbm>> -> memref<80x32xf32, #tpu.memory_space<hbm>>
      %dma_wait3A_203 = arith.constant 0 : i32
      %dma_wait3A_204 = arith.constant 0 : i32
      %dma_wait3A_205 = tpu.memref_slice %arg11[%dma_wait3A_203, %dma_wait3A_204] : memref<160000x32xf32, #tpu.memory_space<hbm>> -> memref<80x32xf32, #tpu.memory_space<hbm>>
      tpu.wait_dma2 semaphore(%arg34 : memref<!tpu.dma_semaphore, #tpu.memory_space<semaphore_mem>>) src(%dma_wait3A_205 : memref<80x32xf32, #tpu.memory_space<hbm>>) dst(%arg27 : memref<80x32xf32, #tpu.memory_space<vmem>>)
      %dma_start3A_206 = arith.constant 0 : i32
      %dma_start3A_207 = arith.constant 0 : i32
      %dma_start3A_208 = tpu.memref_slice %arg38[%dma_start3A_206, %dma_start3A_207] : memref<10000x32xf32, #tpu.memory_space<vmem_shared>> -> memref<10000x32xf32, #tpu.memory_space<vmem_shared>>
      tpu.enqueue_indirect_dma source(%arg24 : memref<80x32xf32, #tpu.memory_space<vmem>>) target(%dma_start3A_208 : memref<10000x32xf32, #tpu.memory_space<vmem_shared>>) offsets(%arg22 : memref<80xi32, #tpu.memory_space<vmem>>) semaphore(%arg36 : memref<!tpu.dma_semaphore, #tpu.memory_space<semaphore_mem>>) {add = true}
      %dma_start3A_209 = arith.constant 0 : i32
      %dma_start3A_210 = arith.constant 0 : i32
      %dma_start3A_211 = tpu.memref_slice %arg39[%dma_start3A_209, %dma_start3A_210] : memref<10000x32xf32, #tpu.memory_space<vmem_shared>> -> memref<10000x32xf32, #tpu.memory_space<vmem_shared>>
      tpu.enqueue_indirect_dma source(%arg25 : memref<80x32xf32, #tpu.memory_space<vmem>>) target(%dma_start3A_211 : memref<10000x32xf32, #tpu.memory_space<vmem_shared>>) offsets(%arg22 : memref<80xi32, #tpu.memory_space<vmem>>) semaphore(%arg36 : memref<!tpu.dma_semaphore, #tpu.memory_space<semaphore_mem>>) {add = true}
      %dma_start3A_212 = arith.constant 0 : i32
      %dma_start3A_213 = arith.constant 0 : i32
      %dma_start3A_214 = tpu.memref_slice %arg40[%dma_start3A_212, %dma_start3A_213] : memref<10000x32xf32, #tpu.memory_space<vmem_shared>> -> memref<10000x32xf32, #tpu.memory_space<vmem_shared>>
      tpu.enqueue_indirect_dma source(%arg26 : memref<80x32xf32, #tpu.memory_space<vmem>>) target(%dma_start3A_214 : memref<10000x32xf32, #tpu.memory_space<vmem_shared>>) offsets(%arg22 : memref<80xi32, #tpu.memory_space<vmem>>) semaphore(%arg36 : memref<!tpu.dma_semaphore, #tpu.memory_space<semaphore_mem>>) {add = true}
      %dma_start3A_215 = arith.constant 0 : i32
      %dma_start3A_216 = arith.constant 0 : i32
      %dma_start3A_217 = tpu.memref_slice %arg41[%dma_start3A_215, %dma_start3A_216] : memref<10000x32xf32, #tpu.memory_space<vmem_shared>> -> memref<10000x32xf32, #tpu.memory_space<vmem_shared>>
      tpu.enqueue_indirect_dma source(%arg27 : memref<80x32xf32, #tpu.memory_space<vmem>>) target(%dma_start3A_217 : memref<10000x32xf32, #tpu.memory_space<vmem_shared>>) offsets(%arg22 : memref<80xi32, #tpu.memory_space<vmem>>) semaphore(%arg36 : memref<!tpu.dma_semaphore, #tpu.memory_space<semaphore_mem>>) {add = true}
      %dma_wait3A_218 = arith.constant 0 : i32
      %dma_wait3A_219 = arith.constant 0 : i32
      %dma_wait3A_220 = tpu.memref_slice %arg38[%dma_wait3A_218, %dma_wait3A_219] : memref<10000x32xf32, #tpu.memory_space<vmem_shared>> -> memref<10000x32xf32, #tpu.memory_space<vmem_shared>>
      tpu.wait_indirect_dma semaphore(%arg36 : memref<!tpu.dma_semaphore, #tpu.memory_space<semaphore_mem>>) src(%arg24 : memref<80x32xf32, #tpu.memory_space<vmem>>) dst(%dma_wait3A_220 : memref<10000x32xf32, #tpu.memory_space<vmem_shared>>)
      %dma_wait3A_221 = arith.constant 0 : i32
      %dma_wait3A_222 = arith.constant 0 : i32
      %dma_wait3A_223 = tpu.memref_slice %arg39[%dma_wait3A_221, %dma_wait3A_222] : memref<10000x32xf32, #tpu.memory_space<vmem_shared>> -> memref<10000x32xf32, #tpu.memory_space<vmem_shared>>
      tpu.wait_indirect_dma semaphore(%arg36 : memref<!tpu.dma_semaphore, #tpu.memory_space<semaphore_mem>>) src(%arg25 : memref<80x32xf32, #tpu.memory_space<vmem>>) dst(%dma_wait3A_223 : memref<10000x32xf32, #tpu.memory_space<vmem_shared>>)
      %dma_wait3A_224 = arith.constant 0 : i32
      %dma_wait3A_225 = arith.constant 0 : i32
      %dma_wait3A_226 = tpu.memref_slice %arg40[%dma_wait3A_224, %dma_wait3A_225] : memref<10000x32xf32, #tpu.memory_space<vmem_shared>> -> memref<10000x32xf32, #tpu.memory_space<vmem_shared>>
      tpu.wait_indirect_dma semaphore(%arg36 : memref<!tpu.dma_semaphore, #tpu.memory_space<semaphore_mem>>) src(%arg26 : memref<80x32xf32, #tpu.memory_space<vmem>>) dst(%dma_wait3A_226 : memref<10000x32xf32, #tpu.memory_space<vmem_shared>>)
      %dma_wait3A_227 = arith.constant 0 : i32
      %dma_wait3A_228 = arith.constant 0 : i32
      %dma_wait3A_229 = tpu.memref_slice %arg41[%dma_wait3A_227, %dma_wait3A_228] : memref<10000x32xf32, #tpu.memory_space<vmem_shared>> -> memref<10000x32xf32, #tpu.memory_space<vmem_shared>>
      tpu.wait_indirect_dma semaphore(%arg36 : memref<!tpu.dma_semaphore, #tpu.memory_space<semaphore_mem>>) src(%arg27 : memref<80x32xf32, #tpu.memory_space<vmem>>) dst(%dma_wait3A_229 : memref<10000x32xf32, #tpu.memory_space<vmem_shared>>)
    } else {
    }
    %barrier3A_20 = arith.constant 0 : index
    tpu.barrier barrier_id(%barrier3A_20)
    %eq3A_21 = arith.constant 0 : i32
    %eq3A_22 = arith.cmpi eq, %arg0, %eq3A_21 : i32
    %convert_element_type3A_23 = arith.extui %eq3A_22 : i1 to i32
    %cond3A_24 = arith.constant 0 : i32
    %cond3A_25 = arith.cmpi ne, %convert_element_type3A_23, %cond3A_24 : i32
    scf.if %cond3A_25 {
      "tpu.region"() ({
        %run_scoped3A = tpu.sem_alloc : memref<!tpu.dma_semaphore, #tpu.memory_space<semaphore_mem>>
        %dma_start3A = arith.constant 0 : i32
        %dma_start3A_31 = tpu.memref_slice %arg13[%mul3A_0, %dma_start3A] : memref<10000x32xf32, #tpu.memory_space<hbm>> -> memref<625x32xf32, #tpu.memory_space<hbm>>
        %dma_start3A_32 = arith.constant 0 : i32
        %dma_start3A_33 = tpu.memref_slice %arg38[%mul3A_0, %dma_start3A_32] : memref<10000x32xf32, #tpu.memory_space<vmem_shared>> -> memref<625x32xf32, #tpu.memory_space<vmem_shared>>
        tpu.enqueue_dma source(%dma_start3A_33 : memref<625x32xf32, #tpu.memory_space<vmem_shared>>) target(%dma_start3A_31 : memref<625x32xf32, #tpu.memory_space<hbm>>) target_semaphore(%run_scoped3A : memref<!tpu.dma_semaphore, #tpu.memory_space<semaphore_mem>>)
        %dma_wait3A = arith.constant 0 : i32
        %dma_wait3A_34 = tpu.memref_slice %arg13[%mul3A_0, %dma_wait3A] : memref<10000x32xf32, #tpu.memory_space<hbm>> -> memref<625x32xf32, #tpu.memory_space<hbm>>
        %dma_wait3A_35 = arith.constant 0 : i32
        %dma_wait3A_36 = tpu.memref_slice %arg38[%mul3A_0, %dma_wait3A_35] : memref<10000x32xf32, #tpu.memory_space<vmem_shared>> -> memref<625x32xf32, #tpu.memory_space<vmem_shared>>
        tpu.wait_dma2 semaphore(%run_scoped3A : memref<!tpu.dma_semaphore, #tpu.memory_space<semaphore_mem>>) src(%dma_wait3A_36 : memref<625x32xf32, #tpu.memory_space<vmem_shared>>) dst(%dma_wait3A_34 : memref<625x32xf32, #tpu.memory_space<hbm>>)
        tpu.yield
      }) : () -> ()
      "tpu.region"() ({
        %run_scoped3A = tpu.sem_alloc : memref<!tpu.dma_semaphore, #tpu.memory_space<semaphore_mem>>
        %dma_start3A = arith.constant 0 : i32
        %dma_start3A_31 = tpu.memref_slice %arg14[%mul3A_0, %dma_start3A] : memref<10000x32xf32, #tpu.memory_space<hbm>> -> memref<625x32xf32, #tpu.memory_space<hbm>>
        %dma_start3A_32 = arith.constant 0 : i32
        %dma_start3A_33 = tpu.memref_slice %arg39[%mul3A_0, %dma_start3A_32] : memref<10000x32xf32, #tpu.memory_space<vmem_shared>> -> memref<625x32xf32, #tpu.memory_space<vmem_shared>>
        tpu.enqueue_dma source(%dma_start3A_33 : memref<625x32xf32, #tpu.memory_space<vmem_shared>>) target(%dma_start3A_31 : memref<625x32xf32, #tpu.memory_space<hbm>>) target_semaphore(%run_scoped3A : memref<!tpu.dma_semaphore, #tpu.memory_space<semaphore_mem>>)
        %dma_wait3A = arith.constant 0 : i32
        %dma_wait3A_34 = tpu.memref_slice %arg14[%mul3A_0, %dma_wait3A] : memref<10000x32xf32, #tpu.memory_space<hbm>> -> memref<625x32xf32, #tpu.memory_space<hbm>>
        %dma_wait3A_35 = arith.constant 0 : i32
        %dma_wait3A_36 = tpu.memref_slice %arg39[%mul3A_0, %dma_wait3A_35] : memref<10000x32xf32, #tpu.memory_space<vmem_shared>> -> memref<625x32xf32, #tpu.memory_space<vmem_shared>>
        tpu.wait_dma2 semaphore(%run_scoped3A : memref<!tpu.dma_semaphore, #tpu.memory_space<semaphore_mem>>) src(%dma_wait3A_36 : memref<625x32xf32, #tpu.memory_space<vmem_shared>>) dst(%dma_wait3A_34 : memref<625x32xf32, #tpu.memory_space<hbm>>)
        tpu.yield
      }) : () -> ()
      "tpu.region"() ({
        %run_scoped3A = tpu.sem_alloc : memref<!tpu.dma_semaphore, #tpu.memory_space<semaphore_mem>>
        %dma_start3A = arith.constant 0 : i32
        %dma_start3A_31 = tpu.memref_slice %arg15[%mul3A_0, %dma_start3A] : memref<10000x32xf32, #tpu.memory_space<hbm>> -> memref<625x32xf32, #tpu.memory_space<hbm>>
        %dma_start3A_32 = arith.constant 0 : i32
        %dma_start3A_33 = tpu.memref_slice %arg40[%mul3A_0, %dma_start3A_32] : memref<10000x32xf32, #tpu.memory_space<vmem_shared>> -> memref<625x32xf32, #tpu.memory_space<vmem_shared>>
        tpu.enqueue_dma source(%dma_start3A_33 : memref<625x32xf32, #tpu.memory_space<vmem_shared>>) target(%dma_start3A_31 : memref<625x32xf32, #tpu.memory_space<hbm>>) target_semaphore(%run_scoped3A : memref<!tpu.dma_semaphore, #tpu.memory_space<semaphore_mem>>)
        %dma_wait3A = arith.constant 0 : i32
        %dma_wait3A_34 = tpu.memref_slice %arg15[%mul3A_0, %dma_wait3A] : memref<10000x32xf32, #tpu.memory_space<hbm>> -> memref<625x32xf32, #tpu.memory_space<hbm>>
        %dma_wait3A_35 = arith.constant 0 : i32
        %dma_wait3A_36 = tpu.memref_slice %arg40[%mul3A_0, %dma_wait3A_35] : memref<10000x32xf32, #tpu.memory_space<vmem_shared>> -> memref<625x32xf32, #tpu.memory_space<vmem_shared>>
        tpu.wait_dma2 semaphore(%run_scoped3A : memref<!tpu.dma_semaphore, #tpu.memory_space<semaphore_mem>>) src(%dma_wait3A_36 : memref<625x32xf32, #tpu.memory_space<vmem_shared>>) dst(%dma_wait3A_34 : memref<625x32xf32, #tpu.memory_space<hbm>>)
        tpu.yield
      }) : () -> ()
      "tpu.region"() ({
        %run_scoped3A = tpu.sem_alloc : memref<!tpu.dma_semaphore, #tpu.memory_space<semaphore_mem>>
        %dma_start3A = arith.constant 0 : i32
        %dma_start3A_31 = tpu.memref_slice %arg16[%mul3A_0, %dma_start3A] : memref<10000x32xf32, #tpu.memory_space<hbm>> -> memref<625x32xf32, #tpu.memory_space<hbm>>
        %dma_start3A_32 = arith.constant 0 : i32
        %dma_start3A_33 = tpu.memref_slice %arg41[%mul3A_0, %dma_start3A_32] : memref<10000x32xf32, #tpu.memory_space<vmem_shared>> -> memref<625x32xf32, #tpu.memory_space<vmem_shared>>
        tpu.enqueue_dma source(%dma_start3A_33 : memref<625x32xf32, #tpu.memory_space<vmem_shared>>) target(%dma_start3A_31 : memref<625x32xf32, #tpu.memory_space<hbm>>) target_semaphore(%run_scoped3A : memref<!tpu.dma_semaphore, #tpu.memory_space<semaphore_mem>>)
        %dma_wait3A = arith.constant 0 : i32
        %dma_wait3A_34 = tpu.memref_slice %arg16[%mul3A_0, %dma_wait3A] : memref<10000x32xf32, #tpu.memory_space<hbm>> -> memref<625x32xf32, #tpu.memory_space<hbm>>
        %dma_wait3A_35 = arith.constant 0 : i32
        %dma_wait3A_36 = tpu.memref_slice %arg41[%mul3A_0, %dma_wait3A_35] : memref<10000x32xf32, #tpu.memory_space<vmem_shared>> -> memref<625x32xf32, #tpu.memory_space<vmem_shared>>
        tpu.wait_dma2 semaphore(%run_scoped3A : memref<!tpu.dma_semaphore, #tpu.memory_space<semaphore_mem>>) src(%dma_wait3A_36 : memref<625x32xf32, #tpu.memory_space<vmem_shared>>) dst(%dma_wait3A_34 : memref<625x32xf32, #tpu.memory_space<hbm>>)
        tpu.yield
      }) : () -> ()
      "tpu.region"() ({
        %run_scoped3A = tpu.sem_alloc : memref<!tpu.dma_semaphore, #tpu.memory_space<semaphore_mem>>
        %dma_start3A = arith.constant 0 : i32
        %dma_start3A_31 = tpu.memref_slice %arg17[%mul3A_0, %dma_start3A] : memref<10000x32xf32, #tpu.memory_space<hbm>> -> memref<625x32xf32, #tpu.memory_space<hbm>>
        %dma_start3A_32 = arith.constant 0 : i32
        %dma_start3A_33 = tpu.memref_slice %arg42[%mul3A_0, %dma_start3A_32] : memref<10000x32xf32, #tpu.memory_space<vmem_shared>> -> memref<625x32xf32, #tpu.memory_space<vmem_shared>>
        tpu.enqueue_dma source(%dma_start3A_33 : memref<625x32xf32, #tpu.memory_space<vmem_shared>>) target(%dma_start3A_31 : memref<625x32xf32, #tpu.memory_space<hbm>>) target_semaphore(%run_scoped3A : memref<!tpu.dma_semaphore, #tpu.memory_space<semaphore_mem>>)
        %dma_wait3A = arith.constant 0 : i32
        %dma_wait3A_34 = tpu.memref_slice %arg17[%mul3A_0, %dma_wait3A] : memref<10000x32xf32, #tpu.memory_space<hbm>> -> memref<625x32xf32, #tpu.memory_space<hbm>>
        %dma_wait3A_35 = arith.constant 0 : i32
        %dma_wait3A_36 = tpu.memref_slice %arg42[%mul3A_0, %dma_wait3A_35] : memref<10000x32xf32, #tpu.memory_space<vmem_shared>> -> memref<625x32xf32, #tpu.memory_space<vmem_shared>>
        tpu.wait_dma2 semaphore(%run_scoped3A : memref<!tpu.dma_semaphore, #tpu.memory_space<semaphore_mem>>) src(%dma_wait3A_36 : memref<625x32xf32, #tpu.memory_space<vmem_shared>>) dst(%dma_wait3A_34 : memref<625x32xf32, #tpu.memory_space<hbm>>)
        tpu.yield
      }) : () -> ()
    } else {
    }
    %eq3A_26 = arith.constant 1 : i32
    %eq3A_27 = arith.cmpi eq, %arg0, %eq3A_26 : i32
    %convert_element_type3A_28 = arith.extui %eq3A_27 : i1 to i32
    %cond3A_29 = arith.constant 0 : i32
    %cond3A_30 = arith.cmpi ne, %convert_element_type3A_28, %cond3A_29 : i32
    scf.if %cond3A_30 {
      "tpu.region"() ({
        %run_scoped3A = tpu.sem_alloc : memref<!tpu.dma_semaphore, #tpu.memory_space<semaphore_mem>>
        %dma_start3A = arith.constant 0 : i32
        %dma_start3A_31 = tpu.memref_slice %arg18[%mul3A_0, %dma_start3A] : memref<10000x32xf32, #tpu.memory_space<hbm>> -> memref<625x32xf32, #tpu.memory_space<hbm>>
        %dma_start3A_32 = arith.constant 0 : i32
        %dma_start3A_33 = tpu.memref_slice %arg38[%mul3A_0, %dma_start3A_32] : memref<10000x32xf32, #tpu.memory_space<vmem_shared>> -> memref<625x32xf32, #tpu.memory_space<vmem_shared>>
        tpu.enqueue_dma source(%dma_start3A_33 : memref<625x32xf32, #tpu.memory_space<vmem_shared>>) target(%dma_start3A_31 : memref<625x32xf32, #tpu.memory_space<hbm>>) target_semaphore(%run_scoped3A : memref<!tpu.dma_semaphore, #tpu.memory_space<semaphore_mem>>)
        %dma_wait3A = arith.constant 0 : i32
        %dma_wait3A_34 = tpu.memref_slice %arg18[%mul3A_0, %dma_wait3A] : memref<10000x32xf32, #tpu.memory_space<hbm>> -> memref<625x32xf32, #tpu.memory_space<hbm>>
        %dma_wait3A_35 = arith.constant 0 : i32
        %dma_wait3A_36 = tpu.memref_slice %arg38[%mul3A_0, %dma_wait3A_35] : memref<10000x32xf32, #tpu.memory_space<vmem_shared>> -> memref<625x32xf32, #tpu.memory_space<vmem_shared>>
        tpu.wait_dma2 semaphore(%run_scoped3A : memref<!tpu.dma_semaphore, #tpu.memory_space<semaphore_mem>>) src(%dma_wait3A_36 : memref<625x32xf32, #tpu.memory_space<vmem_shared>>) dst(%dma_wait3A_34 : memref<625x32xf32, #tpu.memory_space<hbm>>)
        tpu.yield
      }) : () -> ()
      "tpu.region"() ({
        %run_scoped3A = tpu.sem_alloc : memref<!tpu.dma_semaphore, #tpu.memory_space<semaphore_mem>>
        %dma_start3A = arith.constant 0 : i32
        %dma_start3A_31 = tpu.memref_slice %arg19[%mul3A_0, %dma_start3A] : memref<10000x32xf32, #tpu.memory_space<hbm>> -> memref<625x32xf32, #tpu.memory_space<hbm>>
        %dma_start3A_32 = arith.constant 0 : i32
        %dma_start3A_33 = tpu.memref_slice %arg39[%mul3A_0, %dma_start3A_32] : memref<10000x32xf32, #tpu.memory_space<vmem_shared>> -> memref<625x32xf32, #tpu.memory_space<vmem_shared>>
        tpu.enqueue_dma source(%dma_start3A_33 : memref<625x32xf32, #tpu.memory_space<vmem_shared>>) target(%dma_start3A_31 : memref<625x32xf32, #tpu.memory_space<hbm>>) target_semaphore(%run_scoped3A : memref<!tpu.dma_semaphore, #tpu.memory_space<semaphore_mem>>)
        %dma_wait3A = arith.constant 0 : i32
        %dma_wait3A_34 = tpu.memref_slice %arg19[%mul3A_0, %dma_wait3A] : memref<10000x32xf32, #tpu.memory_space<hbm>> -> memref<625x32xf32, #tpu.memory_space<hbm>>
        %dma_wait3A_35 = arith.constant 0 : i32
        %dma_wait3A_36 = tpu.memref_slice %arg39[%mul3A_0, %dma_wait3A_35] : memref<10000x32xf32, #tpu.memory_space<vmem_shared>> -> memref<625x32xf32, #tpu.memory_space<vmem_shared>>
        tpu.wait_dma2 semaphore(%run_scoped3A : memref<!tpu.dma_semaphore, #tpu.memory_space<semaphore_mem>>) src(%dma_wait3A_36 : memref<625x32xf32, #tpu.memory_space<vmem_shared>>) dst(%dma_wait3A_34 : memref<625x32xf32, #tpu.memory_space<hbm>>)
        tpu.yield
      }) : () -> ()
      "tpu.region"() ({
        %run_scoped3A = tpu.sem_alloc : memref<!tpu.dma_semaphore, #tpu.memory_space<semaphore_mem>>
        %dma_start3A = arith.constant 0 : i32
        %dma_start3A_31 = tpu.memref_slice %arg20[%mul3A_0, %dma_start3A] : memref<10000x32xf32, #tpu.memory_space<hbm>> -> memref<625x32xf32, #tpu.memory_space<hbm>>
        %dma_start3A_32 = arith.constant 0 : i32
        %dma_start3A_33 = tpu.memref_slice %arg40[%mul3A_0, %dma_start3A_32] : memref<10000x32xf32, #tpu.memory_space<vmem_shared>> -> memref<625x32xf32, #tpu.memory_space<vmem_shared>>
        tpu.enqueue_dma source(%dma_start3A_33 : memref<625x32xf32, #tpu.memory_space<vmem_shared>>) target(%dma_start3A_31 : memref<625x32xf32, #tpu.memory_space<hbm>>) target_semaphore(%run_scoped3A : memref<!tpu.dma_semaphore, #tpu.memory_space<semaphore_mem>>)
        %dma_wait3A = arith.constant 0 : i32
        %dma_wait3A_34 = tpu.memref_slice %arg20[%mul3A_0, %dma_wait3A] : memref<10000x32xf32, #tpu.memory_space<hbm>> -> memref<625x32xf32, #tpu.memory_space<hbm>>
        %dma_wait3A_35 = arith.constant 0 : i32
        %dma_wait3A_36 = tpu.memref_slice %arg40[%mul3A_0, %dma_wait3A_35] : memref<10000x32xf32, #tpu.memory_space<vmem_shared>> -> memref<625x32xf32, #tpu.memory_space<vmem_shared>>
        tpu.wait_dma2 semaphore(%run_scoped3A : memref<!tpu.dma_semaphore, #tpu.memory_space<semaphore_mem>>) src(%dma_wait3A_36 : memref<625x32xf32, #tpu.memory_space<vmem_shared>>) dst(%dma_wait3A_34 : memref<625x32xf32, #tpu.memory_space<hbm>>)
        tpu.yield
      }) : () -> ()
      "tpu.region"() ({
        %run_scoped3A = tpu.sem_alloc : memref<!tpu.dma_semaphore, #tpu.memory_space<semaphore_mem>>
        %dma_start3A = arith.constant 0 : i32
        %dma_start3A_31 = tpu.memref_slice %arg21[%mul3A_0, %dma_start3A] : memref<10000x32xf32, #tpu.memory_space<hbm>> -> memref<625x32xf32, #tpu.memory_space<hbm>>
        %dma_start3A_32 = arith.constant 0 : i32
        %dma_start3A_33 = tpu.memref_slice %arg41[%mul3A_0, %dma_start3A_32] : memref<10000x32xf32, #tpu.memory_space<vmem_shared>> -> memref<625x32xf32, #tpu.memory_space<vmem_shared>>
        tpu.enqueue_dma source(%dma_start3A_33 : memref<625x32xf32, #tpu.memory_space<vmem_shared>>) target(%dma_start3A_31 : memref<625x32xf32, #tpu.memory_space<hbm>>) target_semaphore(%run_scoped3A : memref<!tpu.dma_semaphore, #tpu.memory_space<semaphore_mem>>)
        %dma_wait3A = arith.constant 0 : i32
        %dma_wait3A_34 = tpu.memref_slice %arg21[%mul3A_0, %dma_wait3A] : memref<10000x32xf32, #tpu.memory_space<hbm>> -> memref<625x32xf32, #tpu.memory_space<hbm>>
        %dma_wait3A_35 = arith.constant 0 : i32
        %dma_wait3A_36 = tpu.memref_slice %arg41[%mul3A_0, %dma_wait3A_35] : memref<10000x32xf32, #tpu.memory_space<vmem_shared>> -> memref<625x32xf32, #tpu.memory_space<vmem_shared>>
        tpu.wait_dma2 semaphore(%run_scoped3A : memref<!tpu.dma_semaphore, #tpu.memory_space<semaphore_mem>>) src(%dma_wait3A_36 : memref<625x32xf32, #tpu.memory_space<vmem_shared>>) dst(%dma_wait3A_34 : memref<625x32xf32, #tpu.memory_space<hbm>>)
        tpu.yield
      }) : () -> ()
    } else {
    }
    return
  }
}

module attributes {stable_mosaic.version = 14 : i64} {
  func.func @_node_body(%arg0: i32, %arg1: memref<1000x1xi32, #tpu.memory_space<vmem>>, %arg2: memref<128x32xf32, #tpu.memory_space<vmem>>, %arg3: memref<32x32xf32, #tpu.memory_space<vmem>>, %arg4: memref<1000x32xf32, #tpu.memory_space<vmem>>, %arg5: memref<1000x32xf32, #tpu.memory_space<vmem>>) attributes {dimension_semantics = [#tpu.dimension_semantics<arbitrary>], iteration_bounds = array<i64: 10>, scalar_prefetch = 0 : i64, scratch_operands = 0 : i64, tpu.core_type = #tpu.core_type<tc>, window_params = [{transform_indices = @transform_0, window_bounds = array<i64: 1000, 1>}, {pipeline_mode = #tpu.pipeline_mode<synchronous>, transform_indices = @transform_1, window_bounds = array<i64: 128, 32>}, {pipeline_mode = #tpu.pipeline_mode<synchronous>, transform_indices = @transform_2, window_bounds = array<i64: 32, 32>}, {transform_indices = @transform_3, window_bounds = array<i64: 1000, 32>}, {transform_indices = @transform_4, window_bounds = array<i64: 1000, 32>}]} {
    %get3A = arith.constant 0 : index
    %get3A_0 = arith.constant 0 : index
    %get3A_1 = vector.load %arg1[%get3A, %get3A_0] : memref<1000x1xi32, #tpu.memory_space<vmem>>, vector<1000x1xi32>
    %iota3A = tpu.iota {dimensions = array<i32: 1>} : vector<1x128xi32>
    %eq3A = vector.broadcast %get3A_1 : vector<1000x1xi32> to vector<1000x128xi32>
    %eq3A_2 = vector.broadcast %iota3A : vector<1x128xi32> to vector<1000x128xi32>
    %eq3A_3 = arith.cmpi eq, %eq3A, %eq3A_2 : vector<1000x128xi32>
    %convert_element_type3A = arith.extui %eq3A_3 : vector<1000x128xi1> to vector<1000x128xi32>
    %convert_element_type3A_4 = arith.sitofp %convert_element_type3A : vector<1000x128xi32> to vector<1000x128xf32>
    %get3A_5 = arith.constant 0 : index
    %get3A_6 = arith.constant 0 : index
    %get3A_7 = vector.load %arg2[%get3A_5, %get3A_6] : memref<128x32xf32, #tpu.memory_space<vmem>>, vector<128x32xf32>
    %dot_general3A = arith.constant dense<0.000000e+00> : vector<1000x32xf32>
    %dot_general3A_8 = tpu.matmul %convert_element_type3A_4, %get3A_7, %dot_general3A {dimension_numbers = #tpu.dot_dimension_numbers<[1], [0], [0], [1], [0, 0, 1, 1], [], []>, transpose_lhs_hint = false} : vector<1000x128xf32>, vector<128x32xf32>, vector<1000x32xf32> -> vector<1000x32xf32>
    %get3A_9 = arith.constant 0 : index
    %get3A_10 = arith.constant 0 : index
    %get3A_11 = vector.load %arg3[%get3A_9, %get3A_10] : memref<32x32xf32, #tpu.memory_space<vmem>>, vector<32x32xf32>
    %dot_general3A_12 = arith.constant dense<0.000000e+00> : vector<1000x32xf32>
    %dot_general3A_13 = tpu.matmul %dot_general3A_8, %get3A_11, %dot_general3A_12 {dimension_numbers = #tpu.dot_dimension_numbers<[1], [0], [0], [1], [0, 0, 1, 1], [], []>, transpose_lhs_hint = false} : vector<1000x32xf32>, vector<32x32xf32>, vector<1000x32xf32> -> vector<1000x32xf32>
    %swap3A = arith.constant 0 : index
    %swap3A_14 = arith.constant 0 : index
    %swap3A_15 = vector.load %arg4[%swap3A, %swap3A_14] : memref<1000x32xf32, #tpu.memory_space<vmem>>, vector<1000x32xf32>
    tpu.vector_store %arg4[%swap3A, %swap3A_14], %dot_general3A_8 {strides = array<i32>} : memref<1000x32xf32, #tpu.memory_space<vmem>>, vector<1000x32xf32>,
    %swap3A_16 = arith.constant 0 : index
    %swap3A_17 = arith.constant 0 : index
    %swap3A_18 = vector.load %arg5[%swap3A_16, %swap3A_17] : memref<1000x32xf32, #tpu.memory_space<vmem>>, vector<1000x32xf32>
    tpu.vector_store %arg5[%swap3A_16, %swap3A_17], %dot_general3A_13 {strides = array<i32>} : memref<1000x32xf32, #tpu.memory_space<vmem>>, vector<1000x32xf32>,
    return
  }
  func.func @transform_0(%arg0: i32) -> (i32, i32) {
    %c0_i32 = arith.constant 0 : i32
    %c0_i32_0 = arith.constant 0 : i32
    return %arg0, %c0_i32 : i32, i32
  }
  func.func @transform_1(%arg0: i32) -> (i32, i32) {
    %c0_i32 = arith.constant 0 : i32
    %c0_i32_0 = arith.constant 0 : i32
    %c0_i32_1 = arith.constant 0 : i32
    return %c0_i32, %c0_i32_0 : i32, i32
  }
  func.func @transform_2(%arg0: i32) -> (i32, i32) {
    %c0_i32 = arith.constant 0 : i32
    %c0_i32_0 = arith.constant 0 : i32
    %c0_i32_1 = arith.constant 0 : i32
    return %c0_i32, %c0_i32_0 : i32, i32
  }
  func.func @transform_3(%arg0: i32) -> (i32, i32) {
    %c0_i32 = arith.constant 0 : i32
    %c0_i32_0 = arith.constant 0 : i32
    return %arg0, %c0_i32 : i32, i32
  }
  func.func @transform_4(%arg0: i32) -> (i32, i32) {
    %c0_i32 = arith.constant 0 : i32
    %c0_i32_0 = arith.constant 0 : i32
    return %arg0, %c0_i32 : i32, i32
  }
}

module attributes {stable_mosaic.version = 14 : i64} {
  func.func @_edge_body(%arg0: i32, %arg1: memref<800x4xf32, #tpu.memory_space<vmem>>, %arg2: memref<800x4xf32, #tpu.memory_space<vmem>>, %arg3: memref<800x4xf32, #tpu.memory_space<vmem>>, %arg4: memref<800x128xf32, #tpu.memory_space<vmem>>, %arg5: memref<800x128xf32, #tpu.memory_space<vmem>>, %arg6: memref<128x128xf32, #tpu.memory_space<vmem>>, %arg7: memref<128x384xf32, #tpu.memory_space<vmem>>, %arg8: memref<4x128xf32, #tpu.memory_space<vmem>>, %arg9: memref<384x1152xf32, #tpu.memory_space<vmem>>, %arg10: memref<36x1152xf32, #tpu.memory_space<vmem>>, %arg11: memref<800x128xf32, #tpu.memory_space<vmem>>, %arg12: memref<800x128xf32, #tpu.memory_space<vmem>>, %arg13: memref<800x128xf32, #tpu.memory_space<vmem>>, %arg14: memref<800x128xf32, #tpu.memory_space<vmem>>, %arg15: memref<800x128xf32, #tpu.memory_space<vmem>>, %arg16: memref<800x128xf32, #tpu.memory_space<vmem>>, %arg17: memref<800x128xf32, #tpu.memory_space<vmem>>, %arg18: memref<800x128xf32, #tpu.memory_space<vmem>>, %arg19: memref<800x128xf32, #tpu.memory_space<vmem>>) attributes {dimension_semantics = [#tpu.dimension_semantics<arbitrary>], iteration_bounds = array<i64: 50>, scalar_prefetch = 0 : i64, scratch_operands = 0 : i64, tpu.core_type = #tpu.core_type<tc>, window_params = [{transform_indices = @transform_0, window_bounds = array<i64: 800, 4>}, {transform_indices = @transform_1, window_bounds = array<i64: 800, 4>}, {transform_indices = @transform_2, window_bounds = array<i64: 800, 4>}, {transform_indices = @transform_3, window_bounds = array<i64: 800, 128>}, {transform_indices = @transform_4, window_bounds = array<i64: 800, 128>}, {pipeline_mode = #tpu.pipeline_mode<synchronous>, transform_indices = @transform_5, window_bounds = array<i64: 128, 128>}, {pipeline_mode = #tpu.pipeline_mode<synchronous>, transform_indices = @transform_6, window_bounds = array<i64: 128, 384>}, {pipeline_mode = #tpu.pipeline_mode<synchronous>, transform_indices = @transform_7, window_bounds = array<i64: 4, 128>}, {pipeline_mode = #tpu.pipeline_mode<synchronous>, transform_indices = @transform_8, window_bounds = array<i64: 384, 1152>}, {pipeline_mode = #tpu.pipeline_mode<synchronous>, transform_indices = @transform_9, window_bounds = array<i64: 36, 1152>}, {transform_indices = @transform_10, window_bounds = array<i64: 800, 128>}, {transform_indices = @transform_11, window_bounds = array<i64: 800, 128>}, {transform_indices = @transform_12, window_bounds = array<i64: 800, 128>}, {transform_indices = @transform_13, window_bounds = array<i64: 800, 128>}, {transform_indices = @transform_14, window_bounds = array<i64: 800, 128>}, {transform_indices = @transform_15, window_bounds = array<i64: 800, 128>}, {transform_indices = @transform_16, window_bounds = array<i64: 800, 128>}, {transform_indices = @transform_17, window_bounds = array<i64: 800, 128>}, {transform_indices = @transform_18, window_bounds = array<i64: 800, 128>}]} {
    %get3A = arith.constant 0 : index
    %get3A_0 = arith.constant 0 : index
    %get3A_1 = vector.load %arg1[%get3A, %get3A_0] : memref<800x4xf32, #tpu.memory_space<vmem>>, vector<800x4xf32>
    %get3A_2 = arith.constant 0 : index
    %get3A_3 = arith.constant 0 : index
    %get3A_4 = vector.load %arg2[%get3A_2, %get3A_3] : memref<800x4xf32, #tpu.memory_space<vmem>>, vector<800x4xf32>
    %get3A_5 = arith.constant 0 : index
    %get3A_6 = arith.constant 0 : index
    %get3A_7 = vector.load %arg3[%get3A_5, %get3A_6] : memref<800x4xf32, #tpu.memory_space<vmem>>, vector<800x4xf32>
    %mul3A = arith.mulf %get3A_1, %get3A_1 : vector<800x4xf32>
    %mul3A_8 = arith.mulf %get3A_4, %get3A_4 : vector<800x4xf32>
    %add3A = arith.addf %mul3A, %mul3A_8 : vector<800x4xf32>
    %mul3A_9 = arith.mulf %get3A_7, %get3A_7 : vector<800x4xf32>
    %add3A_10 = arith.addf %add3A, %mul3A_9 : vector<800x4xf32>
    %add3A_11 = arith.constant 9.99999996E-13 : f32
    %add3A_12 = vector.broadcast %add3A_11 : f32 to vector<800x4xf32>
    %add3A_13 = arith.addf %add3A_10, %add3A_12 : vector<800x4xf32>
    %sqrt3A = math.sqrt %add3A_13 : vector<800x4xf32>
    %add3A_14 = arith.constant 9.99999996E-13 : f32
    %add3A_15 = vector.broadcast %add3A_14 : f32 to vector<800x4xf32>
    %add3A_16 = arith.addf %sqrt3A, %add3A_15 : vector<800x4xf32>
    %div3A = arith.constant 1.000000e+00 : f32
    %div3A_17 = vector.broadcast %div3A : f32 to vector<800x4xf32>
    %div3A_18 = arith.divf %div3A_17, %add3A_16 : vector<800x4xf32>
    %mul3A_19 = arith.mulf %get3A_1, %div3A_18 : vector<800x4xf32>
    %mul3A_20 = arith.mulf %get3A_4, %div3A_18 : vector<800x4xf32>
    %mul3A_21 = arith.mulf %get3A_7, %div3A_18 : vector<800x4xf32>
    %div3A_22 = arith.constant 5.000000e+00 : f32
    %div3A_23 = vector.broadcast %div3A_22 : f32 to vector<800x4xf32>
    %div3A_24 = arith.divf %sqrt3A, %div3A_23 : vector<800x4xf32>
    %jit3A = arith.constant 0.000000e+00 : f32
    %jit3A_25 = arith.constant 1.000000e+00 : f32
    %max3A = vector.broadcast %jit3A : f32 to vector<800x4xf32>
    %max3A_26 = arith.maximumf %max3A, %div3A_24 : vector<800x4xf32>
    %min3A = vector.broadcast %jit3A_25 : f32 to vector<800x4xf32>
    %min3A_27 = arith.minimumf %min3A, %max3A_26 : vector<800x4xf32>
    %mul3A_28 = arith.constant 3.14159274 : f32
    %mul3A_29 = vector.broadcast %mul3A_28 : f32 to vector<800x4xf32>
    %mul3A_30 = arith.mulf %mul3A_29, %min3A_27 : vector<800x4xf32>
    %cos3A = math.cos %mul3A_30 : vector<800x4xf32>
    %add3A_31 = arith.constant 1.000000e+00 : f32
    %add3A_32 = vector.broadcast %add3A_31 : f32 to vector<800x4xf32>
    %add3A_33 = arith.addf %cos3A, %add3A_32 : vector<800x4xf32>
    %mul3A_34 = arith.constant 5.000000e-01 : f32
    %mul3A_35 = vector.broadcast %mul3A_34 : f32 to vector<800x4xf32>
    %mul3A_36 = arith.mulf %mul3A_35, %add3A_33 : vector<800x4xf32>
    %get3A_37 = arith.constant 0 : index
    %get3A_38 = arith.constant 0 : index
    %get3A_39 = vector.load %arg8[%get3A_37, %get3A_38] : memref<4x128xf32, #tpu.memory_space<vmem>>, vector<4x128xf32>
    %dot_general3A = arith.constant dense<0.000000e+00> : vector<800x128xf32>
    %dot_general3A_40 = tpu.matmul %sqrt3A, %get3A_39, %dot_general3A {dimension_numbers = #tpu.dot_dimension_numbers<[1], [0], [0], [1], [0, 0, 1, 1], [], []>, transpose_lhs_hint = false} : vector<800x4xf32>, vector<4x128xf32>, vector<800x128xf32> -> vector<800x128xf32>
    %dot_general3A_41 = arith.constant dense<0.000000e+00> : vector<800x128xf32>
    %dot_general3A_42 = tpu.matmul %mul3A_36, %get3A_39, %dot_general3A_41 {dimension_numbers = #tpu.dot_dimension_numbers<[1], [0], [0], [1], [0, 0, 1, 1], [], []>, transpose_lhs_hint = false} : vector<800x4xf32>, vector<4x128xf32>, vector<800x128xf32> -> vector<800x128xf32>
    %iota3A = tpu.iota {dimensions = array<i32: 1>} : vector<1x128xi32>
    %jit3A_43 = arith.constant 32 : i32
    %eq3A = arith.constant 0 : i32
    %eq3A_44 = arith.cmpi eq, %jit3A_43, %eq3A : i32
    %jit3A_45 = arith.constant 1 : i32
    %select_n3A = arith.select %eq3A_44, %jit3A_45, %jit3A_43 : i32
    %rem3A = vector.broadcast %select_n3A : i32 to vector<1x128xi32>
    %rem3A_46 = arith.remsi %iota3A, %rem3A : vector<1x128xi32>
    %ne3A = arith.constant 0 : i32
    %ne3A_47 = vector.broadcast %ne3A : i32 to vector<1x128xi32>
    %ne3A_48 = arith.cmpi ne, %rem3A_46, %ne3A_47 : vector<1x128xi32>
    %lt3A = arith.constant 0 : i32
    %lt3A_49 = vector.broadcast %lt3A : i32 to vector<1x128xi32>
    %lt3A_50 = arith.cmpi slt, %rem3A_46, %lt3A_49 : vector<1x128xi32>
    %lt3A_51 = arith.constant 0 : i32
    %lt3A_52 = arith.cmpi slt, %select_n3A, %lt3A_51 : i32
    %ne3A_53 = vector.broadcast %lt3A_52 : i1 to vector<1x128xi1>
    %ne3A_54 = vector.broadcast %ne3A_53 : vector<1x128xi1> to vector<1x128xi1>
    %ne3A_55 = arith.xori %lt3A_50, %ne3A_54 : vector<1x128xi1>
    %and3A = arith.andi %ne3A_55, %ne3A_48 : vector<1x128xi1>
    %add3A_56 = vector.broadcast %select_n3A : i32 to vector<1x128xi32>
    %add3A_57 = arith.addi %rem3A_46, %add3A_56 : vector<1x128xi32>
    %select_n3A_58 = arith.select %and3A, %add3A_57, %rem3A_46 : vector<1x128xi1>, vector<1x128xi32>
    %convert_element_type3A = arith.sitofp %select_n3A_58 : vector<1x128xi32> to vector<1x128xf32>
    %mul3A_59 = arith.constant 0.161290318 : f32
    %mul3A_60 = vector.broadcast %mul3A_59 : f32 to vector<1x128xf32>
    %mul3A_61 = arith.mulf %convert_element_type3A, %mul3A_60 : vector<1x128xf32>
    %sub3A = vector.broadcast %mul3A_61 : vector<1x128xf32> to vector<800x128xf32>
    %sub3A_62 = arith.subf %dot_general3A_40, %sub3A : vector<800x128xf32>
    %mul3A_63 = arith.constant -4.096000e+00 : f32
    %mul3A_64 = vector.broadcast %mul3A_63 : f32 to vector<800x128xf32>
    %mul3A_65 = arith.mulf %mul3A_64, %sub3A_62 : vector<800x128xf32>
    %mul3A_66 = arith.mulf %mul3A_65, %sub3A_62 : vector<800x128xf32>
    %exp3A = math.exp %mul3A_66 : vector<800x128xf32>
    %get3A_67 = arith.constant 0 : index
    %get3A_68 = arith.constant 0 : index
    %get3A_69 = vector.load %arg4[%get3A_67, %get3A_68] : memref<800x128xf32, #tpu.memory_space<vmem>>, vector<800x128xf32>
    %mul3A_70 = arith.mulf %exp3A, %get3A_69 : vector<800x128xf32>
    %get3A_71 = arith.constant 0 : index
    %get3A_72 = arith.constant 0 : index
    %get3A_73 = vector.load %arg6[%get3A_71, %get3A_72] : memref<128x128xf32, #tpu.memory_space<vmem>>, vector<128x128xf32>
    %dot_general3A_74 = arith.constant dense<0.000000e+00> : vector<800x128xf32>
    %dot_general3A_75 = tpu.matmul %mul3A_70, %get3A_73, %dot_general3A_74 {dimension_numbers = #tpu.dot_dimension_numbers<[1], [0], [0], [1], [0, 0, 1, 1], [], []>, transpose_lhs_hint = false} : vector<800x128xf32>, vector<128x128xf32>, vector<800x128xf32> -> vector<800x128xf32>
    %mul3A_76 = arith.mulf %dot_general3A_75, %dot_general3A_42 : vector<800x128xf32>
    %get3A_77 = arith.constant 0 : index
    %get3A_78 = arith.constant 0 : index
    %get3A_79 = vector.load %arg7[%get3A_77, %get3A_78] : memref<128x384xf32, #tpu.memory_space<vmem>>, vector<128x384xf32>
    %dot_general3A_80 = arith.constant dense<0.000000e+00> : vector<800x384xf32>
    %dot_general3A_81 = tpu.matmul %mul3A_76, %get3A_79, %dot_general3A_80 {dimension_numbers = #tpu.dot_dimension_numbers<[1], [0], [0], [1], [0, 0, 1, 1], [], []>, transpose_lhs_hint = false} : vector<800x128xf32>, vector<128x384xf32>, vector<800x384xf32> -> vector<800x384xf32>
    %slice3A = vector.extract_strided_slice %dot_general3A_81 {offsets = [0, 0], sizes = [800, 128], strides = [1, 1]} : vector<800x384xf32> to vector<800x128xf32>
    %logistic3A = arith.negf %slice3A : vector<800x128xf32>
    %logistic3A_82 = math.exp %logistic3A : vector<800x128xf32>
    %logistic3A_83 = arith.constant 1.000000e+00 : f32
    %logistic3A_84 = vector.broadcast %logistic3A_83 : f32 to vector<800x128xf32>
    %logistic3A_85 = arith.addf %logistic3A_84, %logistic3A_82 : vector<800x128xf32>
    %logistic3A_86 = arith.divf %logistic3A_84, %logistic3A_85 : vector<800x128xf32>
    %mul3A_87 = arith.mulf %slice3A, %logistic3A_86 : vector<800x128xf32>
    %get3A_88 = arith.constant 0 : index
    %get3A_89 = arith.constant 0 : index
    %get3A_90 = vector.load %arg5[%get3A_88, %get3A_89] : memref<800x128xf32, #tpu.memory_space<vmem>>, vector<800x128xf32>
    %mul3A_91 = arith.mulf %mul3A_87, %get3A_90 : vector<800x128xf32>
    %concatenate3A = tpu.concatenate %get3A_90, %mul3A_91, %mul3A_91 in 1 : vector<800x128xf32>, vector<800x128xf32>, vector<800x128xf32> -> vector<800x384xf32>
    %mul3A_92 = arith.mulf %dot_general3A_81, %concatenate3A : vector<800x384xf32>
    %broadcast_in_dim3A = arith.constant 1.000000e+00 : f32
    %broadcast_in_dim3A_93 = vector.broadcast %broadcast_in_dim3A : f32 to vector<800x4xf32>
    %mul3A_94 = arith.constant 1.73205078 : f32
    %mul3A_95 = vector.broadcast %mul3A_94 : f32 to vector<800x4xf32>
    %mul3A_96 = arith.mulf %mul3A_95, %mul3A_19 : vector<800x4xf32>
    %mul3A_97 = arith.mulf %mul3A_96, %mul3A_20 : vector<800x4xf32>
    %mul3A_98 = arith.constant 1.73205078 : f32
    %mul3A_99 = vector.broadcast %mul3A_98 : f32 to vector<800x4xf32>
    %mul3A_100 = arith.mulf %mul3A_99, %mul3A_20 : vector<800x4xf32>
    %mul3A_101 = arith.mulf %mul3A_100, %mul3A_21 : vector<800x4xf32>
    %mul3A_102 = arith.constant 1.500000e+00 : f32
    %mul3A_103 = vector.broadcast %mul3A_102 : f32 to vector<800x4xf32>
    %mul3A_104 = arith.mulf %mul3A_103, %mul3A_21 : vector<800x4xf32>
    %mul3A_105 = arith.mulf %mul3A_104, %mul3A_21 : vector<800x4xf32>
    %sub3A_106 = arith.constant 5.000000e-01 : f32
    %sub3A_107 = vector.broadcast %sub3A_106 : f32 to vector<800x4xf32>
    %sub3A_108 = arith.subf %mul3A_105, %sub3A_107 : vector<800x4xf32>
    %mul3A_109 = arith.constant 1.73205078 : f32
    %mul3A_110 = vector.broadcast %mul3A_109 : f32 to vector<800x4xf32>
    %mul3A_111 = arith.mulf %mul3A_110, %mul3A_19 : vector<800x4xf32>
    %mul3A_112 = arith.mulf %mul3A_111, %mul3A_21 : vector<800x4xf32>
    %mul3A_113 = arith.mulf %mul3A_19, %mul3A_19 : vector<800x4xf32>
    %mul3A_114 = arith.mulf %mul3A_20, %mul3A_20 : vector<800x4xf32>
    %sub3A_115 = arith.subf %mul3A_113, %mul3A_114 : vector<800x4xf32>
    %mul3A_116 = arith.constant 0.866025388 : f32
    %mul3A_117 = vector.broadcast %mul3A_116 : f32 to vector<800x4xf32>
    %mul3A_118 = arith.mulf %mul3A_117, %sub3A_115 : vector<800x4xf32>
    %concatenate3A_119 = tpu.concatenate %broadcast_in_dim3A_93, %mul3A_20, %mul3A_21, %mul3A_19, %mul3A_97, %mul3A_101, %sub3A_108, %mul3A_112, %mul3A_118 in 1 : vector<800x4xf32>, vector<800x4xf32>, vector<800x4xf32>, vector<800x4xf32>, vector<800x4xf32>, vector<800x4xf32>, vector<800x4xf32>, vector<800x4xf32>, vector<800x4xf32> -> vector<800x36xf32>
    %get3A_120 = arith.constant 0 : index
    %get3A_121 = arith.constant 0 : index
    %get3A_122 = vector.load %arg9[%get3A_120, %get3A_121] : memref<384x1152xf32, #tpu.memory_space<vmem>>, vector<384x1152xf32>
    %dot_general3A_123 = arith.constant dense<0.000000e+00> : vector<800x1152xf32>
    %dot_general3A_124 = tpu.matmul %mul3A_92, %get3A_122, %dot_general3A_123 {dimension_numbers = #tpu.dot_dimension_numbers<[1], [0], [0], [1], [0, 0, 1, 1], [], []>, transpose_lhs_hint = false} : vector<800x384xf32>, vector<384x1152xf32>, vector<800x1152xf32> -> vector<800x1152xf32>
    %get3A_125 = arith.constant 0 : index
    %get3A_126 = arith.constant 0 : index
    %get3A_127 = vector.load %arg10[%get3A_125, %get3A_126] : memref<36x1152xf32, #tpu.memory_space<vmem>>, vector<36x1152xf32>
    %dot_general3A_128 = arith.constant dense<0.000000e+00> : vector<800x1152xf32>
    %dot_general3A_129 = tpu.matmul %concatenate3A_119, %get3A_127, %dot_general3A_128 {dimension_numbers = #tpu.dot_dimension_numbers<[1], [0], [0], [1], [0, 0, 1, 1], [], []>, transpose_lhs_hint = false} : vector<800x36xf32>, vector<36x1152xf32>, vector<800x1152xf32> -> vector<800x1152xf32>
    %mul3A_130 = arith.mulf %dot_general3A_124, %dot_general3A_129 : vector<800x1152xf32>
    %slice3A_131 = vector.extract_strided_slice %mul3A_130 {offsets = [0, 0], sizes = [800, 128], strides = [1, 1]} : vector<800x1152xf32> to vector<800x128xf32>
    %swap3A = arith.constant 0 : index
    %swap3A_132 = arith.constant 0 : index
    %swap3A_133 = vector.load %arg11[%swap3A, %swap3A_132] : memref<800x128xf32, #tpu.memory_space<vmem>>, vector<800x128xf32>
    tpu.vector_store %arg11[%swap3A, %swap3A_132], %slice3A_131 {strides = array<i32>} : memref<800x128xf32, #tpu.memory_space<vmem>>, vector<800x128xf32>,
    %slice3A_134 = vector.extract_strided_slice %mul3A_130 {offsets = [0, 128], sizes = [800, 128], strides = [1, 1]} : vector<800x1152xf32> to vector<800x128xf32>
    %swap3A_135 = arith.constant 0 : index
    %swap3A_136 = arith.constant 0 : index
    %swap3A_137 = vector.load %arg12[%swap3A_135, %swap3A_136] : memref<800x128xf32, #tpu.memory_space<vmem>>, vector<800x128xf32>
    tpu.vector_store %arg12[%swap3A_135, %swap3A_136], %slice3A_134 {strides = array<i32>} : memref<800x128xf32, #tpu.memory_space<vmem>>, vector<800x128xf32>,
    %slice3A_138 = vector.extract_strided_slice %mul3A_130 {offsets = [0, 256], sizes = [800, 128], strides = [1, 1]} : vector<800x1152xf32> to vector<800x128xf32>
    %swap3A_139 = arith.constant 0 : index
    %swap3A_140 = arith.constant 0 : index
    %swap3A_141 = vector.load %arg13[%swap3A_139, %swap3A_140] : memref<800x128xf32, #tpu.memory_space<vmem>>, vector<800x128xf32>
    tpu.vector_store %arg13[%swap3A_139, %swap3A_140], %slice3A_138 {strides = array<i32>} : memref<800x128xf32, #tpu.memory_space<vmem>>, vector<800x128xf32>,
    %slice3A_142 = vector.extract_strided_slice %mul3A_130 {offsets = [0, 384], sizes = [800, 128], strides = [1, 1]} : vector<800x1152xf32> to vector<800x128xf32>
    %swap3A_143 = arith.constant 0 : index
    %swap3A_144 = arith.constant 0 : index
    %swap3A_145 = vector.load %arg14[%swap3A_143, %swap3A_144] : memref<800x128xf32, #tpu.memory_space<vmem>>, vector<800x128xf32>
    tpu.vector_store %arg14[%swap3A_143, %swap3A_144], %slice3A_142 {strides = array<i32>} : memref<800x128xf32, #tpu.memory_space<vmem>>, vector<800x128xf32>,
    %slice3A_146 = vector.extract_strided_slice %mul3A_130 {offsets = [0, 512], sizes = [800, 128], strides = [1, 1]} : vector<800x1152xf32> to vector<800x128xf32>
    %swap3A_147 = arith.constant 0 : index
    %swap3A_148 = arith.constant 0 : index
    %swap3A_149 = vector.load %arg15[%swap3A_147, %swap3A_148] : memref<800x128xf32, #tpu.memory_space<vmem>>, vector<800x128xf32>
    tpu.vector_store %arg15[%swap3A_147, %swap3A_148], %slice3A_146 {strides = array<i32>} : memref<800x128xf32, #tpu.memory_space<vmem>>, vector<800x128xf32>,
    %slice3A_150 = vector.extract_strided_slice %mul3A_130 {offsets = [0, 640], sizes = [800, 128], strides = [1, 1]} : vector<800x1152xf32> to vector<800x128xf32>
    %swap3A_151 = arith.constant 0 : index
    %swap3A_152 = arith.constant 0 : index
    %swap3A_153 = vector.load %arg16[%swap3A_151, %swap3A_152] : memref<800x128xf32, #tpu.memory_space<vmem>>, vector<800x128xf32>
    tpu.vector_store %arg16[%swap3A_151, %swap3A_152], %slice3A_150 {strides = array<i32>} : memref<800x128xf32, #tpu.memory_space<vmem>>, vector<800x128xf32>,
    %slice3A_154 = vector.extract_strided_slice %mul3A_130 {offsets = [0, 768], sizes = [800, 128], strides = [1, 1]} : vector<800x1152xf32> to vector<800x128xf32>
    %swap3A_155 = arith.constant 0 : index
    %swap3A_156 = arith.constant 0 : index
    %swap3A_157 = vector.load %arg17[%swap3A_155, %swap3A_156] : memref<800x128xf32, #tpu.memory_space<vmem>>, vector<800x128xf32>
    tpu.vector_store %arg17[%swap3A_155, %swap3A_156], %slice3A_154 {strides = array<i32>} : memref<800x128xf32, #tpu.memory_space<vmem>>, vector<800x128xf32>,
    %slice3A_158 = vector.extract_strided_slice %mul3A_130 {offsets = [0, 896], sizes = [800, 128], strides = [1, 1]} : vector<800x1152xf32> to vector<800x128xf32>
    %swap3A_159 = arith.constant 0 : index
    %swap3A_160 = arith.constant 0 : index
    %swap3A_161 = vector.load %arg18[%swap3A_159, %swap3A_160] : memref<800x128xf32, #tpu.memory_space<vmem>>, vector<800x128xf32>
    tpu.vector_store %arg18[%swap3A_159, %swap3A_160], %slice3A_158 {strides = array<i32>} : memref<800x128xf32, #tpu.memory_space<vmem>>, vector<800x128xf32>,
    %slice3A_162 = vector.extract_strided_slice %mul3A_130 {offsets = [0, 1024], sizes = [800, 128], strides = [1, 1]} : vector<800x1152xf32> to vector<800x128xf32>
    %swap3A_163 = arith.constant 0 : index
    %swap3A_164 = arith.constant 0 : index
    %swap3A_165 = vector.load %arg19[%swap3A_163, %swap3A_164] : memref<800x128xf32, #tpu.memory_space<vmem>>, vector<800x128xf32>
    tpu.vector_store %arg19[%swap3A_163, %swap3A_164], %slice3A_162 {strides = array<i32>} : memref<800x128xf32, #tpu.memory_space<vmem>>, vector<800x128xf32>,
    return
  }
  func.func @transform_0(%arg0: i32) -> (i32, i32) {
    %c0_i32 = arith.constant 0 : i32
    %c0_i32_0 = arith.constant 0 : i32
    return %arg0, %c0_i32 : i32, i32
  }
  func.func @transform_1(%arg0: i32) -> (i32, i32) {
    %c0_i32 = arith.constant 0 : i32
    %c0_i32_0 = arith.constant 0 : i32
    return %arg0, %c0_i32 : i32, i32
  }
  func.func @transform_2(%arg0: i32) -> (i32, i32) {
    %c0_i32 = arith.constant 0 : i32
    %c0_i32_0 = arith.constant 0 : i32
    return %arg0, %c0_i32 : i32, i32
  }
  func.func @transform_3(%arg0: i32) -> (i32, i32) {
    %c0_i32 = arith.constant 0 : i32
    %c0_i32_0 = arith.constant 0 : i32
    return %arg0, %c0_i32 : i32, i32
  }
  func.func @transform_4(%arg0: i32) -> (i32, i32) {
    %c0_i32 = arith.constant 0 : i32
    %c0_i32_0 = arith.constant 0 : i32
    return %arg0, %c0_i32 : i32, i32
  }
  func.func @transform_5(%arg0: i32) -> (i32, i32) {
    %c0_i32 = arith.constant 0 : i32
    %c0_i32_0 = arith.constant 0 : i32
    %c0_i32_1 = arith.constant 0 : i32
    return %c0_i32, %c0_i32_0 : i32, i32
  }
  func.func @transform_6(%arg0: i32) -> (i32, i32) {
    %c0_i32 = arith.constant 0 : i32
    %c0_i32_0 = arith.constant 0 : i32
    %c0_i32_1 = arith.constant 0 : i32
    return %c0_i32, %c0_i32_0 : i32, i32
  }
  func.func @transform_7(%arg0: i32) -> (i32, i32) {
    %c0_i32 = arith.constant 0 : i32
    %c0_i32_0 = arith.constant 0 : i32
    %c0_i32_1 = arith.constant 0 : i32
    return %c0_i32, %c0_i32_0 : i32, i32
  }
  func.func @transform_8(%arg0: i32) -> (i32, i32) {
    %c0_i32 = arith.constant 0 : i32
    %c0_i32_0 = arith.constant 0 : i32
    %c0_i32_1 = arith.constant 0 : i32
    return %c0_i32, %c0_i32_0 : i32, i32
  }
  func.func @transform_9(%arg0: i32) -> (i32, i32) {
    %c0_i32 = arith.constant 0 : i32
    %c0_i32_0 = arith.constant 0 : i32
    %c0_i32_1 = arith.constant 0 : i32
    return %c0_i32, %c0_i32_0 : i32, i32
  }
  func.func @transform_10(%arg0: i32) -> (i32, i32) {
    %c0_i32 = arith.constant 0 : i32
    %c0_i32_0 = arith.constant 0 : i32
    return %arg0, %c0_i32 : i32, i32
  }
  func.func @transform_11(%arg0: i32) -> (i32, i32) {
    %c0_i32 = arith.constant 0 : i32
    %c0_i32_0 = arith.constant 0 : i32
    return %arg0, %c0_i32 : i32, i32
  }
  func.func @transform_12(%arg0: i32) -> (i32, i32) {
    %c0_i32 = arith.constant 0 : i32
    %c0_i32_0 = arith.constant 0 : i32
    return %arg0, %c0_i32 : i32, i32
  }
  func.func @transform_13(%arg0: i32) -> (i32, i32) {
    %c0_i32 = arith.constant 0 : i32
    %c0_i32_0 = arith.constant 0 : i32
    return %arg0, %c0_i32 : i32, i32
  }
  func.func @transform_14(%arg0: i32) -> (i32, i32) {
    %c0_i32 = arith.constant 0 : i32
    %c0_i32_0 = arith.constant 0 : i32
    return %arg0, %c0_i32 : i32, i32
  }
  func.func @transform_15(%arg0: i32) -> (i32, i32) {
    %c0_i32 = arith.constant 0 : i32
    %c0_i32_0 = arith.constant 0 : i32
    return %arg0, %c0_i32 : i32, i32
  }
  func.func @transform_16(%arg0: i32) -> (i32, i32) {
    %c0_i32 = arith.constant 0 : i32
    %c0_i32_0 = arith.constant 0 : i32
    return %arg0, %c0_i32 : i32, i32
  }
  func.func @transform_17(%arg0: i32) -> (i32, i32) {
    %c0_i32 = arith.constant 0 : i32
    %c0_i32_0 = arith.constant 0 : i32
    return %arg0, %c0_i32 : i32, i32
  }
  func.func @transform_18(%arg0: i32) -> (i32, i32) {
    %c0_i32 = arith.constant 0 : i32
    %c0_i32_0 = arith.constant 0 : i32
    return %arg0, %c0_i32 : i32, i32
  }
}

</mosaic_0001>

<sc_bundles>
// kernel: kernel.6.cloned.1.call-start
scs
__scs_entry_jumppad:
0x0: {  	(pc) =	sbr.rel $0x88, $3  }
0x1: {  	(tag) =	ssettag $0x0;
	lr =	simm.s32 $0x1  }
0x2: {  	[smem:$0x3F98] =	sst lr;
	_ =	strace $0xD0000000  }
0x3: {  	_ = 	snop  }
0x4: {  	_ = 	snop  }
0x5: {  	_ = 	snop  }
0x6: {  	_ = 	snop  }
0x7: {  	_ = 	snop  }
__scs_overlays_trampoline_lowered:
0x8: {  	[smem:$0x3FA7] =	sst s0  }
0x9: {  	[smem:$0x3FA8] =	sst s1  }
0xa: {  	[smem:$0x3FA9] =	sst s2  }
0xb: {  	[smem:$0x3FAA] =	sst s3  }
0xc: {  	[smem:$0x3FAB] =	sst s4  }
0xd: {  	[smem:$0x3FAC] =	sst s5  }
0xe: {  	[smem:$0x3FAD] =	sst s6  }
0xf: {  	[smem:$0x3FAE] =	sst s7  }
0x10: {  	[smem:$0x3FAF] =	sst s8  }
0x11: {  	[smem:$0x3FB0] =	sst s9;
	s0 =	simm.s32 @!p0 $0x0  }
0x12: {  	s1 =	sld [smem:$0x3F96];
	s0 =	simm.s32 @p0 $0x1  }
0x13: {  	[smem:$0x3FB1] =	sst s0;
	s0 =	simm.s32 @!p1 $0x0  }
0x14: {  	s2 =	sld [smem:$0x3F95];
	s0 =	simm.s32 @p1 $0x1  }
0x15: {  	[smem:$0x3FB2] =	sst s0;
	s0 =	simm.s32 @!p2 $0x0  }
0x16: {  	s3 =	sld [smem:$0x3FDB];
	s0 =	simm.s32 @p2 $0x1  }
0x17: {  	s4 =	simm.s32 $0x1BF5;
	[smem:$0x3FB4] =	sst s0  }
0x18: {  	s0 =	sld [smem:$0x3F97];
	_ =	swait.ge [sflag:s4], $0x0  }
0x19: {  	s7 =	sld [smem:$0x3F98]  }
0x1a: {  	s8 =	sadd.s32 $0xFFFFE003, lr  }
0x1b: {  	s9 =	sadd.s32 $0xFFFFFEF7, lr;
	s5 =	simm.s32 $0xFFFFFFFF;
	p2 =	slt.u32 s8, $0xFFFFF086  }
0x1c: {  	p1 =	slt.u32 s9, $0xF7A;
	s5 =	simm.s32 @!p2 $0x0  }
0x1d: {  	s5 =	simm.s32 @p1 $0x1;
	p0 =	seq.s32 s7, s2  }
0x1e: {  	s7 =	smul.u32 @!p0 $0xF7A, s2;
	p2 =	seq.s32 @!p0 s5, $0x0  }
0x1f: {  	s9 =	smul.u32 $0xF7A, s1;
	s8 =	simm.s32 @!p0 $0x1BF5;
	p2 =	por !p2, p0  }
0x20: {  	[sflag:s8] =	ssyncset.s32 @!p0 $0xFFFFF086;
	s6 =	sadd.s32 @!p0 s3, s7;
	s7 =	simm.s32 @!p0 $0x108  }
0x21: {  	s3 =	sadd.s32 s3, s9;
	s6 =	sadd.s32 @!p0 $0x88, s6;
	s7 =	simm.s32 @p2 $0x1082  }
0x22: {  	[simem:s7], [sflag:s8] =	dma.local @!p0 [hbm:s6], $0xF7A  }
0x23: {  	s9 =	sor.u32 $0xD0000000, s2;
	s6 =	simm.s32 $0x108;
	_ =	swait.ge @!p0 [sflag:s8], $0x0  }
0x24: {  	s3 =	sadd.s32 $0x88, s3;
	s6 =	simm.s32 @!p1 $0x1082;
	[sflag:s4] =	ssyncset.s32 $0xFFFFF086  }
0x25: {  	[simem:s6], [sflag:s4] =	dma.local [hbm:s3], $0xF7A  }
0x26: {  	[smem:$0x3F98] =	sst s1;
	(tag) =	ssettag s2;
	_ =	strace s9  }
0x27: {  	s1 =	sld [smem:$0x3FA8]  }
0x28: {  	s2 =	sld [smem:$0x3FA9]  }
0x29: {  	s4 =	sld [smem:$0x3FAB]  }
0x2a: {  	p0 =	seq.s32 s5, $0x0;
	s5 =	sld [smem:$0x3FAC]  }
0x2b: {  	s6 =	sld [smem:$0x3FAD]  }
0x2c: {  	s7 =	sld [smem:$0x3FAE]  }
0x2d: {  	s3 =	simm.s32 $0x108;
	s8 =	sld [smem:$0x3FAF]  }
0x2e: {  	s3 =	simm.s32 @!p0 $0x1082;
	s9 =	sld [smem:$0x3FB0]  }
0x2f: {  	lr =	sadd.s32 s0, s3;
	s0 =	sld [smem:$0x3FA7]  }
0x30: {  	s3 =	sld [smem:$0x3FAA]  }
0x31: {  	[smem:$0x3FB3] =	sst s10  }
0x32: {  	s10 =	sld [smem:$0x3FB1];
	_ =	sdelay $0x3  }
0x33: {  	p0 =	seq.s32 s10, $0x1;
	s10 =	sld [smem:$0x3FB3];
	_ =	sdelay $0x3  }
0x34: {  	[smem:$0x3FB3] =	sst s10  }
0x35: {  	s10 =	sld [smem:$0x3FB2];
	_ =	sdelay $0x3  }
0x36: {  	p1 =	seq.s32 s10, $0x1;
	s10 =	sld [smem:$0x3FB3];
	_ =	sdelay $0x3  }
0x37: {  	[smem:$0x3FB3] =	sst s10  }
0x38: {  	s10 =	sld [smem:$0x3FB4]  }
0x39: {  	_ = 	snop;
	(pc) =	sbr.ind lr, $3  }
0x3a: {  	_ = 	snop  }
0x3b: {  	_ = 	snop  }
0x3c: {  	p2 =	seq.s32 s10, $0x1;
	s10 =	sld [smem:$0x3FB3]  }
0x3d: {  	_ =	shalt  }
0x3e: {  	_ =	shalt  }
0x3f: {  	_ =	shalt  }
0x40: {  	_ =	shalt  }
0x41: {  	_ =	shalt  }
0x42: {  	_ =	shalt  }
0x43: {  	_ =	shalt  }
0x44: {  	_ =	shalt  }
0x45: {  	_ =	shalt  }
0x46: {  	_ =	shalt  }
0x47: {  	_ =	shalt  }
0x48: {  	_ =	shalt  }
0x49: {  	_ =	shalt  }
0x4a: {  	_ =	shalt  }
0x4b: {  	_ =	shalt  }
0x4c: {  	_ =	shalt  }
0x4d: {  	_ =	shalt  }
0x4e: {  	_ =	shalt  }
0x4f: {  	_ =	shalt  }
0x50: {  	_ =	shalt  }
0x51: {  	_ =	shalt  }
0x52: {  	_ =	shalt  }
0x53: {  	_ =	shalt  }
0x54: {  	_ =	shalt  }
0x55: {  	_ =	shalt  }
0x56: {  	_ =	shalt  }
0x57: {  	_ =	shalt  }
0x58: {  	_ =	shalt  }
0x59: {  	_ =	shalt  }
0x5a: {  	_ =	shalt  }
0x5b: {  	_ =	shalt  }
0x5c: {  	_ =	shalt  }
0x5d: {  	_ =	shalt  }
0x5e: {  	_ =	shalt  }
0x5f: {  	_ =	shalt  }
0x60: {  	_ =	shalt  }
0x61: {  	_ =	shalt  }
0x62: {  	_ =	shalt  }
0x63: {  	_ =	shalt  }
0x64: {  	_ =	shalt  }
0x65: {  	_ =	shalt  }
0x66: {  	_ =	shalt  }
0x67: {  	_ =	shalt  }
0x68: {  	_ =	shalt  }
0x69: {  	_ =	shalt  }
0x6a: {  	_ =	shalt  }
0x6b: {  	_ =	shalt  }
0x6c: {  	_ =	shalt  }
0x6d: {  	_ =	shalt  }
0x6e: {  	_ =	shalt  }
0x6f: {  	_ =	shalt  }
0x70: {  	_ =	shalt  }
0x71: {  	_ =	shalt  }
0x72: {  	_ =	shalt  }
0x73: {  	_ =	shalt  }
0x74: {  	_ =	shalt  }
0x75: {  	_ =	shalt  }
0x76: {  	_ =	shalt  }
0x77: {  	_ =	shalt  }
0x78: {  	_ =	shalt  }
0x79: {  	_ =	shalt  }
0x7a: {  	_ =	shalt  }
0x7b: {  	_ =	shalt  }
0x7c: {  	_ =	shalt  }
0x7d: {  	_ =	shalt  }
0x7e: {  	_ =	shalt  }
0x7f: {  	_ =	shalt  }
0x80: {  	_ =	shalt  }
0x81: {  	_ =	shalt  }
0x82: {  	_ =	shalt  }
0x83: {  	_ =	shalt  }
0x84: {  	_ =	shalt  }
0x85: {  	_ =	shalt  }
0x86: {  	_ =	shalt  }
0x87: {  	_ =	shalt  }
.Lfunc_end0:
.L_simem_size_0:
called_computation_lowered:
.L_overlay_start_0:
0x88: {  	s2 =	sld [smem:$0x3FD9]  }
0x89: {  	s3 =	sld [smem:$0x3FFE];
	_ =	sdelay $0x1  }
0x8a: {  	s1 =	srdreg.scid  }
0x8b: {  	s0 =	sand.u32 $0x1, s1  }
0x8c: {  	s16 =	sshll.u32 s0, $0xA;
	s2 =	sadd.s32 s3, s2  }
0x8d: {  	s2 =	sadd.s32 s2, s16  }
0x8e: {  	[smem:$0x3FBF] =	sst s2  }
0x8f: {  	_ = 	snop  }
0x90: {  	(tm) =	ssettm $0x1  }
0x91: {  	s17 =	sld [smem:$0x3FFB];
	_ =	sdelay $0x3  }
0x92: {  	_ =	strace s17  }
0x93: {  	s2 =	sld [smem:$0x3FFC];
	_ =	sdelay $0x3  }
0x94: {  	_ =	strace s2  }
0x95: {  	s2 =	sld [smem:$0x3FFD];
	_ =	sdelay $0x3  }
0x96: {  	_ =	strace s2  }
0x97: {  	_ =	strace $0x8FFFFFFF  }
0x98: {  	s18 =	sld [smem:$0x3FDB];
	_ =	sdelay $0x1  }
0x99: {  	s19 =	simm.s32 $_scs_section_size  }
0x9a: {  	s4 =	simm.s32 $_size__tile_overlayer_lowered;
	s5 =	simm.s32 $_tile_overlayer_lowered  }
0x9b: {  	s22 =	simm.s32 $0x1BFF;
	s21 =	sshll.u32 s5, $0x1;
	s2 =	sadd.s32 s19, s18  }
0x9c: {  	s6 =	simm.s32 $0x0;
	s20 =	sshll.u32 s4, $0x1;
	s4 =	sadd.s32 s21, s2  }
0x9d: {  	[timem:s6], [sflag:s22] =	dma.local [hbm:s4], s20  }
0x9e: {  	_ =	swait.ge [sflag:s22], s20  }
0x9f: {  	s3 =	ssub.s32 $0x0, s20;
	[sflag:s22] =	ssyncset.done $0x0  }
0xa0: {  	[sflag:s22] =	ssyncadd.s32 s3;
	_ =	sdelay $0x1  }
0xa1: {  	s23 =	simm.s32 $0x1B8B  }
0xa2: {  	_ =	swait.ge [sflag:s23], $0x1  }
0xa3: {  	[sflag:s23] =	ssyncset.done $0x0  }
0xa4: {  	s25 =	simm.s32 $0x1B8E;
	s24 =	sld [smem:$0x3FFE];
	[sflag:s23] =	ssyncadd.s32 $0xFFFFFFFF  }
0xa5: {  	s26 =	simm.s32 $execute0_lowered;
	[smem:$0x3FD2] =	sst s25  }
0xa6: {  	s4 =	sshll.u32 s26, $0x1;
	_ =	strace $0x80000046;
	[dreg:$0x1] =	wrdreg $0xFFFFFFFF  }
0xa7: {  	s28 =	simm.s32 $_size_execute0_lowered;
	s2 =	sadd.s32 s2, s4;
	[dreg:$0x0] =	wrdreg $0x0  }
0xa8: {  	s4 =	sshll.u32 s28, $0x1;
	[dreg:$0x2] =	wrdreg s2  }
0xa9: {  	[dreg:$0x3] =	wrdreg s4  }
0xaa: {  	[dreg:$0x4] =	wrdreg $0xC0  }
0xab: {  	_ =	task [dreg:s6], $0x5FFFF  }
0xac: {  	[dreg:$0x1] =	wrdreg $0xFFFFFFFF  }
0xad: {  	[dreg:$0x0] =	wrdreg $0x60  }
0xae: {  	[dreg:$0x2] =	wrdreg s24  }
0xaf: {  	[dreg:$0x3] =	wrdreg $0x9  }
0xb0: {  	_ =	task.clear_ibuf [dreg:s6], $0x4FFFF;
	_ =	strace $0x90000046  }
0xb1: {  	s29 =	simm.s32 $0x9;
	_ =	strace $0x80000048  }
0xb2: {  	_ =	swait.ge [sflag:s29], $0x1  }
0xb3: {  	[sflag:s29] =	ssyncadd.s32 $0xFFFFFFFF  }
0xb4: {  	_ =	strace $0x90000048  }
0xb5: {  	_ =	sfence  }
0xb6: {  	s30 =	sld [smem:$0x0];
	_ =	sdelay $0x2  }
0xb7: {  	s31 =	sshll.u32 s1, $0xD;
	s1 =	sshrl.u32 s1, $0x2  }
0xb8: {  	s3 =	sand.u32 $0x4000, s31;
	s1 =	sadd.s32 s1, s30  }
0xb9: {  	s0 =	sor.u32 s3, s0;
	s1 =	sshll.u32 s1, $0x11  }
0xba: {  	s0 =	sor.u32 s1, s0  }
0xbb: {  	s0 =	sadd.s32 $0x8F2B, s0  }
0xbc: {  	[sflag:s0] =	ssyncadd.remote.s32 $0x1  }
0xbd: {  	_ =	sfence.sel $0xFFFF  }
0xbe: {  	[dreg:$0x0] =	wrdreg $0xFFFFFFFF;
	(pc) =	sbr.abs _section_cstart, $3  }
0xbf: {  	[dreg:$0x1] =	wrdreg $0xFFFFFFFF  }
0xc0: {  	_ =	task.clear_ibuf [dreg:s6], $0x2FFFF;
	_ =	strace $0x9FFFFFFF  }
0xc1: {  	(tm) =	ssettm $0x7FFFFFFF  }
tec
execute0_lowered:
.L_overlay_start_1:
0x0: {  	(tag) =	ssettag $0x1  }
0x1: {  	s6 =	rddreg [dreg:$0x0]  }
0x2: {  	s0 =	rddreg [dreg:$0x1];
	s2 =	simm.s32 $0x0;
	s1 =	stileid.u32  }
0x3: {  	s3 =	srdreg.scid;
	s15 =	simm.s32 $0x5;
	s16 =	simm.s32 $0x50  }
0x4: {  	s17 =	simm.s32 $0x2710;
	s18 =	simm.s32 $0x3110;
	s19 =	simm.s32 $0x1  }
0x5: {  	s20 =	simm.s32 $0x2;
	s21 =	simm.s32 $0x3;
	s22 =	simm.s32 $0x4  }
0x6: {  	s23 =	simm.s32 $0x26C0;
	s24 =	simm.s32 $0x0;
	s5 =	smul.u32 $0x4E2, s1  }
0x7: {  	[smem:$0x7FF] =	sst s2;
	s7 =	sand.u32 $0x1, s3;
	s10 =	smul.u32 $0x4E200, s1  }
0x8: {  	s3 =	sadd.s32 $0x16600, s6;
	s4 =	sadd.s32 $0x2800, s6;
	s14 =	smul.u32 $0x9C40, s1  }
0x9: {  	_ =	strace $0x80000047;
	s8 =	ssub.s32 $0x2, s7;
	p0 =	seq.s32 s7, $0x1  }
.Ltmp0:
0xa: {  	s11 =	sadd.s32 s5, s6;
	s9 =	sshrl.u32 s8, $0x1;
	(pc) =	sbr.rel .LBB2_1-.Ltmp0, $4  }
0xb: {  	s5 =	sadd.s32 $0x20400, s6;
	s6 =	sadd.s32 $0xBC800, s6;
	s10 =	sshrl.u32 s10, $0x3  }
0xc: {  	s12 =	ssub.s32 s8, s9;
	s7 =	sadd.s32 $0xC600, s11;
	s8 =	sadd.s32 $0x9880, s10  }
0xd: {  	s9 =	sadd.s32 $0x99C0, s10;
	s10 =	sadd.s32 $0x9B00, s10;
	s11 =	sadd.s32 $0x11600, s11  }
0xe: {  	s13 =	sadd.s32 s14, s5;
	s14 =	sadd.s32 s14, s6;
	s12 =	smax.u32 s12, $0x1  }
.LBB2_7:
0xf: {  	[tilespmem:s18], [sflag:$0x2] =	stream.indirect.gather [hbm4b:s4+s16], $0x20, s26, s16, $0xb8;
	[tilespmem:$0x3B10] =	vst v63  }
0x10: {  	s25 =	smov.u32 s6;
	s26 =	smov.u32 s4  }
.LBB2_8:
0x11: {  	_ =	swait.ge [sflag:s19], $0xA00  }
0x12: {  	[sflag:s19] =	ssyncset.done $0x0  }
0x13: {  	s28 =	sadd.s32 s25, s8;
	[sflag:s19] =	ssyncadd.s32 $0xFFFFF600  }
0x14: {  	[hbm4b:s28+s2] =	stream.linear.scatter [tilespmem:s17], [sflag:$0x3], $0xA00, $0x38;
	[tilespmem:$0x3B10] =	vst v63  }
0x15: {  	_ =	swait.ge [sflag:s20], $0xA00  }
0x16: {  	[sflag:s20] =	ssyncset.done $0x0  }
0x17: {  	s30 =	sadd.s32 s25, s9;
	[sflag:s20] =	ssyncadd.s32 $0xFFFFF600  }
0x18: {  	[hbm4b:s30+s2] =	stream.linear.scatter [tilespmem:s18], [sflag:$0x4], $0xA00, $0x38;
	[tilespmem:$0x3B10] =	vst v63  }
0x19: {  	_ =	swait.ge [sflag:s21], $0xA00  }
0x1a: {  	[sflag:s21] =	ssyncset.done $0x0  }
0x1b: {  	[sflag:s21] =	ssyncadd.s32 $0xFFFFF600  }
0x1c: {  	_ =	swait.ge [sflag:s22], $0xA00  }
0x1d: {  	[sflag:s22] =	ssyncset.done $0x0  }
0x1e: {  	[sflag:s22] =	ssyncadd.s32 $0xFFFFF600  }
0x1f: {  	[tilespmem:s17], [sflag:$0x1] =	stream.indirect.gather [hbm4b:s26+s16], $0x20, s23, s16, $0xb8;
	[tilespmem:$0x3B10] =	vst v63  }
0x20: {  	s24 =	sadd.s32 $0x1, s24;
	_ =	swait.ge [sflag:s19], $0xA00  }
0x21: {  	p1 =	sne.s32 s24, s12;
	[sflag:s19] =	ssyncset.done $0x0  }
.Ltmp1:
0x22: {  	s31 =	sadd.s32 s25, s10;
	[sflag:s19] =	ssyncadd.s32 $0xFFFFF600;
	(pc) =	sbr.rel @!p1 .LBB2_9-.Ltmp1, $4  }
0x23: {  	[hbm4b:s31+s2] =	stream.linear.scatter [tilespmem:s17], [sflag:$0x5], $0xA00, $0x38;
	[tilespmem:$0x3B10] =	vst v63  }
0x24: {  	_ =	swait.ge [sflag:s15], $0xA00  }
0x25: {  	[sflag:s15] =	ssyncset.done $0x0  }
0x26: {  	[sflag:s15] =	ssyncadd.s32 $0xFFFFF600  }
.LBB2_1:
.Ltmp2:
0x27: {  	(pc) =	sbr.rel @!p0 .LBB2_2-.Ltmp2, $2  }
0x28: {  	_ =	sdelay $0x2  }
0x29: {  	s25 =	simm.s32 $0x0  }
0x2a: {  	[tilespmem:s25], [sflag:$0x5] =	stream.linear.gather [hbm4b:s11+s25], $0x2710, $0x38;
	[tilespmem:$0x3B10] =	vst v63  }
0x2b: {  	_ =	swait.ge [sflag:s15], $0x2710  }
0x2c: {  	[sflag:s15] =	ssyncset.done $0x0  }
0x2d: {  	[sflag:s15] =	ssyncadd.s32 $0xFFFFD8F0  }
0x2e: {  	[tilespmem:s17], [sflag:$0x1] =	stream.indirect.gather [hbm4b:s4+s16], $0x20, s25, s16, $0xb8;
	[tilespmem:$0x3B10] =	vst v63  }
0x2f: {  	_ = 	snop  }
0x30: {  	[tilespmem:s18], [sflag:$0x2] =	stream.indirect.gather [hbm4b:s4+s16], $0x20, s16, s16, $0xb8;
	[tilespmem:$0x3B10] =	vst v63  }
0x31: {  	_ =	swait.ge [sflag:s19], $0xA00  }
0x32: {  	[sflag:s19] =	ssyncset.done $0x0  }
0x33: {  	s30 =	sadd.s32 $0x0, s14;
	[sflag:s19] =	ssyncadd.s32 $0xFFFFF600  }
0x34: {  	[hbm4b:s30+s2] =	stream.linear.scatter [tilespmem:s17], [sflag:$0x3], $0xA00, $0x38;
	[tilespmem:$0x3B10] =	vst v63  }
0x35: {  	_ =	swait.ge [sflag:s20], $0xA00  }
0x36: {  	[sflag:s20] =	ssyncset.done $0x0  }
0x37: {  	s25 =	sadd.s32 $0x140, s30;
	[sflag:s20] =	ssyncadd.s32 $0xFFFFF600  }
0x38: {  	[hbm4b:s25+s2] =	stream.linear.scatter [tilespmem:s18], [sflag:$0x4], $0xA00, $0x38;
	[tilespmem:$0x3B10] =	vst v63  }
0x39: {  	_ =	swait.ge [sflag:s21], $0xA00  }
0x3a: {  	[sflag:s21] =	ssyncset.done $0x0  }
0x3b: {  	s31 =	simm.s32 $0xA0;
	[sflag:s21] =	ssyncadd.s32 $0xFFFFF600  }
0x3c: {  	[tilespmem:s17], [sflag:$0x1] =	stream.indirect.gather [hbm4b:s4+s16], $0x20, s31, s16, $0xb8;
	[tilespmem:$0x3B10] =	vst v63  }
0x3d: {  	_ =	swait.ge [sflag:s22], $0xA00  }
0x3e: {  	[sflag:s22] =	ssyncset.done $0x0  }
0x3f: {  	s26 =	simm.s32 $0xF0;
	s25 =	simm.s32 $0x280;
	[sflag:s22] =	ssyncadd.s32 $0xFFFFF600  }
.LBB2_6:
0x40: {  	[tilespmem:s18], [sflag:$0x2] =	stream.indirect.gather [hbm4b:s4+s16], $0x20, s26, s16, $0xb8;
	[tilespmem:$0x3B10] =	vst v63  }
0x41: {  	s26 =	smov.u32 s25  }
0x42: {  	p1 =	sne.s32 s25, $0x9600;
	s25 =	sadd.s32 $0x280, s25;
	_ =	swait.ge [sflag:s19], $0xA00  }
0x43: {  	[sflag:s19] =	ssyncset.done $0x0  }
0x44: {  	s28 =	sadd.s32 s26, s14;
	[sflag:s19] =	ssyncadd.s32 $0xFFFFF600  }
0x45: {  	[hbm4b:s28+s2] =	stream.linear.scatter [tilespmem:s17], [sflag:$0x3], $0xA00, $0x38;
	[tilespmem:$0x3B10] =	vst v63  }
0x46: {  	_ =	swait.ge [sflag:s20], $0xA00  }
0x47: {  	[sflag:s20] =	ssyncset.done $0x0  }
0x48: {  	s28 =	sadd.s32 $0x140, s28;
	[sflag:s20] =	ssyncadd.s32 $0xFFFFF600  }
0x49: {  	[hbm4b:s28+s2] =	stream.linear.scatter [tilespmem:s18], [sflag:$0x4], $0xA00, $0x38;
	[tilespmem:$0x3B10] =	vst v63  }
0x4a: {  	_ =	swait.ge [sflag:s21], $0xA00  }
0x4b: {  	s26 =	sshra.s32 s26, $0x2;
	[sflag:s21] =	ssyncset.done $0x0  }
.Ltmp3:
0x4c: {  	s28 =	sadd.s32 $0xA0, s26;
	[sflag:s21] =	ssyncadd.s32 $0xFFFFF600;
	(pc) =	sbr.rel @p1 .LBB2_6-.Ltmp3, $4  }
0x4d: {  	[tilespmem:s17], [sflag:$0x1] =	stream.indirect.gather [hbm4b:s4+s16], $0x20, s28, s16, $0xb8;
	[tilespmem:$0x3B10] =	vst v63  }
0x4e: {  	_ =	swait.ge [sflag:s22], $0xA00  }
0x4f: {  	[sflag:s22] =	ssyncset.done $0x0  }
0x50: {  	s26 =	sadd.s32 $0xF0, s26;
	[sflag:s22] =	ssyncadd.s32 $0xFFFFF600  }
.Ltmp4:
0x51: {  	_ = 	snop;
	(pc) =	sbr.rel .LBB2_7-.Ltmp4, $1  }
0x52: {  	_ =	sdelay $0x3  }
.LBB2_2:
0x53: {  	[tilespmem:s25], [sflag:$0x5] =	stream.linear.gather [hbm4b:s7+s25], $0x2710, $0x38;
	[tilespmem:$0x3B10] =	vst v63  }
0x54: {  	_ =	swait.ge [sflag:s15], $0x2710  }
0x55: {  	[sflag:s15] =	ssyncset.done $0x0  }
0x56: {  	[sflag:s15] =	ssyncadd.s32 $0xFFFFD8F0  }
0x57: {  	[tilespmem:s17], [sflag:$0x1] =	stream.indirect.gather [hbm4b:s3+s16], $0x20, s25, s16, $0xb8;
	[tilespmem:$0x3B10] =	vst v63  }
0x58: {  	_ = 	snop  }
0x59: {  	[tilespmem:s18], [sflag:$0x2] =	stream.indirect.gather [hbm4b:s3+s16], $0x20, s16, s16, $0xb8;
	[tilespmem:$0x3B10] =	vst v63  }
0x5a: {  	_ =	swait.ge [sflag:s19], $0xA00  }
0x5b: {  	[sflag:s19] =	ssyncset.done $0x0  }
0x5c: {  	s30 =	sadd.s32 $0x0, s13;
	[sflag:s19] =	ssyncadd.s32 $0xFFFFF600  }
0x5d: {  	[hbm4b:s30+s2] =	stream.linear.scatter [tilespmem:s17], [sflag:$0x3], $0xA00, $0x38;
	[tilespmem:$0x3B10] =	vst v63  }
0x5e: {  	_ =	swait.ge [sflag:s20], $0xA00  }
0x5f: {  	[sflag:s20] =	ssyncset.done $0x0  }
0x60: {  	s25 =	sadd.s32 $0x140, s30;
	[sflag:s20] =	ssyncadd.s32 $0xFFFFF600  }
0x61: {  	[hbm4b:s25+s2] =	stream.linear.scatter [tilespmem:s18], [sflag:$0x4], $0xA00, $0x38;
	[tilespmem:$0x3B10] =	vst v63  }
0x62: {  	_ =	swait.ge [sflag:s21], $0xA00  }
0x63: {  	[sflag:s21] =	ssyncset.done $0x0  }
0x64: {  	s31 =	simm.s32 $0xA0;
	[sflag:s21] =	ssyncadd.s32 $0xFFFFF600  }
0x65: {  	[tilespmem:s17], [sflag:$0x1] =	stream.indirect.gather [hbm4b:s3+s16], $0x20, s31, s16, $0xb8;
	[tilespmem:$0x3B10] =	vst v63  }
0x66: {  	_ =	swait.ge [sflag:s22], $0xA00  }
0x67: {  	[sflag:s22] =	ssyncset.done $0x0  }
0x68: {  	s26 =	simm.s32 $0xF0;
	s25 =	simm.s32 $0x280;
	[sflag:s22] =	ssyncadd.s32 $0xFFFFF600  }
.LBB2_3:
0x69: {  	[tilespmem:s18], [sflag:$0x2] =	stream.indirect.gather [hbm4b:s3+s16], $0x20, s26, s16, $0xb8;
	[tilespmem:$0x3B10] =	vst v63  }
0x6a: {  	s26 =	smov.u32 s25  }
0x6b: {  	p1 =	seq.s32 s25, $0x9600;
	s25 =	sadd.s32 $0x280, s25;
	_ =	swait.ge [sflag:s19], $0xA00  }
0x6c: {  	[sflag:s19] =	ssyncset.done $0x0  }
0x6d: {  	s28 =	sadd.s32 s26, s13;
	[sflag:s19] =	ssyncadd.s32 $0xFFFFF600  }
0x6e: {  	[hbm4b:s28+s2] =	stream.linear.scatter [tilespmem:s17], [sflag:$0x3], $0xA00, $0x38;
	[tilespmem:$0x3B10] =	vst v63  }
0x6f: {  	_ =	swait.ge [sflag:s20], $0xA00  }
0x70: {  	[sflag:s20] =	ssyncset.done $0x0  }
0x71: {  	s28 =	sadd.s32 $0x140, s28;
	[sflag:s20] =	ssyncadd.s32 $0xFFFFF600  }
0x72: {  	[hbm4b:s28+s2] =	stream.linear.scatter [tilespmem:s18], [sflag:$0x4], $0xA00, $0x38;
	[tilespmem:$0x3B10] =	vst v63  }
0x73: {  	_ =	swait.ge [sflag:s21], $0xA00  }
0x74: {  	s26 =	sshra.s32 s26, $0x2;
	[sflag:s21] =	ssyncset.done $0x0  }
.Ltmp5:
0x75: {  	s28 =	sadd.s32 $0xA0, s26;
	[sflag:s21] =	ssyncadd.s32 $0xFFFFF600;
	(pc) =	sbr.rel @!p1 .LBB2_3-.Ltmp5, $4  }
0x76: {  	[tilespmem:s17], [sflag:$0x1] =	stream.indirect.gather [hbm4b:s3+s16], $0x20, s28, s16, $0xb8;
	[tilespmem:$0x3B10] =	vst v63  }
0x77: {  	_ =	swait.ge [sflag:s22], $0xA00  }
0x78: {  	[sflag:s22] =	ssyncset.done $0x0  }
0x79: {  	s26 =	sadd.s32 $0xF0, s26;
	[sflag:s22] =	ssyncadd.s32 $0xFFFFF600  }
.Ltmp6:
0x7a: {  	(pc) =	sbr.rel .LBB2_8-.Ltmp6, $3  }
0x7b: {  	_ =	sdelay $0x1  }
0x7c: {  	[tilespmem:s18], [sflag:$0x2] =	stream.indirect.gather [hbm4b:s3+s16], $0x20, s26, s16, $0xb8;
	[tilespmem:$0x3B10] =	vst v63  }
0x7d: {  	s25 =	smov.u32 s5;
	s26 =	smov.u32 s3  }
.LBB2_9:
0x7e: {  	_ =	sfence.sel $0x180000  }
0x7f: {  	[bflag:$0x0] =	sbarrier.arrive $0xFFFF  }
0x80: {  	p0 =	sne.s32 s1, $0x0;
	_ =	strace $0x90000047  }
0x81: {  	s0 =	sadd.s32 @!p0 $0x100000, s0;
	[bflag:$0x2] =	sbarrier.arrive $0xFFFF  }
0x82: {  	[sflag:s0] =	ssyncadd.tile.s32 @!p0 $0x1;
	_ =	shalt  }
.Lfunc_end2:
_tile_overlayer_lowered:
.L_overlay_start_2:
0x83: {  	(tag) =	ssettag $0x2  }
0x84: {  	s0 =	rddreg [dreg:$0x0];
	s2 =	stileid.u32  }
0x85: {  	s1 =	rddreg [dreg:$0x1];
	p0 =	sne.s32 s2, $0x0  }
0x86: {  	s3 =	rddreg [dreg:$0x2];
	[bflag:$0x3] =	sbarrier.arrive $0xFFFF;
	s2 =	simm.s32 @!p0 $0x1C05  }
0x87: {  	[timem:s3], [sflag:s2] =	dma.local @!p0 [hbm:s0], s1  }
0x88: {  	s0 =	simm.s32 @!p0 $0x5  }
0x89: {  	_ =	swait.ge @!p0 [sflag:s0], s1  }
0x8a: {  	s1 =	ssub.s32 @!p0 $0x0, s1;
	[sflag:s0] =	ssyncset.done @!p0 $0x0  }
0x8b: {  	[sflag:s0] =	ssyncadd.s32 @!p0 s1  }
0x8c: {  	[bflag:$0x3] =	sbarrier.arrive $0xFFFF  }
0x8d: {  	_ =	shalt  }

// kernel: kernel.9.cloned.1.call-start
scs
__scs_entry_jumppad:
0x0: {  	(pc) =	sbr.rel $0x88, $3  }
0x1: {  	(tag) =	ssettag $0x0;
	lr =	simm.s32 $0x1  }
0x2: {  	[smem:$0x3F98] =	sst lr;
	_ =	strace $0xD0000000  }
0x3: {  	_ = 	snop  }
0x4: {  	_ = 	snop  }
0x5: {  	_ = 	snop  }
0x6: {  	_ = 	snop  }
0x7: {  	_ = 	snop  }
__scs_overlays_trampoline_lowered:
0x8: {  	[smem:$0x3FA7] =	sst s0  }
0x9: {  	[smem:$0x3FA8] =	sst s1  }
0xa: {  	[smem:$0x3FA9] =	sst s2  }
0xb: {  	[smem:$0x3FAA] =	sst s3  }
0xc: {  	[smem:$0x3FAB] =	sst s4  }
0xd: {  	[smem:$0x3FAC] =	sst s5  }
0xe: {  	[smem:$0x3FAD] =	sst s6  }
0xf: {  	[smem:$0x3FAE] =	sst s7  }
0x10: {  	[smem:$0x3FAF] =	sst s8  }
0x11: {  	[smem:$0x3FB0] =	sst s9;
	s0 =	simm.s32 @!p0 $0x0  }
0x12: {  	s1 =	sld [smem:$0x3F96];
	s0 =	simm.s32 @p0 $0x1  }
0x13: {  	[smem:$0x3FB1] =	sst s0;
	s0 =	simm.s32 @!p1 $0x0  }
0x14: {  	s2 =	sld [smem:$0x3F95];
	s0 =	simm.s32 @p1 $0x1  }
0x15: {  	[smem:$0x3FB2] =	sst s0;
	s0 =	simm.s32 @!p2 $0x0  }
0x16: {  	s3 =	sld [smem:$0x3FDB];
	s0 =	simm.s32 @p2 $0x1  }
0x17: {  	s4 =	simm.s32 $0x1BF5;
	[smem:$0x3FB4] =	sst s0  }
0x18: {  	s0 =	sld [smem:$0x3F97];
	_ =	swait.ge [sflag:s4], $0x0  }
0x19: {  	s7 =	sld [smem:$0x3F98]  }
0x1a: {  	s8 =	sadd.s32 $0xFFFFE003, lr  }
0x1b: {  	s9 =	sadd.s32 $0xFFFFFEF7, lr;
	s5 =	simm.s32 $0xFFFFFFFF;
	p2 =	slt.u32 s8, $0xFFFFF086  }
0x1c: {  	p1 =	slt.u32 s9, $0xF7A;
	s5 =	simm.s32 @!p2 $0x0  }
0x1d: {  	s5 =	simm.s32 @p1 $0x1;
	p0 =	seq.s32 s7, s2  }
0x1e: {  	s7 =	smul.u32 @!p0 $0xF7A, s2;
	p2 =	seq.s32 @!p0 s5, $0x0  }
0x1f: {  	s9 =	smul.u32 $0xF7A, s1;
	s8 =	simm.s32 @!p0 $0x1BF5;
	p2 =	por !p2, p0  }
0x20: {  	[sflag:s8] =	ssyncset.s32 @!p0 $0xFFFFF086;
	s6 =	sadd.s32 @!p0 s3, s7;
	s7 =	simm.s32 @!p0 $0x108  }
0x21: {  	s3 =	sadd.s32 s3, s9;
	s6 =	sadd.s32 @!p0 $0x88, s6;
	s7 =	simm.s32 @p2 $0x1082  }
0x22: {  	[simem:s7], [sflag:s8] =	dma.local @!p0 [hbm:s6], $0xF7A  }
0x23: {  	s9 =	sor.u32 $0xD0000000, s2;
	s6 =	simm.s32 $0x108;
	_ =	swait.ge @!p0 [sflag:s8], $0x0  }
0x24: {  	s3 =	sadd.s32 $0x88, s3;
	s6 =	simm.s32 @!p1 $0x1082;
	[sflag:s4] =	ssyncset.s32 $0xFFFFF086  }
0x25: {  	[simem:s6], [sflag:s4] =	dma.local [hbm:s3], $0xF7A  }
0x26: {  	[smem:$0x3F98] =	sst s1;
	(tag) =	ssettag s2;
	_ =	strace s9  }
0x27: {  	s1 =	sld [smem:$0x3FA8]  }
0x28: {  	s2 =	sld [smem:$0x3FA9]  }
0x29: {  	s4 =	sld [smem:$0x3FAB]  }
0x2a: {  	p0 =	seq.s32 s5, $0x0;
	s5 =	sld [smem:$0x3FAC]  }
0x2b: {  	s6 =	sld [smem:$0x3FAD]  }
0x2c: {  	s7 =	sld [smem:$0x3FAE]  }
0x2d: {  	s3 =	simm.s32 $0x108;
	s8 =	sld [smem:$0x3FAF]  }
0x2e: {  	s3 =	simm.s32 @!p0 $0x1082;
	s9 =	sld [smem:$0x3FB0]  }
0x2f: {  	lr =	sadd.s32 s0, s3;
	s0 =	sld [smem:$0x3FA7]  }
0x30: {  	s3 =	sld [smem:$0x3FAA]  }
0x31: {  	[smem:$0x3FB3] =	sst s10  }
0x32: {  	s10 =	sld [smem:$0x3FB1];
	_ =	sdelay $0x3  }
0x33: {  	p0 =	seq.s32 s10, $0x1;
	s10 =	sld [smem:$0x3FB3];
	_ =	sdelay $0x3  }
0x34: {  	[smem:$0x3FB3] =	sst s10  }
0x35: {  	s10 =	sld [smem:$0x3FB2];
	_ =	sdelay $0x3  }
0x36: {  	p1 =	seq.s32 s10, $0x1;
	s10 =	sld [smem:$0x3FB3];
	_ =	sdelay $0x3  }
0x37: {  	[smem:$0x3FB3] =	sst s10  }
0x38: {  	s10 =	sld [smem:$0x3FB4]  }
0x39: {  	_ = 	snop;
	(pc) =	sbr.ind lr, $3  }
0x3a: {  	_ = 	snop  }
0x3b: {  	_ = 	snop  }
0x3c: {  	p2 =	seq.s32 s10, $0x1;
	s10 =	sld [smem:$0x3FB3]  }
0x3d: {  	_ =	shalt  }
0x3e: {  	_ =	shalt  }
0x3f: {  	_ =	shalt  }
0x40: {  	_ =	shalt  }
0x41: {  	_ =	shalt  }
0x42: {  	_ =	shalt  }
0x43: {  	_ =	shalt  }
0x44: {  	_ =	shalt  }
0x45: {  	_ =	shalt  }
0x46: {  	_ =	shalt  }
0x47: {  	_ =	shalt  }
0x48: {  	_ =	shalt  }
0x49: {  	_ =	shalt  }
0x4a: {  	_ =	shalt  }
0x4b: {  	_ =	shalt  }
0x4c: {  	_ =	shalt  }
0x4d: {  	_ =	shalt  }
0x4e: {  	_ =	shalt  }
0x4f: {  	_ =	shalt  }
0x50: {  	_ =	shalt  }
0x51: {  	_ =	shalt  }
0x52: {  	_ =	shalt  }
0x53: {  	_ =	shalt  }
0x54: {  	_ =	shalt  }
0x55: {  	_ =	shalt  }
0x56: {  	_ =	shalt  }
0x57: {  	_ =	shalt  }
0x58: {  	_ =	shalt  }
0x59: {  	_ =	shalt  }
0x5a: {  	_ =	shalt  }
0x5b: {  	_ =	shalt  }
0x5c: {  	_ =	shalt  }
0x5d: {  	_ =	shalt  }
0x5e: {  	_ =	shalt  }
0x5f: {  	_ =	shalt  }
0x60: {  	_ =	shalt  }
0x61: {  	_ =	shalt  }
0x62: {  	_ =	shalt  }
0x63: {  	_ =	shalt  }
0x64: {  	_ =	shalt  }
0x65: {  	_ =	shalt  }
0x66: {  	_ =	shalt  }
0x67: {  	_ =	shalt  }
0x68: {  	_ =	shalt  }
0x69: {  	_ =	shalt  }
0x6a: {  	_ =	shalt  }
0x6b: {  	_ =	shalt  }
0x6c: {  	_ =	shalt  }
0x6d: {  	_ =	shalt  }
0x6e: {  	_ =	shalt  }
0x6f: {  	_ =	shalt  }
0x70: {  	_ =	shalt  }
0x71: {  	_ =	shalt  }
0x72: {  	_ =	shalt  }
0x73: {  	_ =	shalt  }
0x74: {  	_ =	shalt  }
0x75: {  	_ =	shalt  }
0x76: {  	_ =	shalt  }
0x77: {  	_ =	shalt  }
0x78: {  	_ =	shalt  }
0x79: {  	_ =	shalt  }
0x7a: {  	_ =	shalt  }
0x7b: {  	_ =	shalt  }
0x7c: {  	_ =	shalt  }
0x7d: {  	_ =	shalt  }
0x7e: {  	_ =	shalt  }
0x7f: {  	_ =	shalt  }
0x80: {  	_ =	shalt  }
0x81: {  	_ =	shalt  }
0x82: {  	_ =	shalt  }
0x83: {  	_ =	shalt  }
0x84: {  	_ =	shalt  }
0x85: {  	_ =	shalt  }
0x86: {  	_ =	shalt  }
0x87: {  	_ =	shalt  }
.Lfunc_end0:
.L_simem_size_0:
called_computation.1_lowered:
.L_overlay_start_0:
0x88: {  	s2 =	sld [smem:$0x3FD9]  }
0x89: {  	s3 =	sld [smem:$0x3FFE];
	_ =	sdelay $0x1  }
0x8a: {  	s1 =	srdreg.scid  }
0x8b: {  	s0 =	sand.u32 $0x1, s1  }
0x8c: {  	s16 =	sshll.u32 s0, $0xA;
	s2 =	sadd.s32 s3, s2  }
0x8d: {  	s2 =	sadd.s32 s2, s16  }
0x8e: {  	[smem:$0x3FBF] =	sst s2  }
0x8f: {  	_ = 	snop  }
0x90: {  	(tm) =	ssettm $0x1  }
0x91: {  	s17 =	sld [smem:$0x3FFB];
	_ =	sdelay $0x3  }
0x92: {  	_ =	strace s17  }
0x93: {  	s2 =	sld [smem:$0x3FFC];
	_ =	sdelay $0x3  }
0x94: {  	_ =	strace s2  }
0x95: {  	s2 =	sld [smem:$0x3FFD];
	_ =	sdelay $0x3  }
0x96: {  	_ =	strace s2  }
0x97: {  	_ =	strace $0x8FFFFFFF  }
0x98: {  	s18 =	sld [smem:$0x3FDB];
	_ =	sdelay $0x1  }
0x99: {  	s19 =	simm.s32 $_scs_section_size  }
0x9a: {  	s4 =	simm.s32 $_size__tile_overlayer_lowered;
	s5 =	simm.s32 $_tile_overlayer_lowered  }
0x9b: {  	s22 =	simm.s32 $0x1BFF;
	s21 =	sshll.u32 s5, $0x1;
	s2 =	sadd.s32 s19, s18  }
0x9c: {  	s6 =	simm.s32 $0x0;
	s20 =	sshll.u32 s4, $0x1;
	s4 =	sadd.s32 s21, s2  }
0x9d: {  	[timem:s6], [sflag:s22] =	dma.local [hbm:s4], s20  }
0x9e: {  	_ =	swait.ge [sflag:s22], s20  }
0x9f: {  	s3 =	ssub.s32 $0x0, s20;
	[sflag:s22] =	ssyncset.done $0x0  }
0xa0: {  	[sflag:s22] =	ssyncadd.s32 s3;
	_ =	sdelay $0x1  }
0xa1: {  	s23 =	simm.s32 $0x1B8B  }
0xa2: {  	_ =	swait.ge [sflag:s23], $0x1  }
0xa3: {  	[sflag:s23] =	ssyncset.done $0x0  }
0xa4: {  	s25 =	simm.s32 $0x1B8E;
	s24 =	sld [smem:$0x3FFE];
	[sflag:s23] =	ssyncadd.s32 $0xFFFFFFFF  }
0xa5: {  	s26 =	simm.s32 $execute0_lowered;
	[smem:$0x3FD2] =	sst s25  }
0xa6: {  	s4 =	sshll.u32 s26, $0x1;
	_ =	strace $0x80000049;
	[dreg:$0x1] =	wrdreg $0xFFFFFFFF  }
0xa7: {  	s28 =	simm.s32 $_size_execute0_lowered;
	s2 =	sadd.s32 s2, s4;
	[dreg:$0x0] =	wrdreg $0x0  }
0xa8: {  	s4 =	sshll.u32 s28, $0x1;
	[dreg:$0x2] =	wrdreg s2  }
0xa9: {  	[dreg:$0x3] =	wrdreg s4  }
0xaa: {  	[dreg:$0x4] =	wrdreg $0xC0  }
0xab: {  	_ =	task [dreg:s6], $0x5FFFF  }
0xac: {  	[dreg:$0x1] =	wrdreg $0xFFFFFFFF  }
0xad: {  	[dreg:$0x0] =	wrdreg $0x60  }
0xae: {  	[dreg:$0x2] =	wrdreg s24  }
0xaf: {  	[dreg:$0x3] =	wrdreg $0x64A00  }
0xb0: {  	[dreg:$0x4] =	wrdreg $0xB2C00  }
0xb1: {  	[dreg:$0x5] =	wrdreg $0x100E00  }
0xb2: {  	[dreg:$0x6] =	wrdreg $0x14F000  }
0xb3: {  	[dreg:$0x7] =	wrdreg $0x19D200  }
0xb4: {  	[dreg:$0x8] =	wrdreg $0x9  }
0xb5: {  	_ =	task.clear_ibuf [dreg:s6], $0x9FFFF;
	_ =	strace $0x90000049  }
0xb6: {  	s29 =	simm.s32 $0x9;
	_ =	strace $0x8000004B  }
0xb7: {  	_ =	swait.ge [sflag:s29], $0x1  }
0xb8: {  	[sflag:s29] =	ssyncadd.s32 $0xFFFFFFFF  }
0xb9: {  	_ =	strace $0x9000004B  }
0xba: {  	_ =	sfence  }
0xbb: {  	s30 =	sld [smem:$0x0];
	_ =	sdelay $0x2  }
0xbc: {  	s31 =	sshll.u32 s1, $0xD;
	s1 =	sshrl.u32 s1, $0x2  }
0xbd: {  	s3 =	sand.u32 $0x4000, s31;
	s1 =	sadd.s32 s1, s30  }
0xbe: {  	s0 =	sor.u32 s3, s0;
	s1 =	sshll.u32 s1, $0x11  }
0xbf: {  	s0 =	sor.u32 s1, s0  }
0xc0: {  	s0 =	sadd.s32 $0x8F2B, s0  }
0xc1: {  	[sflag:s0] =	ssyncadd.remote.s32 $0x1  }
0xc2: {  	_ =	sfence.sel $0xFFFF  }
0xc3: {  	[dreg:$0x0] =	wrdreg $0xFFFFFFFF;
	(pc) =	sbr.abs _section_cstart, $3  }
0xc4: {  	[dreg:$0x1] =	wrdreg $0xFFFFFFFF  }
0xc5: {  	_ =	task.clear_ibuf [dreg:s6], $0x2FFFF;
	_ =	strace $0x9FFFFFFF  }
0xc6: {  	(tm) =	ssettm $0x7FFFFFFF  }
0xc7: {  	_ =	shalt  }
tec
execute0_lowered:
.L_overlay_start_1:
0x0: {  	(tag) =	ssettag $0x1  }
0x1: {  	s2 =	rddreg [dreg:$0x0]  }
0x2: {  	s0 =	simm.s32 $0x0;
	s16 =	stileid.u32;
	s29 =	rddreg [dreg:$0x1]  }
0x3: {  	s3 =	srdreg.scid;
	[smem:$0x7FF] =	sst s0;
	s5 =	sadd.s32 $0x3C9C00, s2  }
0x4: {  	s6 =	sadd.s32 $0x59E800, s2;
	s8 =	sand.u32 $0x1, s3;
	s10 =	smul.u32 $0x9C40, s16  }
0x5: {  	s7 =	smul.u32 $0x2710, s16;
	s9 =	sadd.s32 $0x63AC00, s2;
	s11 =	sadd.s32 $0x6D7000, s2  }
0x6: {  	s12 =	sadd.s32 $0x773400, s2;
	s3 =	ssub.s32 $0x2, s8;
	s14 =	sadd.s32 s9, s10  }
0x7: {  	s13 =	sshrl.u32 s3, $0x1;
	s22 =	sadd.s32 s11, s10;
	[dreg:$0x9] =	wrdreg s14  }
0x8: {  	s15 =	sadd.s32 s12, s10;
	[dreg:$0xa] =	wrdreg s22;
	s14 =	sadd.s32 $0x50, s7  }
0x9: {  	s20 =	sadd.s32 s5, s10;
	[dreg:$0xb] =	wrdreg s15;
	s15 =	sshll.u32 s14, $0x2  }
0xa: {  	s3 =	ssub.s32 s3, s13;
	[dreg:$0x16] =	wrdreg s20;
	s18 =	sadd.s32 s6, s15  }
0xb: {  	s13 =	sshrl.u32 s7, $0x3;
	s23 =	sadd.s32 s9, s15;
	[dreg:$0xc] =	wrdreg s18  }
0xc: {  	s7 =	sadd.s32 $0x26C0, s7;
	s24 =	sadd.s32 s11, s15;
	[dreg:$0xd] =	wrdreg s23  }
0xd: {  	s19 =	sshll.u32 s7, $0x2;
	s25 =	sadd.s32 s12, s15;
	[dreg:$0xe] =	wrdreg s24  }
0xe: {  	s17 =	sadd.s32 s6, s10;
	s6 =	sadd.s32 s6, s19;
	[dreg:$0xf] =	wrdreg s25  }
0xf: {  	s26 =	sadd.s32 s9, s19;
	[dreg:$0x10] =	wrdreg s6  }
0x10: {  	s9 =	sadd.s32 s11, s19;
	[dreg:$0x11] =	wrdreg s26  }
0x11: {  	s1 =	sadd.s32 $0x16600, s2;
	s11 =	sadd.s32 s12, s19;
	[dreg:$0x12] =	wrdreg s9  }
0x12: {  	s12 =	sadd.s32 s1, s10;
	[dreg:$0x13] =	wrdreg s11  }
0x13: {  	s22 =	sadd.s32 s1, s15;
	[dreg:$0x14] =	wrdreg s12  }
0x14: {  	s1 =	sadd.s32 s1, s19;
	[dreg:$0x18] =	wrdreg s22  }
0x15: {  	[dreg:$0x1d] =	wrdreg s1  }
0x16: {  	s4 =	sadd.s32 $0x32D800, s2;
	s1 =	rddreg [dreg:$0x2]  }
0x17: {  	s18 =	sadd.s32 s4, s10;
	s22 =	sshrl.u32 s7, $0x3;
	s7 =	rddreg [dreg:$0x4]  }
0x18: {  	s23 =	sadd.s32 s4, s15;
	[dreg:$0x15] =	wrdreg s18  }
0x19: {  	s24 =	sadd.s32 s5, s15;
	[dreg:$0x19] =	wrdreg s23  }
0x1a: {  	s6 =	sadd.s32 $0x466000, s2;
	s11 =	sadd.s32 s4, s19;
	[dreg:$0x1a] =	wrdreg s24  }
0x1b: {  	s9 =	sadd.s32 $0x502400, s2;
	s12 =	sadd.s32 s5, s19;
	[dreg:$0x1e] =	wrdreg s11  }
0x1c: {  	s21 =	sadd.s32 s6, s10;
	s25 =	sadd.s32 s6, s15;
	[dreg:$0x1f] =	wrdreg s12  }
0x1d: {  	s26 =	sadd.s32 s9, s15;
	s15 =	sadd.s32 s6, s19;
	s6 =	rddreg [dreg:$0x3]  }
0x1e: {  	[dreg:$0x17] =	wrdreg s21  }
0x1f: {  	[dreg:$0x1b] =	wrdreg s25  }
0x20: {  	[dreg:$0x1c] =	wrdreg s26  }
0x21: {  	s19 =	sadd.s32 s9, s19;
	[smem:$0x7E6] =	sst s15  }
0x22: {  	s30 =	sadd.s32 s9, s10;
	s18 =	sadd.s32 $0x11600, s2;
	[smem:$0x7E7] =	sst s19  }
0x23: {  	s9 =	smul.u32 $0x4E20, s16;
	s20 =	sadd.s32 s18, s13;
	s25 =	rddreg [dreg:$0x5]  }
0x24: {  	s21 =	sshrl.u32 s14, $0x3;
	s24 =	sadd.s32 s18, s22;
	[smem:$0x7E8] =	sst s20  }
0x25: {  	s5 =	sadd.s32 s18, s21;
	[smem:$0x7EA] =	sst s24  }
0x26: {  	s11 =	sadd.s32 $0x101A00, s2;
	s26 =	sshrl.u32 s9, $0x3;
	[smem:$0x7E9] =	sst s5  }
0x27: {  	_ =	strace $0x8000004A;
	[smem:$0x7EB] =	sst s26  }
0x28: {  	s31 =	simm.s32 $0x14A0;
	s12 =	sadd.s32 $0xF7C00, s2;
	[smem:$0x7EC] =	sst s11  }
0x29: {  	s28 =	simm.s32 $0x50A0;
	s13 =	sadd.s32 $0xEDE00, s2;
	[smem:$0x7ED] =	sst s12  }
0x2a: {  	s23 =	smul.u32 $0x4E2, s16;
	s14 =	sadd.s32 $0xE4000, s2;
	[smem:$0x7EE] =	sst s13  }
0x2b: {  	p0 =	seq.s32 s8, $0x0;
	s15 =	sadd.s32 $0xDA200, s2;
	[smem:$0x7EF] =	sst s14  }
0x2c: {  	s4 =	sadd.s32 s23, s18;
	s18 =	sadd.s32 $0xD0400, s2;
	[smem:$0x7F0] =	sst s15  }
0x2d: {  	s8 =	simm.s32 $0x1EA0;
	s19 =	sadd.s32 $0xC6600, s2;
	[smem:$0x7F1] =	sst s18  }
0x2e: {  	s5 =	sadd.s32 s26, s2;
	s2 =	sadd.s32 $0xBC800, s2;
	[smem:$0x7F2] =	sst s19  }
0x2f: {  	s3 =	smax.u32 s3, $0x1;
	s20 =	sadd.s32 s9, s29;
	[smem:$0x7F3] =	sst s2  }
0x30: {  	s21 =	sadd.s32 s9, s1;
	s22 =	sadd.s32 s9, s6;
	[smem:$0x7F4] =	sst s20  }
0x31: {  	s23 =	sadd.s32 s9, s7;
	s24 =	sadd.s32 s9, s25;
	[smem:$0x7F5] =	sst s21  }
0x32: {  	s25 =	sshll.u32 s16, $0x6;
	s16 =	simm.s32 $0x28A0;
	[smem:$0x7F6] =	sst s22  }
0x33: {  	s10 =	sor.u32 $0x1C05, s25;
	s25 =	simm.s32 $0x3CA0;
	[smem:$0x7F7] =	sst s23  }
0x34: {  	[smem:$0x7F8] =	sst s24;
	s9 =	sadd.s32 $0x2800, s5;
	s5 =	sadd.s32 $0xB2A00, s5  }
0x35: {  	[smem:$0x7FA] =	sst s3;
	s26 =	sadd.s32 $0x1E, s4;
	s19 =	simm.s32 $0x5  }
0x36: {  	s23 =	simm.s32 $0xA0;
	s24 =	simm.s32 $0xAA0;
	[smem:$0x7FD] =	sst s10  }
.Ltmp0:
0x37: {  	s20 =	simm.s32 $0x50;
	[dreg:$0x8] =	wrdreg s17;
	(pc) =	sbr.rel .LBB2_1-.Ltmp0, $4  }
0x38: {  	s12 =	simm.s32 $0x32A0;
	s4 =	simm.s32 $0x5AA0;
	[dreg:$0x7] =	wrdreg s30  }
0x39: {  	s22 =	simm.s32 $0x1;
	s11 =	simm.s32 $0x2;
	[smem:$0x7F9] =	sst s5  }
0x3a: {  	s13 =	simm.s32 $0x3;
	s21 =	simm.s32 $0x4;
	[smem:$0x7FB] =	sst s26  }
0x3b: {  	s18 =	simm.s32 $0x0;
	s26 =	simm.s32 $0x46A0;
	[smem:$0x7FC] =	sst s9  }
.LBB2_7:
0x3c: {  	s2 =	simm.s32 $0x5AA0  }
0x3d: {  	[tilespmem:s2], [sflag:$0x2] =	stream.linear.gather [hbm4b:s4+s0], $0xA00, $0x38;
	[tilespmem:$0x1EB40] =	vst v63  }
0x3e: {  	_ =	swait.ge [sflag:s22], $0xA00  }
0x3f: {  	[sflag:s22] =	ssyncset.done $0x0  }
0x40: {  	[sflag:s22] =	ssyncadd.s32 $0xFFFFF600  }
0x41: {  	_ =	swait.ge [sflag:s22], $0xA00  }
0x42: {  	[sflag:s22] =	ssyncset.done $0x0  }
0x43: {  	[sflag:s22] =	ssyncadd.s32 $0xFFFFF600  }
0x44: {  	_ =	swait.ge [sflag:s22], $0xA00  }
0x45: {  	[sflag:s22] =	ssyncset.done $0x0  }
0x46: {  	[sflag:s22] =	ssyncadd.s32 $0xFFFFF600  }
0x47: {  	_ =	swait.ge [sflag:s22], $0xA00  }
0x48: {  	[sflag:s22] =	ssyncset.done $0x0  }
0x49: {  	[sflag:s22] =	ssyncadd.s32 $0xFFFFF600  }
0x4a: {  	_ =	swait.ge [sflag:s22], $0xA00  }
0x4b: {  	[sflag:s22] =	ssyncset.done $0x0  }
0x4c: {  	s9 =	simm.s32 $0xA0;
	[sflag:s22] =	ssyncadd.s32 $0xFFFFF600  }
0x4d: {  	[spmem:s29] =	stream.indirect.scatter.add.f32 [tilespmem:s9], [sflag:$0x3], $0x20, s0, s20, $0xb8;
	[tilespmem:$0x1EB40] =	vst v63  }
0x4e: {  	s8 =	simm.s32 $0xAA0  }
0x4f: {  	[spmem:s1] =	stream.indirect.scatter.add.f32 [tilespmem:s8], [sflag:$0x3], $0x20, s0, s20, $0xb8;
	[tilespmem:$0x1EB40] =	vst v63  }
0x50: {  	s5 =	simm.s32 $0x14A0  }
0x51: {  	[spmem:s6] =	stream.indirect.scatter.add.f32 [tilespmem:s5], [sflag:$0x3], $0x20, s0, s20, $0xb8;
	[tilespmem:$0x1EB40] =	vst v63  }
0x52: {  	s24 =	simm.s32 $0x1EA0  }
0x53: {  	[spmem:s7] =	stream.indirect.scatter.add.f32 [tilespmem:s24], [sflag:$0x3], $0x20, s0, s20, $0xb8;
	[tilespmem:$0x1EB40] =	vst v63  }
0x54: {  	s3 =	simm.s32 $0x28A0  }
0x55: {  	[spmem:s16] =	stream.indirect.scatter.add.f32 [tilespmem:s3], [sflag:$0x3], $0x20, s0, s20, $0xb8;
	[tilespmem:$0x1EB40] =	vst v63  }
0x56: {  	_ =	swait.ge [sflag:s11], $0xA00  }
0x57: {  	[sflag:s11] =	ssyncset.done $0x0  }
0x58: {  	[sflag:s11] =	ssyncadd.s32 $0xFFFFF600  }
0x59: {  	_ =	swait.ge [sflag:s11], $0xA00  }
0x5a: {  	[sflag:s11] =	ssyncset.done $0x0  }
0x5b: {  	[sflag:s11] =	ssyncadd.s32 $0xFFFFF600  }
0x5c: {  	_ =	swait.ge [sflag:s11], $0xA00  }
0x5d: {  	[sflag:s11] =	ssyncset.done $0x0  }
0x5e: {  	[sflag:s11] =	ssyncadd.s32 $0xFFFFF600  }
0x5f: {  	_ =	swait.ge [sflag:s11], $0xA00  }
0x60: {  	[sflag:s11] =	ssyncset.done $0x0  }
0x61: {  	[sflag:s11] =	ssyncadd.s32 $0xFFFFF600  }
0x62: {  	_ =	swait.ge [sflag:s11], $0xA00  }
0x63: {  	[sflag:s11] =	ssyncset.done $0x0  }
0x64: {  	[sflag:s11] =	ssyncadd.s32 $0xFFFFF600  }
0x65: {  	[spmem:s29] =	stream.indirect.scatter.add.f32 [tilespmem:s25], [sflag:$0x4], $0x20, s20, s20, $0xb8;
	[tilespmem:$0x1EB40] =	vst v63  }
0x66: {  	_ = 	snop  }
0x67: {  	[spmem:s1] =	stream.indirect.scatter.add.f32 [tilespmem:s26], [sflag:$0x4], $0x20, s20, s20, $0xb8;
	[tilespmem:$0x1EB40] =	vst v63  }
0x68: {  	_ = 	snop  }
0x69: {  	[spmem:s6] =	stream.indirect.scatter.add.f32 [tilespmem:s28], [sflag:$0x4], $0x20, s20, s20, $0xb8;
	[tilespmem:$0x1EB40] =	vst v63  }
0x6a: {  	_ = 	snop  }
0x6b: {  	[spmem:s7] =	stream.indirect.scatter.add.f32 [tilespmem:s18], [sflag:$0x4], $0x20, s20, s20, $0xb8;
	[tilespmem:$0x1EB40] =	vst v63  }
0x6c: {  	_ = 	snop  }
0x6d: {  	[spmem:s16] =	stream.indirect.scatter.add.f32 [tilespmem:s2], [sflag:$0x4], $0x20, s20, s20, $0xb8;
	[tilespmem:$0x1EB40] =	vst v63  }
0x6e: {  	_ =	swait.ge [sflag:s13], $0xA00  }
0x6f: {  	[sflag:s13] =	ssyncset.done $0x0  }
0x70: {  	[sflag:s13] =	ssyncadd.s32 $0xFFFFF600  }
0x71: {  	_ =	swait.ge [sflag:s13], $0xA00  }
0x72: {  	[sflag:s13] =	ssyncset.done $0x0  }
0x73: {  	[sflag:s13] =	ssyncadd.s32 $0xFFFFF600  }
0x74: {  	_ =	swait.ge [sflag:s13], $0xA00  }
0x75: {  	[sflag:s13] =	ssyncset.done $0x0  }
0x76: {  	[sflag:s13] =	ssyncadd.s32 $0xFFFFF600  }
0x77: {  	_ =	swait.ge [sflag:s13], $0xA00  }
0x78: {  	[sflag:s13] =	ssyncset.done $0x0  }
0x79: {  	[sflag:s13] =	ssyncadd.s32 $0xFFFFF600  }
0x7a: {  	_ =	swait.ge [sflag:s13], $0xA00  }
0x7b: {  	[sflag:s13] =	ssyncset.done $0x0  }
0x7c: {  	[sflag:s13] =	ssyncadd.s32 $0xFFFFF600  }
0x7d: {  	_ =	swait.ge [sflag:s21], $0xA00  }
0x7e: {  	[sflag:s21] =	ssyncset.done $0x0  }
0x7f: {  	[sflag:s21] =	ssyncadd.s32 $0xFFFFF600  }
0x80: {  	_ =	swait.ge [sflag:s21], $0xA00  }
0x81: {  	[sflag:s21] =	ssyncset.done $0x0  }
0x82: {  	[sflag:s21] =	ssyncadd.s32 $0xFFFFF600  }
0x83: {  	_ =	swait.ge [sflag:s21], $0xA00  }
0x84: {  	[sflag:s21] =	ssyncset.done $0x0  }
0x85: {  	[sflag:s21] =	ssyncadd.s32 $0xFFFFF600  }
0x86: {  	_ =	swait.ge [sflag:s21], $0xA00  }
0x87: {  	[sflag:s21] =	ssyncset.done $0x0  }
0x88: {  	[sflag:s21] =	ssyncadd.s32 $0xFFFFF600  }
0x89: {  	_ =	swait.ge [sflag:s21], $0xA00  }
0x8a: {  	s10 =	sld [smem:$0x7EA]  }
0x8b: {  	[sflag:s21] =	ssyncset.done $0x0  }
0x8c: {  	[sflag:s21] =	ssyncadd.s32 $0xFFFFF600  }
0x8d: {  	[tilespmem:s0], [sflag:$0x5] =	stream.linear.gather [hbm4b:s10+s0], $0x50, $0x38;
	[tilespmem:$0x1EB40] =	vst v63  }
0x8e: {  	_ =	swait.ge [sflag:s19], $0x50  }
0x8f: {  	[sflag:s19] =	ssyncset.done $0x0;
	s12 =	rddreg [dreg:$0x1d]  }
0x90: {  	s14 =	rddreg [dreg:$0x1e];
	[sflag:s19] =	ssyncadd.s32 $0xFFFFFFB0  }
0x91: {  	[tilespmem:s9], [sflag:$0x1] =	stream.linear.gather [hbm4b:s12+s0], $0xA00, $0x38;
	[tilespmem:$0x1EB40] =	vst v63  }
0x92: {  	s15 =	rddreg [dreg:$0x1f]  }
0x93: {  	[tilespmem:s8], [sflag:$0x1] =	stream.linear.gather [hbm4b:s14+s0], $0xA00, $0x38;
	[tilespmem:$0x1EB40] =	vst v63  }
0x94: {  	s17 =	sld [smem:$0x7E6]  }
0x95: {  	[tilespmem:s5], [sflag:$0x1] =	stream.linear.gather [hbm4b:s15+s0], $0xA00, $0x38;
	[tilespmem:$0x1EB40] =	vst v63  }
0x96: {  	s18 =	sld [smem:$0x7E7]  }
0x97: {  	[tilespmem:s24], [sflag:$0x1] =	stream.linear.gather [hbm4b:s17+s0], $0xA00, $0x38;
	[tilespmem:$0x1EB40] =	vst v63  }
0x98: {  	_ = 	snop  }
0x99: {  	[tilespmem:s3], [sflag:$0x1] =	stream.linear.gather [hbm4b:s18+s0], $0xA00, $0x38;
	[tilespmem:$0x1EB40] =	vst v63  }
0x9a: {  	_ =	swait.ge [sflag:s22], $0xA00  }
0x9b: {  	[sflag:s22] =	ssyncset.done $0x0  }
0x9c: {  	[sflag:s22] =	ssyncadd.s32 $0xFFFFF600  }
0x9d: {  	_ =	swait.ge [sflag:s22], $0xA00  }
0x9e: {  	[sflag:s22] =	ssyncset.done $0x0  }
0x9f: {  	[sflag:s22] =	ssyncadd.s32 $0xFFFFF600  }
0xa0: {  	_ =	swait.ge [sflag:s22], $0xA00  }
0xa1: {  	[sflag:s22] =	ssyncset.done $0x0  }
0xa2: {  	[sflag:s22] =	ssyncadd.s32 $0xFFFFF600  }
0xa3: {  	_ =	swait.ge [sflag:s22], $0xA00  }
0xa4: {  	[sflag:s22] =	ssyncset.done $0x0  }
0xa5: {  	[sflag:s22] =	ssyncadd.s32 $0xFFFFF600  }
0xa6: {  	_ =	swait.ge [sflag:s22], $0xA00  }
0xa7: {  	[sflag:s22] =	ssyncset.done $0x0  }
0xa8: {  	[sflag:s22] =	ssyncadd.s32 $0xFFFFF600  }
0xa9: {  	[spmem:s29] =	stream.indirect.scatter.add.f32 [tilespmem:s9], [sflag:$0x3], $0x20, s0, s20, $0xb8;
	[tilespmem:$0x1EB40] =	vst v63  }
0xaa: {  	_ = 	snop  }
0xab: {  	[spmem:s1] =	stream.indirect.scatter.add.f32 [tilespmem:s8], [sflag:$0x3], $0x20, s0, s20, $0xb8;
	[tilespmem:$0x1EB40] =	vst v63  }
0xac: {  	_ = 	snop  }
0xad: {  	[spmem:s6] =	stream.indirect.scatter.add.f32 [tilespmem:s5], [sflag:$0x3], $0x20, s0, s20, $0xb8;
	[tilespmem:$0x1EB40] =	vst v63  }
0xae: {  	_ = 	snop  }
0xaf: {  	[spmem:s7] =	stream.indirect.scatter.add.f32 [tilespmem:s24], [sflag:$0x3], $0x20, s0, s20, $0xb8;
	[tilespmem:$0x1EB40] =	vst v63  }
0xb0: {  	_ = 	snop  }
0xb1: {  	[spmem:s16] =	stream.indirect.scatter.add.f32 [tilespmem:s3], [sflag:$0x3], $0x20, s0, s20, $0xb8;
	[tilespmem:$0x1EB40] =	vst v63  }
0xb2: {  	_ =	swait.ge [sflag:s13], $0xA00  }
0xb3: {  	[sflag:s13] =	ssyncset.done $0x0  }
0xb4: {  	[sflag:s13] =	ssyncadd.s32 $0xFFFFF600  }
0xb5: {  	_ =	swait.ge [sflag:s13], $0xA00  }
0xb6: {  	[sflag:s13] =	ssyncset.done $0x0  }
0xb7: {  	[sflag:s13] =	ssyncadd.s32 $0xFFFFF600  }
0xb8: {  	_ =	swait.ge [sflag:s13], $0xA00  }
0xb9: {  	[sflag:s13] =	ssyncset.done $0x0  }
0xba: {  	[sflag:s13] =	ssyncadd.s32 $0xFFFFF600  }
0xbb: {  	_ =	swait.ge [sflag:s13], $0xA00  }
0xbc: {  	[sflag:s13] =	ssyncset.done $0x0  }
0xbd: {  	[sflag:s13] =	ssyncadd.s32 $0xFFFFF600  }
0xbe: {  	_ =	swait.ge [sflag:s13], $0xA00  }
0xbf: {  	[sflag:s13] =	ssyncset.done $0x0  }
0xc0: {  	[sflag:s13] =	ssyncadd.s32 $0xFFFFF600  }
0xc1: {  	[bflag:$0x0] =	sbarrier.arrive $0xFFFF  }
0xc2: {  	s23 =	sld [smem:$0x7F9]  }
0xc3: {  	s10 =	sld [smem:$0x7FD]  }
0xc4: {  	s24 =	sld [smem:$0x7E4];
	_ =	sdelay $0x2  }
0xc5: {  	[hbm:s23], [sflag:s10] =	dma.local [spmem:s24], $0x9C4  }
0xc6: {  	_ =	swait.ge [sflag:s19], $0x9C4  }
0xc7: {  	s2 =	sld [smem:$0x7EC]  }
0xc8: {  	s3 =	sld [smem:$0x7F5]  }
0xc9: {  	s14 =	sld [smem:$0x7ED]  }
0xca: {  	s15 =	sld [smem:$0x7F6]  }
0xcb: {  	s4 =	sld [smem:$0x7EE]  }
0xcc: {  	s5 =	sld [smem:$0x7F7]  }
0xcd: {  	s25 =	sld [smem:$0x7EF]  }
0xce: {  	s31 =	simm.s32 $0x14A0;
	s26 =	sld [smem:$0x7F8]  }
0xcf: {  	s28 =	simm.s32 $0x50A0;
	s12 =	simm.s32 $0x32A0;
	s17 =	rddreg [dreg:$0x8]  }
0xd0: {  	s8 =	simm.s32 $0x1EA0;
	s16 =	simm.s32 $0x28A0;
	s30 =	rddreg [dreg:$0x7]  }
0xd1: {  	s23 =	simm.s32 $0xA0;
	[sflag:s19] =	ssyncset.done $0x0;
	s18 =	sld [smem:$0x7E5]  }
0xd2: {  	s24 =	simm.s32 $0xAA0;
	[sflag:s19] =	ssyncadd.s32 $0xFFFFF63C;
	[smem:$0x7E2] =	sst s25  }
0xd3: {  	[smem:$0x7E3] =	sst s26;
	s25 =	simm.s32 $0x3CA0;
	s26 =	simm.s32 $0x46A0  }
.LBB2_8:
0xd4: {  	s9 =	sld [smem:$0x7EB];
	_ =	sdelay $0x2  }
0xd5: {  	s3 =	sshrl.u32 s3, $0x3;
	s2 =	sadd.s32 s2, s9  }
0xd6: {  	[hbm:s2], [sflag:s10] =	dma.local [spmem:s3], $0x9C4  }
0xd7: {  	_ =	swait.ge [sflag:s19], $0x9C4  }
0xd8: {  	[sflag:s19] =	ssyncset.done $0x0  }
0xd9: {  	s15 =	sshrl.u32 s15, $0x3;
	s14 =	sadd.s32 s14, s9;
	[sflag:s19] =	ssyncadd.s32 $0xFFFFF63C  }
0xda: {  	[hbm:s14], [sflag:s10] =	dma.local [spmem:s15], $0x9C4  }
0xdb: {  	_ =	swait.ge [sflag:s19], $0x9C4  }
0xdc: {  	[sflag:s19] =	ssyncset.done $0x0  }
0xdd: {  	s3 =	sadd.s32 s4, s9;
	s4 =	sshrl.u32 s5, $0x3;
	[sflag:s19] =	ssyncadd.s32 $0xFFFFF63C  }
0xde: {  	[hbm:s3], [sflag:s10] =	dma.local [spmem:s4], $0x9C4  }
0xdf: {  	_ =	swait.ge [sflag:s19], $0x9C4  }
0xe0: {  	s5 =	sld [smem:$0x7E2]  }
0xe1: {  	s14 =	sld [smem:$0x7E3];
	_ =	sdelay $0x1  }
0xe2: {  	[sflag:s19] =	ssyncset.done $0x0  }
0xe3: {  	[sflag:s19] =	ssyncadd.s32 $0xFFFFF63C;
	s2 =	sadd.s32 s5, s9;
	s3 =	sshrl.u32 s14, $0x3  }
0xe4: {  	[hbm:s2], [sflag:s10] =	dma.local [spmem:s3], $0x9C4  }
0xe5: {  	_ =	swait.ge [sflag:s19], $0x9C4  }
0xe6: {  	s15 =	sld [smem:$0x7FA];
	_ =	sdelay $0x1  }
0xe7: {  	s18 =	sadd.s32 $0x1, s18  }
0xe8: {  	p1 =	sne.s32 s18, s15  }
.Ltmp1:
0xe9: {  	_ = 	snop;
	(pc) =	sbr.rel @!p1 .LBB2_9-.Ltmp1, $3  }
0xea: {  	_ =	sdelay $0x1  }
0xeb: {  	[sflag:s19] =	ssyncset.done $0x0  }
0xec: {  	s4 =	simm.s32 $0x5AA0;
	s9 =	sld [smem:$0x7FC];
	[sflag:s19] =	ssyncadd.s32 $0xFFFFF63C  }
.LBB2_1:
0xed: {  	s2 =	sld [smem:$0x7F4];
	_ =	sdelay $0x2  }
0xee: {  	[smem:$0x7E5] =	sst s18;
	s3 =	sshrl.u32 s2, $0x3  }
0xef: {  	[spmem:s3], [sflag:s10] =	dma.local [hbm:s9], $0x9C4  }
0xf0: {  	_ =	swait.ge [sflag:s19], $0x9C4  }
0xf1: {  	s14 =	sld [smem:$0x7F5];
	_ =	sdelay $0x1  }
0xf2: {  	[sflag:s19] =	ssyncset.done $0x0  }
0xf3: {  	[sflag:s19] =	ssyncadd.s32 $0xFFFFF63C;
	s2 =	sshrl.u32 s14, $0x3  }
0xf4: {  	[spmem:s2], [sflag:s10] =	dma.local [hbm:s9], $0x9C4  }
0xf5: {  	_ =	swait.ge [sflag:s19], $0x9C4  }
0xf6: {  	s15 =	sld [smem:$0x7F6];
	_ =	sdelay $0x1  }
0xf7: {  	[sflag:s19] =	ssyncset.done $0x0  }
0xf8: {  	[sflag:s19] =	ssyncadd.s32 $0xFFFFF63C;
	s2 =	sshrl.u32 s15, $0x3  }
0xf9: {  	[spmem:s2], [sflag:s10] =	dma.local [hbm:s9], $0x9C4  }
0xfa: {  	_ =	swait.ge [sflag:s19], $0x9C4  }
0xfb: {  	s18 =	sld [smem:$0x7F7];
	_ =	sdelay $0x1  }
0xfc: {  	[sflag:s19] =	ssyncset.done $0x0  }
.Ltmp2:
0xfd: {  	[sflag:s19] =	ssyncadd.s32 $0xFFFFF63C;
	s2 =	sshrl.u32 s18, $0x3;
	(pc) =	sbr.rel @!p0 .LBB2_2-.Ltmp2, $4  }
0xfe: {  	[spmem:s2], [sflag:s10] =	dma.local [hbm:s9], $0x9C4  }
0xff: {  	_ =	swait.ge [sflag:s19], $0x9C4  }
0x100: {  	[sflag:s19] =	ssyncset.done $0x0  }
0x101: {  	[sflag:s19] =	ssyncadd.s32 $0xFFFFF63C  }
0x102: {  	s2 =	sld [smem:$0x7F8];
	_ =	sdelay $0x2  }
0x103: {  	[smem:$0x7E4] =	sst s3;
	s2 =	sshrl.u32 s2, $0x3  }
0x104: {  	[spmem:s2], [sflag:s10] =	dma.local [hbm:s9], $0x9C4  }
0x105: {  	_ =	swait.ge [sflag:s19], $0x9C4  }
0x106: {  	[sflag:s19] =	ssyncset.done $0x0  }
0x107: {  	[sflag:s19] =	ssyncadd.s32 $0xFFFFF63C  }
0x108: {  	[bflag:$0x0] =	sbarrier.arrive $0xFFFF  }
0x109: {  	s15 =	sld [smem:$0x7E8];
	_ =	sdelay $0x1  }
0x10a: {  	s2 =	simm.s32 $0x0  }
0x10b: {  	[tilespmem:s2], [sflag:$0x5] =	stream.linear.gather [hbm4b:s15+s2], $0x50, $0x38;
	[tilespmem:$0x1EB40] =	vst v63  }
0x10c: {  	_ =	swait.ge [sflag:s19], $0x50  }
0x10d: {  	[sflag:s19] =	ssyncset.done $0x0  }
0x10e: {  	s5 =	rddreg [dreg:$0x14];
	[sflag:s19] =	ssyncadd.s32 $0xFFFFFFB0  }
0x10f: {  	[tilespmem:s23], [sflag:$0x1] =	stream.linear.gather [hbm4b:s5+s2], $0xA00, $0x38;
	[tilespmem:$0x1EB40] =	vst v63  }
0x110: {  	s9 =	rddreg [dreg:$0x15]  }
0x111: {  	[tilespmem:s24], [sflag:$0x1] =	stream.linear.gather [hbm4b:s9+s2], $0xA00, $0x38;
	[tilespmem:$0x1EB40] =	vst v63  }
0x112: {  	s14 =	rddreg [dreg:$0x16]  }
0x113: {  	[tilespmem:s31], [sflag:$0x1] =	stream.linear.gather [hbm4b:s14+s2], $0xA00, $0x38;
	[tilespmem:$0x1EB40] =	vst v63  }
0x114: {  	s15 =	rddreg [dreg:$0x17]  }
0x115: {  	[tilespmem:s8], [sflag:$0x1] =	stream.linear.gather [hbm4b:s15+s2], $0xA00, $0x38;
	[tilespmem:$0x1EB40] =	vst v63  }
0x116: {  	s17 =	sld [smem:$0x7E9]  }
0x117: {  	[tilespmem:s16], [sflag:$0x1] =	stream.linear.gather [hbm4b:s30+s2], $0xA00, $0x38;
	[tilespmem:$0x1EB40] =	vst v63  }
0x118: {  	_ = 	snop  }
0x119: {  	[tilespmem:s20], [sflag:$0x5] =	stream.linear.gather [hbm4b:s17+s2], $0x50, $0x38;
	[tilespmem:$0x1EB40] =	vst v63  }
0x11a: {  	_ =	swait.ge [sflag:s19], $0x50  }
0x11b: {  	[sflag:s19] =	ssyncset.done $0x0  }
0x11c: {  	s18 =	rddreg [dreg:$0x18];
	[sflag:s19] =	ssyncadd.s32 $0xFFFFFFB0  }
0x11d: {  	[tilespmem:s12], [sflag:$0x2] =	stream.linear.gather [hbm4b:s18+s2], $0xA00, $0x38;
	[tilespmem:$0x1EB40] =	vst v63  }
0x11e: {  	s10 =	rddreg [dreg:$0x19]  }
0x11f: {  	[tilespmem:s25], [sflag:$0x2] =	stream.linear.gather [hbm4b:s10+s2], $0xA00, $0x38;
	[tilespmem:$0x1EB40] =	vst v63  }
0x120: {  	s16 =	rddreg [dreg:$0x1a]  }
0x121: {  	[tilespmem:s26], [sflag:$0x2] =	stream.linear.gather [hbm4b:s16+s2], $0xA00, $0x38;
	[tilespmem:$0x1EB40] =	vst v63  }
0x122: {  	s17 =	rddreg [dreg:$0x1b]  }
0x123: {  	[tilespmem:s28], [sflag:$0x2] =	stream.linear.gather [hbm4b:s17+s2], $0xA00, $0x38;
	[tilespmem:$0x1EB40] =	vst v63  }
0x124: {  	s18 =	rddreg [dreg:$0x1c]  }
0x125: {  	[tilespmem:s4], [sflag:$0x2] =	stream.linear.gather [hbm4b:s18+s2], $0xA00, $0x38;
	[tilespmem:$0x1EB40] =	vst v63  }
0x126: {  	_ =	swait.ge [sflag:s22], $0xA00  }
0x127: {  	[sflag:s22] =	ssyncset.done $0x0  }
0x128: {  	[sflag:s22] =	ssyncadd.s32 $0xFFFFF600  }
0x129: {  	_ =	swait.ge [sflag:s22], $0xA00  }
0x12a: {  	[sflag:s22] =	ssyncset.done $0x0  }
0x12b: {  	[sflag:s22] =	ssyncadd.s32 $0xFFFFF600  }
0x12c: {  	_ =	swait.ge [sflag:s22], $0xA00  }
0x12d: {  	[sflag:s22] =	ssyncset.done $0x0  }
0x12e: {  	[sflag:s22] =	ssyncadd.s32 $0xFFFFF600  }
0x12f: {  	_ =	swait.ge [sflag:s22], $0xA00  }
0x130: {  	[sflag:s22] =	ssyncset.done $0x0  }
0x131: {  	[sflag:s22] =	ssyncadd.s32 $0xFFFFF600  }
0x132: {  	_ =	swait.ge [sflag:s22], $0xA00  }
0x133: {  	[sflag:s22] =	ssyncset.done $0x0  }
0x134: {  	[sflag:s22] =	ssyncadd.s32 $0xFFFFF600  }
0x135: {  	[spmem:s29] =	stream.indirect.scatter.add.f32 [tilespmem:s23], [sflag:$0x3], $0x20, s0, s20, $0xb8;
	[tilespmem:$0x1EB40] =	vst v63  }
0x136: {  	_ = 	snop  }
0x137: {  	[spmem:s1] =	stream.indirect.scatter.add.f32 [tilespmem:s24], [sflag:$0x3], $0x20, s0, s20, $0xb8;
	[tilespmem:$0x1EB40] =	vst v63  }
0x138: {  	_ = 	snop  }
0x139: {  	[spmem:s6] =	stream.indirect.scatter.add.f32 [tilespmem:s31], [sflag:$0x3], $0x20, s0, s20, $0xb8;
	[tilespmem:$0x1EB40] =	vst v63  }
0x13a: {  	_ = 	snop  }
0x13b: {  	[spmem:s7] =	stream.indirect.scatter.add.f32 [tilespmem:s8], [sflag:$0x3], $0x20, s0, s20, $0xb8;
	[tilespmem:$0x1EB40] =	vst v63  }
0x13c: {  	s3 =	simm.s32 $0x28A0;
	s16 =	rddreg [dreg:$0x5]  }
0x13d: {  	[spmem:s16] =	stream.indirect.scatter.add.f32 [tilespmem:s3], [sflag:$0x3], $0x20, s0, s20, $0xb8;
	[tilespmem:$0x1EB40] =	vst v63  }
0x13e: {  	_ =	swait.ge [sflag:s11], $0xA00  }
0x13f: {  	[sflag:s11] =	ssyncset.done $0x0  }
0x140: {  	[sflag:s11] =	ssyncadd.s32 $0xFFFFF600  }
0x141: {  	_ =	swait.ge [sflag:s11], $0xA00  }
0x142: {  	[sflag:s11] =	ssyncset.done $0x0  }
0x143: {  	[sflag:s11] =	ssyncadd.s32 $0xFFFFF600  }
0x144: {  	_ =	swait.ge [sflag:s11], $0xA00  }
0x145: {  	[sflag:s11] =	ssyncset.done $0x0  }
0x146: {  	[sflag:s11] =	ssyncadd.s32 $0xFFFFF600  }
0x147: {  	_ =	swait.ge [sflag:s11], $0xA00  }
0x148: {  	[sflag:s11] =	ssyncset.done $0x0  }
0x149: {  	[sflag:s11] =	ssyncadd.s32 $0xFFFFF600  }
0x14a: {  	_ =	swait.ge [sflag:s11], $0xA00  }
0x14b: {  	[sflag:s11] =	ssyncset.done $0x0  }
0x14c: {  	[sflag:s11] =	ssyncadd.s32 $0xFFFFF600  }
0x14d: {  	[spmem:s29] =	stream.indirect.scatter.add.f32 [tilespmem:s12], [sflag:$0x4], $0x20, s20, s20, $0xb8;
	[tilespmem:$0x1EB40] =	vst v63  }
0x14e: {  	_ = 	snop  }
0x14f: {  	[spmem:s1] =	stream.indirect.scatter.add.f32 [tilespmem:s25], [sflag:$0x4], $0x20, s20, s20, $0xb8;
	[tilespmem:$0x1EB40] =	vst v63  }
0x150: {  	_ = 	snop  }
0x151: {  	[spmem:s6] =	stream.indirect.scatter.add.f32 [tilespmem:s26], [sflag:$0x4], $0x20, s20, s20, $0xb8;
	[tilespmem:$0x1EB40] =	vst v63  }
0x152: {  	_ = 	snop  }
0x153: {  	[spmem:s7] =	stream.indirect.scatter.add.f32 [tilespmem:s28], [sflag:$0x4], $0x20, s20, s20, $0xb8;
	[tilespmem:$0x1EB40] =	vst v63  }
0x154: {  	_ = 	snop  }
0x155: {  	[spmem:s16] =	stream.indirect.scatter.add.f32 [tilespmem:s4], [sflag:$0x4], $0x20, s20, s20, $0xb8;
	[tilespmem:$0x1EB40] =	vst v63  }
0x156: {  	_ =	swait.ge [sflag:s13], $0xA00  }
0x157: {  	[sflag:s13] =	ssyncset.done $0x0  }
0x158: {  	[sflag:s13] =	ssyncadd.s32 $0xFFFFF600  }
0x159: {  	_ =	swait.ge [sflag:s13], $0xA00  }
0x15a: {  	[sflag:s13] =	ssyncset.done $0x0  }
0x15b: {  	[sflag:s13] =	ssyncadd.s32 $0xFFFFF600  }
0x15c: {  	_ =	swait.ge [sflag:s13], $0xA00  }
0x15d: {  	[sflag:s13] =	ssyncset.done $0x0  }
0x15e: {  	[sflag:s13] =	ssyncadd.s32 $0xFFFFF600  }
0x15f: {  	_ =	swait.ge [sflag:s13], $0xA00  }
0x160: {  	[sflag:s13] =	ssyncset.done $0x0  }
0x161: {  	[sflag:s13] =	ssyncadd.s32 $0xFFFFF600  }
0x162: {  	_ =	swait.ge [sflag:s13], $0xA00  }
0x163: {  	s17 =	sld [smem:$0x7FB];
	_ =	sdelay $0x1  }
0x164: {  	[sflag:s13] =	ssyncset.done $0x0  }
0x165: {  	[sflag:s13] =	ssyncadd.s32 $0xFFFFF600;
	s4 =	sadd.s32 $0xFFFFFFF6, s17  }
0x166: {  	[tilespmem:s0], [sflag:$0x5] =	stream.linear.gather [hbm4b:s4+s0], $0x50, $0x38;
	[tilespmem:$0x1EB40] =	vst v63  }
0x167: {  	s30 =	smov.u32 s14;
	s2 =	sadd.s32 $0x0, s5;
	_ =	swait.ge [sflag:s19], $0x50  }
0x168: {  	s23 =	simm.s32 $0xA0;
	s24 =	smov.u32 s5;
	[sflag:s19] =	ssyncset.done $0x0  }
0x169: {  	s5 =	sadd.s32 $0x280, s2;
	s4 =	sadd.s32 $0x0, s9;
	[sflag:s19] =	ssyncadd.s32 $0xFFFFFFB0  }
0x16a: {  	[tilespmem:s23], [sflag:$0x1] =	stream.linear.gather [hbm4b:s5+s0], $0xA00, $0x38;
	[tilespmem:$0x1EB40] =	vst v63  }
0x16b: {  	s8 =	simm.s32 $0xAA0;
	s23 =	sadd.s32 $0x280, s4;
	s5 =	sadd.s32 $0x0, s14  }
0x16c: {  	[tilespmem:s8], [sflag:$0x1] =	stream.linear.gather [hbm4b:s23+s0], $0xA00, $0x38;
	[tilespmem:$0x1EB40] =	vst v63  }
0x16d: {  	s10 =	smov.u32 s9;
	s31 =	simm.s32 $0x14A0;
	s9 =	sadd.s32 $0x280, s5  }
0x16e: {  	[tilespmem:s31], [sflag:$0x1] =	stream.linear.gather [hbm4b:s9+s0], $0xA00, $0x38;
	[tilespmem:$0x1EB40] =	vst v63  }
0x16f: {  	s12 =	simm.s32 $0x1EA0;
	s14 =	sadd.s32 $0x0, s15;
	s9 =	rddreg [dreg:$0x7]  }
0x170: {  	s23 =	smov.u32 s15;
	s31 =	sadd.s32 $0x280, s14;
	s15 =	sadd.s32 $0x0, s9  }
0x171: {  	[tilespmem:s12], [sflag:$0x1] =	stream.linear.gather [hbm4b:s31+s0], $0xA00, $0x38;
	[tilespmem:$0x1EB40] =	vst v63  }
0x172: {  	s12 =	sadd.s32 $0x280, s15;
	s31 =	simm.s32 $0x28A0  }
0x173: {  	[tilespmem:s31], [sflag:$0x1] =	stream.linear.gather [hbm4b:s12+s0], $0xA00, $0x38;
	[tilespmem:$0x1EB40] =	vst v63  }
0x174: {  	_ =	swait.ge [sflag:s21], $0xA00  }
0x175: {  	[sflag:s21] =	ssyncset.done $0x0  }
0x176: {  	[sflag:s21] =	ssyncadd.s32 $0xFFFFF600  }
0x177: {  	_ =	swait.ge [sflag:s21], $0xA00  }
0x178: {  	[sflag:s21] =	ssyncset.done $0x0  }
0x179: {  	[sflag:s21] =	ssyncadd.s32 $0xFFFFF600  }
0x17a: {  	_ =	swait.ge [sflag:s21], $0xA00  }
0x17b: {  	[sflag:s21] =	ssyncset.done $0x0  }
0x17c: {  	[sflag:s21] =	ssyncadd.s32 $0xFFFFF600  }
0x17d: {  	_ =	swait.ge [sflag:s21], $0xA00  }
0x17e: {  	[sflag:s21] =	ssyncset.done $0x0  }
0x17f: {  	[sflag:s21] =	ssyncadd.s32 $0xFFFFF600  }
0x180: {  	_ =	swait.ge [sflag:s21], $0xA00  }
0x181: {  	[sflag:s21] =	ssyncset.done $0x0  }
0x182: {  	[sflag:s21] =	ssyncadd.s32 $0xFFFFF600  }
0x183: {  	[tilespmem:s20], [sflag:$0x5] =	stream.linear.gather [hbm4b:s17+s0], $0x50, $0x38;
	[tilespmem:$0x1EB40] =	vst v63  }
0x184: {  	_ =	swait.ge [sflag:s19], $0x50  }
0x185: {  	[sflag:s19] =	ssyncset.done $0x0  }
0x186: {  	s2 =	sadd.s32 $0x3C0, s2;
	s25 =	simm.s32 $0x32A0;
	[sflag:s19] =	ssyncadd.s32 $0xFFFFFFB0  }
0x187: {  	[tilespmem:s25], [sflag:$0x2] =	stream.linear.gather [hbm4b:s2+s0], $0xA00, $0x38;
	[tilespmem:$0x1EB40] =	vst v63  }
0x188: {  	s18 =	simm.s32 $0x50A0;
	s26 =	simm.s32 $0x3CA0;
	s9 =	sadd.s32 $0x3C0, s4  }
0x189: {  	[tilespmem:s26], [sflag:$0x2] =	stream.linear.gather [hbm4b:s9+s0], $0xA00, $0x38;
	[tilespmem:$0x1EB40] =	vst v63  }
0x18a: {  	s28 =	simm.s32 $0x46A0;
	s3 =	sadd.s32 $0x14, s17;
	s12 =	sadd.s32 $0x3C0, s5  }
0x18b: {  	[tilespmem:s28], [sflag:$0x2] =	stream.linear.gather [hbm4b:s12+s0], $0xA00, $0x38;
	[tilespmem:$0x1EB40] =	vst v63  }
0x18c: {  	s4 =	sadd.s32 $0x3C0, s15;
	s31 =	sadd.s32 $0x3C0, s14;
	s2 =	simm.s32 $0x280  }
0x18d: {  	[tilespmem:s18], [sflag:$0x2] =	stream.linear.gather [hbm4b:s31+s0], $0xA00, $0x38;
	[tilespmem:$0x1EB40] =	vst v63  }
.LBB2_6:
0x18e: {  	s5 =	simm.s32 $0x5AA0  }
0x18f: {  	[tilespmem:s5], [sflag:$0x2] =	stream.linear.gather [hbm4b:s4+s0], $0xA00, $0x38;
	[tilespmem:$0x1EB40] =	vst v63  }
0x190: {  	_ =	swait.ge [sflag:s22], $0xA00  }
0x191: {  	[sflag:s22] =	ssyncset.done $0x0  }
0x192: {  	[sflag:s22] =	ssyncadd.s32 $0xFFFFF600  }
0x193: {  	_ =	swait.ge [sflag:s22], $0xA00  }
0x194: {  	[sflag:s22] =	ssyncset.done $0x0  }
0x195: {  	[sflag:s22] =	ssyncadd.s32 $0xFFFFF600  }
0x196: {  	_ =	swait.ge [sflag:s22], $0xA00  }
0x197: {  	[sflag:s22] =	ssyncset.done $0x0  }
0x198: {  	[sflag:s22] =	ssyncadd.s32 $0xFFFFF600  }
0x199: {  	_ =	swait.ge [sflag:s22], $0xA00  }
0x19a: {  	[sflag:s22] =	ssyncset.done $0x0  }
0x19b: {  	[sflag:s22] =	ssyncadd.s32 $0xFFFFF600  }
0x19c: {  	_ =	swait.ge [sflag:s22], $0xA00  }
0x19d: {  	[sflag:s22] =	ssyncset.done $0x0  }
0x19e: {  	s9 =	simm.s32 $0xA0;
	[sflag:s22] =	ssyncadd.s32 $0xFFFFF600  }
0x19f: {  	[spmem:s29] =	stream.indirect.scatter.add.f32 [tilespmem:s9], [sflag:$0x3], $0x20, s0, s20, $0xb8;
	[tilespmem:$0x1EB40] =	vst v63  }
0x1a0: {  	s17 =	simm.s32 $0xAA0  }
0x1a1: {  	[spmem:s1] =	stream.indirect.scatter.add.f32 [tilespmem:s17], [sflag:$0x3], $0x20, s0, s20, $0xb8;
	[tilespmem:$0x1EB40] =	vst v63  }
0x1a2: {  	s12 =	simm.s32 $0x14A0  }
0x1a3: {  	[spmem:s6] =	stream.indirect.scatter.add.f32 [tilespmem:s12], [sflag:$0x3], $0x20, s0, s20, $0xb8;
	[tilespmem:$0x1EB40] =	vst v63  }
0x1a4: {  	s31 =	simm.s32 $0x1EA0  }
0x1a5: {  	[spmem:s7] =	stream.indirect.scatter.add.f32 [tilespmem:s31], [sflag:$0x3], $0x20, s0, s20, $0xb8;
	[tilespmem:$0x1EB40] =	vst v63  }
0x1a6: {  	s8 =	simm.s32 $0x28A0  }
0x1a7: {  	[spmem:s16] =	stream.indirect.scatter.add.f32 [tilespmem:s8], [sflag:$0x3], $0x20, s0, s20, $0xb8;
	[tilespmem:$0x1EB40] =	vst v63  }
0x1a8: {  	_ =	swait.ge [sflag:s11], $0xA00  }
0x1a9: {  	[sflag:s11] =	ssyncset.done $0x0  }
0x1aa: {  	[sflag:s11] =	ssyncadd.s32 $0xFFFFF600  }
0x1ab: {  	_ =	swait.ge [sflag:s11], $0xA00  }
0x1ac: {  	[sflag:s11] =	ssyncset.done $0x0  }
0x1ad: {  	[sflag:s11] =	ssyncadd.s32 $0xFFFFF600  }
0x1ae: {  	_ =	swait.ge [sflag:s11], $0xA00  }
0x1af: {  	[sflag:s11] =	ssyncset.done $0x0  }
0x1b0: {  	[sflag:s11] =	ssyncadd.s32 $0xFFFFF600  }
0x1b1: {  	_ =	swait.ge [sflag:s11], $0xA00  }
0x1b2: {  	[sflag:s11] =	ssyncset.done $0x0  }
0x1b3: {  	[sflag:s11] =	ssyncadd.s32 $0xFFFFF600  }
0x1b4: {  	_ =	swait.ge [sflag:s11], $0xA00  }
0x1b5: {  	[sflag:s11] =	ssyncset.done $0x0  }
0x1b6: {  	[sflag:s11] =	ssyncadd.s32 $0xFFFFF600  }
0x1b7: {  	[spmem:s29] =	stream.indirect.scatter.add.f32 [tilespmem:s25], [sflag:$0x4], $0x20, s20, s20, $0xb8;
	[tilespmem:$0x1EB40] =	vst v63  }
0x1b8: {  	_ = 	snop  }
0x1b9: {  	[spmem:s1] =	stream.indirect.scatter.add.f32 [tilespmem:s26], [sflag:$0x4], $0x20, s20, s20, $0xb8;
	[tilespmem:$0x1EB40] =	vst v63  }
0x1ba: {  	_ = 	snop  }
0x1bb: {  	[spmem:s6] =	stream.indirect.scatter.add.f32 [tilespmem:s28], [sflag:$0x4], $0x20, s20, s20, $0xb8;
	[tilespmem:$0x1EB40] =	vst v63  }
0x1bc: {  	_ = 	snop  }
0x1bd: {  	[spmem:s7] =	stream.indirect.scatter.add.f32 [tilespmem:s18], [sflag:$0x4], $0x20, s20, s20, $0xb8;
	[tilespmem:$0x1EB40] =	vst v63  }
0x1be: {  	_ = 	snop  }
0x1bf: {  	[spmem:s16] =	stream.indirect.scatter.add.f32 [tilespmem:s5], [sflag:$0x4], $0x20, s20, s20, $0xb8;
	[tilespmem:$0x1EB40] =	vst v63  }
0x1c0: {  	_ =	swait.ge [sflag:s13], $0xA00  }
0x1c1: {  	[sflag:s13] =	ssyncset.done $0x0  }
0x1c2: {  	[sflag:s13] =	ssyncadd.s32 $0xFFFFF600  }
0x1c3: {  	_ =	swait.ge [sflag:s13], $0xA00  }
0x1c4: {  	[sflag:s13] =	ssyncset.done $0x0  }
0x1c5: {  	[sflag:s13] =	ssyncadd.s32 $0xFFFFF600  }
0x1c6: {  	_ =	swait.ge [sflag:s13], $0xA00  }
0x1c7: {  	[sflag:s13] =	ssyncset.done $0x0  }
0x1c8: {  	[sflag:s13] =	ssyncadd.s32 $0xFFFFF600  }
0x1c9: {  	_ =	swait.ge [sflag:s13], $0xA00  }
0x1ca: {  	[sflag:s13] =	ssyncset.done $0x0  }
0x1cb: {  	[sflag:s13] =	ssyncadd.s32 $0xFFFFF600  }
0x1cc: {  	_ =	swait.ge [sflag:s13], $0xA00  }
0x1cd: {  	[sflag:s13] =	ssyncset.done $0x0  }
0x1ce: {  	s16 =	sadd.s32 $0xFFFFFFF6, s3;
	[sflag:s13] =	ssyncadd.s32 $0xFFFFF600  }
0x1cf: {  	[tilespmem:s0], [sflag:$0x5] =	stream.linear.gather [hbm4b:s16+s0], $0x50, $0x38;
	[tilespmem:$0x1EB40] =	vst v63  }
0x1d0: {  	s4 =	smov.u32 s2;
	_ =	swait.ge [sflag:s19], $0x50  }
0x1d1: {  	s5 =	sadd.s32 s4, s24;
	[sflag:s19] =	ssyncset.done $0x0  }
0x1d2: {  	s14 =	sadd.s32 s4, s10;
	s15 =	sadd.s32 $0x280, s5;
	[sflag:s19] =	ssyncadd.s32 $0xFFFFFFB0  }
0x1d3: {  	[tilespmem:s9], [sflag:$0x1] =	stream.linear.gather [hbm4b:s15+s0], $0xA00, $0x38;
	[tilespmem:$0x1EB40] =	vst v63  }
0x1d4: {  	s9 =	sadd.s32 $0x280, s14;
	s15 =	sadd.s32 s4, s30  }
0x1d5: {  	[tilespmem:s17], [sflag:$0x1] =	stream.linear.gather [hbm4b:s9+s0], $0xA00, $0x38;
	[tilespmem:$0x1EB40] =	vst v63  }
0x1d6: {  	s9 =	sadd.s32 $0x280, s15  }
0x1d7: {  	[tilespmem:s12], [sflag:$0x1] =	stream.linear.gather [hbm4b:s9+s0], $0xA00, $0x38;
	[tilespmem:$0x1EB40] =	vst v63  }
0x1d8: {  	s17 =	sadd.s32 s4, s23;
	s9 =	rddreg [dreg:$0x7]  }
0x1d9: {  	s16 =	sadd.s32 $0x280, s17;
	s4 =	sadd.s32 s4, s9  }
0x1da: {  	[tilespmem:s31], [sflag:$0x1] =	stream.linear.gather [hbm4b:s16+s0], $0xA00, $0x38;
	[tilespmem:$0x1EB40] =	vst v63  }
0x1db: {  	s12 =	sadd.s32 $0x280, s4  }
0x1dc: {  	[tilespmem:s8], [sflag:$0x1] =	stream.linear.gather [hbm4b:s12+s0], $0xA00, $0x38;
	[tilespmem:$0x1EB40] =	vst v63  }
0x1dd: {  	s16 =	rddreg [dreg:$0x5];
	_ =	swait.ge [sflag:s21], $0xA00  }
0x1de: {  	[sflag:s21] =	ssyncset.done $0x0  }
0x1df: {  	[sflag:s21] =	ssyncadd.s32 $0xFFFFF600  }
0x1e0: {  	_ =	swait.ge [sflag:s21], $0xA00  }
0x1e1: {  	[sflag:s21] =	ssyncset.done $0x0  }
0x1e2: {  	[sflag:s21] =	ssyncadd.s32 $0xFFFFF600  }
0x1e3: {  	_ =	swait.ge [sflag:s21], $0xA00  }
0x1e4: {  	[sflag:s21] =	ssyncset.done $0x0  }
0x1e5: {  	[sflag:s21] =	ssyncadd.s32 $0xFFFFF600  }
0x1e6: {  	_ =	swait.ge [sflag:s21], $0xA00  }
0x1e7: {  	[sflag:s21] =	ssyncset.done $0x0  }
0x1e8: {  	[sflag:s21] =	ssyncadd.s32 $0xFFFFF600  }
0x1e9: {  	_ =	swait.ge [sflag:s21], $0xA00  }
0x1ea: {  	[sflag:s21] =	ssyncset.done $0x0  }
0x1eb: {  	[sflag:s21] =	ssyncadd.s32 $0xFFFFF600  }
0x1ec: {  	[tilespmem:s20], [sflag:$0x5] =	stream.linear.gather [hbm4b:s3+s0], $0x50, $0x38;
	[tilespmem:$0x1EB40] =	vst v63  }
0x1ed: {  	_ =	swait.ge [sflag:s19], $0x50  }
0x1ee: {  	[sflag:s19] =	ssyncset.done $0x0  }
0x1ef: {  	s5 =	sadd.s32 $0x3C0, s5;
	[sflag:s19] =	ssyncadd.s32 $0xFFFFFFB0  }
0x1f0: {  	[tilespmem:s25], [sflag:$0x2] =	stream.linear.gather [hbm4b:s5+s0], $0xA00, $0x38;
	[tilespmem:$0x1EB40] =	vst v63  }
0x1f1: {  	p1 =	sne.s32 s2, $0x9600;
	s14 =	sadd.s32 $0x3C0, s14  }
0x1f2: {  	[tilespmem:s26], [sflag:$0x2] =	stream.linear.gather [hbm4b:s14+s0], $0xA00, $0x38;
	[tilespmem:$0x1EB40] =	vst v63  }
.Ltmp3:
0x1f3: {  	_ = 	snop;
	(pc) =	sbr.rel @p1 .LBB2_6-.Ltmp3, $4  }
0x1f4: {  	s2 =	sadd.s32 $0x280, s2;
	s15 =	sadd.s32 $0x3C0, s15  }
0x1f5: {  	[tilespmem:s28], [sflag:$0x2] =	stream.linear.gather [hbm4b:s15+s0], $0xA00, $0x38;
	[tilespmem:$0x1EB40] =	vst v63  }
0x1f6: {  	s31 =	sadd.s32 $0x3C0, s17;
	s4 =	sadd.s32 $0x3C0, s4;
	s3 =	sadd.s32 $0x14, s3  }
0x1f7: {  	[tilespmem:s18], [sflag:$0x2] =	stream.linear.gather [hbm4b:s31+s0], $0xA00, $0x38;
	[tilespmem:$0x1EB40] =	vst v63  }
.Ltmp4:
0x1f8: {  	_ = 	snop;
	(pc) =	sbr.rel .LBB2_7-.Ltmp4, $1  }
0x1f9: {  	_ =	sdelay $0x3  }
.LBB2_2:
0x1fa: {  	[bflag:$0x0] =	sbarrier.arrive $0xFFFF  }
0x1fb: {  	s3 =	sld [smem:$0x7E8];
	_ =	sdelay $0x1  }
0x1fc: {  	s2 =	simm.s32 $0x0  }
0x1fd: {  	[tilespmem:s2], [sflag:$0x5] =	stream.linear.gather [hbm4b:s3+s2], $0x50, $0x38;
	[tilespmem:$0x1EB40] =	vst v63  }
0x1fe: {  	_ =	swait.ge [sflag:s19], $0x50  }
0x1ff: {  	[sflag:s19] =	ssyncset.done $0x0  }
0x200: {  	s18 =	rddreg [dreg:$0x9];
	[sflag:s19] =	ssyncadd.s32 $0xFFFFFFB0  }
0x201: {  	[tilespmem:s23], [sflag:$0x1] =	stream.linear.gather [hbm4b:s17+s2], $0xA00, $0x38;
	[tilespmem:$0x1EB40] =	vst v63  }
0x202: {  	s10 =	rddreg [dreg:$0xa]  }
0x203: {  	[tilespmem:s24], [sflag:$0x1] =	stream.linear.gather [hbm4b:s18+s2], $0xA00, $0x38;
	[tilespmem:$0x1EB40] =	vst v63  }
0x204: {  	s9 =	rddreg [dreg:$0xb]  }
0x205: {  	[tilespmem:s31], [sflag:$0x1] =	stream.linear.gather [hbm4b:s10+s2], $0xA00, $0x38;
	[tilespmem:$0x1EB40] =	vst v63  }
0x206: {  	s4 =	sld [smem:$0x7E9]  }
0x207: {  	[tilespmem:s8], [sflag:$0x1] =	stream.linear.gather [hbm4b:s9+s2], $0xA00, $0x38;
	[tilespmem:$0x1EB40] =	vst v63  }
0x208: {  	_ = 	snop  }
0x209: {  	[tilespmem:s20], [sflag:$0x5] =	stream.linear.gather [hbm4b:s4+s2], $0x50, $0x38;
	[tilespmem:$0x1EB40] =	vst v63  }
0x20a: {  	_ =	swait.ge [sflag:s19], $0x50  }
0x20b: {  	[sflag:s19] =	ssyncset.done $0x0  }
0x20c: {  	s5 =	rddreg [dreg:$0xc];
	[sflag:s19] =	ssyncadd.s32 $0xFFFFFFB0  }
0x20d: {  	[tilespmem:s12], [sflag:$0x2] =	stream.linear.gather [hbm4b:s5+s2], $0xA00, $0x38;
	[tilespmem:$0x1EB40] =	vst v63  }
0x20e: {  	s14 =	rddreg [dreg:$0xd]  }
0x20f: {  	[tilespmem:s25], [sflag:$0x2] =	stream.linear.gather [hbm4b:s14+s2], $0xA00, $0x38;
	[tilespmem:$0x1EB40] =	vst v63  }
0x210: {  	s15 =	rddreg [dreg:$0xe]  }
0x211: {  	[tilespmem:s26], [sflag:$0x2] =	stream.linear.gather [hbm4b:s15+s2], $0xA00, $0x38;
	[tilespmem:$0x1EB40] =	vst v63  }
0x212: {  	s16 =	rddreg [dreg:$0xf]  }
0x213: {  	[tilespmem:s28], [sflag:$0x2] =	stream.linear.gather [hbm4b:s16+s2], $0xA00, $0x38;
	[tilespmem:$0x1EB40] =	vst v63  }
0x214: {  	_ =	swait.ge [sflag:s22], $0xA00  }
0x215: {  	[sflag:s22] =	ssyncset.done $0x0  }
0x216: {  	[sflag:s22] =	ssyncadd.s32 $0xFFFFF600  }
0x217: {  	_ =	swait.ge [sflag:s22], $0xA00  }
0x218: {  	[sflag:s22] =	ssyncset.done $0x0  }
0x219: {  	[sflag:s22] =	ssyncadd.s32 $0xFFFFF600  }
0x21a: {  	_ =	swait.ge [sflag:s22], $0xA00  }
0x21b: {  	[sflag:s22] =	ssyncset.done $0x0  }
0x21c: {  	[sflag:s22] =	ssyncadd.s32 $0xFFFFF600  }
0x21d: {  	_ =	swait.ge [sflag:s22], $0xA00  }
0x21e: {  	[sflag:s22] =	ssyncset.done $0x0  }
0x21f: {  	[sflag:s22] =	ssyncadd.s32 $0xFFFFF600  }
0x220: {  	[spmem:s29] =	stream.indirect.scatter.add.f32 [tilespmem:s23], [sflag:$0x3], $0x20, s0, s20, $0xb8;
	[tilespmem:$0x1EB40] =	vst v63  }
0x221: {  	_ = 	snop  }
0x222: {  	[spmem:s1] =	stream.indirect.scatter.add.f32 [tilespmem:s24], [sflag:$0x3], $0x20, s0, s20, $0xb8;
	[tilespmem:$0x1EB40] =	vst v63  }
0x223: {  	_ = 	snop  }
0x224: {  	[spmem:s6] =	stream.indirect.scatter.add.f32 [tilespmem:s31], [sflag:$0x3], $0x20, s0, s20, $0xb8;
	[tilespmem:$0x1EB40] =	vst v63  }
0x225: {  	_ = 	snop  }
0x226: {  	[spmem:s7] =	stream.indirect.scatter.add.f32 [tilespmem:s8], [sflag:$0x3], $0x20, s0, s20, $0xb8;
	[tilespmem:$0x1EB40] =	vst v63  }
0x227: {  	_ =	swait.ge [sflag:s11], $0xA00  }
0x228: {  	[sflag:s11] =	ssyncset.done $0x0  }
0x229: {  	[sflag:s11] =	ssyncadd.s32 $0xFFFFF600  }
0x22a: {  	_ =	swait.ge [sflag:s11], $0xA00  }
0x22b: {  	[sflag:s11] =	ssyncset.done $0x0  }
0x22c: {  	[sflag:s11] =	ssyncadd.s32 $0xFFFFF600  }
0x22d: {  	_ =	swait.ge [sflag:s11], $0xA00  }
0x22e: {  	[sflag:s11] =	ssyncset.done $0x0  }
0x22f: {  	[sflag:s11] =	ssyncadd.s32 $0xFFFFF600  }
0x230: {  	_ =	swait.ge [sflag:s11], $0xA00  }
0x231: {  	[sflag:s11] =	ssyncset.done $0x0  }
0x232: {  	[sflag:s11] =	ssyncadd.s32 $0xFFFFF600  }
0x233: {  	[spmem:s29] =	stream.indirect.scatter.add.f32 [tilespmem:s12], [sflag:$0x4], $0x20, s20, s20, $0xb8;
	[tilespmem:$0x1EB40] =	vst v63  }
0x234: {  	_ = 	snop  }
0x235: {  	[spmem:s1] =	stream.indirect.scatter.add.f32 [tilespmem:s25], [sflag:$0x4], $0x20, s20, s20, $0xb8;
	[tilespmem:$0x1EB40] =	vst v63  }
0x236: {  	_ = 	snop  }
0x237: {  	[spmem:s6] =	stream.indirect.scatter.add.f32 [tilespmem:s26], [sflag:$0x4], $0x20, s20, s20, $0xb8;
	[tilespmem:$0x1EB40] =	vst v63  }
0x238: {  	_ = 	snop  }
0x239: {  	[spmem:s7] =	stream.indirect.scatter.add.f32 [tilespmem:s28], [sflag:$0x4], $0x20, s20, s20, $0xb8;
	[tilespmem:$0x1EB40] =	vst v63  }
0x23a: {  	_ =	swait.ge [sflag:s13], $0xA00  }
0x23b: {  	[sflag:s13] =	ssyncset.done $0x0  }
0x23c: {  	[sflag:s13] =	ssyncadd.s32 $0xFFFFF600  }
0x23d: {  	_ =	swait.ge [sflag:s13], $0xA00  }
0x23e: {  	[sflag:s13] =	ssyncset.done $0x0  }
0x23f: {  	[sflag:s13] =	ssyncadd.s32 $0xFFFFF600  }
0x240: {  	_ =	swait.ge [sflag:s13], $0xA00  }
0x241: {  	[sflag:s13] =	ssyncset.done $0x0  }
0x242: {  	[sflag:s13] =	ssyncadd.s32 $0xFFFFF600  }
0x243: {  	_ =	swait.ge [sflag:s13], $0xA00  }
0x244: {  	s15 =	sld [smem:$0x7FB];
	_ =	sdelay $0x1  }
0x245: {  	[sflag:s13] =	ssyncset.done $0x0  }
0x246: {  	[sflag:s13] =	ssyncadd.s32 $0xFFFFF600;
	s4 =	sadd.s32 $0xFFFFFFF6, s15  }
0x247: {  	[tilespmem:s0], [sflag:$0x5] =	stream.linear.gather [hbm4b:s4+s0], $0x50, $0x38;
	[tilespmem:$0x1EB40] =	vst v63  }
0x248: {  	_ =	swait.ge [sflag:s19], $0x50  }
0x249: {  	s2 =	sadd.s32 $0x0, s17;
	[sflag:s19] =	ssyncset.done $0x0  }
0x24a: {  	s5 =	sadd.s32 $0x280, s2;
	s4 =	sadd.s32 $0x0, s18;
	[sflag:s19] =	ssyncadd.s32 $0xFFFFFFB0  }
0x24b: {  	[tilespmem:s23], [sflag:$0x1] =	stream.linear.gather [hbm4b:s5+s0], $0xA00, $0x38;
	[tilespmem:$0x1EB40] =	vst v63  }
0x24c: {  	s14 =	sadd.s32 $0x280, s4;
	s5 =	sadd.s32 $0x0, s10  }
0x24d: {  	[tilespmem:s24], [sflag:$0x1] =	stream.linear.gather [hbm4b:s14+s0], $0xA00, $0x38;
	[tilespmem:$0x1EB40] =	vst v63  }
0x24e: {  	s16 =	sadd.s32 $0x280, s5;
	s14 =	sadd.s32 $0x0, s9  }
0x24f: {  	[tilespmem:s31], [sflag:$0x1] =	stream.linear.gather [hbm4b:s16+s0], $0xA00, $0x38;
	[tilespmem:$0x1EB40] =	vst v63  }
0x250: {  	s16 =	sadd.s32 $0x280, s14  }
0x251: {  	[tilespmem:s8], [sflag:$0x1] =	stream.linear.gather [hbm4b:s16+s0], $0xA00, $0x38;
	[tilespmem:$0x1EB40] =	vst v63  }
0x252: {  	_ =	swait.ge [sflag:s21], $0xA00  }
0x253: {  	[sflag:s21] =	ssyncset.done $0x0  }
0x254: {  	[sflag:s21] =	ssyncadd.s32 $0xFFFFF600  }
0x255: {  	_ =	swait.ge [sflag:s21], $0xA00  }
0x256: {  	[sflag:s21] =	ssyncset.done $0x0  }
0x257: {  	[sflag:s21] =	ssyncadd.s32 $0xFFFFF600  }
0x258: {  	_ =	swait.ge [sflag:s21], $0xA00  }
0x259: {  	[sflag:s21] =	ssyncset.done $0x0  }
0x25a: {  	[sflag:s21] =	ssyncadd.s32 $0xFFFFF600  }
0x25b: {  	_ =	swait.ge [sflag:s21], $0xA00  }
0x25c: {  	[sflag:s21] =	ssyncset.done $0x0  }
0x25d: {  	[sflag:s21] =	ssyncadd.s32 $0xFFFFF600  }
0x25e: {  	[tilespmem:s20], [sflag:$0x5] =	stream.linear.gather [hbm4b:s15+s0], $0x50, $0x38;
	[tilespmem:$0x1EB40] =	vst v63  }
0x25f: {  	_ =	swait.ge [sflag:s19], $0x50  }
0x260: {  	[sflag:s19] =	ssyncset.done $0x0  }
0x261: {  	s2 =	sadd.s32 $0x3C0, s2;
	[sflag:s19] =	ssyncadd.s32 $0xFFFFFFB0  }
0x262: {  	[tilespmem:s12], [sflag:$0x2] =	stream.linear.gather [hbm4b:s2+s0], $0xA00, $0x38;
	[tilespmem:$0x1EB40] =	vst v63  }
0x263: {  	s3 =	sadd.s32 $0x14, s15;
	s4 =	sadd.s32 $0x3C0, s4  }
0x264: {  	[tilespmem:s25], [sflag:$0x2] =	stream.linear.gather [hbm4b:s4+s0], $0xA00, $0x38;
	[tilespmem:$0x1EB40] =	vst v63  }
0x265: {  	s16 =	sadd.s32 $0x3C0, s5;
	s2 =	simm.s32 $0x280;
	s4 =	sadd.s32 $0x3C0, s14  }
0x266: {  	[tilespmem:s26], [sflag:$0x2] =	stream.linear.gather [hbm4b:s16+s0], $0xA00, $0x38;
	[tilespmem:$0x1EB40] =	vst v63  }
.LBB2_3:
0x267: {  	[tilespmem:s28], [sflag:$0x2] =	stream.linear.gather [hbm4b:s4+s0], $0xA00, $0x38;
	[tilespmem:$0x1EB40] =	vst v63  }
0x268: {  	s4 =	smov.u32 s2  }
0x269: {  	p1 =	sne.s32 s2, $0x9600;
	s2 =	sadd.s32 $0x280, s2;
	_ =	swait.ge [sflag:s22], $0xA00  }
0x26a: {  	[sflag:s22] =	ssyncset.done $0x0  }
0x26b: {  	[sflag:s22] =	ssyncadd.s32 $0xFFFFF600  }
0x26c: {  	_ =	swait.ge [sflag:s22], $0xA00  }
0x26d: {  	[sflag:s22] =	ssyncset.done $0x0  }
0x26e: {  	[sflag:s22] =	ssyncadd.s32 $0xFFFFF600  }
0x26f: {  	_ =	swait.ge [sflag:s22], $0xA00  }
0x270: {  	[sflag:s22] =	ssyncset.done $0x0  }
0x271: {  	[sflag:s22] =	ssyncadd.s32 $0xFFFFF600  }
0x272: {  	_ =	swait.ge [sflag:s22], $0xA00  }
0x273: {  	[sflag:s22] =	ssyncset.done $0x0  }
0x274: {  	[sflag:s22] =	ssyncadd.s32 $0xFFFFF600  }
0x275: {  	[spmem:s29] =	stream.indirect.scatter.add.f32 [tilespmem:s23], [sflag:$0x3], $0x20, s0, s20, $0xb8;
	[tilespmem:$0x1EB40] =	vst v63  }
0x276: {  	_ = 	snop  }
0x277: {  	[spmem:s1] =	stream.indirect.scatter.add.f32 [tilespmem:s24], [sflag:$0x3], $0x20, s0, s20, $0xb8;
	[tilespmem:$0x1EB40] =	vst v63  }
0x278: {  	_ = 	snop  }
0x279: {  	[spmem:s6] =	stream.indirect.scatter.add.f32 [tilespmem:s31], [sflag:$0x3], $0x20, s0, s20, $0xb8;
	[tilespmem:$0x1EB40] =	vst v63  }
0x27a: {  	_ = 	snop  }
0x27b: {  	[spmem:s7] =	stream.indirect.scatter.add.f32 [tilespmem:s8], [sflag:$0x3], $0x20, s0, s20, $0xb8;
	[tilespmem:$0x1EB40] =	vst v63  }
0x27c: {  	_ =	swait.ge [sflag:s11], $0xA00  }
0x27d: {  	[sflag:s11] =	ssyncset.done $0x0  }
0x27e: {  	[sflag:s11] =	ssyncadd.s32 $0xFFFFF600  }
0x27f: {  	_ =	swait.ge [sflag:s11], $0xA00  }
0x280: {  	[sflag:s11] =	ssyncset.done $0x0  }
0x281: {  	[sflag:s11] =	ssyncadd.s32 $0xFFFFF600  }
0x282: {  	_ =	swait.ge [sflag:s11], $0xA00  }
0x283: {  	[sflag:s11] =	ssyncset.done $0x0  }
0x284: {  	[sflag:s11] =	ssyncadd.s32 $0xFFFFF600  }
0x285: {  	_ =	swait.ge [sflag:s11], $0xA00  }
0x286: {  	[sflag:s11] =	ssyncset.done $0x0  }
0x287: {  	[sflag:s11] =	ssyncadd.s32 $0xFFFFF600  }
0x288: {  	[spmem:s29] =	stream.indirect.scatter.add.f32 [tilespmem:s12], [sflag:$0x4], $0x20, s20, s20, $0xb8;
	[tilespmem:$0x1EB40] =	vst v63  }
0x289: {  	_ = 	snop  }
0x28a: {  	[spmem:s1] =	stream.indirect.scatter.add.f32 [tilespmem:s25], [sflag:$0x4], $0x20, s20, s20, $0xb8;
	[tilespmem:$0x1EB40] =	vst v63  }
0x28b: {  	_ = 	snop  }
0x28c: {  	[spmem:s6] =	stream.indirect.scatter.add.f32 [tilespmem:s26], [sflag:$0x4], $0x20, s20, s20, $0xb8;
	[tilespmem:$0x1EB40] =	vst v63  }
0x28d: {  	_ = 	snop  }
0x28e: {  	[spmem:s7] =	stream.indirect.scatter.add.f32 [tilespmem:s28], [sflag:$0x4], $0x20, s20, s20, $0xb8;
	[tilespmem:$0x1EB40] =	vst v63  }
0x28f: {  	_ =	swait.ge [sflag:s13], $0xA00  }
0x290: {  	[sflag:s13] =	ssyncset.done $0x0  }
0x291: {  	[sflag:s13] =	ssyncadd.s32 $0xFFFFF600  }
0x292: {  	_ =	swait.ge [sflag:s13], $0xA00  }
0x293: {  	[sflag:s13] =	ssyncset.done $0x0  }
0x294: {  	[sflag:s13] =	ssyncadd.s32 $0xFFFFF600  }
0x295: {  	_ =	swait.ge [sflag:s13], $0xA00  }
0x296: {  	[sflag:s13] =	ssyncset.done $0x0  }
0x297: {  	[sflag:s13] =	ssyncadd.s32 $0xFFFFF600  }
0x298: {  	_ =	swait.ge [sflag:s13], $0xA00  }
0x299: {  	[sflag:s13] =	ssyncset.done $0x0  }
0x29a: {  	s5 =	sadd.s32 $0xFFFFFFF6, s3;
	[sflag:s13] =	ssyncadd.s32 $0xFFFFF600  }
0x29b: {  	[tilespmem:s0], [sflag:$0x5] =	stream.linear.gather [hbm4b:s5+s0], $0x50, $0x38;
	[tilespmem:$0x1EB40] =	vst v63  }
0x29c: {  	_ =	swait.ge [sflag:s19], $0x50  }
0x29d: {  	s5 =	sadd.s32 s4, s17;
	[sflag:s19] =	ssyncset.done $0x0  }
0x29e: {  	s15 =	sadd.s32 s4, s18;
	s14 =	sadd.s32 $0x280, s5;
	[sflag:s19] =	ssyncadd.s32 $0xFFFFFFB0  }
0x29f: {  	[tilespmem:s23], [sflag:$0x1] =	stream.linear.gather [hbm4b:s14+s0], $0xA00, $0x38;
	[tilespmem:$0x1EB40] =	vst v63  }
0x2a0: {  	s16 =	sadd.s32 s4, s10;
	s14 =	sadd.s32 $0x280, s15  }
0x2a1: {  	[tilespmem:s24], [sflag:$0x1] =	stream.linear.gather [hbm4b:s14+s0], $0xA00, $0x38;
	[tilespmem:$0x1EB40] =	vst v63  }
0x2a2: {  	s4 =	sadd.s32 s4, s9;
	s14 =	sadd.s32 $0x280, s16  }
0x2a3: {  	[tilespmem:s31], [sflag:$0x1] =	stream.linear.gather [hbm4b:s14+s0], $0xA00, $0x38;
	[tilespmem:$0x1EB40] =	vst v63  }
0x2a4: {  	s14 =	sadd.s32 $0x280, s4  }
0x2a5: {  	[tilespmem:s8], [sflag:$0x1] =	stream.linear.gather [hbm4b:s14+s0], $0xA00, $0x38;
	[tilespmem:$0x1EB40] =	vst v63  }
0x2a6: {  	_ =	swait.ge [sflag:s21], $0xA00  }
0x2a7: {  	[sflag:s21] =	ssyncset.done $0x0  }
0x2a8: {  	[sflag:s21] =	ssyncadd.s32 $0xFFFFF600  }
0x2a9: {  	_ =	swait.ge [sflag:s21], $0xA00  }
0x2aa: {  	[sflag:s21] =	ssyncset.done $0x0  }
0x2ab: {  	[sflag:s21] =	ssyncadd.s32 $0xFFFFF600  }
0x2ac: {  	_ =	swait.ge [sflag:s21], $0xA00  }
0x2ad: {  	[sflag:s21] =	ssyncset.done $0x0  }
0x2ae: {  	[sflag:s21] =	ssyncadd.s32 $0xFFFFF600  }
0x2af: {  	_ =	swait.ge [sflag:s21], $0xA00  }
0x2b0: {  	[sflag:s21] =	ssyncset.done $0x0  }
0x2b1: {  	[sflag:s21] =	ssyncadd.s32 $0xFFFFF600  }
0x2b2: {  	[tilespmem:s20], [sflag:$0x5] =	stream.linear.gather [hbm4b:s3+s0], $0x50, $0x38;
	[tilespmem:$0x1EB40] =	vst v63  }
0x2b3: {  	_ =	swait.ge [sflag:s19], $0x50  }
0x2b4: {  	[sflag:s19] =	ssyncset.done $0x0  }
0x2b5: {  	s5 =	sadd.s32 $0x3C0, s5;
	[sflag:s19] =	ssyncadd.s32 $0xFFFFFFB0  }
0x2b6: {  	[tilespmem:s12], [sflag:$0x2] =	stream.linear.gather [hbm4b:s5+s0], $0xA00, $0x38;
	[tilespmem:$0x1EB40] =	vst v63  }
.Ltmp5:
0x2b7: {  	s5 =	sadd.s32 $0x3C0, s15;
	(pc) =	sbr.rel @p1 .LBB2_3-.Ltmp5, $4  }
0x2b8: {  	[tilespmem:s25], [sflag:$0x2] =	stream.linear.gather [hbm4b:s5+s0], $0xA00, $0x38;
	[tilespmem:$0x1EB40] =	vst v63  }
0x2b9: {  	s5 =	sadd.s32 $0x3C0, s16  }
0x2ba: {  	[tilespmem:s26], [sflag:$0x2] =	stream.linear.gather [hbm4b:s5+s0], $0xA00, $0x38;
	[tilespmem:$0x1EB40] =	vst v63  }
0x2bb: {  	s4 =	sadd.s32 $0x3C0, s4;
	s3 =	sadd.s32 $0x14, s3  }
0x2bc: {  	[tilespmem:s28], [sflag:$0x2] =	stream.linear.gather [hbm4b:s4+s0], $0xA00, $0x38;
	[tilespmem:$0x1EB40] =	vst v63  }
0x2bd: {  	_ =	swait.ge [sflag:s22], $0xA00  }
0x2be: {  	[sflag:s22] =	ssyncset.done $0x0  }
0x2bf: {  	[sflag:s22] =	ssyncadd.s32 $0xFFFFF600  }
0x2c0: {  	_ =	swait.ge [sflag:s22], $0xA00  }
0x2c1: {  	[sflag:s22] =	ssyncset.done $0x0  }
0x2c2: {  	[sflag:s22] =	ssyncadd.s32 $0xFFFFF600  }
0x2c3: {  	_ =	swait.ge [sflag:s22], $0xA00  }
0x2c4: {  	[sflag:s22] =	ssyncset.done $0x0  }
0x2c5: {  	[sflag:s22] =	ssyncadd.s32 $0xFFFFF600  }
0x2c6: {  	_ =	swait.ge [sflag:s22], $0xA00  }
0x2c7: {  	[sflag:s22] =	ssyncset.done $0x0  }
0x2c8: {  	[sflag:s22] =	ssyncadd.s32 $0xFFFFF600  }
0x2c9: {  	[spmem:s29] =	stream.indirect.scatter.add.f32 [tilespmem:s23], [sflag:$0x3], $0x20, s0, s20, $0xb8;
	[tilespmem:$0x1EB40] =	vst v63  }
0x2ca: {  	_ = 	snop  }
0x2cb: {  	[spmem:s1] =	stream.indirect.scatter.add.f32 [tilespmem:s24], [sflag:$0x3], $0x20, s0, s20, $0xb8;
	[tilespmem:$0x1EB40] =	vst v63  }
0x2cc: {  	_ = 	snop  }
0x2cd: {  	[spmem:s6] =	stream.indirect.scatter.add.f32 [tilespmem:s31], [sflag:$0x3], $0x20, s0, s20, $0xb8;
	[tilespmem:$0x1EB40] =	vst v63  }
0x2ce: {  	_ = 	snop  }
0x2cf: {  	[spmem:s7] =	stream.indirect.scatter.add.f32 [tilespmem:s8], [sflag:$0x3], $0x20, s0, s20, $0xb8;
	[tilespmem:$0x1EB40] =	vst v63  }
0x2d0: {  	_ =	swait.ge [sflag:s11], $0xA00  }
0x2d1: {  	[sflag:s11] =	ssyncset.done $0x0  }
0x2d2: {  	[sflag:s11] =	ssyncadd.s32 $0xFFFFF600  }
0x2d3: {  	_ =	swait.ge [sflag:s11], $0xA00  }
0x2d4: {  	[sflag:s11] =	ssyncset.done $0x0  }
0x2d5: {  	[sflag:s11] =	ssyncadd.s32 $0xFFFFF600  }
0x2d6: {  	_ =	swait.ge [sflag:s11], $0xA00  }
0x2d7: {  	[sflag:s11] =	ssyncset.done $0x0  }
0x2d8: {  	[sflag:s11] =	ssyncadd.s32 $0xFFFFF600  }
0x2d9: {  	_ =	swait.ge [sflag:s11], $0xA00  }
0x2da: {  	[sflag:s11] =	ssyncset.done $0x0  }
0x2db: {  	[sflag:s11] =	ssyncadd.s32 $0xFFFFF600  }
0x2dc: {  	[spmem:s29] =	stream.indirect.scatter.add.f32 [tilespmem:s12], [sflag:$0x4], $0x20, s20, s20, $0xb8;
	[tilespmem:$0x1EB40] =	vst v63  }
0x2dd: {  	_ = 	snop  }
0x2de: {  	[spmem:s1] =	stream.indirect.scatter.add.f32 [tilespmem:s25], [sflag:$0x4], $0x20, s20, s20, $0xb8;
	[tilespmem:$0x1EB40] =	vst v63  }
0x2df: {  	_ = 	snop  }
0x2e0: {  	[spmem:s6] =	stream.indirect.scatter.add.f32 [tilespmem:s26], [sflag:$0x4], $0x20, s20, s20, $0xb8;
	[tilespmem:$0x1EB40] =	vst v63  }
0x2e1: {  	_ = 	snop  }
0x2e2: {  	[spmem:s7] =	stream.indirect.scatter.add.f32 [tilespmem:s28], [sflag:$0x4], $0x20, s20, s20, $0xb8;
	[tilespmem:$0x1EB40] =	vst v63  }
0x2e3: {  	_ =	swait.ge [sflag:s13], $0xA00  }
0x2e4: {  	[sflag:s13] =	ssyncset.done $0x0  }
0x2e5: {  	[sflag:s13] =	ssyncadd.s32 $0xFFFFF600  }
0x2e6: {  	_ =	swait.ge [sflag:s13], $0xA00  }
0x2e7: {  	[sflag:s13] =	ssyncset.done $0x0  }
0x2e8: {  	[sflag:s13] =	ssyncadd.s32 $0xFFFFF600  }
0x2e9: {  	_ =	swait.ge [sflag:s13], $0xA00  }
0x2ea: {  	[sflag:s13] =	ssyncset.done $0x0  }
0x2eb: {  	[sflag:s13] =	ssyncadd.s32 $0xFFFFF600  }
0x2ec: {  	_ =	swait.ge [sflag:s13], $0xA00  }
0x2ed: {  	[sflag:s13] =	ssyncset.done $0x0  }
0x2ee: {  	[sflag:s13] =	ssyncadd.s32 $0xFFFFF600  }
0x2ef: {  	_ =	swait.ge [sflag:s21], $0xA00  }
0x2f0: {  	[sflag:s21] =	ssyncset.done $0x0  }
0x2f1: {  	[sflag:s21] =	ssyncadd.s32 $0xFFFFF600  }
0x2f2: {  	_ =	swait.ge [sflag:s21], $0xA00  }
0x2f3: {  	[sflag:s21] =	ssyncset.done $0x0  }
0x2f4: {  	[sflag:s21] =	ssyncadd.s32 $0xFFFFF600  }
0x2f5: {  	_ =	swait.ge [sflag:s21], $0xA00  }
0x2f6: {  	[sflag:s21] =	ssyncset.done $0x0  }
0x2f7: {  	[sflag:s21] =	ssyncadd.s32 $0xFFFFF600  }
0x2f8: {  	_ =	swait.ge [sflag:s21], $0xA00  }
0x2f9: {  	s2 =	sld [smem:$0x7EA]  }
0x2fa: {  	[sflag:s21] =	ssyncset.done $0x0  }
0x2fb: {  	[sflag:s21] =	ssyncadd.s32 $0xFFFFF600  }
0x2fc: {  	[tilespmem:s0], [sflag:$0x5] =	stream.linear.gather [hbm4b:s2+s0], $0x50, $0x38;
	[tilespmem:$0x1EB40] =	vst v63  }
0x2fd: {  	_ =	swait.ge [sflag:s19], $0x50  }
0x2fe: {  	[sflag:s19] =	ssyncset.done $0x0  }
0x2ff: {  	s10 =	rddreg [dreg:$0x10];
	[sflag:s19] =	ssyncadd.s32 $0xFFFFFFB0  }
0x300: {  	[tilespmem:s23], [sflag:$0x1] =	stream.linear.gather [hbm4b:s10+s0], $0xA00, $0x38;
	[tilespmem:$0x1EB40] =	vst v63  }
0x301: {  	s14 =	rddreg [dreg:$0x11]  }
0x302: {  	[tilespmem:s24], [sflag:$0x1] =	stream.linear.gather [hbm4b:s14+s0], $0xA00, $0x38;
	[tilespmem:$0x1EB40] =	vst v63  }
0x303: {  	s15 =	rddreg [dreg:$0x12]  }
0x304: {  	[tilespmem:s31], [sflag:$0x1] =	stream.linear.gather [hbm4b:s15+s0], $0xA00, $0x38;
	[tilespmem:$0x1EB40] =	vst v63  }
0x305: {  	s16 =	rddreg [dreg:$0x13]  }
0x306: {  	[tilespmem:s8], [sflag:$0x1] =	stream.linear.gather [hbm4b:s16+s0], $0xA00, $0x38;
	[tilespmem:$0x1EB40] =	vst v63  }
0x307: {  	_ =	swait.ge [sflag:s22], $0xA00  }
0x308: {  	[sflag:s22] =	ssyncset.done $0x0  }
0x309: {  	[sflag:s22] =	ssyncadd.s32 $0xFFFFF600  }
0x30a: {  	_ =	swait.ge [sflag:s22], $0xA00  }
0x30b: {  	[sflag:s22] =	ssyncset.done $0x0  }
0x30c: {  	[sflag:s22] =	ssyncadd.s32 $0xFFFFF600  }
0x30d: {  	_ =	swait.ge [sflag:s22], $0xA00  }
0x30e: {  	[sflag:s22] =	ssyncset.done $0x0  }
0x30f: {  	[sflag:s22] =	ssyncadd.s32 $0xFFFFF600  }
0x310: {  	_ =	swait.ge [sflag:s22], $0xA00  }
0x311: {  	[sflag:s22] =	ssyncset.done $0x0  }
0x312: {  	[sflag:s22] =	ssyncadd.s32 $0xFFFFF600  }
0x313: {  	[spmem:s29] =	stream.indirect.scatter.add.f32 [tilespmem:s23], [sflag:$0x3], $0x20, s0, s20, $0xb8;
	[tilespmem:$0x1EB40] =	vst v63  }
0x314: {  	_ = 	snop  }
0x315: {  	[spmem:s1] =	stream.indirect.scatter.add.f32 [tilespmem:s24], [sflag:$0x3], $0x20, s0, s20, $0xb8;
	[tilespmem:$0x1EB40] =	vst v63  }
0x316: {  	_ = 	snop  }
0x317: {  	[spmem:s6] =	stream.indirect.scatter.add.f32 [tilespmem:s31], [sflag:$0x3], $0x20, s0, s20, $0xb8;
	[tilespmem:$0x1EB40] =	vst v63  }
0x318: {  	_ = 	snop  }
0x319: {  	[spmem:s7] =	stream.indirect.scatter.add.f32 [tilespmem:s8], [sflag:$0x3], $0x20, s0, s20, $0xb8;
	[tilespmem:$0x1EB40] =	vst v63  }
0x31a: {  	_ =	swait.ge [sflag:s13], $0xA00  }
0x31b: {  	[sflag:s13] =	ssyncset.done $0x0  }
0x31c: {  	[sflag:s13] =	ssyncadd.s32 $0xFFFFF600  }
0x31d: {  	_ =	swait.ge [sflag:s13], $0xA00  }
0x31e: {  	[sflag:s13] =	ssyncset.done $0x0  }
0x31f: {  	[sflag:s13] =	ssyncadd.s32 $0xFFFFF600  }
0x320: {  	_ =	swait.ge [sflag:s13], $0xA00  }
0x321: {  	[sflag:s13] =	ssyncset.done $0x0  }
0x322: {  	[sflag:s13] =	ssyncadd.s32 $0xFFFFF600  }
0x323: {  	_ =	swait.ge [sflag:s13], $0xA00  }
0x324: {  	[sflag:s13] =	ssyncset.done $0x0  }
0x325: {  	[sflag:s13] =	ssyncadd.s32 $0xFFFFF600  }
0x326: {  	[bflag:$0x0] =	sbarrier.arrive $0xFFFF  }
0x327: {  	s2 =	sld [smem:$0x7F0]  }
0x328: {  	s3 =	sld [smem:$0x7F4]  }
0x329: {  	s14 =	sld [smem:$0x7F1]  }
0x32a: {  	s15 =	sld [smem:$0x7F5]  }
0x32b: {  	s4 =	sld [smem:$0x7F2]  }
0x32c: {  	s5 =	sld [smem:$0x7F6]  }
0x32d: {  	s9 =	sld [smem:$0x7F3]  }
.Ltmp6:
0x32e: {  	s18 =	sld [smem:$0x7F7];
	(pc) =	sbr.rel .LBB2_8-.Ltmp6, $4  }
0x32f: {  	s10 =	sld [smem:$0x7FD]  }
0x330: {  	[smem:$0x7E2] =	sst s9  }
0x331: {  	[smem:$0x7E3] =	sst s18  }
0x332: {  	s16 =	simm.s32 $0x28A0;
	s18 =	sld [smem:$0x7E5]  }
.LBB2_9:
0x333: {  	_ =	sfence.sel $0x180000  }
0x334: {  	[bflag:$0x0] =	sbarrier.arrive $0xFFFF  }
0x335: {  	_ =	strace $0x9000004A  }
0x336: {  	s0 =	stileid.u32;
	[bflag:$0x2] =	sbarrier.arrive $0xFFFF  }
0x337: {  	p0 =	sne.s32 s0, $0x0;
	s0 =	rddreg [dreg:$0x6]  }
0x338: {  	s0 =	sadd.s32 @!p0 $0x100000, s0  }
0x339: {  	[sflag:s0] =	ssyncadd.tile.s32 @!p0 $0x1;
	_ =	shalt  }
.Lfunc_end2:
_tile_overlayer_lowered:
.L_overlay_start_2:
0x33a: {  	(tag) =	ssettag $0x2  }
0x33b: {  	s0 =	rddreg [dreg:$0x0];
	s2 =	stileid.u32  }
0x33c: {  	s1 =	rddreg [dreg:$0x1];
	p0 =	sne.s32 s2, $0x0  }
0x33d: {  	s3 =	rddreg [dreg:$0x2];
	[bflag:$0x3] =	sbarrier.arrive $0xFFFF;
	s2 =	simm.s32 @!p0 $0x1C05  }
0x33e: {  	[timem:s3], [sflag:s2] =	dma.local @!p0 [hbm:s0], s1  }
0x33f: {  	s0 =	simm.s32 @!p0 $0x5  }
0x340: {  	_ =	swait.ge @!p0 [sflag:s0], s1  }
0x341: {  	s1 =	ssub.s32 @!p0 $0x0, s1;
	[sflag:s0] =	ssyncset.done @!p0 $0x0  }
0x342: {  	[sflag:s0] =	ssyncadd.s32 @!p0 s1  }
0x343: {  	[bflag:$0x3] =	sbarrier.arrive $0xFFFF  }
0x344: {  	_ =	shalt  }

</sc_bundles>
